<compile_context>
chip_gen: v7x
topology: tpu7x:2x2x1
jax: 0.10.2.dev20260603
libtpu: 0.0.44.dev20260713+nightly
codegen_flags: <defaults>
</compile_context>

<pallas_src>
import jax
import jax.numpy as jnp
import numpy as np
from jax import lax
from jax.experimental import pallas as pl
from jax.experimental.pallas import tpu as pltpu
from jax.experimental.pallas import tpu_sc as plsc

RES = 0.03
NUM_ROTS = 120
GRID = 34
GRID3 = GRID ** 3
C = 39424
NC, NS, L = 2, 16, 16
NPAD = 102400
PTS_PER_TILE = NPAD // NS
SUB = 640
NSUB = PTS_PER_TILE // SUB
GROUPS = SUB // L
QUADS = NUM_ROTS // 4
INV_RES = np.float32(1.0 / RES)
TC_CHUNK = 11264
ROT_TAB = QUADS * L
STG_ROWS = NUM_ROTS * L // 128
STG_W = 128


def _sc_body(px_h, py_h, pz_h, xx_h, xy_h, xz_h, sx_h, sy_h, sz_h, w_h,
             cos_h, sin_h, out_sc, out_acc,
             b0, b1, b2, b3, b4, b5, b6, b7, b8, b9, byb,
             g1, g2, cos_t, sin_t, idx_st, val_st, val1_st, acc, acc1, sem):
    c = lax.axis_index("c")
    s = lax.axis_index("s")
    cf = c.astype(jnp.float32)
    sc0 = jnp.float32(1.0) - cf

    pltpu.sync_copy(cos_h, cos_t)
    pltpu.sync_copy(sin_h, sin_t)

    zero = jnp.zeros((L,), jnp.float32)

    def zbody(j, carry):
        g1[pl.ds(j * L, L)] = zero
        g2[pl.ds(j * L, L)] = zero
        return carry

    lax.fori_loop(0, C // L, zbody, 0)

    @pl.when(s == 0)
    def _():
        pltpu.sync_copy(g1, acc)
        pltpu.sync_copy(g1, acc1)

    plsc.subcore_barrier()

    base_t = s * PTS_PER_TILE

    def fire_row(j):
        pltpu.async_copy(val_st.at[j], acc.at[idx_st.at[j]], sem, add=True)

    def wait_row(j):
        pltpu.make_async_copy(val_st.at[j], acc.at[idx_st.at[j]], sem).wait()

    def fire_row1(j):
        pltpu.async_copy(val1_st.at[j], acc1.at[idx_st.at[j]], sem, add=True)

    def wait_row1(j):
        pltpu.make_async_copy(val1_st.at[j], acc1.at[idx_st.at[j]], sem).wait()

    def subchunk(k, carry):
        base = base_t + k * SUB
        pltpu.sync_copy(px_h.at[pl.ds(base, SUB)], b0)
        pltpu.sync_copy(py_h.at[pl.ds(base, SUB)], b1)
        pltpu.sync_copy(pz_h.at[pl.ds(base, SUB)], b2)
        pltpu.sync_copy(xx_h.at[pl.ds(base, SUB)], b3)
        pltpu.sync_copy(xy_h.at[pl.ds(base, SUB)], b4)
        pltpu.sync_copy(xz_h.at[pl.ds(base, SUB)], b5)
        pltpu.sync_copy(sx_h.at[pl.ds(base, SUB)], b6)
        pltpu.sync_copy(sy_h.at[pl.ds(base, SUB)], b7)
        pltpu.sync_copy(sz_h.at[pl.ds(base, SUB)], b8)
        pltpu.sync_copy(w_h.at[pl.ds(base, SUB)], b9)

        def derive(g, carry2):
            o = g * L
            pxv = b0[pl.ds(o, L)]
            pyv = b1[pl.ds(o, L)]
            pzv = b2[pl.ds(o, L)]
            xxv = b3[pl.ds(o, L)]
            xyv = b4[pl.ds(o, L)]
            xzv = b5[pl.ds(o, L)]
            sxv = b6[pl.ds(o, L)]
            syv = b7[pl.ds(o, L)]
            szv = b8[pl.ds(o, L)]
            wv = b9[pl.ds(o, L)]
            pxr = pxv * INV_RES
            pzr = pzv * INV_RES
            oxr = xxv * sxv * INV_RES
            ozr = xzv * szv * INV_RES
            fy = (pyv - xyv * syv) * INV_RES
            iy = jnp.clip(fy, 0.0, 33.0).astype(jnp.int32)
            yb = iy * GRID
            ws = wv * sc0
            a0 = ws + (wv * sxv) * cf
            ab1 = (wv * syv) * cf
            ab2 = (wv * szv) * cf
            b0[pl.ds(o, L)] = pxr
            b2[pl.ds(o, L)] = pzr
            b3[pl.ds(o, L)] = oxr
            b5[pl.ds(o, L)] = ozr
            byb[pl.ds(o, L)] = yb
            b6[pl.ds(o, L)] = a0
            b7[pl.ds(o, L)] = ws
            b8[pl.ds(o, L)] = ab1
            b9[pl.ds(o, L)] = ab2
            return carry2

        lax.fori_loop(0, GROUPS, derive, 0)

        def run_group(g, sbase, stream_ch1):
            o = g * L
            pxr = b0[pl.ds(o, L)]
            ybi = byb[pl.ds(o, L)]
            pzr = b2[pl.ds(o, L)]
            oxr = b3[pl.ds(o, L)]
            ozr = b5[pl.ds(o, L)]
            a0 = b6[pl.ds(o, L)]
            aa = b7[pl.ds(o, L)]
            ab1 = b8[pl.ds(o, L)]
            ab2 = b9[pl.ds(o, L)]

            def do_votes(cnt, fx, fz, v1, v2):
                ix = jnp.clip(fx, 0.0, 33.0).astype(jnp.int32)
                iz = jnp.clip(fz, 0.0, 33.0).astype(jnp.int32)
                flat = ix * (GRID * GRID) + ybi + iz
                row = sbase + (cnt >> 3)
                col = (cnt & 7) * L
                idx_st[row, pl.ds(col, L)] = flat
                val_st[row, pl.ds(col, L)] = a0
                if stream_ch1:
                    val1_st[row, pl.ds(col, L)] = v1
                else:
                    plsc.addupdate_scatter(g1, [flat], v1)
                plsc.addupdate_scatter(g2, [flat], v2)

            def rot(r, cr):
                rof, cnt = cr
                crv = cos_t[pl.ds(rof, L)]
                srv = sin_t[pl.ds(rof, L)]
                d1 = crv * oxr - srv * ozr
                d2 = srv * oxr + crv * ozr
                u1 = aa * crv
                u2 = aa * srv
                do_votes(cnt, pxr - d1, pzr - d2, u1 + ab1, u2 + ab2)
                do_votes(cnt + 1, pxr + d2, pzr - d1, ab1 - u2, u1 + ab2)
                do_votes(cnt + 2, pxr + d1, pzr + d2, ab1 - u1, ab2 - u2)
                do_votes(cnt + 3, pxr - d2, pzr + d1, ab1 + u2, ab2 - u1)
                return (rof + L, cnt + 4)

            lax.fori_loop(0, QUADS, rot, (0, 0))

        def votepair(gp, carry2):
            pp = k * (GROUPS // 2) + gp

            @pl.when(pp >= 1)
            def _():
                for j in range(STG_ROWS):
                    wait_row(j)
                    wait_row1(j)

            run_group(2 * gp, 0, True)
            for j in range(STG_ROWS):
                fire_row(j)
                fire_row1(j)

            @pl.when(pp >= 1)
            def _():
                for j in range(STG_ROWS):
                    wait_row(STG_ROWS + j)

            run_group(2 * gp + 1, STG_ROWS, False)
            for j in range(STG_ROWS):
                fire_row(STG_ROWS + j)
            return carry2

        lax.fori_loop(0, GROUPS // 2, votepair, 0)
        return carry

    lax.fori_loop(0, NSUB, subchunk, 0)

    for j in range(STG_ROWS):
        wait_row(j)
        wait_row1(j)
        wait_row(STG_ROWS + j)

    plsc.subcore_barrier()

    pltpu.sync_copy(g1, out_sc.at[c, s, pl.ds(0, C)])
    pltpu.sync_copy(g2, out_sc.at[c, s, pl.ds(C, C)])

    @pl.when(s == 0)
    def _():
        pltpu.sync_copy(acc, out_acc.at[c, 0])
        pltpu.sync_copy(acc1, out_acc.at[c, 1])


_sc_vote = pl.kernel(
    _sc_body,
    out_type=(
        jax.ShapeDtypeStruct((NC, NS, 2 * C), jnp.float32),
        jax.ShapeDtypeStruct((NC, 2, C), jnp.float32),
    ),
    mesh=plsc.VectorSubcoreMesh(core_axis_name="c", subcore_axis_name="s"),
    compiler_params=pltpu.CompilerParams(needs_layout_passes=False),
    scratch_types=(
        [pltpu.VMEM((SUB,), jnp.float32)] * 10
        + [pltpu.VMEM((SUB,), jnp.int32)]
        + [pltpu.VMEM((C,), jnp.float32)] * 2
        + [pltpu.VMEM((ROT_TAB,), jnp.float32)] * 2
        + [pltpu.VMEM((2 * STG_ROWS, STG_W), jnp.int32),
           pltpu.VMEM((2 * STG_ROWS, STG_W), jnp.float32),
           pltpu.VMEM((2 * STG_ROWS, STG_W), jnp.float32),
           pltpu.VMEM_SHARED((C,), jnp.float32),
           pltpu.VMEM_SHARED((C,), jnp.float32),
           pltpu.SemaphoreType.DMA]
    ),
)


def _reduce_body(in_ref, acc_ref, out_ref):
    out_ref[...] = jnp.sum(in_ref[...], axis=1) + acc_ref[...]


_tc_reduce = pl.pallas_call(
    _reduce_body,
    grid=(2 * C // TC_CHUNK,),
    in_specs=[pl.BlockSpec((NC, NS, TC_CHUNK), lambda i: (0, 0, i)),
              pl.BlockSpec((NC, TC_CHUNK), lambda i: (0, i))],
    out_specs=pl.BlockSpec((NC, TC_CHUNK), lambda i: (0, i)),
    out_shape=jax.ShapeDtypeStruct((NC, 2 * C), jnp.float32),
)


def kernel(points, xyz, scale, obj):
    n = points.shape[0]
    pad = NPAD - n
    pts = jnp.pad(points, ((0, pad), (0, 0)))
    xy = jnp.pad(xyz, ((0, pad), (0, 0)))
    sc = jnp.pad(scale, ((0, pad), (0, 0)))
    w = jnp.pad(obj, (0, pad))

    theta = np.arange(NUM_ROTS, dtype=np.float32) * np.float32(
        2.0 * np.pi / NUM_ROTS)
    cos_t = np.repeat(np.cos(theta[:QUADS]).astype(np.float32), L)
    sin_t = np.repeat(np.sin(theta[:QUADS]).astype(np.float32), L)

    partials, acc = _sc_vote(
        pts[:, 0], pts[:, 1], pts[:, 2],
        xy[:, 0], xy[:, 1], xy[:, 2],
        sc[:, 0], sc[:, 1], sc[:, 2], w,
        jnp.asarray(cos_t), jnp.asarray(sin_t))

    accpad = jnp.concatenate(
        [acc[:, 1, :], jnp.zeros((NC, C), jnp.float32)], axis=1)
    summed = _tc_reduce(partials, accpad)
    A = summed[0]
    B = summed[1]
    grid_obj = acc[0, 0, :GRID3].reshape(GRID, GRID, GRID)
    grid_rot = jnp.stack(
        [A[:GRID3], A[C:C + GRID3]], axis=-1
    ).reshape(GRID, GRID, GRID, 2)
    grid_scale = jnp.stack(
        [acc[1, 0, :GRID3], B[:GRID3], B[C:C + GRID3]], axis=-1
    ).reshape(GRID, GRID, GRID, 3)
    return grid_obj, grid_rot, grid_scale

# --- scband reference (transcript-rebuilt; emitter-appended) ---
"""Pipeline reference for scband-hough-voting-4707284157035 (READ-ONLY COPY).

The authoritative reference and input builder live on the scoring server;
editing this copy changes nothing except your own understanding.
"""

import jax, jax.numpy as jnp
import numpy as np

RES = 0.03
NUM_ROTS = 120
GRID = int(np.ceil(1.0 / RES))  # 34
N = 100000


def setup_inputs(seed: int = 0) -> dict:
    key = jax.random.key(seed)
    k1, k2, k3, k4 = jax.random.split(key, 4)
    points = jax.random.uniform(k1, (N, 3), dtype=jnp.float32)
    xyz = jax.random.uniform(k2, (N, 3), dtype=jnp.float32)
    scale = jax.random.uniform(k3, (N, 3), dtype=jnp.float32)
    obj = jax.random.uniform(k4, (N,), dtype=jnp.float32)
    return {"points": points, "xyz": xyz, "scale": scale, "obj": obj}


def reference(points, xyz, scale, obj):
    # Hough voting: every point casts NUM_ROTS center hypotheses obtained by
    # rotating its (canonical offset * scale) around the gravity (y) axis,
    # then scatter-adds objectness / rotation / scale evidence into 3D grids.
    n = points.shape[0]
    theta = jnp.arange(NUM_ROTS, dtype=jnp.float32) * (2.0 * jnp.pi / NUM_ROTS)
    cos_t = jnp.cos(theta)  # [R]
    sin_t = jnp.sin(theta)  # [R]
    ox = (xyz[:, 0] * scale[:, 0])[:, None]  # [N,1]
    oy = (xyz[:, 1] * scale[:, 1])[:, None]
    oz = (xyz[:, 2] * scale[:, 2])[:, None]
    cx = points[:, 0:1] - (cos_t[None, :] * ox - sin_t[None, :] * oz)  # [N,R]
    cz = points[:, 2:3] - (sin_t[None, :] * ox + cos_t[None, :] * oz)  # [N,R]
    cy = jnp.broadcast_to(points[:, 1:2] - oy, cx.shape)               # [N,R]
    ix = jnp.clip(jnp.floor(cx / RES), 0, GRID - 1).astype(jnp.int32)
    iy = jnp.clip(jnp.floor(cy / RES), 0, GRID - 1).astype(jnp.int32)
    iz = jnp.clip(jnp.floor(cz / RES), 0, GRID - 1).astype(jnp.int32)
    flat = ((ix * GRID + iy) * GRID + iz).reshape(-1)  # [N*R]
    w = jnp.broadcast_to(obj[:, None], (n, NUM_ROTS)).reshape(-1)
    grid_obj = jnp.zeros((GRID ** 3,), jnp.float32).at[flat].add(w)
    grid_obj = grid_obj.reshape(GRID, GRID, GRID)
    wc = (obj[:, None] * cos_t[None, :]).reshape(-1)
    ws = (obj[:, None] * sin_t[None, :]).reshape(-1)
    grid_rot = jnp.zeros((GRID ** 3, 2), jnp.float32)
    grid_rot = grid_rot.at[flat, 0].add(wc).at[flat, 1].add(ws)
    grid_rot = grid_rot.reshape(GRID, GRID, GRID, 2)
    sv = jnp.broadcast_to(scale[:, None, :], (n, NUM_ROTS, 3)).reshape(-1, 3) * w[:, None]
    grid_scale = jnp.zeros((GRID ** 3, 3), jnp.float32).at[flat].add(sv)
    grid_scale = grid_scale.reshape(GRID, GRID, GRID, 3)
    return grid_obj, grid_rot, grid_scale

if __name__ == "__main__":
    import jax
    _d = setup_inputs()
    print(jax.jit(kernel)(*tuple(_d.values())))

</pallas_src>

<mosaic_0001>
#map = affine_map<(d0, d1) -> (0)>
#map1 = affine_map<(d0, d1) -> (0, 0, 0)>
module attributes {stable_mosaic.version = 14 : i64} {
  func.func @_sc_body(%arg0: i32, %arg1: i32, %arg2: memref<102400xf32, #tpu.memory_space<hbm>>, %arg3: memref<102400xf32, #tpu.memory_space<hbm>>, %arg4: memref<102400xf32, #tpu.memory_space<hbm>>, %arg5: memref<102400xf32, #tpu.memory_space<hbm>>, %arg6: memref<102400xf32, #tpu.memory_space<hbm>>, %arg7: memref<102400xf32, #tpu.memory_space<hbm>>, %arg8: memref<102400xf32, #tpu.memory_space<hbm>>, %arg9: memref<102400xf32, #tpu.memory_space<hbm>>, %arg10: memref<102400xf32, #tpu.memory_space<hbm>>, %arg11: memref<102400xf32, #tpu.memory_space<hbm>>, %arg12: memref<480xf32, #tpu.memory_space<hbm>>, %arg13: memref<480xf32, #tpu.memory_space<hbm>>, %arg14: memref<2x16x78848xf32, #tpu.memory_space<hbm>>, %arg15: memref<2x2x39424xf32, #tpu.memory_space<hbm>>, %arg16: memref<640xf32, #tpu.memory_space<vmem>>, %arg17: memref<640xf32, #tpu.memory_space<vmem>>, %arg18: memref<640xf32, #tpu.memory_space<vmem>>, %arg19: memref<640xf32, #tpu.memory_space<vmem>>, %arg20: memref<640xf32, #tpu.memory_space<vmem>>, %arg21: memref<640xf32, #tpu.memory_space<vmem>>, %arg22: memref<640xf32, #tpu.memory_space<vmem>>, %arg23: memref<640xf32, #tpu.memory_space<vmem>>, %arg24: memref<640xf32, #tpu.memory_space<vmem>>, %arg25: memref<640xf32, #tpu.memory_space<vmem>>, %arg26: memref<640xi32, #tpu.memory_space<vmem>>, %arg27: memref<39424xf32, #tpu.memory_space<vmem>>, %arg28: memref<39424xf32, #tpu.memory_space<vmem>>, %arg29: memref<480xf32, #tpu.memory_space<vmem>>, %arg30: memref<480xf32, #tpu.memory_space<vmem>>, %arg31: memref<30x128xi32, #tpu.memory_space<vmem>>, %arg32: memref<30x128xf32, #tpu.memory_space<vmem>>, %arg33: memref<30x128xf32, #tpu.memory_space<vmem>>, %arg34: memref<39424xf32, #tpu.memory_space<vmem_shared>>, %arg35: memref<39424xf32, #tpu.memory_space<vmem_shared>>, %arg36: memref<!tpu.dma_semaphore, #tpu.memory_space<semaphore_mem>>) attributes {dimension_semantics = [#tpu.dimension_semantics<core_parallel>, #tpu.dimension_semantics<subcore_parallel>], iteration_bounds = array<i64: 2, 16>, scalar_prefetch = 0 : i64, scratch_operands = 21 : i64, tpu.core_type = #tpu.core_type<sc_vector_subcore>, window_params = [{transform_indices = #map}, {transform_indices = #map}, {transform_indices = #map}, {transform_indices = #map}, {transform_indices = #map}, {transform_indices = #map}, {transform_indices = #map}, {transform_indices = #map}, {transform_indices = #map}, {transform_indices = #map}, {transform_indices = #map}, {transform_indices = #map}, {transform_indices = #map1}, {transform_indices = #map1}]} {
    %convert_element_type3A = arith.sitofp %arg0 : i32 to f32
    %sub3A = arith.constant 1.000000e+00 : f32
    %sub3A_0 = arith.subf %sub3A, %convert_element_type3A : f32
    "tpu.region"() ({
      %run_scoped3A = tpu.sem_alloc : memref<!tpu.dma_semaphore, #tpu.memory_space<semaphore_mem>>
      tpu.enqueue_dma source(%arg12 : memref<480xf32, #tpu.memory_space<hbm>>) target(%arg29 : memref<480xf32, #tpu.memory_space<vmem>>) target_semaphore(%run_scoped3A : memref<!tpu.dma_semaphore, #tpu.memory_space<semaphore_mem>>)
      tpu.wait_dma2 semaphore(%run_scoped3A : memref<!tpu.dma_semaphore, #tpu.memory_space<semaphore_mem>>) src(%arg12 : memref<480xf32, #tpu.memory_space<hbm>>) dst(%arg29 : memref<480xf32, #tpu.memory_space<vmem>>)
      tpu.yield
    }) : () -> ()
    "tpu.region"() ({
      %run_scoped3A = tpu.sem_alloc : memref<!tpu.dma_semaphore, #tpu.memory_space<semaphore_mem>>
      tpu.enqueue_dma source(%arg13 : memref<480xf32, #tpu.memory_space<hbm>>) target(%arg30 : memref<480xf32, #tpu.memory_space<vmem>>) target_semaphore(%run_scoped3A : memref<!tpu.dma_semaphore, #tpu.memory_space<semaphore_mem>>)
      tpu.wait_dma2 semaphore(%run_scoped3A : memref<!tpu.dma_semaphore, #tpu.memory_space<semaphore_mem>>) src(%arg13 : memref<480xf32, #tpu.memory_space<hbm>>) dst(%arg30 : memref<480xf32, #tpu.memory_space<vmem>>)
      tpu.yield
    }) : () -> ()
    %broadcast_in_dim3A = arith.constant 0.000000e+00 : f32
    %broadcast_in_dim3A_1 = vector.broadcast %broadcast_in_dim3A : f32 to vector<16xf32>
    %scan3A = arith.constant 0 : i32
    %scan3A_2 = arith.constant 0 : i32
    %scan3A_3 = arith.constant 2464 : i32
    %scan3A_4 = arith.addi %scan3A_2, %scan3A_3 : i32
    %scan3A_5 = arith.constant 1 : i32
    scf.for %scan3A_472 = %scan3A_2 to %scan3A_4 step %scan3A_5  : i32 {
      %mul3A_473 = arith.constant 16 : i32
      %mul3A_474 = arith.muli %scan3A_472, %mul3A_473 : i32
      %swap3A = arith.index_cast %mul3A_474 : i32 to index
      %swap3A_475 = tpu.vector_load %arg27[%swap3A] {strides = array<i32>} : memref<39424xf32, #tpu.memory_space<vmem>>, vector<16xf32>,
      tpu.vector_store %arg27[%swap3A], %broadcast_in_dim3A_1 {strides = array<i32>} : memref<39424xf32, #tpu.memory_space<vmem>>, vector<16xf32>,
      %mul3A_476 = arith.constant 16 : i32
      %mul3A_477 = arith.muli %scan3A_472, %mul3A_476 : i32
      %swap3A_478 = arith.index_cast %mul3A_477 : i32 to index
      %swap3A_479 = tpu.vector_load %arg28[%swap3A_478] {strides = array<i32>} : memref<39424xf32, #tpu.memory_space<vmem>>, vector<16xf32>,
      tpu.vector_store %arg28[%swap3A_478], %broadcast_in_dim3A_1 {strides = array<i32>} : memref<39424xf32, #tpu.memory_space<vmem>>, vector<16xf32>,
    }
    %scan3A_6 = arith.constant 2464 : i32
    %eq3A = arith.constant 0 : i32
    %eq3A_7 = arith.cmpi eq, %arg1, %eq3A : i32
    %convert_element_type3A_8 = arith.extui %eq3A_7 : i1 to i32
    %cond3A = arith.constant 0 : i32
    %cond3A_9 = arith.cmpi ne, %convert_element_type3A_8, %cond3A : i32
    scf.if %cond3A_9 {
      "tpu.region"() ({
        %run_scoped3A = tpu.sem_alloc : memref<!tpu.dma_semaphore, #tpu.memory_space<semaphore_mem>>
        tpu.enqueue_dma source(%arg27 : memref<39424xf32, #tpu.memory_space<vmem>>) target(%arg34 : memref<39424xf32, #tpu.memory_space<vmem_shared>>) target_semaphore(%run_scoped3A : memref<!tpu.dma_semaphore, #tpu.memory_space<semaphore_mem>>)
        tpu.wait_dma2 semaphore(%run_scoped3A : memref<!tpu.dma_semaphore, #tpu.memory_space<semaphore_mem>>) src(%arg27 : memref<39424xf32, #tpu.memory_space<vmem>>) dst(%arg34 : memref<39424xf32, #tpu.memory_space<vmem_shared>>)
        tpu.yield
      }) : () -> ()
      "tpu.region"() ({
        %run_scoped3A = tpu.sem_alloc : memref<!tpu.dma_semaphore, #tpu.memory_space<semaphore_mem>>
        tpu.enqueue_dma source(%arg27 : memref<39424xf32, #tpu.memory_space<vmem>>) target(%arg35 : memref<39424xf32, #tpu.memory_space<vmem_shared>>) target_semaphore(%run_scoped3A : memref<!tpu.dma_semaphore, #tpu.memory_space<semaphore_mem>>)
        tpu.wait_dma2 semaphore(%run_scoped3A : memref<!tpu.dma_semaphore, #tpu.memory_space<semaphore_mem>>) src(%arg27 : memref<39424xf32, #tpu.memory_space<vmem>>) dst(%arg35 : memref<39424xf32, #tpu.memory_space<vmem_shared>>)
        tpu.yield
      }) : () -> ()
    } else {
    }
    %barrier3A = arith.constant 0 : index
    tpu.barrier barrier_id(%barrier3A)
    %mul3A = arith.constant 6400 : i32
    %mul3A_10 = arith.muli %arg1, %mul3A : i32
    %scan3A_11 = arith.constant 0 : i32
    %scan3A_12 = arith.constant 0 : i32
    %scan3A_13 = arith.constant 10 : i32
    %scan3A_14 = arith.addi %scan3A_12, %scan3A_13 : i32
    %scan3A_15 = arith.constant 1 : i32
    scf.for %scan3A_472 = %scan3A_12 to %scan3A_14 step %scan3A_15  : i32 {
      %mul3A_473 = arith.constant 640 : i32
      %mul3A_474 = arith.muli %scan3A_472, %mul3A_473 : i32
      %add3A = arith.addi %mul3A_10, %mul3A_474 : i32
      "tpu.region"() ({
        %run_scoped3A = tpu.sem_alloc : memref<!tpu.dma_semaphore, #tpu.memory_space<semaphore_mem>>
        %dma_start3A = tpu.memref_slice %arg2[%add3A] : memref<102400xf32, #tpu.memory_space<hbm>> -> memref<640xf32, #tpu.memory_space<hbm>>
        %dma_start3A_487 = tpu.memref_slice %arg2[%add3A] : memref<102400xf32, #tpu.memory_space<hbm>> -> memref<640xf32, #tpu.memory_space<hbm>>
        tpu.enqueue_dma source(%dma_start3A_487 : memref<640xf32, #tpu.memory_space<hbm>>) target(%arg16 : memref<640xf32, #tpu.memory_space<vmem>>) target_semaphore(%run_scoped3A : memref<!tpu.dma_semaphore, #tpu.memory_space<semaphore_mem>>)
        %dma_wait3A_488 = tpu.memref_slice %arg2[%add3A] : memref<102400xf32, #tpu.memory_space<hbm>> -> memref<640xf32, #tpu.memory_space<hbm>>
        %dma_wait3A_489 = tpu.memref_slice %arg2[%add3A] : memref<102400xf32, #tpu.memory_space<hbm>> -> memref<640xf32, #tpu.memory_space<hbm>>
        tpu.wait_dma2 semaphore(%run_scoped3A : memref<!tpu.dma_semaphore, #tpu.memory_space<semaphore_mem>>) src(%dma_wait3A_489 : memref<640xf32, #tpu.memory_space<hbm>>) dst(%arg16 : memref<640xf32, #tpu.memory_space<vmem>>)
        tpu.yield
      }) : () -> ()
      "tpu.region"() ({
        %run_scoped3A = tpu.sem_alloc : memref<!tpu.dma_semaphore, #tpu.memory_space<semaphore_mem>>
        %dma_start3A = tpu.memref_slice %arg3[%add3A] : memref<102400xf32, #tpu.memory_space<hbm>> -> memref<640xf32, #tpu.memory_space<hbm>>
        %dma_start3A_487 = tpu.memref_slice %arg3[%add3A] : memref<102400xf32, #tpu.memory_space<hbm>> -> memref<640xf32, #tpu.memory_space<hbm>>
        tpu.enqueue_dma source(%dma_start3A_487 : memref<640xf32, #tpu.memory_space<hbm>>) target(%arg17 : memref<640xf32, #tpu.memory_space<vmem>>) target_semaphore(%run_scoped3A : memref<!tpu.dma_semaphore, #tpu.memory_space<semaphore_mem>>)
        %dma_wait3A_488 = tpu.memref_slice %arg3[%add3A] : memref<102400xf32, #tpu.memory_space<hbm>> -> memref<640xf32, #tpu.memory_space<hbm>>
        %dma_wait3A_489 = tpu.memref_slice %arg3[%add3A] : memref<102400xf32, #tpu.memory_space<hbm>> -> memref<640xf32, #tpu.memory_space<hbm>>
        tpu.wait_dma2 semaphore(%run_scoped3A : memref<!tpu.dma_semaphore, #tpu.memory_space<semaphore_mem>>) src(%dma_wait3A_489 : memref<640xf32, #tpu.memory_space<hbm>>) dst(%arg17 : memref<640xf32, #tpu.memory_space<vmem>>)
        tpu.yield
      }) : () -> ()
      "tpu.region"() ({
        %run_scoped3A = tpu.sem_alloc : memref<!tpu.dma_semaphore, #tpu.memory_space<semaphore_mem>>
        %dma_start3A = tpu.memref_slice %arg4[%add3A] : memref<102400xf32, #tpu.memory_space<hbm>> -> memref<640xf32, #tpu.memory_space<hbm>>
        %dma_start3A_487 = tpu.memref_slice %arg4[%add3A] : memref<102400xf32, #tpu.memory_space<hbm>> -> memref<640xf32, #tpu.memory_space<hbm>>
        tpu.enqueue_dma source(%dma_start3A_487 : memref<640xf32, #tpu.memory_space<hbm>>) target(%arg18 : memref<640xf32, #tpu.memory_space<vmem>>) target_semaphore(%run_scoped3A : memref<!tpu.dma_semaphore, #tpu.memory_space<semaphore_mem>>)
        %dma_wait3A_488 = tpu.memref_slice %arg4[%add3A] : memref<102400xf32, #tpu.memory_space<hbm>> -> memref<640xf32, #tpu.memory_space<hbm>>
        %dma_wait3A_489 = tpu.memref_slice %arg4[%add3A] : memref<102400xf32, #tpu.memory_space<hbm>> -> memref<640xf32, #tpu.memory_space<hbm>>
        tpu.wait_dma2 semaphore(%run_scoped3A : memref<!tpu.dma_semaphore, #tpu.memory_space<semaphore_mem>>) src(%dma_wait3A_489 : memref<640xf32, #tpu.memory_space<hbm>>) dst(%arg18 : memref<640xf32, #tpu.memory_space<vmem>>)
        tpu.yield
      }) : () -> ()
      "tpu.region"() ({
        %run_scoped3A = tpu.sem_alloc : memref<!tpu.dma_semaphore, #tpu.memory_space<semaphore_mem>>
        %dma_start3A = tpu.memref_slice %arg5[%add3A] : memref<102400xf32, #tpu.memory_space<hbm>> -> memref<640xf32, #tpu.memory_space<hbm>>
        %dma_start3A_487 = tpu.memref_slice %arg5[%add3A] : memref<102400xf32, #tpu.memory_space<hbm>> -> memref<640xf32, #tpu.memory_space<hbm>>
        tpu.enqueue_dma source(%dma_start3A_487 : memref<640xf32, #tpu.memory_space<hbm>>) target(%arg19 : memref<640xf32, #tpu.memory_space<vmem>>) target_semaphore(%run_scoped3A : memref<!tpu.dma_semaphore, #tpu.memory_space<semaphore_mem>>)
        %dma_wait3A_488 = tpu.memref_slice %arg5[%add3A] : memref<102400xf32, #tpu.memory_space<hbm>> -> memref<640xf32, #tpu.memory_space<hbm>>
        %dma_wait3A_489 = tpu.memref_slice %arg5[%add3A] : memref<102400xf32, #tpu.memory_space<hbm>> -> memref<640xf32, #tpu.memory_space<hbm>>
        tpu.wait_dma2 semaphore(%run_scoped3A : memref<!tpu.dma_semaphore, #tpu.memory_space<semaphore_mem>>) src(%dma_wait3A_489 : memref<640xf32, #tpu.memory_space<hbm>>) dst(%arg19 : memref<640xf32, #tpu.memory_space<vmem>>)
        tpu.yield
      }) : () -> ()
      "tpu.region"() ({
        %run_scoped3A = tpu.sem_alloc : memref<!tpu.dma_semaphore, #tpu.memory_space<semaphore_mem>>
        %dma_start3A = tpu.memref_slice %arg6[%add3A] : memref<102400xf32, #tpu.memory_space<hbm>> -> memref<640xf32, #tpu.memory_space<hbm>>
        %dma_start3A_487 = tpu.memref_slice %arg6[%add3A] : memref<102400xf32, #tpu.memory_space<hbm>> -> memref<640xf32, #tpu.memory_space<hbm>>
        tpu.enqueue_dma source(%dma_start3A_487 : memref<640xf32, #tpu.memory_space<hbm>>) target(%arg20 : memref<640xf32, #tpu.memory_space<vmem>>) target_semaphore(%run_scoped3A : memref<!tpu.dma_semaphore, #tpu.memory_space<semaphore_mem>>)
        %dma_wait3A_488 = tpu.memref_slice %arg6[%add3A] : memref<102400xf32, #tpu.memory_space<hbm>> -> memref<640xf32, #tpu.memory_space<hbm>>
        %dma_wait3A_489 = tpu.memref_slice %arg6[%add3A] : memref<102400xf32, #tpu.memory_space<hbm>> -> memref<640xf32, #tpu.memory_space<hbm>>
        tpu.wait_dma2 semaphore(%run_scoped3A : memref<!tpu.dma_semaphore, #tpu.memory_space<semaphore_mem>>) src(%dma_wait3A_489 : memref<640xf32, #tpu.memory_space<hbm>>) dst(%arg20 : memref<640xf32, #tpu.memory_space<vmem>>)
        tpu.yield
      }) : () -> ()
      "tpu.region"() ({
        %run_scoped3A = tpu.sem_alloc : memref<!tpu.dma_semaphore, #tpu.memory_space<semaphore_mem>>
        %dma_start3A = tpu.memref_slice %arg7[%add3A] : memref<102400xf32, #tpu.memory_space<hbm>> -> memref<640xf32, #tpu.memory_space<hbm>>
        %dma_start3A_487 = tpu.memref_slice %arg7[%add3A] : memref<102400xf32, #tpu.memory_space<hbm>> -> memref<640xf32, #tpu.memory_space<hbm>>
        tpu.enqueue_dma source(%dma_start3A_487 : memref<640xf32, #tpu.memory_space<hbm>>) target(%arg21 : memref<640xf32, #tpu.memory_space<vmem>>) target_semaphore(%run_scoped3A : memref<!tpu.dma_semaphore, #tpu.memory_space<semaphore_mem>>)
        %dma_wait3A_488 = tpu.memref_slice %arg7[%add3A] : memref<102400xf32, #tpu.memory_space<hbm>> -> memref<640xf32, #tpu.memory_space<hbm>>
        %dma_wait3A_489 = tpu.memref_slice %arg7[%add3A] : memref<102400xf32, #tpu.memory_space<hbm>> -> memref<640xf32, #tpu.memory_space<hbm>>
        tpu.wait_dma2 semaphore(%run_scoped3A : memref<!tpu.dma_semaphore, #tpu.memory_space<semaphore_mem>>) src(%dma_wait3A_489 : memref<640xf32, #tpu.memory_space<hbm>>) dst(%arg21 : memref<640xf32, #tpu.memory_space<vmem>>)
        tpu.yield
      }) : () -> ()
      "tpu.region"() ({
        %run_scoped3A = tpu.sem_alloc : memref<!tpu.dma_semaphore, #tpu.memory_space<semaphore_mem>>
        %dma_start3A = tpu.memref_slice %arg8[%add3A] : memref<102400xf32, #tpu.memory_space<hbm>> -> memref<640xf32, #tpu.memory_space<hbm>>
        %dma_start3A_487 = tpu.memref_slice %arg8[%add3A] : memref<102400xf32, #tpu.memory_space<hbm>> -> memref<640xf32, #tpu.memory_space<hbm>>
        tpu.enqueue_dma source(%dma_start3A_487 : memref<640xf32, #tpu.memory_space<hbm>>) target(%arg22 : memref<640xf32, #tpu.memory_space<vmem>>) target_semaphore(%run_scoped3A : memref<!tpu.dma_semaphore, #tpu.memory_space<semaphore_mem>>)
        %dma_wait3A_488 = tpu.memref_slice %arg8[%add3A] : memref<102400xf32, #tpu.memory_space<hbm>> -> memref<640xf32, #tpu.memory_space<hbm>>
        %dma_wait3A_489 = tpu.memref_slice %arg8[%add3A] : memref<102400xf32, #tpu.memory_space<hbm>> -> memref<640xf32, #tpu.memory_space<hbm>>
        tpu.wait_dma2 semaphore(%run_scoped3A : memref<!tpu.dma_semaphore, #tpu.memory_space<semaphore_mem>>) src(%dma_wait3A_489 : memref<640xf32, #tpu.memory_space<hbm>>) dst(%arg22 : memref<640xf32, #tpu.memory_space<vmem>>)
        tpu.yield
      }) : () -> ()
      "tpu.region"() ({
        %run_scoped3A = tpu.sem_alloc : memref<!tpu.dma_semaphore, #tpu.memory_space<semaphore_mem>>
        %dma_start3A = tpu.memref_slice %arg9[%add3A] : memref<102400xf32, #tpu.memory_space<hbm>> -> memref<640xf32, #tpu.memory_space<hbm>>
        %dma_start3A_487 = tpu.memref_slice %arg9[%add3A] : memref<102400xf32, #tpu.memory_space<hbm>> -> memref<640xf32, #tpu.memory_space<hbm>>
        tpu.enqueue_dma source(%dma_start3A_487 : memref<640xf32, #tpu.memory_space<hbm>>) target(%arg23 : memref<640xf32, #tpu.memory_space<vmem>>) target_semaphore(%run_scoped3A : memref<!tpu.dma_semaphore, #tpu.memory_space<semaphore_mem>>)
        %dma_wait3A_488 = tpu.memref_slice %arg9[%add3A] : memref<102400xf32, #tpu.memory_space<hbm>> -> memref<640xf32, #tpu.memory_space<hbm>>
        %dma_wait3A_489 = tpu.memref_slice %arg9[%add3A] : memref<102400xf32, #tpu.memory_space<hbm>> -> memref<640xf32, #tpu.memory_space<hbm>>
        tpu.wait_dma2 semaphore(%run_scoped3A : memref<!tpu.dma_semaphore, #tpu.memory_space<semaphore_mem>>) src(%dma_wait3A_489 : memref<640xf32, #tpu.memory_space<hbm>>) dst(%arg23 : memref<640xf32, #tpu.memory_space<vmem>>)
        tpu.yield
      }) : () -> ()
      "tpu.region"() ({
        %run_scoped3A = tpu.sem_alloc : memref<!tpu.dma_semaphore, #tpu.memory_space<semaphore_mem>>
        %dma_start3A = tpu.memref_slice %arg10[%add3A] : memref<102400xf32, #tpu.memory_space<hbm>> -> memref<640xf32, #tpu.memory_space<hbm>>
        %dma_start3A_487 = tpu.memref_slice %arg10[%add3A] : memref<102400xf32, #tpu.memory_space<hbm>> -> memref<640xf32, #tpu.memory_space<hbm>>
        tpu.enqueue_dma source(%dma_start3A_487 : memref<640xf32, #tpu.memory_space<hbm>>) target(%arg24 : memref<640xf32, #tpu.memory_space<vmem>>) target_semaphore(%run_scoped3A : memref<!tpu.dma_semaphore, #tpu.memory_space<semaphore_mem>>)
        %dma_wait3A_488 = tpu.memref_slice %arg10[%add3A] : memref<102400xf32, #tpu.memory_space<hbm>> -> memref<640xf32, #tpu.memory_space<hbm>>
        %dma_wait3A_489 = tpu.memref_slice %arg10[%add3A] : memref<102400xf32, #tpu.memory_space<hbm>> -> memref<640xf32, #tpu.memory_space<hbm>>
        tpu.wait_dma2 semaphore(%run_scoped3A : memref<!tpu.dma_semaphore, #tpu.memory_space<semaphore_mem>>) src(%dma_wait3A_489 : memref<640xf32, #tpu.memory_space<hbm>>) dst(%arg24 : memref<640xf32, #tpu.memory_space<vmem>>)
        tpu.yield
      }) : () -> ()
      "tpu.region"() ({
        %run_scoped3A = tpu.sem_alloc : memref<!tpu.dma_semaphore, #tpu.memory_space<semaphore_mem>>
        %dma_start3A = tpu.memref_slice %arg11[%add3A] : memref<102400xf32, #tpu.memory_space<hbm>> -> memref<640xf32, #tpu.memory_space<hbm>>
        %dma_start3A_487 = tpu.memref_slice %arg11[%add3A] : memref<102400xf32, #tpu.memory_space<hbm>> -> memref<640xf32, #tpu.memory_space<hbm>>
        tpu.enqueue_dma source(%dma_start3A_487 : memref<640xf32, #tpu.memory_space<hbm>>) target(%arg25 : memref<640xf32, #tpu.memory_space<vmem>>) target_semaphore(%run_scoped3A : memref<!tpu.dma_semaphore, #tpu.memory_space<semaphore_mem>>)
        %dma_wait3A_488 = tpu.memref_slice %arg11[%add3A] : memref<102400xf32, #tpu.memory_space<hbm>> -> memref<640xf32, #tpu.memory_space<hbm>>
        %dma_wait3A_489 = tpu.memref_slice %arg11[%add3A] : memref<102400xf32, #tpu.memory_space<hbm>> -> memref<640xf32, #tpu.memory_space<hbm>>
        tpu.wait_dma2 semaphore(%run_scoped3A : memref<!tpu.dma_semaphore, #tpu.memory_space<semaphore_mem>>) src(%dma_wait3A_489 : memref<640xf32, #tpu.memory_space<hbm>>) dst(%arg25 : memref<640xf32, #tpu.memory_space<vmem>>)
        tpu.yield
      }) : () -> ()
      %scan3A_475 = arith.constant 0 : i32
      %scan3A_476 = arith.constant 0 : i32
      %scan3A_477 = arith.constant 40 : i32
      %scan3A_478 = arith.addi %scan3A_476, %scan3A_477 : i32
      %scan3A_479 = arith.constant 1 : i32
      scf.for %scan3A_487 = %scan3A_476 to %scan3A_478 step %scan3A_479  : i32 {
        %mul3A_488 = arith.constant 16 : i32
        %mul3A_489 = arith.muli %scan3A_487, %mul3A_488 : i32
        %get3A = arith.index_cast %mul3A_489 : i32 to index
        %get3A_490 = tpu.vector_load %arg16[%get3A] {strides = array<i32>} : memref<640xf32, #tpu.memory_space<vmem>>, vector<16xf32>,
        %get3A_491 = arith.index_cast %mul3A_489 : i32 to index
        %get3A_492 = tpu.vector_load %arg17[%get3A_491] {strides = array<i32>} : memref<640xf32, #tpu.memory_space<vmem>>, vector<16xf32>,
        %get3A_493 = arith.index_cast %mul3A_489 : i32 to index
        %get3A_494 = tpu.vector_load %arg18[%get3A_493] {strides = array<i32>} : memref<640xf32, #tpu.memory_space<vmem>>, vector<16xf32>,
        %get3A_495 = arith.index_cast %mul3A_489 : i32 to index
        %get3A_496 = tpu.vector_load %arg19[%get3A_495] {strides = array<i32>} : memref<640xf32, #tpu.memory_space<vmem>>, vector<16xf32>,
        %get3A_497 = arith.index_cast %mul3A_489 : i32 to index
        %get3A_498 = tpu.vector_load %arg20[%get3A_497] {strides = array<i32>} : memref<640xf32, #tpu.memory_space<vmem>>, vector<16xf32>,
        %get3A_499 = arith.index_cast %mul3A_489 : i32 to index
        %get3A_500 = tpu.vector_load %arg21[%get3A_499] {strides = array<i32>} : memref<640xf32, #tpu.memory_space<vmem>>, vector<16xf32>,
        %get3A_501 = arith.index_cast %mul3A_489 : i32 to index
        %get3A_502 = tpu.vector_load %arg22[%get3A_501] {strides = array<i32>} : memref<640xf32, #tpu.memory_space<vmem>>, vector<16xf32>,
        %get3A_503 = arith.index_cast %mul3A_489 : i32 to index
        %get3A_504 = tpu.vector_load %arg23[%get3A_503] {strides = array<i32>} : memref<640xf32, #tpu.memory_space<vmem>>, vector<16xf32>,
        %get3A_505 = arith.index_cast %mul3A_489 : i32 to index
        %get3A_506 = tpu.vector_load %arg24[%get3A_505] {strides = array<i32>} : memref<640xf32, #tpu.memory_space<vmem>>, vector<16xf32>,
        %get3A_507 = arith.index_cast %mul3A_489 : i32 to index
        %get3A_508 = tpu.vector_load %arg25[%get3A_507] {strides = array<i32>} : memref<640xf32, #tpu.memory_space<vmem>>, vector<16xf32>,
        %mul3A_509 = arith.constant 33.3333321 : f32
        %mul3A_510 = vector.broadcast %mul3A_509 : f32 to vector<16xf32>
        %mul3A_511 = arith.mulf %get3A_490, %mul3A_510 : vector<16xf32>
        %mul3A_512 = arith.constant 33.3333321 : f32
        %mul3A_513 = vector.broadcast %mul3A_512 : f32 to vector<16xf32>
        %mul3A_514 = arith.mulf %get3A_494, %mul3A_513 : vector<16xf32>
        %mul3A_515 = arith.mulf %get3A_496, %get3A_502 : vector<16xf32>
        %mul3A_516 = arith.constant 33.3333321 : f32
        %mul3A_517 = vector.broadcast %mul3A_516 : f32 to vector<16xf32>
        %mul3A_518 = arith.mulf %mul3A_515, %mul3A_517 : vector<16xf32>
        %mul3A_519 = arith.mulf %get3A_500, %get3A_506 : vector<16xf32>
        %mul3A_520 = arith.constant 33.3333321 : f32
        %mul3A_521 = vector.broadcast %mul3A_520 : f32 to vector<16xf32>
        %mul3A_522 = arith.mulf %mul3A_519, %mul3A_521 : vector<16xf32>
        %mul3A_523 = arith.mulf %get3A_498, %get3A_504 : vector<16xf32>
        %sub3A_524 = arith.subf %get3A_492, %mul3A_523 : vector<16xf32>
        %mul3A_525 = arith.constant 33.3333321 : f32
        %mul3A_526 = vector.broadcast %mul3A_525 : f32 to vector<16xf32>
        %mul3A_527 = arith.mulf %sub3A_524, %mul3A_526 : vector<16xf32>
        %jit3A = arith.constant 0.000000e+00 : f32
        %jit3A_528 = arith.constant 3.300000e+01 : f32
        %max3A = vector.broadcast %jit3A : f32 to vector<16xf32>
        %max3A_529 = arith.maximumf %max3A, %mul3A_527 : vector<16xf32>
        %min3A = vector.broadcast %jit3A_528 : f32 to vector<16xf32>
        %min3A_530 = arith.minimumf %min3A, %max3A_529 : vector<16xf32>
        %convert_element_type3A_531 = arith.fptosi %min3A_530 : vector<16xf32> to vector<16xi32>
        %mul3A_532 = arith.constant 34 : i32
        %mul3A_533 = vector.broadcast %mul3A_532 : i32 to vector<16xi32>
        %mul3A_534 = arith.muli %convert_element_type3A_531, %mul3A_533 : vector<16xi32>
        %mul3A_535 = vector.broadcast %sub3A_0 : f32 to vector<16xf32>
        %mul3A_536 = arith.mulf %get3A_508, %mul3A_535 : vector<16xf32>
        %mul3A_537 = arith.mulf %get3A_508, %get3A_502 : vector<16xf32>
        %mul3A_538 = vector.broadcast %convert_element_type3A : f32 to vector<16xf32>
        %mul3A_539 = arith.mulf %mul3A_537, %mul3A_538 : vector<16xf32>
        %add3A_540 = arith.addf %mul3A_536, %mul3A_539 : vector<16xf32>
        %mul3A_541 = arith.mulf %get3A_508, %get3A_504 : vector<16xf32>
        %mul3A_542 = vector.broadcast %convert_element_type3A : f32 to vector<16xf32>
        %mul3A_543 = arith.mulf %mul3A_541, %mul3A_542 : vector<16xf32>
        %mul3A_544 = arith.mulf %get3A_508, %get3A_506 : vector<16xf32>
        %mul3A_545 = vector.broadcast %convert_element_type3A : f32 to vector<16xf32>
        %mul3A_546 = arith.mulf %mul3A_544, %mul3A_545 : vector<16xf32>
        %swap3A = arith.index_cast %mul3A_489 : i32 to index
        %swap3A_547 = tpu.vector_load %arg16[%swap3A] {strides = array<i32>} : memref<640xf32, #tpu.memory_space<vmem>>, vector<16xf32>,
        tpu.vector_store %arg16[%swap3A], %mul3A_511 {strides = array<i32>} : memref<640xf32, #tpu.memory_space<vmem>>, vector<16xf32>,
        %swap3A_548 = arith.index_cast %mul3A_489 : i32 to index
        %swap3A_549 = tpu.vector_load %arg18[%swap3A_548] {strides = array<i32>} : memref<640xf32, #tpu.memory_space<vmem>>, vector<16xf32>,
        tpu.vector_store %arg18[%swap3A_548], %mul3A_514 {strides = array<i32>} : memref<640xf32, #tpu.memory_space<vmem>>, vector<16xf32>,
        %swap3A_550 = arith.index_cast %mul3A_489 : i32 to index
        %swap3A_551 = tpu.vector_load %arg19[%swap3A_550] {strides = array<i32>} : memref<640xf32, #tpu.memory_space<vmem>>, vector<16xf32>,
        tpu.vector_store %arg19[%swap3A_550], %mul3A_518 {strides = array<i32>} : memref<640xf32, #tpu.memory_space<vmem>>, vector<16xf32>,
        %swap3A_552 = arith.index_cast %mul3A_489 : i32 to index
        %swap3A_553 = tpu.vector_load %arg21[%swap3A_552] {strides = array<i32>} : memref<640xf32, #tpu.memory_space<vmem>>, vector<16xf32>,
        tpu.vector_store %arg21[%swap3A_552], %mul3A_522 {strides = array<i32>} : memref<640xf32, #tpu.memory_space<vmem>>, vector<16xf32>,
        %swap3A_554 = arith.index_cast %mul3A_489 : i32 to index
        %swap3A_555 = tpu.vector_load %arg26[%swap3A_554] {strides = array<i32>} : memref<640xi32, #tpu.memory_space<vmem>>, vector<16xi32>,
        tpu.vector_store %arg26[%swap3A_554], %mul3A_534 {strides = array<i32>} : memref<640xi32, #tpu.memory_space<vmem>>, vector<16xi32>,
        %swap3A_556 = arith.index_cast %mul3A_489 : i32 to index
        %swap3A_557 = tpu.vector_load %arg22[%swap3A_556] {strides = array<i32>} : memref<640xf32, #tpu.memory_space<vmem>>, vector<16xf32>,
        tpu.vector_store %arg22[%swap3A_556], %add3A_540 {strides = array<i32>} : memref<640xf32, #tpu.memory_space<vmem>>, vector<16xf32>,
        %swap3A_558 = arith.index_cast %mul3A_489 : i32 to index
        %swap3A_559 = tpu.vector_load %arg23[%swap3A_558] {strides = array<i32>} : memref<640xf32, #tpu.memory_space<vmem>>, vector<16xf32>,
        tpu.vector_store %arg23[%swap3A_558], %mul3A_536 {strides = array<i32>} : memref<640xf32, #tpu.memory_space<vmem>>, vector<16xf32>,
        %swap3A_560 = arith.index_cast %mul3A_489 : i32 to index
        %swap3A_561 = tpu.vector_load %arg24[%swap3A_560] {strides = array<i32>} : memref<640xf32, #tpu.memory_space<vmem>>, vector<16xf32>,
        tpu.vector_store %arg24[%swap3A_560], %mul3A_543 {strides = array<i32>} : memref<640xf32, #tpu.memory_space<vmem>>, vector<16xf32>,
        %swap3A_562 = arith.index_cast %mul3A_489 : i32 to index
        %swap3A_563 = tpu.vector_load %arg25[%swap3A_562] {strides = array<i32>} : memref<640xf32, #tpu.memory_space<vmem>>, vector<16xf32>,
        tpu.vector_store %arg25[%swap3A_562], %mul3A_546 {strides = array<i32>} : memref<640xf32, #tpu.memory_space<vmem>>, vector<16xf32>,
      }
      %scan3A_480 = arith.constant 40 : i32
      %scan3A_481 = arith.constant 0 : i32
      %scan3A_482 = arith.constant 0 : i32
      %scan3A_483 = arith.constant 20 : i32
      %scan3A_484 = arith.addi %scan3A_482, %scan3A_483 : i32
      %scan3A_485 = arith.constant 1 : i32
      scf.for %scan3A_487 = %scan3A_482 to %scan3A_484 step %scan3A_485  : i32 {
        %mul3A_488 = arith.constant 20 : i32
        %mul3A_489 = arith.muli %scan3A_472, %mul3A_488 : i32
        %add3A_490 = arith.addi %mul3A_489, %scan3A_487 : i32
        %ge3A = arith.constant 1 : i32
        %ge3A_491 = arith.cmpi sge, %add3A_490, %ge3A : i32
        %convert_element_type3A_492 = arith.extui %ge3A_491 : i1 to i32
        %cond3A_493 = arith.constant 0 : i32
        %cond3A_494 = arith.cmpi ne, %convert_element_type3A_492, %cond3A_493 : i32
        scf.if %cond3A_494 {
          %dma_wait3A_1010 = arith.constant 0 : i32
          %dma_wait3A_1011 = arith.constant 0 : i32
          %dma_wait3A_1012 = arith.constant 0 : i32
          %dma_wait3A_1013 = tpu.memref_slice %arg32[%dma_wait3A_1010, %dma_wait3A_1012] : memref<30x128xf32, #tpu.memory_space<vmem>> -> memref<1x128xf32, #tpu.memory_space<vmem>>
          %dma_wait3A_1014 = tpu.memref_squeeze %dma_wait3A_1013 : memref<1x128xf32, #tpu.memory_space<vmem>> -> memref<128xf32, #tpu.memory_space<vmem>>
          %dma_wait3A_1015 = arith.constant 0 : i32
          %dma_wait3A_1016 = tpu.memref_slice %arg31[%dma_wait3A_1011, %dma_wait3A_1015] : memref<30x128xi32, #tpu.memory_space<vmem>> -> memref<1x128xi32, #tpu.memory_space<vmem>>
          %dma_wait3A_1017 = tpu.memref_squeeze %dma_wait3A_1016 : memref<1x128xi32, #tpu.memory_space<vmem>> -> memref<128xi32, #tpu.memory_space<vmem>>
          %dma_wait3A_1018 = arith.constant 0 : i32
          %dma_wait3A_1019 = tpu.memref_slice %arg34[%dma_wait3A_1018] : memref<39424xf32, #tpu.memory_space<vmem_shared>> -> memref<39424xf32, #tpu.memory_space<vmem_shared>>
          tpu.wait_indirect_dma semaphore(%arg36 : memref<!tpu.dma_semaphore, #tpu.memory_space<semaphore_mem>>) src(%dma_wait3A_1014 : memref<128xf32, #tpu.memory_space<vmem>>) dst(%dma_wait3A_1019 : memref<39424xf32, #tpu.memory_space<vmem_shared>>)
          %dma_wait3A_1020 = arith.constant 0 : i32
          %dma_wait3A_1021 = arith.constant 0 : i32
          %dma_wait3A_1022 = arith.constant 0 : i32
          %dma_wait3A_1023 = tpu.memref_slice %arg33[%dma_wait3A_1020, %dma_wait3A_1022] : memref<30x128xf32, #tpu.memory_space<vmem>> -> memref<1x128xf32, #tpu.memory_space<vmem>>
          %dma_wait3A_1024 = tpu.memref_squeeze %dma_wait3A_1023 : memref<1x128xf32, #tpu.memory_space<vmem>> -> memref<128xf32, #tpu.memory_space<vmem>>
          %dma_wait3A_1025 = arith.constant 0 : i32
          %dma_wait3A_1026 = tpu.memref_slice %arg31[%dma_wait3A_1021, %dma_wait3A_1025] : memref<30x128xi32, #tpu.memory_space<vmem>> -> memref<1x128xi32, #tpu.memory_space<vmem>>
          %dma_wait3A_1027 = tpu.memref_squeeze %dma_wait3A_1026 : memref<1x128xi32, #tpu.memory_space<vmem>> -> memref<128xi32, #tpu.memory_space<vmem>>
          %dma_wait3A_1028 = arith.constant 0 : i32
          %dma_wait3A_1029 = tpu.memref_slice %arg35[%dma_wait3A_1028] : memref<39424xf32, #tpu.memory_space<vmem_shared>> -> memref<39424xf32, #tpu.memory_space<vmem_shared>>
          tpu.wait_indirect_dma semaphore(%arg36 : memref<!tpu.dma_semaphore, #tpu.memory_space<semaphore_mem>>) src(%dma_wait3A_1024 : memref<128xf32, #tpu.memory_space<vmem>>) dst(%dma_wait3A_1029 : memref<39424xf32, #tpu.memory_space<vmem_shared>>)
          %dma_wait3A_1030 = arith.constant 1 : i32
          %dma_wait3A_1031 = arith.constant 1 : i32
          %dma_wait3A_1032 = arith.constant 0 : i32
          %dma_wait3A_1033 = tpu.memref_slice %arg32[%dma_wait3A_1030, %dma_wait3A_1032] : memref<30x128xf32, #tpu.memory_space<vmem>> -> memref<1x128xf32, #tpu.memory_space<vmem>>
          %dma_wait3A_1034 = tpu.memref_squeeze %dma_wait3A_1033 : memref<1x128xf32, #tpu.memory_space<vmem>> -> memref<128xf32, #tpu.memory_space<vmem>>
          %dma_wait3A_1035 = arith.constant 0 : i32
          %dma_wait3A_1036 = tpu.memref_slice %arg31[%dma_wait3A_1031, %dma_wait3A_1035] : memref<30x128xi32, #tpu.memory_space<vmem>> -> memref<1x128xi32, #tpu.memory_space<vmem>>
          %dma_wait3A_1037 = tpu.memref_squeeze %dma_wait3A_1036 : memref<1x128xi32, #tpu.memory_space<vmem>> -> memref<128xi32, #tpu.memory_space<vmem>>
          %dma_wait3A_1038 = arith.constant 0 : i32
          %dma_wait3A_1039 = tpu.memref_slice %arg34[%dma_wait3A_1038] : memref<39424xf32, #tpu.memory_space<vmem_shared>> -> memref<39424xf32, #tpu.memory_space<vmem_shared>>
          tpu.wait_indirect_dma semaphore(%arg36 : memref<!tpu.dma_semaphore, #tpu.memory_space<semaphore_mem>>) src(%dma_wait3A_1034 : memref<128xf32, #tpu.memory_space<vmem>>) dst(%dma_wait3A_1039 : memref<39424xf32, #tpu.memory_space<vmem_shared>>)
          %dma_wait3A_1040 = arith.constant 1 : i32
          %dma_wait3A_1041 = arith.constant 1 : i32
          %dma_wait3A_1042 = arith.constant 0 : i32
          %dma_wait3A_1043 = tpu.memref_slice %arg33[%dma_wait3A_1040, %dma_wait3A_1042] : memref<30x128xf32, #tpu.memory_space<vmem>> -> memref<1x128xf32, #tpu.memory_space<vmem>>
          %dma_wait3A_1044 = tpu.memref_squeeze %dma_wait3A_1043 : memref<1x128xf32, #tpu.memory_space<vmem>> -> memref<128xf32, #tpu.memory_space<vmem>>
          %dma_wait3A_1045 = arith.constant 0 : i32
          %dma_wait3A_1046 = tpu.memref_slice %arg31[%dma_wait3A_1041, %dma_wait3A_1045] : memref<30x128xi32, #tpu.memory_space<vmem>> -> memref<1x128xi32, #tpu.memory_space<vmem>>
          %dma_wait3A_1047 = tpu.memref_squeeze %dma_wait3A_1046 : memref<1x128xi32, #tpu.memory_space<vmem>> -> memref<128xi32, #tpu.memory_space<vmem>>
          %dma_wait3A_1048 = arith.constant 0 : i32
          %dma_wait3A_1049 = tpu.memref_slice %arg35[%dma_wait3A_1048] : memref<39424xf32, #tpu.memory_space<vmem_shared>> -> memref<39424xf32, #tpu.memory_space<vmem_shared>>
          tpu.wait_indirect_dma semaphore(%arg36 : memref<!tpu.dma_semaphore, #tpu.memory_space<semaphore_mem>>) src(%dma_wait3A_1044 : memref<128xf32, #tpu.memory_space<vmem>>) dst(%dma_wait3A_1049 : memref<39424xf32, #tpu.memory_space<vmem_shared>>)
          %dma_wait3A_1050 = arith.constant 2 : i32
          %dma_wait3A_1051 = arith.constant 2 : i32
          %dma_wait3A_1052 = arith.constant 0 : i32
          %dma_wait3A_1053 = tpu.memref_slice %arg32[%dma_wait3A_1050, %dma_wait3A_1052] : memref<30x128xf32, #tpu.memory_space<vmem>> -> memref<1x128xf32, #tpu.memory_space<vmem>>
          %dma_wait3A_1054 = tpu.memref_squeeze %dma_wait3A_1053 : memref<1x128xf32, #tpu.memory_space<vmem>> -> memref<128xf32, #tpu.memory_space<vmem>>
          %dma_wait3A_1055 = arith.constant 0 : i32
          %dma_wait3A_1056 = tpu.memref_slice %arg31[%dma_wait3A_1051, %dma_wait3A_1055] : memref<30x128xi32, #tpu.memory_space<vmem>> -> memref<1x128xi32, #tpu.memory_space<vmem>>
          %dma_wait3A_1057 = tpu.memref_squeeze %dma_wait3A_1056 : memref<1x128xi32, #tpu.memory_space<vmem>> -> memref<128xi32, #tpu.memory_space<vmem>>
          %dma_wait3A_1058 = arith.constant 0 : i32
          %dma_wait3A_1059 = tpu.memref_slice %arg34[%dma_wait3A_1058] : memref<39424xf32, #tpu.memory_space<vmem_shared>> -> memref<39424xf32, #tpu.memory_space<vmem_shared>>
          tpu.wait_indirect_dma semaphore(%arg36 : memref<!tpu.dma_semaphore, #tpu.memory_space<semaphore_mem>>) src(%dma_wait3A_1054 : memref<128xf32, #tpu.memory_space<vmem>>) dst(%dma_wait3A_1059 : memref<39424xf32, #tpu.memory_space<vmem_shared>>)
          %dma_wait3A_1060 = arith.constant 2 : i32
          %dma_wait3A_1061 = arith.constant 2 : i32
          %dma_wait3A_1062 = arith.constant 0 : i32
          %dma_wait3A_1063 = tpu.memref_slice %arg33[%dma_wait3A_1060, %dma_wait3A_1062] : memref<30x128xf32, #tpu.memory_space<vmem>> -> memref<1x128xf32, #tpu.memory_space<vmem>>
          %dma_wait3A_1064 = tpu.memref_squeeze %dma_wait3A_1063 : memref<1x128xf32, #tpu.memory_space<vmem>> -> memref<128xf32, #tpu.memory_space<vmem>>
          %dma_wait3A_1065 = arith.constant 0 : i32
          %dma_wait3A_1066 = tpu.memref_slice %arg31[%dma_wait3A_1061, %dma_wait3A_1065] : memref<30x128xi32, #tpu.memory_space<vmem>> -> memref<1x128xi32, #tpu.memory_space<vmem>>
          %dma_wait3A_1067 = tpu.memref_squeeze %dma_wait3A_1066 : memref<1x128xi32, #tpu.memory_space<vmem>> -> memref<128xi32, #tpu.memory_space<vmem>>
          %dma_wait3A_1068 = arith.constant 0 : i32
          %dma_wait3A_1069 = tpu.memref_slice %arg35[%dma_wait3A_1068] : memref<39424xf32, #tpu.memory_space<vmem_shared>> -> memref<39424xf32, #tpu.memory_space<vmem_shared>>
          tpu.wait_indirect_dma semaphore(%arg36 : memref<!tpu.dma_semaphore, #tpu.memory_space<semaphore_mem>>) src(%dma_wait3A_1064 : memref<128xf32, #tpu.memory_space<vmem>>) dst(%dma_wait3A_1069 : memref<39424xf32, #tpu.memory_space<vmem_shared>>)
          %dma_wait3A_1070 = arith.constant 3 : i32
          %dma_wait3A_1071 = arith.constant 3 : i32
          %dma_wait3A_1072 = arith.constant 0 : i32
          %dma_wait3A_1073 = tpu.memref_slice %arg32[%dma_wait3A_1070, %dma_wait3A_1072] : memref<30x128xf32, #tpu.memory_space<vmem>> -> memref<1x128xf32, #tpu.memory_space<vmem>>
          %dma_wait3A_1074 = tpu.memref_squeeze %dma_wait3A_1073 : memref<1x128xf32, #tpu.memory_space<vmem>> -> memref<128xf32, #tpu.memory_space<vmem>>
          %dma_wait3A_1075 = arith.constant 0 : i32
          %dma_wait3A_1076 = tpu.memref_slice %arg31[%dma_wait3A_1071, %dma_wait3A_1075] : memref<30x128xi32, #tpu.memory_space<vmem>> -> memref<1x128xi32, #tpu.memory_space<vmem>>
          %dma_wait3A_1077 = tpu.memref_squeeze %dma_wait3A_1076 : memref<1x128xi32, #tpu.memory_space<vmem>> -> memref<128xi32, #tpu.memory_space<vmem>>
          %dma_wait3A_1078 = arith.constant 0 : i32
          %dma_wait3A_1079 = tpu.memref_slice %arg34[%dma_wait3A_1078] : memref<39424xf32, #tpu.memory_space<vmem_shared>> -> memref<39424xf32, #tpu.memory_space<vmem_shared>>
          tpu.wait_indirect_dma semaphore(%arg36 : memref<!tpu.dma_semaphore, #tpu.memory_space<semaphore_mem>>) src(%dma_wait3A_1074 : memref<128xf32, #tpu.memory_space<vmem>>) dst(%dma_wait3A_1079 : memref<39424xf32, #tpu.memory_space<vmem_shared>>)
          %dma_wait3A_1080 = arith.constant 3 : i32
          %dma_wait3A_1081 = arith.constant 3 : i32
          %dma_wait3A_1082 = arith.constant 0 : i32
          %dma_wait3A_1083 = tpu.memref_slice %arg33[%dma_wait3A_1080, %dma_wait3A_1082] : memref<30x128xf32, #tpu.memory_space<vmem>> -> memref<1x128xf32, #tpu.memory_space<vmem>>
          %dma_wait3A_1084 = tpu.memref_squeeze %dma_wait3A_1083 : memref<1x128xf32, #tpu.memory_space<vmem>> -> memref<128xf32, #tpu.memory_space<vmem>>
          %dma_wait3A_1085 = arith.constant 0 : i32
          %dma_wait3A_1086 = tpu.memref_slice %arg31[%dma_wait3A_1081, %dma_wait3A_1085] : memref<30x128xi32, #tpu.memory_space<vmem>> -> memref<1x128xi32, #tpu.memory_space<vmem>>
          %dma_wait3A_1087 = tpu.memref_squeeze %dma_wait3A_1086 : memref<1x128xi32, #tpu.memory_space<vmem>> -> memref<128xi32, #tpu.memory_space<vmem>>
          %dma_wait3A_1088 = arith.constant 0 : i32
          %dma_wait3A_1089 = tpu.memref_slice %arg35[%dma_wait3A_1088] : memref<39424xf32, #tpu.memory_space<vmem_shared>> -> memref<39424xf32, #tpu.memory_space<vmem_shared>>
          tpu.wait_indirect_dma semaphore(%arg36 : memref<!tpu.dma_semaphore, #tpu.memory_space<semaphore_mem>>) src(%dma_wait3A_1084 : memref<128xf32, #tpu.memory_space<vmem>>) dst(%dma_wait3A_1089 : memref<39424xf32, #tpu.memory_space<vmem_shared>>)
          %dma_wait3A_1090 = arith.constant 4 : i32
          %dma_wait3A_1091 = arith.constant 4 : i32
          %dma_wait3A_1092 = arith.constant 0 : i32
          %dma_wait3A_1093 = tpu.memref_slice %arg32[%dma_wait3A_1090, %dma_wait3A_1092] : memref<30x128xf32, #tpu.memory_space<vmem>> -> memref<1x128xf32, #tpu.memory_space<vmem>>
          %dma_wait3A_1094 = tpu.memref_squeeze %dma_wait3A_1093 : memref<1x128xf32, #tpu.memory_space<vmem>> -> memref<128xf32, #tpu.memory_space<vmem>>
          %dma_wait3A_1095 = arith.constant 0 : i32
          %dma_wait3A_1096 = tpu.memref_slice %arg31[%dma_wait3A_1091, %dma_wait3A_1095] : memref<30x128xi32, #tpu.memory_space<vmem>> -> memref<1x128xi32, #tpu.memory_space<vmem>>
          %dma_wait3A_1097 = tpu.memref_squeeze %dma_wait3A_1096 : memref<1x128xi32, #tpu.memory_space<vmem>> -> memref<128xi32, #tpu.memory_space<vmem>>
          %dma_wait3A_1098 = arith.constant 0 : i32
          %dma_wait3A_1099 = tpu.memref_slice %arg34[%dma_wait3A_1098] : memref<39424xf32, #tpu.memory_space<vmem_shared>> -> memref<39424xf32, #tpu.memory_space<vmem_shared>>
          tpu.wait_indirect_dma semaphore(%arg36 : memref<!tpu.dma_semaphore, #tpu.memory_space<semaphore_mem>>) src(%dma_wait3A_1094 : memref<128xf32, #tpu.memory_space<vmem>>) dst(%dma_wait3A_1099 : memref<39424xf32, #tpu.memory_space<vmem_shared>>)
          %dma_wait3A_1100 = arith.constant 4 : i32
          %dma_wait3A_1101 = arith.constant 4 : i32
          %dma_wait3A_1102 = arith.constant 0 : i32
          %dma_wait3A_1103 = tpu.memref_slice %arg33[%dma_wait3A_1100, %dma_wait3A_1102] : memref<30x128xf32, #tpu.memory_space<vmem>> -> memref<1x128xf32, #tpu.memory_space<vmem>>
          %dma_wait3A_1104 = tpu.memref_squeeze %dma_wait3A_1103 : memref<1x128xf32, #tpu.memory_space<vmem>> -> memref<128xf32, #tpu.memory_space<vmem>>
          %dma_wait3A_1105 = arith.constant 0 : i32
          %dma_wait3A_1106 = tpu.memref_slice %arg31[%dma_wait3A_1101, %dma_wait3A_1105] : memref<30x128xi32, #tpu.memory_space<vmem>> -> memref<1x128xi32, #tpu.memory_space<vmem>>
          %dma_wait3A_1107 = tpu.memref_squeeze %dma_wait3A_1106 : memref<1x128xi32, #tpu.memory_space<vmem>> -> memref<128xi32, #tpu.memory_space<vmem>>
          %dma_wait3A_1108 = arith.constant 0 : i32
          %dma_wait3A_1109 = tpu.memref_slice %arg35[%dma_wait3A_1108] : memref<39424xf32, #tpu.memory_space<vmem_shared>> -> memref<39424xf32, #tpu.memory_space<vmem_shared>>
          tpu.wait_indirect_dma semaphore(%arg36 : memref<!tpu.dma_semaphore, #tpu.memory_space<semaphore_mem>>) src(%dma_wait3A_1104 : memref<128xf32, #tpu.memory_space<vmem>>) dst(%dma_wait3A_1109 : memref<39424xf32, #tpu.memory_space<vmem_shared>>)
          %dma_wait3A_1110 = arith.constant 5 : i32
          %dma_wait3A_1111 = arith.constant 5 : i32
          %dma_wait3A_1112 = arith.constant 0 : i32
          %dma_wait3A_1113 = tpu.memref_slice %arg32[%dma_wait3A_1110, %dma_wait3A_1112] : memref<30x128xf32, #tpu.memory_space<vmem>> -> memref<1x128xf32, #tpu.memory_space<vmem>>
          %dma_wait3A_1114 = tpu.memref_squeeze %dma_wait3A_1113 : memref<1x128xf32, #tpu.memory_space<vmem>> -> memref<128xf32, #tpu.memory_space<vmem>>
          %dma_wait3A_1115 = arith.constant 0 : i32
          %dma_wait3A_1116 = tpu.memref_slice %arg31[%dma_wait3A_1111, %dma_wait3A_1115] : memref<30x128xi32, #tpu.memory_space<vmem>> -> memref<1x128xi32, #tpu.memory_space<vmem>>
          %dma_wait3A_1117 = tpu.memref_squeeze %dma_wait3A_1116 : memref<1x128xi32, #tpu.memory_space<vmem>> -> memref<128xi32, #tpu.memory_space<vmem>>
          %dma_wait3A_1118 = arith.constant 0 : i32
          %dma_wait3A_1119 = tpu.memref_slice %arg34[%dma_wait3A_1118] : memref<39424xf32, #tpu.memory_space<vmem_shared>> -> memref<39424xf32, #tpu.memory_space<vmem_shared>>
          tpu.wait_indirect_dma semaphore(%arg36 : memref<!tpu.dma_semaphore, #tpu.memory_space<semaphore_mem>>) src(%dma_wait3A_1114 : memref<128xf32, #tpu.memory_space<vmem>>) dst(%dma_wait3A_1119 : memref<39424xf32, #tpu.memory_space<vmem_shared>>)
          %dma_wait3A_1120 = arith.constant 5 : i32
          %dma_wait3A_1121 = arith.constant 5 : i32
          %dma_wait3A_1122 = arith.constant 0 : i32
          %dma_wait3A_1123 = tpu.memref_slice %arg33[%dma_wait3A_1120, %dma_wait3A_1122] : memref<30x128xf32, #tpu.memory_space<vmem>> -> memref<1x128xf32, #tpu.memory_space<vmem>>
          %dma_wait3A_1124 = tpu.memref_squeeze %dma_wait3A_1123 : memref<1x128xf32, #tpu.memory_space<vmem>> -> memref<128xf32, #tpu.memory_space<vmem>>
          %dma_wait3A_1125 = arith.constant 0 : i32
          %dma_wait3A_1126 = tpu.memref_slice %arg31[%dma_wait3A_1121, %dma_wait3A_1125] : memref<30x128xi32, #tpu.memory_space<vmem>> -> memref<1x128xi32, #tpu.memory_space<vmem>>
          %dma_wait3A_1127 = tpu.memref_squeeze %dma_wait3A_1126 : memref<1x128xi32, #tpu.memory_space<vmem>> -> memref<128xi32, #tpu.memory_space<vmem>>
          %dma_wait3A_1128 = arith.constant 0 : i32
          %dma_wait3A_1129 = tpu.memref_slice %arg35[%dma_wait3A_1128] : memref<39424xf32, #tpu.memory_space<vmem_shared>> -> memref<39424xf32, #tpu.memory_space<vmem_shared>>
          tpu.wait_indirect_dma semaphore(%arg36 : memref<!tpu.dma_semaphore, #tpu.memory_space<semaphore_mem>>) src(%dma_wait3A_1124 : memref<128xf32, #tpu.memory_space<vmem>>) dst(%dma_wait3A_1129 : memref<39424xf32, #tpu.memory_space<vmem_shared>>)
          %dma_wait3A_1130 = arith.constant 6 : i32
          %dma_wait3A_1131 = arith.constant 6 : i32
          %dma_wait3A_1132 = arith.constant 0 : i32
          %dma_wait3A_1133 = tpu.memref_slice %arg32[%dma_wait3A_1130, %dma_wait3A_1132] : memref<30x128xf32, #tpu.memory_space<vmem>> -> memref<1x128xf32, #tpu.memory_space<vmem>>
          %dma_wait3A_1134 = tpu.memref_squeeze %dma_wait3A_1133 : memref<1x128xf32, #tpu.memory_space<vmem>> -> memref<128xf32, #tpu.memory_space<vmem>>
          %dma_wait3A_1135 = arith.constant 0 : i32
          %dma_wait3A_1136 = tpu.memref_slice %arg31[%dma_wait3A_1131, %dma_wait3A_1135] : memref<30x128xi32, #tpu.memory_space<vmem>> -> memref<1x128xi32, #tpu.memory_space<vmem>>
          %dma_wait3A_1137 = tpu.memref_squeeze %dma_wait3A_1136 : memref<1x128xi32, #tpu.memory_space<vmem>> -> memref<128xi32, #tpu.memory_space<vmem>>
          %dma_wait3A_1138 = arith.constant 0 : i32
          %dma_wait3A_1139 = tpu.memref_slice %arg34[%dma_wait3A_1138] : memref<39424xf32, #tpu.memory_space<vmem_shared>> -> memref<39424xf32, #tpu.memory_space<vmem_shared>>
          tpu.wait_indirect_dma semaphore(%arg36 : memref<!tpu.dma_semaphore, #tpu.memory_space<semaphore_mem>>) src(%dma_wait3A_1134 : memref<128xf32, #tpu.memory_space<vmem>>) dst(%dma_wait3A_1139 : memref<39424xf32, #tpu.memory_space<vmem_shared>>)
          %dma_wait3A_1140 = arith.constant 6 : i32
          %dma_wait3A_1141 = arith.constant 6 : i32
          %dma_wait3A_1142 = arith.constant 0 : i32
          %dma_wait3A_1143 = tpu.memref_slice %arg33[%dma_wait3A_1140, %dma_wait3A_1142] : memref<30x128xf32, #tpu.memory_space<vmem>> -> memref<1x128xf32, #tpu.memory_space<vmem>>
          %dma_wait3A_1144 = tpu.memref_squeeze %dma_wait3A_1143 : memref<1x128xf32, #tpu.memory_space<vmem>> -> memref<128xf32, #tpu.memory_space<vmem>>
          %dma_wait3A_1145 = arith.constant 0 : i32
          %dma_wait3A_1146 = tpu.memref_slice %arg31[%dma_wait3A_1141, %dma_wait3A_1145] : memref<30x128xi32, #tpu.memory_space<vmem>> -> memref<1x128xi32, #tpu.memory_space<vmem>>
          %dma_wait3A_1147 = tpu.memref_squeeze %dma_wait3A_1146 : memref<1x128xi32, #tpu.memory_space<vmem>> -> memref<128xi32, #tpu.memory_space<vmem>>
          %dma_wait3A_1148 = arith.constant 0 : i32
          %dma_wait3A_1149 = tpu.memref_slice %arg35[%dma_wait3A_1148] : memref<39424xf32, #tpu.memory_space<vmem_shared>> -> memref<39424xf32, #tpu.memory_space<vmem_shared>>
          tpu.wait_indirect_dma semaphore(%arg36 : memref<!tpu.dma_semaphore, #tpu.memory_space<semaphore_mem>>) src(%dma_wait3A_1144 : memref<128xf32, #tpu.memory_space<vmem>>) dst(%dma_wait3A_1149 : memref<39424xf32, #tpu.memory_space<vmem_shared>>)
          %dma_wait3A_1150 = arith.constant 7 : i32
          %dma_wait3A_1151 = arith.constant 7 : i32
          %dma_wait3A_1152 = arith.constant 0 : i32
          %dma_wait3A_1153 = tpu.memref_slice %arg32[%dma_wait3A_1150, %dma_wait3A_1152] : memref<30x128xf32, #tpu.memory_space<vmem>> -> memref<1x128xf32, #tpu.memory_space<vmem>>
          %dma_wait3A_1154 = tpu.memref_squeeze %dma_wait3A_1153 : memref<1x128xf32, #tpu.memory_space<vmem>> -> memref<128xf32, #tpu.memory_space<vmem>>
          %dma_wait3A_1155 = arith.constant 0 : i32
          %dma_wait3A_1156 = tpu.memref_slice %arg31[%dma_wait3A_1151, %dma_wait3A_1155] : memref<30x128xi32, #tpu.memory_space<vmem>> -> memref<1x128xi32, #tpu.memory_space<vmem>>
          %dma_wait3A_1157 = tpu.memref_squeeze %dma_wait3A_1156 : memref<1x128xi32, #tpu.memory_space<vmem>> -> memref<128xi32, #tpu.memory_space<vmem>>
          %dma_wait3A_1158 = arith.constant 0 : i32
          %dma_wait3A_1159 = tpu.memref_slice %arg34[%dma_wait3A_1158] : memref<39424xf32, #tpu.memory_space<vmem_shared>> -> memref<39424xf32, #tpu.memory_space<vmem_shared>>
          tpu.wait_indirect_dma semaphore(%arg36 : memref<!tpu.dma_semaphore, #tpu.memory_space<semaphore_mem>>) src(%dma_wait3A_1154 : memref<128xf32, #tpu.memory_space<vmem>>) dst(%dma_wait3A_1159 : memref<39424xf32, #tpu.memory_space<vmem_shared>>)
          %dma_wait3A_1160 = arith.constant 7 : i32
          %dma_wait3A_1161 = arith.constant 7 : i32
          %dma_wait3A_1162 = arith.constant 0 : i32
          %dma_wait3A_1163 = tpu.memref_slice %arg33[%dma_wait3A_1160, %dma_wait3A_1162] : memref<30x128xf32, #tpu.memory_space<vmem>> -> memref<1x128xf32, #tpu.memory_space<vmem>>
          %dma_wait3A_1164 = tpu.memref_squeeze %dma_wait3A_1163 : memref<1x128xf32, #tpu.memory_space<vmem>> -> memref<128xf32, #tpu.memory_space<vmem>>
          %dma_wait3A_1165 = arith.constant 0 : i32
          %dma_wait3A_1166 = tpu.memref_slice %arg31[%dma_wait3A_1161, %dma_wait3A_1165] : memref<30x128xi32, #tpu.memory_space<vmem>> -> memref<1x128xi32, #tpu.memory_space<vmem>>
          %dma_wait3A_1167 = tpu.memref_squeeze %dma_wait3A_1166 : memref<1x128xi32, #tpu.memory_space<vmem>> -> memref<128xi32, #tpu.memory_space<vmem>>
          %dma_wait3A_1168 = arith.constant 0 : i32
          %dma_wait3A_1169 = tpu.memref_slice %arg35[%dma_wait3A_1168] : memref<39424xf32, #tpu.memory_space<vmem_shared>> -> memref<39424xf32, #tpu.memory_space<vmem_shared>>
          tpu.wait_indirect_dma semaphore(%arg36 : memref<!tpu.dma_semaphore, #tpu.memory_space<semaphore_mem>>) src(%dma_wait3A_1164 : memref<128xf32, #tpu.memory_space<vmem>>) dst(%dma_wait3A_1169 : memref<39424xf32, #tpu.memory_space<vmem_shared>>)
          %dma_wait3A_1170 = arith.constant 8 : i32
          %dma_wait3A_1171 = arith.constant 8 : i32
          %dma_wait3A_1172 = arith.constant 0 : i32
          %dma_wait3A_1173 = tpu.memref_slice %arg32[%dma_wait3A_1170, %dma_wait3A_1172] : memref<30x128xf32, #tpu.memory_space<vmem>> -> memref<1x128xf32, #tpu.memory_space<vmem>>
          %dma_wait3A_1174 = tpu.memref_squeeze %dma_wait3A_1173 : memref<1x128xf32, #tpu.memory_space<vmem>> -> memref<128xf32, #tpu.memory_space<vmem>>
          %dma_wait3A_1175 = arith.constant 0 : i32
          %dma_wait3A_1176 = tpu.memref_slice %arg31[%dma_wait3A_1171, %dma_wait3A_1175] : memref<30x128xi32, #tpu.memory_space<vmem>> -> memref<1x128xi32, #tpu.memory_space<vmem>>
          %dma_wait3A_1177 = tpu.memref_squeeze %dma_wait3A_1176 : memref<1x128xi32, #tpu.memory_space<vmem>> -> memref<128xi32, #tpu.memory_space<vmem>>
          %dma_wait3A_1178 = arith.constant 0 : i32
          %dma_wait3A_1179 = tpu.memref_slice %arg34[%dma_wait3A_1178] : memref<39424xf32, #tpu.memory_space<vmem_shared>> -> memref<39424xf32, #tpu.memory_space<vmem_shared>>
          tpu.wait_indirect_dma semaphore(%arg36 : memref<!tpu.dma_semaphore, #tpu.memory_space<semaphore_mem>>) src(%dma_wait3A_1174 : memref<128xf32, #tpu.memory_space<vmem>>) dst(%dma_wait3A_1179 : memref<39424xf32, #tpu.memory_space<vmem_shared>>)
          %dma_wait3A_1180 = arith.constant 8 : i32
          %dma_wait3A_1181 = arith.constant 8 : i32
          %dma_wait3A_1182 = arith.constant 0 : i32
          %dma_wait3A_1183 = tpu.memref_slice %arg33[%dma_wait3A_1180, %dma_wait3A_1182] : memref<30x128xf32, #tpu.memory_space<vmem>> -> memref<1x128xf32, #tpu.memory_space<vmem>>
          %dma_wait3A_1184 = tpu.memref_squeeze %dma_wait3A_1183 : memref<1x128xf32, #tpu.memory_space<vmem>> -> memref<128xf32, #tpu.memory_space<vmem>>
          %dma_wait3A_1185 = arith.constant 0 : i32
          %dma_wait3A_1186 = tpu.memref_slice %arg31[%dma_wait3A_1181, %dma_wait3A_1185] : memref<30x128xi32, #tpu.memory_space<vmem>> -> memref<1x128xi32, #tpu.memory_space<vmem>>
          %dma_wait3A_1187 = tpu.memref_squeeze %dma_wait3A_1186 : memref<1x128xi32, #tpu.memory_space<vmem>> -> memref<128xi32, #tpu.memory_space<vmem>>
          %dma_wait3A_1188 = arith.constant 0 : i32
          %dma_wait3A_1189 = tpu.memref_slice %arg35[%dma_wait3A_1188] : memref<39424xf32, #tpu.memory_space<vmem_shared>> -> memref<39424xf32, #tpu.memory_space<vmem_shared>>
          tpu.wait_indirect_dma semaphore(%arg36 : memref<!tpu.dma_semaphore, #tpu.memory_space<semaphore_mem>>) src(%dma_wait3A_1184 : memref<128xf32, #tpu.memory_space<vmem>>) dst(%dma_wait3A_1189 : memref<39424xf32, #tpu.memory_space<vmem_shared>>)
          %dma_wait3A_1190 = arith.constant 9 : i32
          %dma_wait3A_1191 = arith.constant 9 : i32
          %dma_wait3A_1192 = arith.constant 0 : i32
          %dma_wait3A_1193 = tpu.memref_slice %arg32[%dma_wait3A_1190, %dma_wait3A_1192] : memref<30x128xf32, #tpu.memory_space<vmem>> -> memref<1x128xf32, #tpu.memory_space<vmem>>
          %dma_wait3A_1194 = tpu.memref_squeeze %dma_wait3A_1193 : memref<1x128xf32, #tpu.memory_space<vmem>> -> memref<128xf32, #tpu.memory_space<vmem>>
          %dma_wait3A_1195 = arith.constant 0 : i32
          %dma_wait3A_1196 = tpu.memref_slice %arg31[%dma_wait3A_1191, %dma_wait3A_1195] : memref<30x128xi32, #tpu.memory_space<vmem>> -> memref<1x128xi32, #tpu.memory_space<vmem>>
          %dma_wait3A_1197 = tpu.memref_squeeze %dma_wait3A_1196 : memref<1x128xi32, #tpu.memory_space<vmem>> -> memref<128xi32, #tpu.memory_space<vmem>>
          %dma_wait3A_1198 = arith.constant 0 : i32
          %dma_wait3A_1199 = tpu.memref_slice %arg34[%dma_wait3A_1198] : memref<39424xf32, #tpu.memory_space<vmem_shared>> -> memref<39424xf32, #tpu.memory_space<vmem_shared>>
          tpu.wait_indirect_dma semaphore(%arg36 : memref<!tpu.dma_semaphore, #tpu.memory_space<semaphore_mem>>) src(%dma_wait3A_1194 : memref<128xf32, #tpu.memory_space<vmem>>) dst(%dma_wait3A_1199 : memref<39424xf32, #tpu.memory_space<vmem_shared>>)
          %dma_wait3A_1200 = arith.constant 9 : i32
          %dma_wait3A_1201 = arith.constant 9 : i32
          %dma_wait3A_1202 = arith.constant 0 : i32
          %dma_wait3A_1203 = tpu.memref_slice %arg33[%dma_wait3A_1200, %dma_wait3A_1202] : memref<30x128xf32, #tpu.memory_space<vmem>> -> memref<1x128xf32, #tpu.memory_space<vmem>>
          %dma_wait3A_1204 = tpu.memref_squeeze %dma_wait3A_1203 : memref<1x128xf32, #tpu.memory_space<vmem>> -> memref<128xf32, #tpu.memory_space<vmem>>
          %dma_wait3A_1205 = arith.constant 0 : i32
          %dma_wait3A_1206 = tpu.memref_slice %arg31[%dma_wait3A_1201, %dma_wait3A_1205] : memref<30x128xi32, #tpu.memory_space<vmem>> -> memref<1x128xi32, #tpu.memory_space<vmem>>
          %dma_wait3A_1207 = tpu.memref_squeeze %dma_wait3A_1206 : memref<1x128xi32, #tpu.memory_space<vmem>> -> memref<128xi32, #tpu.memory_space<vmem>>
          %dma_wait3A_1208 = arith.constant 0 : i32
          %dma_wait3A_1209 = tpu.memref_slice %arg35[%dma_wait3A_1208] : memref<39424xf32, #tpu.memory_space<vmem_shared>> -> memref<39424xf32, #tpu.memory_space<vmem_shared>>
          tpu.wait_indirect_dma semaphore(%arg36 : memref<!tpu.dma_semaphore, #tpu.memory_space<semaphore_mem>>) src(%dma_wait3A_1204 : memref<128xf32, #tpu.memory_space<vmem>>) dst(%dma_wait3A_1209 : memref<39424xf32, #tpu.memory_space<vmem_shared>>)
          %dma_wait3A_1210 = arith.constant 10 : i32
          %dma_wait3A_1211 = arith.constant 10 : i32
          %dma_wait3A_1212 = arith.constant 0 : i32
          %dma_wait3A_1213 = tpu.memref_slice %arg32[%dma_wait3A_1210, %dma_wait3A_1212] : memref<30x128xf32, #tpu.memory_space<vmem>> -> memref<1x128xf32, #tpu.memory_space<vmem>>
          %dma_wait3A_1214 = tpu.memref_squeeze %dma_wait3A_1213 : memref<1x128xf32, #tpu.memory_space<vmem>> -> memref<128xf32, #tpu.memory_space<vmem>>
          %dma_wait3A_1215 = arith.constant 0 : i32
          %dma_wait3A_1216 = tpu.memref_slice %arg31[%dma_wait3A_1211, %dma_wait3A_1215] : memref<30x128xi32, #tpu.memory_space<vmem>> -> memref<1x128xi32, #tpu.memory_space<vmem>>
          %dma_wait3A_1217 = tpu.memref_squeeze %dma_wait3A_1216 : memref<1x128xi32, #tpu.memory_space<vmem>> -> memref<128xi32, #tpu.memory_space<vmem>>
          %dma_wait3A_1218 = arith.constant 0 : i32
          %dma_wait3A_1219 = tpu.memref_slice %arg34[%dma_wait3A_1218] : memref<39424xf32, #tpu.memory_space<vmem_shared>> -> memref<39424xf32, #tpu.memory_space<vmem_shared>>
          tpu.wait_indirect_dma semaphore(%arg36 : memref<!tpu.dma_semaphore, #tpu.memory_space<semaphore_mem>>) src(%dma_wait3A_1214 : memref<128xf32, #tpu.memory_space<vmem>>) dst(%dma_wait3A_1219 : memref<39424xf32, #tpu.memory_space<vmem_shared>>)
          %dma_wait3A_1220 = arith.constant 10 : i32
          %dma_wait3A_1221 = arith.constant 10 : i32
          %dma_wait3A_1222 = arith.constant 0 : i32
          %dma_wait3A_1223 = tpu.memref_slice %arg33[%dma_wait3A_1220, %dma_wait3A_1222] : memref<30x128xf32, #tpu.memory_space<vmem>> -> memref<1x128xf32, #tpu.memory_space<vmem>>
          %dma_wait3A_1224 = tpu.memref_squeeze %dma_wait3A_1223 : memref<1x128xf32, #tpu.memory_space<vmem>> -> memref<128xf32, #tpu.memory_space<vmem>>
          %dma_wait3A_1225 = arith.constant 0 : i32
          %dma_wait3A_1226 = tpu.memref_slice %arg31[%dma_wait3A_1221, %dma_wait3A_1225] : memref<30x128xi32, #tpu.memory_space<vmem>> -> memref<1x128xi32, #tpu.memory_space<vmem>>
          %dma_wait3A_1227 = tpu.memref_squeeze %dma_wait3A_1226 : memref<1x128xi32, #tpu.memory_space<vmem>> -> memref<128xi32, #tpu.memory_space<vmem>>
          %dma_wait3A_1228 = arith.constant 0 : i32
          %dma_wait3A_1229 = tpu.memref_slice %arg35[%dma_wait3A_1228] : memref<39424xf32, #tpu.memory_space<vmem_shared>> -> memref<39424xf32, #tpu.memory_space<vmem_shared>>
          tpu.wait_indirect_dma semaphore(%arg36 : memref<!tpu.dma_semaphore, #tpu.memory_space<semaphore_mem>>) src(%dma_wait3A_1224 : memref<128xf32, #tpu.memory_space<vmem>>) dst(%dma_wait3A_1229 : memref<39424xf32, #tpu.memory_space<vmem_shared>>)
          %dma_wait3A_1230 = arith.constant 11 : i32
          %dma_wait3A_1231 = arith.constant 11 : i32
          %dma_wait3A_1232 = arith.constant 0 : i32
          %dma_wait3A_1233 = tpu.memref_slice %arg32[%dma_wait3A_1230, %dma_wait3A_1232] : memref<30x128xf32, #tpu.memory_space<vmem>> -> memref<1x128xf32, #tpu.memory_space<vmem>>
          %dma_wait3A_1234 = tpu.memref_squeeze %dma_wait3A_1233 : memref<1x128xf32, #tpu.memory_space<vmem>> -> memref<128xf32, #tpu.memory_space<vmem>>
          %dma_wait3A_1235 = arith.constant 0 : i32
          %dma_wait3A_1236 = tpu.memref_slice %arg31[%dma_wait3A_1231, %dma_wait3A_1235] : memref<30x128xi32, #tpu.memory_space<vmem>> -> memref<1x128xi32, #tpu.memory_space<vmem>>
          %dma_wait3A_1237 = tpu.memref_squeeze %dma_wait3A_1236 : memref<1x128xi32, #tpu.memory_space<vmem>> -> memref<128xi32, #tpu.memory_space<vmem>>
          %dma_wait3A_1238 = arith.constant 0 : i32
          %dma_wait3A_1239 = tpu.memref_slice %arg34[%dma_wait3A_1238] : memref<39424xf32, #tpu.memory_space<vmem_shared>> -> memref<39424xf32, #tpu.memory_space<vmem_shared>>
          tpu.wait_indirect_dma semaphore(%arg36 : memref<!tpu.dma_semaphore, #tpu.memory_space<semaphore_mem>>) src(%dma_wait3A_1234 : memref<128xf32, #tpu.memory_space<vmem>>) dst(%dma_wait3A_1239 : memref<39424xf32, #tpu.memory_space<vmem_shared>>)
          %dma_wait3A_1240 = arith.constant 11 : i32
          %dma_wait3A_1241 = arith.constant 11 : i32
          %dma_wait3A_1242 = arith.constant 0 : i32
          %dma_wait3A_1243 = tpu.memref_slice %arg33[%dma_wait3A_1240, %dma_wait3A_1242] : memref<30x128xf32, #tpu.memory_space<vmem>> -> memref<1x128xf32, #tpu.memory_space<vmem>>
          %dma_wait3A_1244 = tpu.memref_squeeze %dma_wait3A_1243 : memref<1x128xf32, #tpu.memory_space<vmem>> -> memref<128xf32, #tpu.memory_space<vmem>>
          %dma_wait3A_1245 = arith.constant 0 : i32
          %dma_wait3A_1246 = tpu.memref_slice %arg31[%dma_wait3A_1241, %dma_wait3A_1245] : memref<30x128xi32, #tpu.memory_space<vmem>> -> memref<1x128xi32, #tpu.memory_space<vmem>>
          %dma_wait3A_1247 = tpu.memref_squeeze %dma_wait3A_1246 : memref<1x128xi32, #tpu.memory_space<vmem>> -> memref<128xi32, #tpu.memory_space<vmem>>
          %dma_wait3A_1248 = arith.constant 0 : i32
          %dma_wait3A_1249 = tpu.memref_slice %arg35[%dma_wait3A_1248] : memref<39424xf32, #tpu.memory_space<vmem_shared>> -> memref<39424xf32, #tpu.memory_space<vmem_shared>>
          tpu.wait_indirect_dma semaphore(%arg36 : memref<!tpu.dma_semaphore, #tpu.memory_space<semaphore_mem>>) src(%dma_wait3A_1244 : memref<128xf32, #tpu.memory_space<vmem>>) dst(%dma_wait3A_1249 : memref<39424xf32, #tpu.memory_space<vmem_shared>>)
          %dma_wait3A_1250 = arith.constant 12 : i32
          %dma_wait3A_1251 = arith.constant 12 : i32
          %dma_wait3A_1252 = arith.constant 0 : i32
          %dma_wait3A_1253 = tpu.memref_slice %arg32[%dma_wait3A_1250, %dma_wait3A_1252] : memref<30x128xf32, #tpu.memory_space<vmem>> -> memref<1x128xf32, #tpu.memory_space<vmem>>
          %dma_wait3A_1254 = tpu.memref_squeeze %dma_wait3A_1253 : memref<1x128xf32, #tpu.memory_space<vmem>> -> memref<128xf32, #tpu.memory_space<vmem>>
          %dma_wait3A_1255 = arith.constant 0 : i32
          %dma_wait3A_1256 = tpu.memref_slice %arg31[%dma_wait3A_1251, %dma_wait3A_1255] : memref<30x128xi32, #tpu.memory_space<vmem>> -> memref<1x128xi32, #tpu.memory_space<vmem>>
          %dma_wait3A_1257 = tpu.memref_squeeze %dma_wait3A_1256 : memref<1x128xi32, #tpu.memory_space<vmem>> -> memref<128xi32, #tpu.memory_space<vmem>>
          %dma_wait3A_1258 = arith.constant 0 : i32
          %dma_wait3A_1259 = tpu.memref_slice %arg34[%dma_wait3A_1258] : memref<39424xf32, #tpu.memory_space<vmem_shared>> -> memref<39424xf32, #tpu.memory_space<vmem_shared>>
          tpu.wait_indirect_dma semaphore(%arg36 : memref<!tpu.dma_semaphore, #tpu.memory_space<semaphore_mem>>) src(%dma_wait3A_1254 : memref<128xf32, #tpu.memory_space<vmem>>) dst(%dma_wait3A_1259 : memref<39424xf32, #tpu.memory_space<vmem_shared>>)
          %dma_wait3A_1260 = arith.constant 12 : i32
          %dma_wait3A_1261 = arith.constant 12 : i32
          %dma_wait3A_1262 = arith.constant 0 : i32
          %dma_wait3A_1263 = tpu.memref_slice %arg33[%dma_wait3A_1260, %dma_wait3A_1262] : memref<30x128xf32, #tpu.memory_space<vmem>> -> memref<1x128xf32, #tpu.memory_space<vmem>>
          %dma_wait3A_1264 = tpu.memref_squeeze %dma_wait3A_1263 : memref<1x128xf32, #tpu.memory_space<vmem>> -> memref<128xf32, #tpu.memory_space<vmem>>
          %dma_wait3A_1265 = arith.constant 0 : i32
          %dma_wait3A_1266 = tpu.memref_slice %arg31[%dma_wait3A_1261, %dma_wait3A_1265] : memref<30x128xi32, #tpu.memory_space<vmem>> -> memref<1x128xi32, #tpu.memory_space<vmem>>
          %dma_wait3A_1267 = tpu.memref_squeeze %dma_wait3A_1266 : memref<1x128xi32, #tpu.memory_space<vmem>> -> memref<128xi32, #tpu.memory_space<vmem>>
          %dma_wait3A_1268 = arith.constant 0 : i32
          %dma_wait3A_1269 = tpu.memref_slice %arg35[%dma_wait3A_1268] : memref<39424xf32, #tpu.memory_space<vmem_shared>> -> memref<39424xf32, #tpu.memory_space<vmem_shared>>
          tpu.wait_indirect_dma semaphore(%arg36 : memref<!tpu.dma_semaphore, #tpu.memory_space<semaphore_mem>>) src(%dma_wait3A_1264 : memref<128xf32, #tpu.memory_space<vmem>>) dst(%dma_wait3A_1269 : memref<39424xf32, #tpu.memory_space<vmem_shared>>)
          %dma_wait3A_1270 = arith.constant 13 : i32
          %dma_wait3A_1271 = arith.constant 13 : i32
          %dma_wait3A_1272 = arith.constant 0 : i32
          %dma_wait3A_1273 = tpu.memref_slice %arg32[%dma_wait3A_1270, %dma_wait3A_1272] : memref<30x128xf32, #tpu.memory_space<vmem>> -> memref<1x128xf32, #tpu.memory_space<vmem>>
          %dma_wait3A_1274 = tpu.memref_squeeze %dma_wait3A_1273 : memref<1x128xf32, #tpu.memory_space<vmem>> -> memref<128xf32, #tpu.memory_space<vmem>>
          %dma_wait3A_1275 = arith.constant 0 : i32
          %dma_wait3A_1276 = tpu.memref_slice %arg31[%dma_wait3A_1271, %dma_wait3A_1275] : memref<30x128xi32, #tpu.memory_space<vmem>> -> memref<1x128xi32, #tpu.memory_space<vmem>>
          %dma_wait3A_1277 = tpu.memref_squeeze %dma_wait3A_1276 : memref<1x128xi32, #tpu.memory_space<vmem>> -> memref<128xi32, #tpu.memory_space<vmem>>
          %dma_wait3A_1278 = arith.constant 0 : i32
          %dma_wait3A_1279 = tpu.memref_slice %arg34[%dma_wait3A_1278] : memref<39424xf32, #tpu.memory_space<vmem_shared>> -> memref<39424xf32, #tpu.memory_space<vmem_shared>>
          tpu.wait_indirect_dma semaphore(%arg36 : memref<!tpu.dma_semaphore, #tpu.memory_space<semaphore_mem>>) src(%dma_wait3A_1274 : memref<128xf32, #tpu.memory_space<vmem>>) dst(%dma_wait3A_1279 : memref<39424xf32, #tpu.memory_space<vmem_shared>>)
          %dma_wait3A_1280 = arith.constant 13 : i32
          %dma_wait3A_1281 = arith.constant 13 : i32
          %dma_wait3A_1282 = arith.constant 0 : i32
          %dma_wait3A_1283 = tpu.memref_slice %arg33[%dma_wait3A_1280, %dma_wait3A_1282] : memref<30x128xf32, #tpu.memory_space<vmem>> -> memref<1x128xf32, #tpu.memory_space<vmem>>
          %dma_wait3A_1284 = tpu.memref_squeeze %dma_wait3A_1283 : memref<1x128xf32, #tpu.memory_space<vmem>> -> memref<128xf32, #tpu.memory_space<vmem>>
          %dma_wait3A_1285 = arith.constant 0 : i32
          %dma_wait3A_1286 = tpu.memref_slice %arg31[%dma_wait3A_1281, %dma_wait3A_1285] : memref<30x128xi32, #tpu.memory_space<vmem>> -> memref<1x128xi32, #tpu.memory_space<vmem>>
          %dma_wait3A_1287 = tpu.memref_squeeze %dma_wait3A_1286 : memref<1x128xi32, #tpu.memory_space<vmem>> -> memref<128xi32, #tpu.memory_space<vmem>>
          %dma_wait3A_1288 = arith.constant 0 : i32
          %dma_wait3A_1289 = tpu.memref_slice %arg35[%dma_wait3A_1288] : memref<39424xf32, #tpu.memory_space<vmem_shared>> -> memref<39424xf32, #tpu.memory_space<vmem_shared>>
          tpu.wait_indirect_dma semaphore(%arg36 : memref<!tpu.dma_semaphore, #tpu.memory_space<semaphore_mem>>) src(%dma_wait3A_1284 : memref<128xf32, #tpu.memory_space<vmem>>) dst(%dma_wait3A_1289 : memref<39424xf32, #tpu.memory_space<vmem_shared>>)
          %dma_wait3A_1290 = arith.constant 14 : i32
          %dma_wait3A_1291 = arith.constant 14 : i32
          %dma_wait3A_1292 = arith.constant 0 : i32
          %dma_wait3A_1293 = tpu.memref_slice %arg32[%dma_wait3A_1290, %dma_wait3A_1292] : memref<30x128xf32, #tpu.memory_space<vmem>> -> memref<1x128xf32, #tpu.memory_space<vmem>>
          %dma_wait3A_1294 = tpu.memref_squeeze %dma_wait3A_1293 : memref<1x128xf32, #tpu.memory_space<vmem>> -> memref<128xf32, #tpu.memory_space<vmem>>
          %dma_wait3A_1295 = arith.constant 0 : i32
          %dma_wait3A_1296 = tpu.memref_slice %arg31[%dma_wait3A_1291, %dma_wait3A_1295] : memref<30x128xi32, #tpu.memory_space<vmem>> -> memref<1x128xi32, #tpu.memory_space<vmem>>
          %dma_wait3A_1297 = tpu.memref_squeeze %dma_wait3A_1296 : memref<1x128xi32, #tpu.memory_space<vmem>> -> memref<128xi32, #tpu.memory_space<vmem>>
          %dma_wait3A_1298 = arith.constant 0 : i32
          %dma_wait3A_1299 = tpu.memref_slice %arg34[%dma_wait3A_1298] : memref<39424xf32, #tpu.memory_space<vmem_shared>> -> memref<39424xf32, #tpu.memory_space<vmem_shared>>
          tpu.wait_indirect_dma semaphore(%arg36 : memref<!tpu.dma_semaphore, #tpu.memory_space<semaphore_mem>>) src(%dma_wait3A_1294 : memref<128xf32, #tpu.memory_space<vmem>>) dst(%dma_wait3A_1299 : memref<39424xf32, #tpu.memory_space<vmem_shared>>)
          %dma_wait3A_1300 = arith.constant 14 : i32
          %dma_wait3A_1301 = arith.constant 14 : i32
          %dma_wait3A_1302 = arith.constant 0 : i32
          %dma_wait3A_1303 = tpu.memref_slice %arg33[%dma_wait3A_1300, %dma_wait3A_1302] : memref<30x128xf32, #tpu.memory_space<vmem>> -> memref<1x128xf32, #tpu.memory_space<vmem>>
          %dma_wait3A_1304 = tpu.memref_squeeze %dma_wait3A_1303 : memref<1x128xf32, #tpu.memory_space<vmem>> -> memref<128xf32, #tpu.memory_space<vmem>>
          %dma_wait3A_1305 = arith.constant 0 : i32
          %dma_wait3A_1306 = tpu.memref_slice %arg31[%dma_wait3A_1301, %dma_wait3A_1305] : memref<30x128xi32, #tpu.memory_space<vmem>> -> memref<1x128xi32, #tpu.memory_space<vmem>>
          %dma_wait3A_1307 = tpu.memref_squeeze %dma_wait3A_1306 : memref<1x128xi32, #tpu.memory_space<vmem>> -> memref<128xi32, #tpu.memory_space<vmem>>
          %dma_wait3A_1308 = arith.constant 0 : i32
          %dma_wait3A_1309 = tpu.memref_slice %arg35[%dma_wait3A_1308] : memref<39424xf32, #tpu.memory_space<vmem_shared>> -> memref<39424xf32, #tpu.memory_space<vmem_shared>>
          tpu.wait_indirect_dma semaphore(%arg36 : memref<!tpu.dma_semaphore, #tpu.memory_space<semaphore_mem>>) src(%dma_wait3A_1304 : memref<128xf32, #tpu.memory_space<vmem>>) dst(%dma_wait3A_1309 : memref<39424xf32, #tpu.memory_space<vmem_shared>>)
        } else {
        }
        %mul3A_495 = arith.constant 2 : i32
        %mul3A_496 = arith.muli %mul3A_495, %scan3A_487 : i32
        %mul3A_497 = arith.constant 16 : i32
        %mul3A_498 = arith.muli %mul3A_496, %mul3A_497 : i32
        %get3A = arith.index_cast %mul3A_498 : i32 to index
        %get3A_499 = tpu.vector_load %arg16[%get3A] {strides = array<i32>} : memref<640xf32, #tpu.memory_space<vmem>>, vector<16xf32>,
        %get3A_500 = arith.index_cast %mul3A_498 : i32 to index
        %get3A_501 = tpu.vector_load %arg26[%get3A_500] {strides = array<i32>} : memref<640xi32, #tpu.memory_space<vmem>>, vector<16xi32>,
        %get3A_502 = arith.index_cast %mul3A_498 : i32 to index
        %get3A_503 = tpu.vector_load %arg18[%get3A_502] {strides = array<i32>} : memref<640xf32, #tpu.memory_space<vmem>>, vector<16xf32>,
        %get3A_504 = arith.index_cast %mul3A_498 : i32 to index
        %get3A_505 = tpu.vector_load %arg19[%get3A_504] {strides = array<i32>} : memref<640xf32, #tpu.memory_space<vmem>>, vector<16xf32>,
        %get3A_506 = arith.index_cast %mul3A_498 : i32 to index
        %get3A_507 = tpu.vector_load %arg21[%get3A_506] {strides = array<i32>} : memref<640xf32, #tpu.memory_space<vmem>>, vector<16xf32>,
        %get3A_508 = arith.index_cast %mul3A_498 : i32 to index
        %get3A_509 = tpu.vector_load %arg22[%get3A_508] {strides = array<i32>} : memref<640xf32, #tpu.memory_space<vmem>>, vector<16xf32>,
        %get3A_510 = arith.index_cast %mul3A_498 : i32 to index
        %get3A_511 = tpu.vector_load %arg23[%get3A_510] {strides = array<i32>} : memref<640xf32, #tpu.memory_space<vmem>>, vector<16xf32>,
        %get3A_512 = arith.index_cast %mul3A_498 : i32 to index
        %get3A_513 = tpu.vector_load %arg24[%get3A_512] {strides = array<i32>} : memref<640xf32, #tpu.memory_space<vmem>>, vector<16xf32>,
        %get3A_514 = arith.index_cast %mul3A_498 : i32 to index
        %get3A_515 = tpu.vector_load %arg25[%get3A_514] {strides = array<i32>} : memref<640xf32, #tpu.memory_space<vmem>>, vector<16xf32>,
        %scan3A_516 = arith.constant 0 : i32
        %scan3A_517 = arith.constant 0 : i32
        %scan3A_518 = arith.constant 0 : i32
        %scan3A_519 = arith.constant 30 : i32
        %scan3A_520 = arith.addi %scan3A_518, %scan3A_519 : i32
        %scan3A_521 = arith.constant 1 : i32
        %scan3A_522:2 = scf.for %scan3A_1010 = %scan3A_518 to %scan3A_520 step %scan3A_521 iter_args(%scan3A_1011 = %scan3A_516, %scan3A_1012 = %scan3A_517) -> (i32, i32)  : i32 {
          %get3A_1013 = arith.index_cast %scan3A_1011 : i32 to index
          %get3A_1014 = tpu.vector_load %arg29[%get3A_1013] {strides = array<i32>} : memref<480xf32, #tpu.memory_space<vmem>>, vector<16xf32>,
          %get3A_1015 = arith.index_cast %scan3A_1011 : i32 to index
          %get3A_1016 = tpu.vector_load %arg30[%get3A_1015] {strides = array<i32>} : memref<480xf32, #tpu.memory_space<vmem>>, vector<16xf32>,
          %mul3A_1017 = arith.mulf %get3A_1014, %get3A_505 : vector<16xf32>
          %mul3A_1018 = arith.mulf %get3A_1016, %get3A_507 : vector<16xf32>
          %sub3A_1019 = arith.subf %mul3A_1017, %mul3A_1018 : vector<16xf32>
          %mul3A_1020 = arith.mulf %get3A_1016, %get3A_505 : vector<16xf32>
          %mul3A_1021 = arith.mulf %get3A_1014, %get3A_507 : vector<16xf32>
          %add3A_1022 = arith.addf %mul3A_1020, %mul3A_1021 : vector<16xf32>
          %mul3A_1023 = arith.mulf %get3A_511, %get3A_1014 : vector<16xf32>
          %mul3A_1024 = arith.mulf %get3A_511, %get3A_1016 : vector<16xf32>
          %sub3A_1025 = arith.subf %get3A_499, %sub3A_1019 : vector<16xf32>
          %sub3A_1026 = arith.subf %get3A_503, %add3A_1022 : vector<16xf32>
          %add3A_1027 = arith.addf %mul3A_1023, %get3A_513 : vector<16xf32>
          %add3A_1028 = arith.addf %mul3A_1024, %get3A_515 : vector<16xf32>
          %jit3A = arith.constant 0.000000e+00 : f32
          %jit3A_1029 = arith.constant 3.300000e+01 : f32
          %max3A = vector.broadcast %jit3A : f32 to vector<16xf32>
          %max3A_1030 = arith.maximumf %max3A, %sub3A_1025 : vector<16xf32>
          %min3A = vector.broadcast %jit3A_1029 : f32 to vector<16xf32>
          %min3A_1031 = arith.minimumf %min3A, %max3A_1030 : vector<16xf32>
          %convert_element_type3A_1032 = arith.fptosi %min3A_1031 : vector<16xf32> to vector<16xi32>
          %jit3A_1033 = arith.constant 0.000000e+00 : f32
          %jit3A_1034 = arith.constant 3.300000e+01 : f32
          %max3A_1035 = vector.broadcast %jit3A_1033 : f32 to vector<16xf32>
          %max3A_1036 = arith.maximumf %max3A_1035, %sub3A_1026 : vector<16xf32>
          %min3A_1037 = vector.broadcast %jit3A_1034 : f32 to vector<16xf32>
          %min3A_1038 = arith.minimumf %min3A_1037, %max3A_1036 : vector<16xf32>
          %convert_element_type3A_1039 = arith.fptosi %min3A_1038 : vector<16xf32> to vector<16xi32>
          %mul3A_1040 = arith.constant 1156 : i32
          %mul3A_1041 = vector.broadcast %mul3A_1040 : i32 to vector<16xi32>
          %mul3A_1042 = arith.muli %convert_element_type3A_1032, %mul3A_1041 : vector<16xi32>
          %add3A_1043 = arith.addi %mul3A_1042, %get3A_501 : vector<16xi32>
          %add3A_1044 = arith.addi %add3A_1043, %convert_element_type3A_1039 : vector<16xi32>
          %shift_right_arithmetic3A = arith.constant 3 : i32
          %shift_right_arithmetic3A_1045 = arith.shrsi %scan3A_1012, %shift_right_arithmetic3A : i32
          %add3A_1046 = arith.constant 0 : i32
          %add3A_1047 = arith.addi %add3A_1046, %shift_right_arithmetic3A_1045 : i32
          %and3A = arith.constant 7 : i32
          %and3A_1048 = arith.andi %scan3A_1012, %and3A : i32
          %mul3A_1049 = arith.constant 16 : i32
          %mul3A_1050 = arith.muli %and3A_1048, %mul3A_1049 : i32
          %swap3A = arith.index_cast %add3A_1047 : i32 to index
          %swap3A_1051 = arith.index_cast %mul3A_1050 : i32 to index
          %swap3A_1052 = tpu.vector_load %arg31[%swap3A, %swap3A_1051] {strides = array<i32>} : memref<30x128xi32, #tpu.memory_space<vmem>>, vector<16xi32>,
          tpu.vector_store %arg31[%swap3A, %swap3A_1051], %add3A_1044 {strides = array<i32>} : memref<30x128xi32, #tpu.memory_space<vmem>>, vector<16xi32>,
          %swap3A_1053 = arith.index_cast %add3A_1047 : i32 to index
          %swap3A_1054 = arith.index_cast %mul3A_1050 : i32 to index
          %swap3A_1055 = tpu.vector_load %arg32[%swap3A_1053, %swap3A_1054] {strides = array<i32>} : memref<30x128xf32, #tpu.memory_space<vmem>>, vector<16xf32>,
          tpu.vector_store %arg32[%swap3A_1053, %swap3A_1054], %get3A_509 {strides = array<i32>} : memref<30x128xf32, #tpu.memory_space<vmem>>, vector<16xf32>,
          %swap3A_1056 = arith.index_cast %add3A_1047 : i32 to index
          %swap3A_1057 = arith.index_cast %mul3A_1050 : i32 to index
          %swap3A_1058 = tpu.vector_load %arg33[%swap3A_1056, %swap3A_1057] {strides = array<i32>} : memref<30x128xf32, #tpu.memory_space<vmem>>, vector<16xf32>,
          tpu.vector_store %arg33[%swap3A_1056, %swap3A_1057], %add3A_1027 {strides = array<i32>} : memref<30x128xf32, #tpu.memory_space<vmem>>, vector<16xf32>,
          tpu.vector_store_idx %arg28[%add3A_1044], %add3A_1028 {add = true} : memref<39424xf32, #tpu.memory_space<vmem>>[vector<16xi32>], vector<16xf32>,
          %add3A_1059 = arith.constant 1 : i32
          %add3A_1060 = arith.addi %scan3A_1012, %add3A_1059 : i32
          %add3A_1061 = arith.addf %get3A_499, %add3A_1022 : vector<16xf32>
          %sub3A_1062 = arith.subf %get3A_503, %sub3A_1019 : vector<16xf32>
          %sub3A_1063 = arith.subf %get3A_513, %mul3A_1024 : vector<16xf32>
          %add3A_1064 = arith.addf %mul3A_1023, %get3A_515 : vector<16xf32>
          %jit3A_1065 = arith.constant 0.000000e+00 : f32
          %jit3A_1066 = arith.constant 3.300000e+01 : f32
          %max3A_1067 = vector.broadcast %jit3A_1065 : f32 to vector<16xf32>
          %max3A_1068 = arith.maximumf %max3A_1067, %add3A_1061 : vector<16xf32>
          %min3A_1069 = vector.broadcast %jit3A_1066 : f32 to vector<16xf32>
          %min3A_1070 = arith.minimumf %min3A_1069, %max3A_1068 : vector<16xf32>
          %convert_element_type3A_1071 = arith.fptosi %min3A_1070 : vector<16xf32> to vector<16xi32>
          %jit3A_1072 = arith.constant 0.000000e+00 : f32
          %jit3A_1073 = arith.constant 3.300000e+01 : f32
          %max3A_1074 = vector.broadcast %jit3A_1072 : f32 to vector<16xf32>
          %max3A_1075 = arith.maximumf %max3A_1074, %sub3A_1062 : vector<16xf32>
          %min3A_1076 = vector.broadcast %jit3A_1073 : f32 to vector<16xf32>
          %min3A_1077 = arith.minimumf %min3A_1076, %max3A_1075 : vector<16xf32>
          %convert_element_type3A_1078 = arith.fptosi %min3A_1077 : vector<16xf32> to vector<16xi32>
          %mul3A_1079 = arith.constant 1156 : i32
          %mul3A_1080 = vector.broadcast %mul3A_1079 : i32 to vector<16xi32>
          %mul3A_1081 = arith.muli %convert_element_type3A_1071, %mul3A_1080 : vector<16xi32>
          %add3A_1082 = arith.addi %mul3A_1081, %get3A_501 : vector<16xi32>
          %add3A_1083 = arith.addi %add3A_1082, %convert_element_type3A_1078 : vector<16xi32>
          %shift_right_arithmetic3A_1084 = arith.constant 3 : i32
          %shift_right_arithmetic3A_1085 = arith.shrsi %add3A_1060, %shift_right_arithmetic3A_1084 : i32
          %add3A_1086 = arith.constant 0 : i32
          %add3A_1087 = arith.addi %add3A_1086, %shift_right_arithmetic3A_1085 : i32
          %and3A_1088 = arith.constant 7 : i32
          %and3A_1089 = arith.andi %add3A_1060, %and3A_1088 : i32
          %mul3A_1090 = arith.constant 16 : i32
          %mul3A_1091 = arith.muli %and3A_1089, %mul3A_1090 : i32
          %swap3A_1092 = arith.index_cast %add3A_1087 : i32 to index
          %swap3A_1093 = arith.index_cast %mul3A_1091 : i32 to index
          %swap3A_1094 = tpu.vector_load %arg31[%swap3A_1092, %swap3A_1093] {strides = array<i32>} : memref<30x128xi32, #tpu.memory_space<vmem>>, vector<16xi32>,
          tpu.vector_store %arg31[%swap3A_1092, %swap3A_1093], %add3A_1083 {strides = array<i32>} : memref<30x128xi32, #tpu.memory_space<vmem>>, vector<16xi32>,
          %swap3A_1095 = arith.index_cast %add3A_1087 : i32 to index
          %swap3A_1096 = arith.index_cast %mul3A_1091 : i32 to index
          %swap3A_1097 = tpu.vector_load %arg32[%swap3A_1095, %swap3A_1096] {strides = array<i32>} : memref<30x128xf32, #tpu.memory_space<vmem>>, vector<16xf32>,
          tpu.vector_store %arg32[%swap3A_1095, %swap3A_1096], %get3A_509 {strides = array<i32>} : memref<30x128xf32, #tpu.memory_space<vmem>>, vector<16xf32>,
          %swap3A_1098 = arith.index_cast %add3A_1087 : i32 to index
          %swap3A_1099 = arith.index_cast %mul3A_1091 : i32 to index
          %swap3A_1100 = tpu.vector_load %arg33[%swap3A_1098, %swap3A_1099] {strides = array<i32>} : memref<30x128xf32, #tpu.memory_space<vmem>>, vector<16xf32>,
          tpu.vector_store %arg33[%swap3A_1098, %swap3A_1099], %sub3A_1063 {strides = array<i32>} : memref<30x128xf32, #tpu.memory_space<vmem>>, vector<16xf32>,
          tpu.vector_store_idx %arg28[%add3A_1083], %add3A_1064 {add = true} : memref<39424xf32, #tpu.memory_space<vmem>>[vector<16xi32>], vector<16xf32>,
          %add3A_1101 = arith.constant 2 : i32
          %add3A_1102 = arith.addi %scan3A_1012, %add3A_1101 : i32
          %add3A_1103 = arith.addf %get3A_499, %sub3A_1019 : vector<16xf32>
          %add3A_1104 = arith.addf %get3A_503, %add3A_1022 : vector<16xf32>
          %sub3A_1105 = arith.subf %get3A_513, %mul3A_1023 : vector<16xf32>
          %sub3A_1106 = arith.subf %get3A_515, %mul3A_1024 : vector<16xf32>
          %jit3A_1107 = arith.constant 0.000000e+00 : f32
          %jit3A_1108 = arith.constant 3.300000e+01 : f32
          %max3A_1109 = vector.broadcast %jit3A_1107 : f32 to vector<16xf32>
          %max3A_1110 = arith.maximumf %max3A_1109, %add3A_1103 : vector<16xf32>
          %min3A_1111 = vector.broadcast %jit3A_1108 : f32 to vector<16xf32>
          %min3A_1112 = arith.minimumf %min3A_1111, %max3A_1110 : vector<16xf32>
          %convert_element_type3A_1113 = arith.fptosi %min3A_1112 : vector<16xf32> to vector<16xi32>
          %jit3A_1114 = arith.constant 0.000000e+00 : f32
          %jit3A_1115 = arith.constant 3.300000e+01 : f32
          %max3A_1116 = vector.broadcast %jit3A_1114 : f32 to vector<16xf32>
          %max3A_1117 = arith.maximumf %max3A_1116, %add3A_1104 : vector<16xf32>
          %min3A_1118 = vector.broadcast %jit3A_1115 : f32 to vector<16xf32>
          %min3A_1119 = arith.minimumf %min3A_1118, %max3A_1117 : vector<16xf32>
          %convert_element_type3A_1120 = arith.fptosi %min3A_1119 : vector<16xf32> to vector<16xi32>
          %mul3A_1121 = arith.constant 1156 : i32
          %mul3A_1122 = vector.broadcast %mul3A_1121 : i32 to vector<16xi32>
          %mul3A_1123 = arith.muli %convert_element_type3A_1113, %mul3A_1122 : vector<16xi32>
          %add3A_1124 = arith.addi %mul3A_1123, %get3A_501 : vector<16xi32>
          %add3A_1125 = arith.addi %add3A_1124, %convert_element_type3A_1120 : vector<16xi32>
          %shift_right_arithmetic3A_1126 = arith.constant 3 : i32
          %shift_right_arithmetic3A_1127 = arith.shrsi %add3A_1102, %shift_right_arithmetic3A_1126 : i32
          %add3A_1128 = arith.constant 0 : i32
          %add3A_1129 = arith.addi %add3A_1128, %shift_right_arithmetic3A_1127 : i32
          %and3A_1130 = arith.constant 7 : i32
          %and3A_1131 = arith.andi %add3A_1102, %and3A_1130 : i32
          %mul3A_1132 = arith.constant 16 : i32
          %mul3A_1133 = arith.muli %and3A_1131, %mul3A_1132 : i32
          %swap3A_1134 = arith.index_cast %add3A_1129 : i32 to index
          %swap3A_1135 = arith.index_cast %mul3A_1133 : i32 to index
          %swap3A_1136 = tpu.vector_load %arg31[%swap3A_1134, %swap3A_1135] {strides = array<i32>} : memref<30x128xi32, #tpu.memory_space<vmem>>, vector<16xi32>,
          tpu.vector_store %arg31[%swap3A_1134, %swap3A_1135], %add3A_1125 {strides = array<i32>} : memref<30x128xi32, #tpu.memory_space<vmem>>, vector<16xi32>,
          %swap3A_1137 = arith.index_cast %add3A_1129 : i32 to index
          %swap3A_1138 = arith.index_cast %mul3A_1133 : i32 to index
          %swap3A_1139 = tpu.vector_load %arg32[%swap3A_1137, %swap3A_1138] {strides = array<i32>} : memref<30x128xf32, #tpu.memory_space<vmem>>, vector<16xf32>,
          tpu.vector_store %arg32[%swap3A_1137, %swap3A_1138], %get3A_509 {strides = array<i32>} : memref<30x128xf32, #tpu.memory_space<vmem>>, vector<16xf32>,
          %swap3A_1140 = arith.index_cast %add3A_1129 : i32 to index
          %swap3A_1141 = arith.index_cast %mul3A_1133 : i32 to index
          %swap3A_1142 = tpu.vector_load %arg33[%swap3A_1140, %swap3A_1141] {strides = array<i32>} : memref<30x128xf32, #tpu.memory_space<vmem>>, vector<16xf32>,
          tpu.vector_store %arg33[%swap3A_1140, %swap3A_1141], %sub3A_1105 {strides = array<i32>} : memref<30x128xf32, #tpu.memory_space<vmem>>, vector<16xf32>,
          tpu.vector_store_idx %arg28[%add3A_1125], %sub3A_1106 {add = true} : memref<39424xf32, #tpu.memory_space<vmem>>[vector<16xi32>], vector<16xf32>,
          %add3A_1143 = arith.constant 3 : i32
          %add3A_1144 = arith.addi %scan3A_1012, %add3A_1143 : i32
          %sub3A_1145 = arith.subf %get3A_499, %add3A_1022 : vector<16xf32>
          %add3A_1146 = arith.addf %get3A_503, %sub3A_1019 : vector<16xf32>
          %add3A_1147 = arith.addf %get3A_513, %mul3A_1024 : vector<16xf32>
          %sub3A_1148 = arith.subf %get3A_515, %mul3A_1023 : vector<16xf32>
          %jit3A_1149 = arith.constant 0.000000e+00 : f32
          %jit3A_1150 = arith.constant 3.300000e+01 : f32
          %max3A_1151 = vector.broadcast %jit3A_1149 : f32 to vector<16xf32>
          %max3A_1152 = arith.maximumf %max3A_1151, %sub3A_1145 : vector<16xf32>
          %min3A_1153 = vector.broadcast %jit3A_1150 : f32 to vector<16xf32>
          %min3A_1154 = arith.minimumf %min3A_1153, %max3A_1152 : vector<16xf32>
          %convert_element_type3A_1155 = arith.fptosi %min3A_1154 : vector<16xf32> to vector<16xi32>
          %jit3A_1156 = arith.constant 0.000000e+00 : f32
          %jit3A_1157 = arith.constant 3.300000e+01 : f32
          %max3A_1158 = vector.broadcast %jit3A_1156 : f32 to vector<16xf32>
          %max3A_1159 = arith.maximumf %max3A_1158, %add3A_1146 : vector<16xf32>
          %min3A_1160 = vector.broadcast %jit3A_1157 : f32 to vector<16xf32>
          %min3A_1161 = arith.minimumf %min3A_1160, %max3A_1159 : vector<16xf32>
          %convert_element_type3A_1162 = arith.fptosi %min3A_1161 : vector<16xf32> to vector<16xi32>
          %mul3A_1163 = arith.constant 1156 : i32
          %mul3A_1164 = vector.broadcast %mul3A_1163 : i32 to vector<16xi32>
          %mul3A_1165 = arith.muli %convert_element_type3A_1155, %mul3A_1164 : vector<16xi32>
          %add3A_1166 = arith.addi %mul3A_1165, %get3A_501 : vector<16xi32>
          %add3A_1167 = arith.addi %add3A_1166, %convert_element_type3A_1162 : vector<16xi32>
          %shift_right_arithmetic3A_1168 = arith.constant 3 : i32
          %shift_right_arithmetic3A_1169 = arith.shrsi %add3A_1144, %shift_right_arithmetic3A_1168 : i32
          %add3A_1170 = arith.constant 0 : i32
          %add3A_1171 = arith.addi %add3A_1170, %shift_right_arithmetic3A_1169 : i32
          %and3A_1172 = arith.constant 7 : i32
          %and3A_1173 = arith.andi %add3A_1144, %and3A_1172 : i32
          %mul3A_1174 = arith.constant 16 : i32
          %mul3A_1175 = arith.muli %and3A_1173, %mul3A_1174 : i32
          %swap3A_1176 = arith.index_cast %add3A_1171 : i32 to index
          %swap3A_1177 = arith.index_cast %mul3A_1175 : i32 to index
          %swap3A_1178 = tpu.vector_load %arg31[%swap3A_1176, %swap3A_1177] {strides = array<i32>} : memref<30x128xi32, #tpu.memory_space<vmem>>, vector<16xi32>,
          tpu.vector_store %arg31[%swap3A_1176, %swap3A_1177], %add3A_1167 {strides = array<i32>} : memref<30x128xi32, #tpu.memory_space<vmem>>, vector<16xi32>,
          %swap3A_1179 = arith.index_cast %add3A_1171 : i32 to index
          %swap3A_1180 = arith.index_cast %mul3A_1175 : i32 to index
          %swap3A_1181 = tpu.vector_load %arg32[%swap3A_1179, %swap3A_1180] {strides = array<i32>} : memref<30x128xf32, #tpu.memory_space<vmem>>, vector<16xf32>,
          tpu.vector_store %arg32[%swap3A_1179, %swap3A_1180], %get3A_509 {strides = array<i32>} : memref<30x128xf32, #tpu.memory_space<vmem>>, vector<16xf32>,
          %swap3A_1182 = arith.index_cast %add3A_1171 : i32 to index
          %swap3A_1183 = arith.index_cast %mul3A_1175 : i32 to index
          %swap3A_1184 = tpu.vector_load %arg33[%swap3A_1182, %swap3A_1183] {strides = array<i32>} : memref<30x128xf32, #tpu.memory_space<vmem>>, vector<16xf32>,
          tpu.vector_store %arg33[%swap3A_1182, %swap3A_1183], %add3A_1147 {strides = array<i32>} : memref<30x128xf32, #tpu.memory_space<vmem>>, vector<16xf32>,
          tpu.vector_store_idx %arg28[%add3A_1167], %sub3A_1148 {add = true} : memref<39424xf32, #tpu.memory_space<vmem>>[vector<16xi32>], vector<16xf32>,
          %add3A_1185 = arith.constant 16 : i32
          %add3A_1186 = arith.addi %scan3A_1011, %add3A_1185 : i32
          %add3A_1187 = arith.constant 4 : i32
          %add3A_1188 = arith.addi %scan3A_1012, %add3A_1187 : i32
          scf.yield %add3A_1186, %add3A_1188 : i32, i32
        }
        %scan3A_523 = arith.constant 30 : i32
        %dma_start3A = arith.constant 0 : i32
        %dma_start3A_524 = arith.constant 0 : i32
        %dma_start3A_525 = arith.constant 0 : i32
        %dma_start3A_526 = tpu.memref_slice %arg32[%dma_start3A, %dma_start3A_525] : memref<30x128xf32, #tpu.memory_space<vmem>> -> memref<1x128xf32, #tpu.memory_space<vmem>>
        %dma_start3A_527 = tpu.memref_squeeze %dma_start3A_526 : memref<1x128xf32, #tpu.memory_space<vmem>> -> memref<128xf32, #tpu.memory_space<vmem>>
        %dma_start3A_528 = arith.constant 0 : i32
        %dma_start3A_529 = tpu.memref_slice %arg31[%dma_start3A_524, %dma_start3A_528] : memref<30x128xi32, #tpu.memory_space<vmem>> -> memref<1x128xi32, #tpu.memory_space<vmem>>
        %dma_start3A_530 = tpu.memref_squeeze %dma_start3A_529 : memref<1x128xi32, #tpu.memory_space<vmem>> -> memref<128xi32, #tpu.memory_space<vmem>>
        %dma_start3A_531 = arith.constant 0 : i32
        %dma_start3A_532 = tpu.memref_slice %arg34[%dma_start3A_531] : memref<39424xf32, #tpu.memory_space<vmem_shared>> -> memref<39424xf32, #tpu.memory_space<vmem_shared>>
        tpu.enqueue_indirect_dma source(%dma_start3A_527 : memref<128xf32, #tpu.memory_space<vmem>>) target(%dma_start3A_532 : memref<39424xf32, #tpu.memory_space<vmem_shared>>) offsets(%dma_start3A_530 : memref<128xi32, #tpu.memory_space<vmem>>) semaphore(%arg36 : memref<!tpu.dma_semaphore, #tpu.memory_space<semaphore_mem>>) {add = true}
        %dma_start3A_533 = arith.constant 0 : i32
        %dma_start3A_534 = arith.constant 0 : i32
        %dma_start3A_535 = arith.constant 0 : i32
        %dma_start3A_536 = tpu.memref_slice %arg33[%dma_start3A_533, %dma_start3A_535] : memref<30x128xf32, #tpu.memory_space<vmem>> -> memref<1x128xf32, #tpu.memory_space<vmem>>
        %dma_start3A_537 = tpu.memref_squeeze %dma_start3A_536 : memref<1x128xf32, #tpu.memory_space<vmem>> -> memref<128xf32, #tpu.memory_space<vmem>>
        %dma_start3A_538 = arith.constant 0 : i32
        %dma_start3A_539 = tpu.memref_slice %arg31[%dma_start3A_534, %dma_start3A_538] : memref<30x128xi32, #tpu.memory_space<vmem>> -> memref<1x128xi32, #tpu.memory_space<vmem>>
        %dma_start3A_540 = tpu.memref_squeeze %dma_start3A_539 : memref<1x128xi32, #tpu.memory_space<vmem>> -> memref<128xi32, #tpu.memory_space<vmem>>
        %dma_start3A_541 = arith.constant 0 : i32
        %dma_start3A_542 = tpu.memref_slice %arg35[%dma_start3A_541] : memref<39424xf32, #tpu.memory_space<vmem_shared>> -> memref<39424xf32, #tpu.memory_space<vmem_shared>>
        tpu.enqueue_indirect_dma source(%dma_start3A_537 : memref<128xf32, #tpu.memory_space<vmem>>) target(%dma_start3A_542 : memref<39424xf32, #tpu.memory_space<vmem_shared>>) offsets(%dma_start3A_540 : memref<128xi32, #tpu.memory_space<vmem>>) semaphore(%arg36 : memref<!tpu.dma_semaphore, #tpu.memory_space<semaphore_mem>>) {add = true}
        %dma_start3A_543 = arith.constant 1 : i32
        %dma_start3A_544 = arith.constant 1 : i32
        %dma_start3A_545 = arith.constant 0 : i32
        %dma_start3A_546 = tpu.memref_slice %arg32[%dma_start3A_543, %dma_start3A_545] : memref<30x128xf32, #tpu.memory_space<vmem>> -> memref<1x128xf32, #tpu.memory_space<vmem>>
        %dma_start3A_547 = tpu.memref_squeeze %dma_start3A_546 : memref<1x128xf32, #tpu.memory_space<vmem>> -> memref<128xf32, #tpu.memory_space<vmem>>
        %dma_start3A_548 = arith.constant 0 : i32
        %dma_start3A_549 = tpu.memref_slice %arg31[%dma_start3A_544, %dma_start3A_548] : memref<30x128xi32, #tpu.memory_space<vmem>> -> memref<1x128xi32, #tpu.memory_space<vmem>>
        %dma_start3A_550 = tpu.memref_squeeze %dma_start3A_549 : memref<1x128xi32, #tpu.memory_space<vmem>> -> memref<128xi32, #tpu.memory_space<vmem>>
        %dma_start3A_551 = arith.constant 0 : i32
        %dma_start3A_552 = tpu.memref_slice %arg34[%dma_start3A_551] : memref<39424xf32, #tpu.memory_space<vmem_shared>> -> memref<39424xf32, #tpu.memory_space<vmem_shared>>
        tpu.enqueue_indirect_dma source(%dma_start3A_547 : memref<128xf32, #tpu.memory_space<vmem>>) target(%dma_start3A_552 : memref<39424xf32, #tpu.memory_space<vmem_shared>>) offsets(%dma_start3A_550 : memref<128xi32, #tpu.memory_space<vmem>>) semaphore(%arg36 : memref<!tpu.dma_semaphore, #tpu.memory_space<semaphore_mem>>) {add = true}
        %dma_start3A_553 = arith.constant 1 : i32
        %dma_start3A_554 = arith.constant 1 : i32
        %dma_start3A_555 = arith.constant 0 : i32
        %dma_start3A_556 = tpu.memref_slice %arg33[%dma_start3A_553, %dma_start3A_555] : memref<30x128xf32, #tpu.memory_space<vmem>> -> memref<1x128xf32, #tpu.memory_space<vmem>>
        %dma_start3A_557 = tpu.memref_squeeze %dma_start3A_556 : memref<1x128xf32, #tpu.memory_space<vmem>> -> memref<128xf32, #tpu.memory_space<vmem>>
        %dma_start3A_558 = arith.constant 0 : i32
        %dma_start3A_559 = tpu.memref_slice %arg31[%dma_start3A_554, %dma_start3A_558] : memref<30x128xi32, #tpu.memory_space<vmem>> -> memref<1x128xi32, #tpu.memory_space<vmem>>
        %dma_start3A_560 = tpu.memref_squeeze %dma_start3A_559 : memref<1x128xi32, #tpu.memory_space<vmem>> -> memref<128xi32, #tpu.memory_space<vmem>>
        %dma_start3A_561 = arith.constant 0 : i32
        %dma_start3A_562 = tpu.memref_slice %arg35[%dma_start3A_561] : memref<39424xf32, #tpu.memory_space<vmem_shared>> -> memref<39424xf32, #tpu.memory_space<vmem_shared>>
        tpu.enqueue_indirect_dma source(%dma_start3A_557 : memref<128xf32, #tpu.memory_space<vmem>>) target(%dma_start3A_562 : memref<39424xf32, #tpu.memory_space<vmem_shared>>) offsets(%dma_start3A_560 : memref<128xi32, #tpu.memory_space<vmem>>) semaphore(%arg36 : memref<!tpu.dma_semaphore, #tpu.memory_space<semaphore_mem>>) {add = true}
        %dma_start3A_563 = arith.constant 2 : i32
        %dma_start3A_564 = arith.constant 2 : i32
        %dma_start3A_565 = arith.constant 0 : i32
        %dma_start3A_566 = tpu.memref_slice %arg32[%dma_start3A_563, %dma_start3A_565] : memref<30x128xf32, #tpu.memory_space<vmem>> -> memref<1x128xf32, #tpu.memory_space<vmem>>
        %dma_start3A_567 = tpu.memref_squeeze %dma_start3A_566 : memref<1x128xf32, #tpu.memory_space<vmem>> -> memref<128xf32, #tpu.memory_space<vmem>>
        %dma_start3A_568 = arith.constant 0 : i32
        %dma_start3A_569 = tpu.memref_slice %arg31[%dma_start3A_564, %dma_start3A_568] : memref<30x128xi32, #tpu.memory_space<vmem>> -> memref<1x128xi32, #tpu.memory_space<vmem>>
        %dma_start3A_570 = tpu.memref_squeeze %dma_start3A_569 : memref<1x128xi32, #tpu.memory_space<vmem>> -> memref<128xi32, #tpu.memory_space<vmem>>
        %dma_start3A_571 = arith.constant 0 : i32
        %dma_start3A_572 = tpu.memref_slice %arg34[%dma_start3A_571] : memref<39424xf32, #tpu.memory_space<vmem_shared>> -> memref<39424xf32, #tpu.memory_space<vmem_shared>>
        tpu.enqueue_indirect_dma source(%dma_start3A_567 : memref<128xf32, #tpu.memory_space<vmem>>) target(%dma_start3A_572 : memref<39424xf32, #tpu.memory_space<vmem_shared>>) offsets(%dma_start3A_570 : memref<128xi32, #tpu.memory_space<vmem>>) semaphore(%arg36 : memref<!tpu.dma_semaphore, #tpu.memory_space<semaphore_mem>>) {add = true}
        %dma_start3A_573 = arith.constant 2 : i32
        %dma_start3A_574 = arith.constant 2 : i32
        %dma_start3A_575 = arith.constant 0 : i32
        %dma_start3A_576 = tpu.memref_slice %arg33[%dma_start3A_573, %dma_start3A_575] : memref<30x128xf32, #tpu.memory_space<vmem>> -> memref<1x128xf32, #tpu.memory_space<vmem>>
        %dma_start3A_577 = tpu.memref_squeeze %dma_start3A_576 : memref<1x128xf32, #tpu.memory_space<vmem>> -> memref<128xf32, #tpu.memory_space<vmem>>
        %dma_start3A_578 = arith.constant 0 : i32
        %dma_start3A_579 = tpu.memref_slice %arg31[%dma_start3A_574, %dma_start3A_578] : memref<30x128xi32, #tpu.memory_space<vmem>> -> memref<1x128xi32, #tpu.memory_space<vmem>>
        %dma_start3A_580 = tpu.memref_squeeze %dma_start3A_579 : memref<1x128xi32, #tpu.memory_space<vmem>> -> memref<128xi32, #tpu.memory_space<vmem>>
        %dma_start3A_581 = arith.constant 0 : i32
        %dma_start3A_582 = tpu.memref_slice %arg35[%dma_start3A_581] : memref<39424xf32, #tpu.memory_space<vmem_shared>> -> memref<39424xf32, #tpu.memory_space<vmem_shared>>
        tpu.enqueue_indirect_dma source(%dma_start3A_577 : memref<128xf32, #tpu.memory_space<vmem>>) target(%dma_start3A_582 : memref<39424xf32, #tpu.memory_space<vmem_shared>>) offsets(%dma_start3A_580 : memref<128xi32, #tpu.memory_space<vmem>>) semaphore(%arg36 : memref<!tpu.dma_semaphore, #tpu.memory_space<semaphore_mem>>) {add = true}
        %dma_start3A_583 = arith.constant 3 : i32
        %dma_start3A_584 = arith.constant 3 : i32
        %dma_start3A_585 = arith.constant 0 : i32
        %dma_start3A_586 = tpu.memref_slice %arg32[%dma_start3A_583, %dma_start3A_585] : memref<30x128xf32, #tpu.memory_space<vmem>> -> memref<1x128xf32, #tpu.memory_space<vmem>>
        %dma_start3A_587 = tpu.memref_squeeze %dma_start3A_586 : memref<1x128xf32, #tpu.memory_space<vmem>> -> memref<128xf32, #tpu.memory_space<vmem>>
        %dma_start3A_588 = arith.constant 0 : i32
        %dma_start3A_589 = tpu.memref_slice %arg31[%dma_start3A_584, %dma_start3A_588] : memref<30x128xi32, #tpu.memory_space<vmem>> -> memref<1x128xi32, #tpu.memory_space<vmem>>
        %dma_start3A_590 = tpu.memref_squeeze %dma_start3A_589 : memref<1x128xi32, #tpu.memory_space<vmem>> -> memref<128xi32, #tpu.memory_space<vmem>>
        %dma_start3A_591 = arith.constant 0 : i32
        %dma_start3A_592 = tpu.memref_slice %arg34[%dma_start3A_591] : memref<39424xf32, #tpu.memory_space<vmem_shared>> -> memref<39424xf32, #tpu.memory_space<vmem_shared>>
        tpu.enqueue_indirect_dma source(%dma_start3A_587 : memref<128xf32, #tpu.memory_space<vmem>>) target(%dma_start3A_592 : memref<39424xf32, #tpu.memory_space<vmem_shared>>) offsets(%dma_start3A_590 : memref<128xi32, #tpu.memory_space<vmem>>) semaphore(%arg36 : memref<!tpu.dma_semaphore, #tpu.memory_space<semaphore_mem>>) {add = true}
        %dma_start3A_593 = arith.constant 3 : i32
        %dma_start3A_594 = arith.constant 3 : i32
        %dma_start3A_595 = arith.constant 0 : i32
        %dma_start3A_596 = tpu.memref_slice %arg33[%dma_start3A_593, %dma_start3A_595] : memref<30x128xf32, #tpu.memory_space<vmem>> -> memref<1x128xf32, #tpu.memory_space<vmem>>
        %dma_start3A_597 = tpu.memref_squeeze %dma_start3A_596 : memref<1x128xf32, #tpu.memory_space<vmem>> -> memref<128xf32, #tpu.memory_space<vmem>>
        %dma_start3A_598 = arith.constant 0 : i32
        %dma_start3A_599 = tpu.memref_slice %arg31[%dma_start3A_594, %dma_start3A_598] : memref<30x128xi32, #tpu.memory_space<vmem>> -> memref<1x128xi32, #tpu.memory_space<vmem>>
        %dma_start3A_600 = tpu.memref_squeeze %dma_start3A_599 : memref<1x128xi32, #tpu.memory_space<vmem>> -> memref<128xi32, #tpu.memory_space<vmem>>
        %dma_start3A_601 = arith.constant 0 : i32
        %dma_start3A_602 = tpu.memref_slice %arg35[%dma_start3A_601] : memref<39424xf32, #tpu.memory_space<vmem_shared>> -> memref<39424xf32, #tpu.memory_space<vmem_shared>>
        tpu.enqueue_indirect_dma source(%dma_start3A_597 : memref<128xf32, #tpu.memory_space<vmem>>) target(%dma_start3A_602 : memref<39424xf32, #tpu.memory_space<vmem_shared>>) offsets(%dma_start3A_600 : memref<128xi32, #tpu.memory_space<vmem>>) semaphore(%arg36 : memref<!tpu.dma_semaphore, #tpu.memory_space<semaphore_mem>>) {add = true}
        %dma_start3A_603 = arith.constant 4 : i32
        %dma_start3A_604 = arith.constant 4 : i32
        %dma_start3A_605 = arith.constant 0 : i32
        %dma_start3A_606 = tpu.memref_slice %arg32[%dma_start3A_603, %dma_start3A_605] : memref<30x128xf32, #tpu.memory_space<vmem>> -> memref<1x128xf32, #tpu.memory_space<vmem>>
        %dma_start3A_607 = tpu.memref_squeeze %dma_start3A_606 : memref<1x128xf32, #tpu.memory_space<vmem>> -> memref<128xf32, #tpu.memory_space<vmem>>
        %dma_start3A_608 = arith.constant 0 : i32
        %dma_start3A_609 = tpu.memref_slice %arg31[%dma_start3A_604, %dma_start3A_608] : memref<30x128xi32, #tpu.memory_space<vmem>> -> memref<1x128xi32, #tpu.memory_space<vmem>>
        %dma_start3A_610 = tpu.memref_squeeze %dma_start3A_609 : memref<1x128xi32, #tpu.memory_space<vmem>> -> memref<128xi32, #tpu.memory_space<vmem>>
        %dma_start3A_611 = arith.constant 0 : i32
        %dma_start3A_612 = tpu.memref_slice %arg34[%dma_start3A_611] : memref<39424xf32, #tpu.memory_space<vmem_shared>> -> memref<39424xf32, #tpu.memory_space<vmem_shared>>
        tpu.enqueue_indirect_dma source(%dma_start3A_607 : memref<128xf32, #tpu.memory_space<vmem>>) target(%dma_start3A_612 : memref<39424xf32, #tpu.memory_space<vmem_shared>>) offsets(%dma_start3A_610 : memref<128xi32, #tpu.memory_space<vmem>>) semaphore(%arg36 : memref<!tpu.dma_semaphore, #tpu.memory_space<semaphore_mem>>) {add = true}
        %dma_start3A_613 = arith.constant 4 : i32
        %dma_start3A_614 = arith.constant 4 : i32
        %dma_start3A_615 = arith.constant 0 : i32
        %dma_start3A_616 = tpu.memref_slice %arg33[%dma_start3A_613, %dma_start3A_615] : memref<30x128xf32, #tpu.memory_space<vmem>> -> memref<1x128xf32, #tpu.memory_space<vmem>>
        %dma_start3A_617 = tpu.memref_squeeze %dma_start3A_616 : memref<1x128xf32, #tpu.memory_space<vmem>> -> memref<128xf32, #tpu.memory_space<vmem>>
        %dma_start3A_618 = arith.constant 0 : i32
        %dma_start3A_619 = tpu.memref_slice %arg31[%dma_start3A_614, %dma_start3A_618] : memref<30x128xi32, #tpu.memory_space<vmem>> -> memref<1x128xi32, #tpu.memory_space<vmem>>
        %dma_start3A_620 = tpu.memref_squeeze %dma_start3A_619 : memref<1x128xi32, #tpu.memory_space<vmem>> -> memref<128xi32, #tpu.memory_space<vmem>>
        %dma_start3A_621 = arith.constant 0 : i32
        %dma_start3A_622 = tpu.memref_slice %arg35[%dma_start3A_621] : memref<39424xf32, #tpu.memory_space<vmem_shared>> -> memref<39424xf32, #tpu.memory_space<vmem_shared>>
        tpu.enqueue_indirect_dma source(%dma_start3A_617 : memref<128xf32, #tpu.memory_space<vmem>>) target(%dma_start3A_622 : memref<39424xf32, #tpu.memory_space<vmem_shared>>) offsets(%dma_start3A_620 : memref<128xi32, #tpu.memory_space<vmem>>) semaphore(%arg36 : memref<!tpu.dma_semaphore, #tpu.memory_space<semaphore_mem>>) {add = true}
        %dma_start3A_623 = arith.constant 5 : i32
        %dma_start3A_624 = arith.constant 5 : i32
        %dma_start3A_625 = arith.constant 0 : i32
        %dma_start3A_626 = tpu.memref_slice %arg32[%dma_start3A_623, %dma_start3A_625] : memref<30x128xf32, #tpu.memory_space<vmem>> -> memref<1x128xf32, #tpu.memory_space<vmem>>
        %dma_start3A_627 = tpu.memref_squeeze %dma_start3A_626 : memref<1x128xf32, #tpu.memory_space<vmem>> -> memref<128xf32, #tpu.memory_space<vmem>>
        %dma_start3A_628 = arith.constant 0 : i32
        %dma_start3A_629 = tpu.memref_slice %arg31[%dma_start3A_624, %dma_start3A_628] : memref<30x128xi32, #tpu.memory_space<vmem>> -> memref<1x128xi32, #tpu.memory_space<vmem>>
        %dma_start3A_630 = tpu.memref_squeeze %dma_start3A_629 : memref<1x128xi32, #tpu.memory_space<vmem>> -> memref<128xi32, #tpu.memory_space<vmem>>
        %dma_start3A_631 = arith.constant 0 : i32
        %dma_start3A_632 = tpu.memref_slice %arg34[%dma_start3A_631] : memref<39424xf32, #tpu.memory_space<vmem_shared>> -> memref<39424xf32, #tpu.memory_space<vmem_shared>>
        tpu.enqueue_indirect_dma source(%dma_start3A_627 : memref<128xf32, #tpu.memory_space<vmem>>) target(%dma_start3A_632 : memref<39424xf32, #tpu.memory_space<vmem_shared>>) offsets(%dma_start3A_630 : memref<128xi32, #tpu.memory_space<vmem>>) semaphore(%arg36 : memref<!tpu.dma_semaphore, #tpu.memory_space<semaphore_mem>>) {add = true}
        %dma_start3A_633 = arith.constant 5 : i32
        %dma_start3A_634 = arith.constant 5 : i32
        %dma_start3A_635 = arith.constant 0 : i32
        %dma_start3A_636 = tpu.memref_slice %arg33[%dma_start3A_633, %dma_start3A_635] : memref<30x128xf32, #tpu.memory_space<vmem>> -> memref<1x128xf32, #tpu.memory_space<vmem>>
        %dma_start3A_637 = tpu.memref_squeeze %dma_start3A_636 : memref<1x128xf32, #tpu.memory_space<vmem>> -> memref<128xf32, #tpu.memory_space<vmem>>
        %dma_start3A_638 = arith.constant 0 : i32
        %dma_start3A_639 = tpu.memref_slice %arg31[%dma_start3A_634, %dma_start3A_638] : memref<30x128xi32, #tpu.memory_space<vmem>> -> memref<1x128xi32, #tpu.memory_space<vmem>>
        %dma_start3A_640 = tpu.memref_squeeze %dma_start3A_639 : memref<1x128xi32, #tpu.memory_space<vmem>> -> memref<128xi32, #tpu.memory_space<vmem>>
        %dma_start3A_641 = arith.constant 0 : i32
        %dma_start3A_642 = tpu.memref_slice %arg35[%dma_start3A_641] : memref<39424xf32, #tpu.memory_space<vmem_shared>> -> memref<39424xf32, #tpu.memory_space<vmem_shared>>
        tpu.enqueue_indirect_dma source(%dma_start3A_637 : memref<128xf32, #tpu.memory_space<vmem>>) target(%dma_start3A_642 : memref<39424xf32, #tpu.memory_space<vmem_shared>>) offsets(%dma_start3A_640 : memref<128xi32, #tpu.memory_space<vmem>>) semaphore(%arg36 : memref<!tpu.dma_semaphore, #tpu.memory_space<semaphore_mem>>) {add = true}
        %dma_start3A_643 = arith.constant 6 : i32
        %dma_start3A_644 = arith.constant 6 : i32
        %dma_start3A_645 = arith.constant 0 : i32
        %dma_start3A_646 = tpu.memref_slice %arg32[%dma_start3A_643, %dma_start3A_645] : memref<30x128xf32, #tpu.memory_space<vmem>> -> memref<1x128xf32, #tpu.memory_space<vmem>>
        %dma_start3A_647 = tpu.memref_squeeze %dma_start3A_646 : memref<1x128xf32, #tpu.memory_space<vmem>> -> memref<128xf32, #tpu.memory_space<vmem>>
        %dma_start3A_648 = arith.constant 0 : i32
        %dma_start3A_649 = tpu.memref_slice %arg31[%dma_start3A_644, %dma_start3A_648] : memref<30x128xi32, #tpu.memory_space<vmem>> -> memref<1x128xi32, #tpu.memory_space<vmem>>
        %dma_start3A_650 = tpu.memref_squeeze %dma_start3A_649 : memref<1x128xi32, #tpu.memory_space<vmem>> -> memref<128xi32, #tpu.memory_space<vmem>>
        %dma_start3A_651 = arith.constant 0 : i32
        %dma_start3A_652 = tpu.memref_slice %arg34[%dma_start3A_651] : memref<39424xf32, #tpu.memory_space<vmem_shared>> -> memref<39424xf32, #tpu.memory_space<vmem_shared>>
        tpu.enqueue_indirect_dma source(%dma_start3A_647 : memref<128xf32, #tpu.memory_space<vmem>>) target(%dma_start3A_652 : memref<39424xf32, #tpu.memory_space<vmem_shared>>) offsets(%dma_start3A_650 : memref<128xi32, #tpu.memory_space<vmem>>) semaphore(%arg36 : memref<!tpu.dma_semaphore, #tpu.memory_space<semaphore_mem>>) {add = true}
        %dma_start3A_653 = arith.constant 6 : i32
        %dma_start3A_654 = arith.constant 6 : i32
        %dma_start3A_655 = arith.constant 0 : i32
        %dma_start3A_656 = tpu.memref_slice %arg33[%dma_start3A_653, %dma_start3A_655] : memref<30x128xf32, #tpu.memory_space<vmem>> -> memref<1x128xf32, #tpu.memory_space<vmem>>
        %dma_start3A_657 = tpu.memref_squeeze %dma_start3A_656 : memref<1x128xf32, #tpu.memory_space<vmem>> -> memref<128xf32, #tpu.memory_space<vmem>>
        %dma_start3A_658 = arith.constant 0 : i32
        %dma_start3A_659 = tpu.memref_slice %arg31[%dma_start3A_654, %dma_start3A_658] : memref<30x128xi32, #tpu.memory_space<vmem>> -> memref<1x128xi32, #tpu.memory_space<vmem>>
        %dma_start3A_660 = tpu.memref_squeeze %dma_start3A_659 : memref<1x128xi32, #tpu.memory_space<vmem>> -> memref<128xi32, #tpu.memory_space<vmem>>
        %dma_start3A_661 = arith.constant 0 : i32
        %dma_start3A_662 = tpu.memref_slice %arg35[%dma_start3A_661] : memref<39424xf32, #tpu.memory_space<vmem_shared>> -> memref<39424xf32, #tpu.memory_space<vmem_shared>>
        tpu.enqueue_indirect_dma source(%dma_start3A_657 : memref<128xf32, #tpu.memory_space<vmem>>) target(%dma_start3A_662 : memref<39424xf32, #tpu.memory_space<vmem_shared>>) offsets(%dma_start3A_660 : memref<128xi32, #tpu.memory_space<vmem>>) semaphore(%arg36 : memref<!tpu.dma_semaphore, #tpu.memory_space<semaphore_mem>>) {add = true}
        %dma_start3A_663 = arith.constant 7 : i32
        %dma_start3A_664 = arith.constant 7 : i32
        %dma_start3A_665 = arith.constant 0 : i32
        %dma_start3A_666 = tpu.memref_slice %arg32[%dma_start3A_663, %dma_start3A_665] : memref<30x128xf32, #tpu.memory_space<vmem>> -> memref<1x128xf32, #tpu.memory_space<vmem>>
        %dma_start3A_667 = tpu.memref_squeeze %dma_start3A_666 : memref<1x128xf32, #tpu.memory_space<vmem>> -> memref<128xf32, #tpu.memory_space<vmem>>
        %dma_start3A_668 = arith.constant 0 : i32
        %dma_start3A_669 = tpu.memref_slice %arg31[%dma_start3A_664, %dma_start3A_668] : memref<30x128xi32, #tpu.memory_space<vmem>> -> memref<1x128xi32, #tpu.memory_space<vmem>>
        %dma_start3A_670 = tpu.memref_squeeze %dma_start3A_669 : memref<1x128xi32, #tpu.memory_space<vmem>> -> memref<128xi32, #tpu.memory_space<vmem>>
        %dma_start3A_671 = arith.constant 0 : i32
        %dma_start3A_672 = tpu.memref_slice %arg34[%dma_start3A_671] : memref<39424xf32, #tpu.memory_space<vmem_shared>> -> memref<39424xf32, #tpu.memory_space<vmem_shared>>
        tpu.enqueue_indirect_dma source(%dma_start3A_667 : memref<128xf32, #tpu.memory_space<vmem>>) target(%dma_start3A_672 : memref<39424xf32, #tpu.memory_space<vmem_shared>>) offsets(%dma_start3A_670 : memref<128xi32, #tpu.memory_space<vmem>>) semaphore(%arg36 : memref<!tpu.dma_semaphore, #tpu.memory_space<semaphore_mem>>) {add = true}
        %dma_start3A_673 = arith.constant 7 : i32
        %dma_start3A_674 = arith.constant 7 : i32
        %dma_start3A_675 = arith.constant 0 : i32
        %dma_start3A_676 = tpu.memref_slice %arg33[%dma_start3A_673, %dma_start3A_675] : memref<30x128xf32, #tpu.memory_space<vmem>> -> memref<1x128xf32, #tpu.memory_space<vmem>>
        %dma_start3A_677 = tpu.memref_squeeze %dma_start3A_676 : memref<1x128xf32, #tpu.memory_space<vmem>> -> memref<128xf32, #tpu.memory_space<vmem>>
        %dma_start3A_678 = arith.constant 0 : i32
        %dma_start3A_679 = tpu.memref_slice %arg31[%dma_start3A_674, %dma_start3A_678] : memref<30x128xi32, #tpu.memory_space<vmem>> -> memref<1x128xi32, #tpu.memory_space<vmem>>
        %dma_start3A_680 = tpu.memref_squeeze %dma_start3A_679 : memref<1x128xi32, #tpu.memory_space<vmem>> -> memref<128xi32, #tpu.memory_space<vmem>>
        %dma_start3A_681 = arith.constant 0 : i32
        %dma_start3A_682 = tpu.memref_slice %arg35[%dma_start3A_681] : memref<39424xf32, #tpu.memory_space<vmem_shared>> -> memref<39424xf32, #tpu.memory_space<vmem_shared>>
        tpu.enqueue_indirect_dma source(%dma_start3A_677 : memref<128xf32, #tpu.memory_space<vmem>>) target(%dma_start3A_682 : memref<39424xf32, #tpu.memory_space<vmem_shared>>) offsets(%dma_start3A_680 : memref<128xi32, #tpu.memory_space<vmem>>) semaphore(%arg36 : memref<!tpu.dma_semaphore, #tpu.memory_space<semaphore_mem>>) {add = true}
        %dma_start3A_683 = arith.constant 8 : i32
        %dma_start3A_684 = arith.constant 8 : i32
        %dma_start3A_685 = arith.constant 0 : i32
        %dma_start3A_686 = tpu.memref_slice %arg32[%dma_start3A_683, %dma_start3A_685] : memref<30x128xf32, #tpu.memory_space<vmem>> -> memref<1x128xf32, #tpu.memory_space<vmem>>
        %dma_start3A_687 = tpu.memref_squeeze %dma_start3A_686 : memref<1x128xf32, #tpu.memory_space<vmem>> -> memref<128xf32, #tpu.memory_space<vmem>>
        %dma_start3A_688 = arith.constant 0 : i32
        %dma_start3A_689 = tpu.memref_slice %arg31[%dma_start3A_684, %dma_start3A_688] : memref<30x128xi32, #tpu.memory_space<vmem>> -> memref<1x128xi32, #tpu.memory_space<vmem>>
        %dma_start3A_690 = tpu.memref_squeeze %dma_start3A_689 : memref<1x128xi32, #tpu.memory_space<vmem>> -> memref<128xi32, #tpu.memory_space<vmem>>
        %dma_start3A_691 = arith.constant 0 : i32
        %dma_start3A_692 = tpu.memref_slice %arg34[%dma_start3A_691] : memref<39424xf32, #tpu.memory_space<vmem_shared>> -> memref<39424xf32, #tpu.memory_space<vmem_shared>>
        tpu.enqueue_indirect_dma source(%dma_start3A_687 : memref<128xf32, #tpu.memory_space<vmem>>) target(%dma_start3A_692 : memref<39424xf32, #tpu.memory_space<vmem_shared>>) offsets(%dma_start3A_690 : memref<128xi32, #tpu.memory_space<vmem>>) semaphore(%arg36 : memref<!tpu.dma_semaphore, #tpu.memory_space<semaphore_mem>>) {add = true}
        %dma_start3A_693 = arith.constant 8 : i32
        %dma_start3A_694 = arith.constant 8 : i32
        %dma_start3A_695 = arith.constant 0 : i32
        %dma_start3A_696 = tpu.memref_slice %arg33[%dma_start3A_693, %dma_start3A_695] : memref<30x128xf32, #tpu.memory_space<vmem>> -> memref<1x128xf32, #tpu.memory_space<vmem>>
        %dma_start3A_697 = tpu.memref_squeeze %dma_start3A_696 : memref<1x128xf32, #tpu.memory_space<vmem>> -> memref<128xf32, #tpu.memory_space<vmem>>
        %dma_start3A_698 = arith.constant 0 : i32
        %dma_start3A_699 = tpu.memref_slice %arg31[%dma_start3A_694, %dma_start3A_698] : memref<30x128xi32, #tpu.memory_space<vmem>> -> memref<1x128xi32, #tpu.memory_space<vmem>>
        %dma_start3A_700 = tpu.memref_squeeze %dma_start3A_699 : memref<1x128xi32, #tpu.memory_space<vmem>> -> memref<128xi32, #tpu.memory_space<vmem>>
        %dma_start3A_701 = arith.constant 0 : i32
        %dma_start3A_702 = tpu.memref_slice %arg35[%dma_start3A_701] : memref<39424xf32, #tpu.memory_space<vmem_shared>> -> memref<39424xf32, #tpu.memory_space<vmem_shared>>
        tpu.enqueue_indirect_dma source(%dma_start3A_697 : memref<128xf32, #tpu.memory_space<vmem>>) target(%dma_start3A_702 : memref<39424xf32, #tpu.memory_space<vmem_shared>>) offsets(%dma_start3A_700 : memref<128xi32, #tpu.memory_space<vmem>>) semaphore(%arg36 : memref<!tpu.dma_semaphore, #tpu.memory_space<semaphore_mem>>) {add = true}
        %dma_start3A_703 = arith.constant 9 : i32
        %dma_start3A_704 = arith.constant 9 : i32
        %dma_start3A_705 = arith.constant 0 : i32
        %dma_start3A_706 = tpu.memref_slice %arg32[%dma_start3A_703, %dma_start3A_705] : memref<30x128xf32, #tpu.memory_space<vmem>> -> memref<1x128xf32, #tpu.memory_space<vmem>>
        %dma_start3A_707 = tpu.memref_squeeze %dma_start3A_706 : memref<1x128xf32, #tpu.memory_space<vmem>> -> memref<128xf32, #tpu.memory_space<vmem>>
        %dma_start3A_708 = arith.constant 0 : i32
        %dma_start3A_709 = tpu.memref_slice %arg31[%dma_start3A_704, %dma_start3A_708] : memref<30x128xi32, #tpu.memory_space<vmem>> -> memref<1x128xi32, #tpu.memory_space<vmem>>
        %dma_start3A_710 = tpu.memref_squeeze %dma_start3A_709 : memref<1x128xi32, #tpu.memory_space<vmem>> -> memref<128xi32, #tpu.memory_space<vmem>>
        %dma_start3A_711 = arith.constant 0 : i32
        %dma_start3A_712 = tpu.memref_slice %arg34[%dma_start3A_711] : memref<39424xf32, #tpu.memory_space<vmem_shared>> -> memref<39424xf32, #tpu.memory_space<vmem_shared>>
        tpu.enqueue_indirect_dma source(%dma_start3A_707 : memref<128xf32, #tpu.memory_space<vmem>>) target(%dma_start3A_712 : memref<39424xf32, #tpu.memory_space<vmem_shared>>) offsets(%dma_start3A_710 : memref<128xi32, #tpu.memory_space<vmem>>) semaphore(%arg36 : memref<!tpu.dma_semaphore, #tpu.memory_space<semaphore_mem>>) {add = true}
        %dma_start3A_713 = arith.constant 9 : i32
        %dma_start3A_714 = arith.constant 9 : i32
        %dma_start3A_715 = arith.constant 0 : i32
        %dma_start3A_716 = tpu.memref_slice %arg33[%dma_start3A_713, %dma_start3A_715] : memref<30x128xf32, #tpu.memory_space<vmem>> -> memref<1x128xf32, #tpu.memory_space<vmem>>
        %dma_start3A_717 = tpu.memref_squeeze %dma_start3A_716 : memref<1x128xf32, #tpu.memory_space<vmem>> -> memref<128xf32, #tpu.memory_space<vmem>>
        %dma_start3A_718 = arith.constant 0 : i32
        %dma_start3A_719 = tpu.memref_slice %arg31[%dma_start3A_714, %dma_start3A_718] : memref<30x128xi32, #tpu.memory_space<vmem>> -> memref<1x128xi32, #tpu.memory_space<vmem>>
        %dma_start3A_720 = tpu.memref_squeeze %dma_start3A_719 : memref<1x128xi32, #tpu.memory_space<vmem>> -> memref<128xi32, #tpu.memory_space<vmem>>
        %dma_start3A_721 = arith.constant 0 : i32
        %dma_start3A_722 = tpu.memref_slice %arg35[%dma_start3A_721] : memref<39424xf32, #tpu.memory_space<vmem_shared>> -> memref<39424xf32, #tpu.memory_space<vmem_shared>>
        tpu.enqueue_indirect_dma source(%dma_start3A_717 : memref<128xf32, #tpu.memory_space<vmem>>) target(%dma_start3A_722 : memref<39424xf32, #tpu.memory_space<vmem_shared>>) offsets(%dma_start3A_720 : memref<128xi32, #tpu.memory_space<vmem>>) semaphore(%arg36 : memref<!tpu.dma_semaphore, #tpu.memory_space<semaphore_mem>>) {add = true}
        %dma_start3A_723 = arith.constant 10 : i32
        %dma_start3A_724 = arith.constant 10 : i32
        %dma_start3A_725 = arith.constant 0 : i32
        %dma_start3A_726 = tpu.memref_slice %arg32[%dma_start3A_723, %dma_start3A_725] : memref<30x128xf32, #tpu.memory_space<vmem>> -> memref<1x128xf32, #tpu.memory_space<vmem>>
        %dma_start3A_727 = tpu.memref_squeeze %dma_start3A_726 : memref<1x128xf32, #tpu.memory_space<vmem>> -> memref<128xf32, #tpu.memory_space<vmem>>
        %dma_start3A_728 = arith.constant 0 : i32
        %dma_start3A_729 = tpu.memref_slice %arg31[%dma_start3A_724, %dma_start3A_728] : memref<30x128xi32, #tpu.memory_space<vmem>> -> memref<1x128xi32, #tpu.memory_space<vmem>>
        %dma_start3A_730 = tpu.memref_squeeze %dma_start3A_729 : memref<1x128xi32, #tpu.memory_space<vmem>> -> memref<128xi32, #tpu.memory_space<vmem>>
        %dma_start3A_731 = arith.constant 0 : i32
        %dma_start3A_732 = tpu.memref_slice %arg34[%dma_start3A_731] : memref<39424xf32, #tpu.memory_space<vmem_shared>> -> memref<39424xf32, #tpu.memory_space<vmem_shared>>
        tpu.enqueue_indirect_dma source(%dma_start3A_727 : memref<128xf32, #tpu.memory_space<vmem>>) target(%dma_start3A_732 : memref<39424xf32, #tpu.memory_space<vmem_shared>>) offsets(%dma_start3A_730 : memref<128xi32, #tpu.memory_space<vmem>>) semaphore(%arg36 : memref<!tpu.dma_semaphore, #tpu.memory_space<semaphore_mem>>) {add = true}
        %dma_start3A_733 = arith.constant 10 : i32
        %dma_start3A_734 = arith.constant 10 : i32
        %dma_start3A_735 = arith.constant 0 : i32
        %dma_start3A_736 = tpu.memref_slice %arg33[%dma_start3A_733, %dma_start3A_735] : memref<30x128xf32, #tpu.memory_space<vmem>> -> memref<1x128xf32, #tpu.memory_space<vmem>>
        %dma_start3A_737 = tpu.memref_squeeze %dma_start3A_736 : memref<1x128xf32, #tpu.memory_space<vmem>> -> memref<128xf32, #tpu.memory_space<vmem>>
        %dma_start3A_738 = arith.constant 0 : i32
        %dma_start3A_739 = tpu.memref_slice %arg31[%dma_start3A_734, %dma_start3A_738] : memref<30x128xi32, #tpu.memory_space<vmem>> -> memref<1x128xi32, #tpu.memory_space<vmem>>
        %dma_start3A_740 = tpu.memref_squeeze %dma_start3A_739 : memref<1x128xi32, #tpu.memory_space<vmem>> -> memref<128xi32, #tpu.memory_space<vmem>>
        %dma_start3A_741 = arith.constant 0 : i32
        %dma_start3A_742 = tpu.memref_slice %arg35[%dma_start3A_741] : memref<39424xf32, #tpu.memory_space<vmem_shared>> -> memref<39424xf32, #tpu.memory_space<vmem_shared>>
        tpu.enqueue_indirect_dma source(%dma_start3A_737 : memref<128xf32, #tpu.memory_space<vmem>>) target(%dma_start3A_742 : memref<39424xf32, #tpu.memory_space<vmem_shared>>) offsets(%dma_start3A_740 : memref<128xi32, #tpu.memory_space<vmem>>) semaphore(%arg36 : memref<!tpu.dma_semaphore, #tpu.memory_space<semaphore_mem>>) {add = true}
        %dma_start3A_743 = arith.constant 11 : i32
        %dma_start3A_744 = arith.constant 11 : i32
        %dma_start3A_745 = arith.constant 0 : i32
        %dma_start3A_746 = tpu.memref_slice %arg32[%dma_start3A_743, %dma_start3A_745] : memref<30x128xf32, #tpu.memory_space<vmem>> -> memref<1x128xf32, #tpu.memory_space<vmem>>
        %dma_start3A_747 = tpu.memref_squeeze %dma_start3A_746 : memref<1x128xf32, #tpu.memory_space<vmem>> -> memref<128xf32, #tpu.memory_space<vmem>>
        %dma_start3A_748 = arith.constant 0 : i32
        %dma_start3A_749 = tpu.memref_slice %arg31[%dma_start3A_744, %dma_start3A_748] : memref<30x128xi32, #tpu.memory_space<vmem>> -> memref<1x128xi32, #tpu.memory_space<vmem>>
        %dma_start3A_750 = tpu.memref_squeeze %dma_start3A_749 : memref<1x128xi32, #tpu.memory_space<vmem>> -> memref<128xi32, #tpu.memory_space<vmem>>
        %dma_start3A_751 = arith.constant 0 : i32
        %dma_start3A_752 = tpu.memref_slice %arg34[%dma_start3A_751] : memref<39424xf32, #tpu.memory_space<vmem_shared>> -> memref<39424xf32, #tpu.memory_space<vmem_shared>>
        tpu.enqueue_indirect_dma source(%dma_start3A_747 : memref<128xf32, #tpu.memory_space<vmem>>) target(%dma_start3A_752 : memref<39424xf32, #tpu.memory_space<vmem_shared>>) offsets(%dma_start3A_750 : memref<128xi32, #tpu.memory_space<vmem>>) semaphore(%arg36 : memref<!tpu.dma_semaphore, #tpu.memory_space<semaphore_mem>>) {add = true}
        %dma_start3A_753 = arith.constant 11 : i32
        %dma_start3A_754 = arith.constant 11 : i32
        %dma_start3A_755 = arith.constant 0 : i32
        %dma_start3A_756 = tpu.memref_slice %arg33[%dma_start3A_753, %dma_start3A_755] : memref<30x128xf32, #tpu.memory_space<vmem>> -> memref<1x128xf32, #tpu.memory_space<vmem>>
        %dma_start3A_757 = tpu.memref_squeeze %dma_start3A_756 : memref<1x128xf32, #tpu.memory_space<vmem>> -> memref<128xf32, #tpu.memory_space<vmem>>
        %dma_start3A_758 = arith.constant 0 : i32
        %dma_start3A_759 = tpu.memref_slice %arg31[%dma_start3A_754, %dma_start3A_758] : memref<30x128xi32, #tpu.memory_space<vmem>> -> memref<1x128xi32, #tpu.memory_space<vmem>>
        %dma_start3A_760 = tpu.memref_squeeze %dma_start3A_759 : memref<1x128xi32, #tpu.memory_space<vmem>> -> memref<128xi32, #tpu.memory_space<vmem>>
        %dma_start3A_761 = arith.constant 0 : i32
        %dma_start3A_762 = tpu.memref_slice %arg35[%dma_start3A_761] : memref<39424xf32, #tpu.memory_space<vmem_shared>> -> memref<39424xf32, #tpu.memory_space<vmem_shared>>
        tpu.enqueue_indirect_dma source(%dma_start3A_757 : memref<128xf32, #tpu.memory_space<vmem>>) target(%dma_start3A_762 : memref<39424xf32, #tpu.memory_space<vmem_shared>>) offsets(%dma_start3A_760 : memref<128xi32, #tpu.memory_space<vmem>>) semaphore(%arg36 : memref<!tpu.dma_semaphore, #tpu.memory_space<semaphore_mem>>) {add = true}
        %dma_start3A_763 = arith.constant 12 : i32
        %dma_start3A_764 = arith.constant 12 : i32
        %dma_start3A_765 = arith.constant 0 : i32
        %dma_start3A_766 = tpu.memref_slice %arg32[%dma_start3A_763, %dma_start3A_765] : memref<30x128xf32, #tpu.memory_space<vmem>> -> memref<1x128xf32, #tpu.memory_space<vmem>>
        %dma_start3A_767 = tpu.memref_squeeze %dma_start3A_766 : memref<1x128xf32, #tpu.memory_space<vmem>> -> memref<128xf32, #tpu.memory_space<vmem>>
        %dma_start3A_768 = arith.constant 0 : i32
        %dma_start3A_769 = tpu.memref_slice %arg31[%dma_start3A_764, %dma_start3A_768] : memref<30x128xi32, #tpu.memory_space<vmem>> -> memref<1x128xi32, #tpu.memory_space<vmem>>
        %dma_start3A_770 = tpu.memref_squeeze %dma_start3A_769 : memref<1x128xi32, #tpu.memory_space<vmem>> -> memref<128xi32, #tpu.memory_space<vmem>>
        %dma_start3A_771 = arith.constant 0 : i32
        %dma_start3A_772 = tpu.memref_slice %arg34[%dma_start3A_771] : memref<39424xf32, #tpu.memory_space<vmem_shared>> -> memref<39424xf32, #tpu.memory_space<vmem_shared>>
        tpu.enqueue_indirect_dma source(%dma_start3A_767 : memref<128xf32, #tpu.memory_space<vmem>>) target(%dma_start3A_772 : memref<39424xf32, #tpu.memory_space<vmem_shared>>) offsets(%dma_start3A_770 : memref<128xi32, #tpu.memory_space<vmem>>) semaphore(%arg36 : memref<!tpu.dma_semaphore, #tpu.memory_space<semaphore_mem>>) {add = true}
        %dma_start3A_773 = arith.constant 12 : i32
        %dma_start3A_774 = arith.constant 12 : i32
        %dma_start3A_775 = arith.constant 0 : i32
        %dma_start3A_776 = tpu.memref_slice %arg33[%dma_start3A_773, %dma_start3A_775] : memref<30x128xf32, #tpu.memory_space<vmem>> -> memref<1x128xf32, #tpu.memory_space<vmem>>
        %dma_start3A_777 = tpu.memref_squeeze %dma_start3A_776 : memref<1x128xf32, #tpu.memory_space<vmem>> -> memref<128xf32, #tpu.memory_space<vmem>>
        %dma_start3A_778 = arith.constant 0 : i32
        %dma_start3A_779 = tpu.memref_slice %arg31[%dma_start3A_774, %dma_start3A_778] : memref<30x128xi32, #tpu.memory_space<vmem>> -> memref<1x128xi32, #tpu.memory_space<vmem>>
        %dma_start3A_780 = tpu.memref_squeeze %dma_start3A_779 : memref<1x128xi32, #tpu.memory_space<vmem>> -> memref<128xi32, #tpu.memory_space<vmem>>
        %dma_start3A_781 = arith.constant 0 : i32
        %dma_start3A_782 = tpu.memref_slice %arg35[%dma_start3A_781] : memref<39424xf32, #tpu.memory_space<vmem_shared>> -> memref<39424xf32, #tpu.memory_space<vmem_shared>>
        tpu.enqueue_indirect_dma source(%dma_start3A_777 : memref<128xf32, #tpu.memory_space<vmem>>) target(%dma_start3A_782 : memref<39424xf32, #tpu.memory_space<vmem_shared>>) offsets(%dma_start3A_780 : memref<128xi32, #tpu.memory_space<vmem>>) semaphore(%arg36 : memref<!tpu.dma_semaphore, #tpu.memory_space<semaphore_mem>>) {add = true}
        %dma_start3A_783 = arith.constant 13 : i32
        %dma_start3A_784 = arith.constant 13 : i32
        %dma_start3A_785 = arith.constant 0 : i32
        %dma_start3A_786 = tpu.memref_slice %arg32[%dma_start3A_783, %dma_start3A_785] : memref<30x128xf32, #tpu.memory_space<vmem>> -> memref<1x128xf32, #tpu.memory_space<vmem>>
        %dma_start3A_787 = tpu.memref_squeeze %dma_start3A_786 : memref<1x128xf32, #tpu.memory_space<vmem>> -> memref<128xf32, #tpu.memory_space<vmem>>
        %dma_start3A_788 = arith.constant 0 : i32
        %dma_start3A_789 = tpu.memref_slice %arg31[%dma_start3A_784, %dma_start3A_788] : memref<30x128xi32, #tpu.memory_space<vmem>> -> memref<1x128xi32, #tpu.memory_space<vmem>>
        %dma_start3A_790 = tpu.memref_squeeze %dma_start3A_789 : memref<1x128xi32, #tpu.memory_space<vmem>> -> memref<128xi32, #tpu.memory_space<vmem>>
        %dma_start3A_791 = arith.constant 0 : i32
        %dma_start3A_792 = tpu.memref_slice %arg34[%dma_start3A_791] : memref<39424xf32, #tpu.memory_space<vmem_shared>> -> memref<39424xf32, #tpu.memory_space<vmem_shared>>
        tpu.enqueue_indirect_dma source(%dma_start3A_787 : memref<128xf32, #tpu.memory_space<vmem>>) target(%dma_start3A_792 : memref<39424xf32, #tpu.memory_space<vmem_shared>>) offsets(%dma_start3A_790 : memref<128xi32, #tpu.memory_space<vmem>>) semaphore(%arg36 : memref<!tpu.dma_semaphore, #tpu.memory_space<semaphore_mem>>) {add = true}
        %dma_start3A_793 = arith.constant 13 : i32
        %dma_start3A_794 = arith.constant 13 : i32
        %dma_start3A_795 = arith.constant 0 : i32
        %dma_start3A_796 = tpu.memref_slice %arg33[%dma_start3A_793, %dma_start3A_795] : memref<30x128xf32, #tpu.memory_space<vmem>> -> memref<1x128xf32, #tpu.memory_space<vmem>>
        %dma_start3A_797 = tpu.memref_squeeze %dma_start3A_796 : memref<1x128xf32, #tpu.memory_space<vmem>> -> memref<128xf32, #tpu.memory_space<vmem>>
        %dma_start3A_798 = arith.constant 0 : i32
        %dma_start3A_799 = tpu.memref_slice %arg31[%dma_start3A_794, %dma_start3A_798] : memref<30x128xi32, #tpu.memory_space<vmem>> -> memref<1x128xi32, #tpu.memory_space<vmem>>
        %dma_start3A_800 = tpu.memref_squeeze %dma_start3A_799 : memref<1x128xi32, #tpu.memory_space<vmem>> -> memref<128xi32, #tpu.memory_space<vmem>>
        %dma_start3A_801 = arith.constant 0 : i32
        %dma_start3A_802 = tpu.memref_slice %arg35[%dma_start3A_801] : memref<39424xf32, #tpu.memory_space<vmem_shared>> -> memref<39424xf32, #tpu.memory_space<vmem_shared>>
        tpu.enqueue_indirect_dma source(%dma_start3A_797 : memref<128xf32, #tpu.memory_space<vmem>>) target(%dma_start3A_802 : memref<39424xf32, #tpu.memory_space<vmem_shared>>) offsets(%dma_start3A_800 : memref<128xi32, #tpu.memory_space<vmem>>) semaphore(%arg36 : memref<!tpu.dma_semaphore, #tpu.memory_space<semaphore_mem>>) {add = true}
        %dma_start3A_803 = arith.constant 14 : i32
        %dma_start3A_804 = arith.constant 14 : i32
        %dma_start3A_805 = arith.constant 0 : i32
        %dma_start3A_806 = tpu.memref_slice %arg32[%dma_start3A_803, %dma_start3A_805] : memref<30x128xf32, #tpu.memory_space<vmem>> -> memref<1x128xf32, #tpu.memory_space<vmem>>
        %dma_start3A_807 = tpu.memref_squeeze %dma_start3A_806 : memref<1x128xf32, #tpu.memory_space<vmem>> -> memref<128xf32, #tpu.memory_space<vmem>>
        %dma_start3A_808 = arith.constant 0 : i32
        %dma_start3A_809 = tpu.memref_slice %arg31[%dma_start3A_804, %dma_start3A_808] : memref<30x128xi32, #tpu.memory_space<vmem>> -> memref<1x128xi32, #tpu.memory_space<vmem>>
        %dma_start3A_810 = tpu.memref_squeeze %dma_start3A_809 : memref<1x128xi32, #tpu.memory_space<vmem>> -> memref<128xi32, #tpu.memory_space<vmem>>
        %dma_start3A_811 = arith.constant 0 : i32
        %dma_start3A_812 = tpu.memref_slice %arg34[%dma_start3A_811] : memref<39424xf32, #tpu.memory_space<vmem_shared>> -> memref<39424xf32, #tpu.memory_space<vmem_shared>>
        tpu.enqueue_indirect_dma source(%dma_start3A_807 : memref<128xf32, #tpu.memory_space<vmem>>) target(%dma_start3A_812 : memref<39424xf32, #tpu.memory_space<vmem_shared>>) offsets(%dma_start3A_810 : memref<128xi32, #tpu.memory_space<vmem>>) semaphore(%arg36 : memref<!tpu.dma_semaphore, #tpu.memory_space<semaphore_mem>>) {add = true}
        %dma_start3A_813 = arith.constant 14 : i32
        %dma_start3A_814 = arith.constant 14 : i32
        %dma_start3A_815 = arith.constant 0 : i32
        %dma_start3A_816 = tpu.memref_slice %arg33[%dma_start3A_813, %dma_start3A_815] : memref<30x128xf32, #tpu.memory_space<vmem>> -> memref<1x128xf32, #tpu.memory_space<vmem>>
        %dma_start3A_817 = tpu.memref_squeeze %dma_start3A_816 : memref<1x128xf32, #tpu.memory_space<vmem>> -> memref<128xf32, #tpu.memory_space<vmem>>
        %dma_start3A_818 = arith.constant 0 : i32
        %dma_start3A_819 = tpu.memref_slice %arg31[%dma_start3A_814, %dma_start3A_818] : memref<30x128xi32, #tpu.memory_space<vmem>> -> memref<1x128xi32, #tpu.memory_space<vmem>>
        %dma_start3A_820 = tpu.memref_squeeze %dma_start3A_819 : memref<1x128xi32, #tpu.memory_space<vmem>> -> memref<128xi32, #tpu.memory_space<vmem>>
        %dma_start3A_821 = arith.constant 0 : i32
        %dma_start3A_822 = tpu.memref_slice %arg35[%dma_start3A_821] : memref<39424xf32, #tpu.memory_space<vmem_shared>> -> memref<39424xf32, #tpu.memory_space<vmem_shared>>
        tpu.enqueue_indirect_dma source(%dma_start3A_817 : memref<128xf32, #tpu.memory_space<vmem>>) target(%dma_start3A_822 : memref<39424xf32, #tpu.memory_space<vmem_shared>>) offsets(%dma_start3A_820 : memref<128xi32, #tpu.memory_space<vmem>>) semaphore(%arg36 : memref<!tpu.dma_semaphore, #tpu.memory_space<semaphore_mem>>) {add = true}
        %ge3A_823 = arith.constant 1 : i32
        %ge3A_824 = arith.cmpi sge, %add3A_490, %ge3A_823 : i32
        %convert_element_type3A_825 = arith.extui %ge3A_824 : i1 to i32
        %cond3A_826 = arith.constant 0 : i32
        %cond3A_827 = arith.cmpi ne, %convert_element_type3A_825, %cond3A_826 : i32
        scf.if %cond3A_827 {
          %dma_wait3A_1010 = arith.constant 15 : i32
          %dma_wait3A_1011 = arith.constant 15 : i32
          %dma_wait3A_1012 = arith.constant 0 : i32
          %dma_wait3A_1013 = tpu.memref_slice %arg32[%dma_wait3A_1010, %dma_wait3A_1012] : memref<30x128xf32, #tpu.memory_space<vmem>> -> memref<1x128xf32, #tpu.memory_space<vmem>>
          %dma_wait3A_1014 = tpu.memref_squeeze %dma_wait3A_1013 : memref<1x128xf32, #tpu.memory_space<vmem>> -> memref<128xf32, #tpu.memory_space<vmem>>
          %dma_wait3A_1015 = arith.constant 0 : i32
          %dma_wait3A_1016 = tpu.memref_slice %arg31[%dma_wait3A_1011, %dma_wait3A_1015] : memref<30x128xi32, #tpu.memory_space<vmem>> -> memref<1x128xi32, #tpu.memory_space<vmem>>
          %dma_wait3A_1017 = tpu.memref_squeeze %dma_wait3A_1016 : memref<1x128xi32, #tpu.memory_space<vmem>> -> memref<128xi32, #tpu.memory_space<vmem>>
          %dma_wait3A_1018 = arith.constant 0 : i32
          %dma_wait3A_1019 = tpu.memref_slice %arg34[%dma_wait3A_1018] : memref<39424xf32, #tpu.memory_space<vmem_shared>> -> memref<39424xf32, #tpu.memory_space<vmem_shared>>
          tpu.wait_indirect_dma semaphore(%arg36 : memref<!tpu.dma_semaphore, #tpu.memory_space<semaphore_mem>>) src(%dma_wait3A_1014 : memref<128xf32, #tpu.memory_space<vmem>>) dst(%dma_wait3A_1019 : memref<39424xf32, #tpu.memory_space<vmem_shared>>)
          %dma_wait3A_1020 = arith.constant 16 : i32
          %dma_wait3A_1021 = arith.constant 16 : i32
          %dma_wait3A_1022 = arith.constant 0 : i32
          %dma_wait3A_1023 = tpu.memref_slice %arg32[%dma_wait3A_1020, %dma_wait3A_1022] : memref<30x128xf32, #tpu.memory_space<vmem>> -> memref<1x128xf32, #tpu.memory_space<vmem>>
          %dma_wait3A_1024 = tpu.memref_squeeze %dma_wait3A_1023 : memref<1x128xf32, #tpu.memory_space<vmem>> -> memref<128xf32, #tpu.memory_space<vmem>>
          %dma_wait3A_1025 = arith.constant 0 : i32
          %dma_wait3A_1026 = tpu.memref_slice %arg31[%dma_wait3A_1021, %dma_wait3A_1025] : memref<30x128xi32, #tpu.memory_space<vmem>> -> memref<1x128xi32, #tpu.memory_space<vmem>>
          %dma_wait3A_1027 = tpu.memref_squeeze %dma_wait3A_1026 : memref<1x128xi32, #tpu.memory_space<vmem>> -> memref<128xi32, #tpu.memory_space<vmem>>
          %dma_wait3A_1028 = arith.constant 0 : i32
          %dma_wait3A_1029 = tpu.memref_slice %arg34[%dma_wait3A_1028] : memref<39424xf32, #tpu.memory_space<vmem_shared>> -> memref<39424xf32, #tpu.memory_space<vmem_shared>>
          tpu.wait_indirect_dma semaphore(%arg36 : memref<!tpu.dma_semaphore, #tpu.memory_space<semaphore_mem>>) src(%dma_wait3A_1024 : memref<128xf32, #tpu.memory_space<vmem>>) dst(%dma_wait3A_1029 : memref<39424xf32, #tpu.memory_space<vmem_shared>>)
          %dma_wait3A_1030 = arith.constant 17 : i32
          %dma_wait3A_1031 = arith.constant 17 : i32
          %dma_wait3A_1032 = arith.constant 0 : i32
          %dma_wait3A_1033 = tpu.memref_slice %arg32[%dma_wait3A_1030, %dma_wait3A_1032] : memref<30x128xf32, #tpu.memory_space<vmem>> -> memref<1x128xf32, #tpu.memory_space<vmem>>
          %dma_wait3A_1034 = tpu.memref_squeeze %dma_wait3A_1033 : memref<1x128xf32, #tpu.memory_space<vmem>> -> memref<128xf32, #tpu.memory_space<vmem>>
          %dma_wait3A_1035 = arith.constant 0 : i32
          %dma_wait3A_1036 = tpu.memref_slice %arg31[%dma_wait3A_1031, %dma_wait3A_1035] : memref<30x128xi32, #tpu.memory_space<vmem>> -> memref<1x128xi32, #tpu.memory_space<vmem>>
          %dma_wait3A_1037 = tpu.memref_squeeze %dma_wait3A_1036 : memref<1x128xi32, #tpu.memory_space<vmem>> -> memref<128xi32, #tpu.memory_space<vmem>>
          %dma_wait3A_1038 = arith.constant 0 : i32
          %dma_wait3A_1039 = tpu.memref_slice %arg34[%dma_wait3A_1038] : memref<39424xf32, #tpu.memory_space<vmem_shared>> -> memref<39424xf32, #tpu.memory_space<vmem_shared>>
          tpu.wait_indirect_dma semaphore(%arg36 : memref<!tpu.dma_semaphore, #tpu.memory_space<semaphore_mem>>) src(%dma_wait3A_1034 : memref<128xf32, #tpu.memory_space<vmem>>) dst(%dma_wait3A_1039 : memref<39424xf32, #tpu.memory_space<vmem_shared>>)
          %dma_wait3A_1040 = arith.constant 18 : i32
          %dma_wait3A_1041 = arith.constant 18 : i32
          %dma_wait3A_1042 = arith.constant 0 : i32
          %dma_wait3A_1043 = tpu.memref_slice %arg32[%dma_wait3A_1040, %dma_wait3A_1042] : memref<30x128xf32, #tpu.memory_space<vmem>> -> memref<1x128xf32, #tpu.memory_space<vmem>>
          %dma_wait3A_1044 = tpu.memref_squeeze %dma_wait3A_1043 : memref<1x128xf32, #tpu.memory_space<vmem>> -> memref<128xf32, #tpu.memory_space<vmem>>
          %dma_wait3A_1045 = arith.constant 0 : i32
          %dma_wait3A_1046 = tpu.memref_slice %arg31[%dma_wait3A_1041, %dma_wait3A_1045] : memref<30x128xi32, #tpu.memory_space<vmem>> -> memref<1x128xi32, #tpu.memory_space<vmem>>
          %dma_wait3A_1047 = tpu.memref_squeeze %dma_wait3A_1046 : memref<1x128xi32, #tpu.memory_space<vmem>> -> memref<128xi32, #tpu.memory_space<vmem>>
          %dma_wait3A_1048 = arith.constant 0 : i32
          %dma_wait3A_1049 = tpu.memref_slice %arg34[%dma_wait3A_1048] : memref<39424xf32, #tpu.memory_space<vmem_shared>> -> memref<39424xf32, #tpu.memory_space<vmem_shared>>
          tpu.wait_indirect_dma semaphore(%arg36 : memref<!tpu.dma_semaphore, #tpu.memory_space<semaphore_mem>>) src(%dma_wait3A_1044 : memref<128xf32, #tpu.memory_space<vmem>>) dst(%dma_wait3A_1049 : memref<39424xf32, #tpu.memory_space<vmem_shared>>)
          %dma_wait3A_1050 = arith.constant 19 : i32
          %dma_wait3A_1051 = arith.constant 19 : i32
          %dma_wait3A_1052 = arith.constant 0 : i32
          %dma_wait3A_1053 = tpu.memref_slice %arg32[%dma_wait3A_1050, %dma_wait3A_1052] : memref<30x128xf32, #tpu.memory_space<vmem>> -> memref<1x128xf32, #tpu.memory_space<vmem>>
          %dma_wait3A_1054 = tpu.memref_squeeze %dma_wait3A_1053 : memref<1x128xf32, #tpu.memory_space<vmem>> -> memref<128xf32, #tpu.memory_space<vmem>>
          %dma_wait3A_1055 = arith.constant 0 : i32
          %dma_wait3A_1056 = tpu.memref_slice %arg31[%dma_wait3A_1051, %dma_wait3A_1055] : memref<30x128xi32, #tpu.memory_space<vmem>> -> memref<1x128xi32, #tpu.memory_space<vmem>>
          %dma_wait3A_1057 = tpu.memref_squeeze %dma_wait3A_1056 : memref<1x128xi32, #tpu.memory_space<vmem>> -> memref<128xi32, #tpu.memory_space<vmem>>
          %dma_wait3A_1058 = arith.constant 0 : i32
          %dma_wait3A_1059 = tpu.memref_slice %arg34[%dma_wait3A_1058] : memref<39424xf32, #tpu.memory_space<vmem_shared>> -> memref<39424xf32, #tpu.memory_space<vmem_shared>>
          tpu.wait_indirect_dma semaphore(%arg36 : memref<!tpu.dma_semaphore, #tpu.memory_space<semaphore_mem>>) src(%dma_wait3A_1054 : memref<128xf32, #tpu.memory_space<vmem>>) dst(%dma_wait3A_1059 : memref<39424xf32, #tpu.memory_space<vmem_shared>>)
          %dma_wait3A_1060 = arith.constant 20 : i32
          %dma_wait3A_1061 = arith.constant 20 : i32
          %dma_wait3A_1062 = arith.constant 0 : i32
          %dma_wait3A_1063 = tpu.memref_slice %arg32[%dma_wait3A_1060, %dma_wait3A_1062] : memref<30x128xf32, #tpu.memory_space<vmem>> -> memref<1x128xf32, #tpu.memory_space<vmem>>
          %dma_wait3A_1064 = tpu.memref_squeeze %dma_wait3A_1063 : memref<1x128xf32, #tpu.memory_space<vmem>> -> memref<128xf32, #tpu.memory_space<vmem>>
          %dma_wait3A_1065 = arith.constant 0 : i32
          %dma_wait3A_1066 = tpu.memref_slice %arg31[%dma_wait3A_1061, %dma_wait3A_1065] : memref<30x128xi32, #tpu.memory_space<vmem>> -> memref<1x128xi32, #tpu.memory_space<vmem>>
          %dma_wait3A_1067 = tpu.memref_squeeze %dma_wait3A_1066 : memref<1x128xi32, #tpu.memory_space<vmem>> -> memref<128xi32, #tpu.memory_space<vmem>>
          %dma_wait3A_1068 = arith.constant 0 : i32
          %dma_wait3A_1069 = tpu.memref_slice %arg34[%dma_wait3A_1068] : memref<39424xf32, #tpu.memory_space<vmem_shared>> -> memref<39424xf32, #tpu.memory_space<vmem_shared>>
          tpu.wait_indirect_dma semaphore(%arg36 : memref<!tpu.dma_semaphore, #tpu.memory_space<semaphore_mem>>) src(%dma_wait3A_1064 : memref<128xf32, #tpu.memory_space<vmem>>) dst(%dma_wait3A_1069 : memref<39424xf32, #tpu.memory_space<vmem_shared>>)
          %dma_wait3A_1070 = arith.constant 21 : i32
          %dma_wait3A_1071 = arith.constant 21 : i32
          %dma_wait3A_1072 = arith.constant 0 : i32
          %dma_wait3A_1073 = tpu.memref_slice %arg32[%dma_wait3A_1070, %dma_wait3A_1072] : memref<30x128xf32, #tpu.memory_space<vmem>> -> memref<1x128xf32, #tpu.memory_space<vmem>>
          %dma_wait3A_1074 = tpu.memref_squeeze %dma_wait3A_1073 : memref<1x128xf32, #tpu.memory_space<vmem>> -> memref<128xf32, #tpu.memory_space<vmem>>
          %dma_wait3A_1075 = arith.constant 0 : i32
          %dma_wait3A_1076 = tpu.memref_slice %arg31[%dma_wait3A_1071, %dma_wait3A_1075] : memref<30x128xi32, #tpu.memory_space<vmem>> -> memref<1x128xi32, #tpu.memory_space<vmem>>
          %dma_wait3A_1077 = tpu.memref_squeeze %dma_wait3A_1076 : memref<1x128xi32, #tpu.memory_space<vmem>> -> memref<128xi32, #tpu.memory_space<vmem>>
          %dma_wait3A_1078 = arith.constant 0 : i32
          %dma_wait3A_1079 = tpu.memref_slice %arg34[%dma_wait3A_1078] : memref<39424xf32, #tpu.memory_space<vmem_shared>> -> memref<39424xf32, #tpu.memory_space<vmem_shared>>
          tpu.wait_indirect_dma semaphore(%arg36 : memref<!tpu.dma_semaphore, #tpu.memory_space<semaphore_mem>>) src(%dma_wait3A_1074 : memref<128xf32, #tpu.memory_space<vmem>>) dst(%dma_wait3A_1079 : memref<39424xf32, #tpu.memory_space<vmem_shared>>)
          %dma_wait3A_1080 = arith.constant 22 : i32
          %dma_wait3A_1081 = arith.constant 22 : i32
          %dma_wait3A_1082 = arith.constant 0 : i32
          %dma_wait3A_1083 = tpu.memref_slice %arg32[%dma_wait3A_1080, %dma_wait3A_1082] : memref<30x128xf32, #tpu.memory_space<vmem>> -> memref<1x128xf32, #tpu.memory_space<vmem>>
          %dma_wait3A_1084 = tpu.memref_squeeze %dma_wait3A_1083 : memref<1x128xf32, #tpu.memory_space<vmem>> -> memref<128xf32, #tpu.memory_space<vmem>>
          %dma_wait3A_1085 = arith.constant 0 : i32
          %dma_wait3A_1086 = tpu.memref_slice %arg31[%dma_wait3A_1081, %dma_wait3A_1085] : memref<30x128xi32, #tpu.memory_space<vmem>> -> memref<1x128xi32, #tpu.memory_space<vmem>>
          %dma_wait3A_1087 = tpu.memref_squeeze %dma_wait3A_1086 : memref<1x128xi32, #tpu.memory_space<vmem>> -> memref<128xi32, #tpu.memory_space<vmem>>
          %dma_wait3A_1088 = arith.constant 0 : i32
          %dma_wait3A_1089 = tpu.memref_slice %arg34[%dma_wait3A_1088] : memref<39424xf32, #tpu.memory_space<vmem_shared>> -> memref<39424xf32, #tpu.memory_space<vmem_shared>>
          tpu.wait_indirect_dma semaphore(%arg36 : memref<!tpu.dma_semaphore, #tpu.memory_space<semaphore_mem>>) src(%dma_wait3A_1084 : memref<128xf32, #tpu.memory_space<vmem>>) dst(%dma_wait3A_1089 : memref<39424xf32, #tpu.memory_space<vmem_shared>>)
          %dma_wait3A_1090 = arith.constant 23 : i32
          %dma_wait3A_1091 = arith.constant 23 : i32
          %dma_wait3A_1092 = arith.constant 0 : i32
          %dma_wait3A_1093 = tpu.memref_slice %arg32[%dma_wait3A_1090, %dma_wait3A_1092] : memref<30x128xf32, #tpu.memory_space<vmem>> -> memref<1x128xf32, #tpu.memory_space<vmem>>
          %dma_wait3A_1094 = tpu.memref_squeeze %dma_wait3A_1093 : memref<1x128xf32, #tpu.memory_space<vmem>> -> memref<128xf32, #tpu.memory_space<vmem>>
          %dma_wait3A_1095 = arith.constant 0 : i32
          %dma_wait3A_1096 = tpu.memref_slice %arg31[%dma_wait3A_1091, %dma_wait3A_1095] : memref<30x128xi32, #tpu.memory_space<vmem>> -> memref<1x128xi32, #tpu.memory_space<vmem>>
          %dma_wait3A_1097 = tpu.memref_squeeze %dma_wait3A_1096 : memref<1x128xi32, #tpu.memory_space<vmem>> -> memref<128xi32, #tpu.memory_space<vmem>>
          %dma_wait3A_1098 = arith.constant 0 : i32
          %dma_wait3A_1099 = tpu.memref_slice %arg34[%dma_wait3A_1098] : memref<39424xf32, #tpu.memory_space<vmem_shared>> -> memref<39424xf32, #tpu.memory_space<vmem_shared>>
          tpu.wait_indirect_dma semaphore(%arg36 : memref<!tpu.dma_semaphore, #tpu.memory_space<semaphore_mem>>) src(%dma_wait3A_1094 : memref<128xf32, #tpu.memory_space<vmem>>) dst(%dma_wait3A_1099 : memref<39424xf32, #tpu.memory_space<vmem_shared>>)
          %dma_wait3A_1100 = arith.constant 24 : i32
          %dma_wait3A_1101 = arith.constant 24 : i32
          %dma_wait3A_1102 = arith.constant 0 : i32
          %dma_wait3A_1103 = tpu.memref_slice %arg32[%dma_wait3A_1100, %dma_wait3A_1102] : memref<30x128xf32, #tpu.memory_space<vmem>> -> memref<1x128xf32, #tpu.memory_space<vmem>>
          %dma_wait3A_1104 = tpu.memref_squeeze %dma_wait3A_1103 : memref<1x128xf32, #tpu.memory_space<vmem>> -> memref<128xf32, #tpu.memory_space<vmem>>
          %dma_wait3A_1105 = arith.constant 0 : i32
          %dma_wait3A_1106 = tpu.memref_slice %arg31[%dma_wait3A_1101, %dma_wait3A_1105] : memref<30x128xi32, #tpu.memory_space<vmem>> -> memref<1x128xi32, #tpu.memory_space<vmem>>
          %dma_wait3A_1107 = tpu.memref_squeeze %dma_wait3A_1106 : memref<1x128xi32, #tpu.memory_space<vmem>> -> memref<128xi32, #tpu.memory_space<vmem>>
          %dma_wait3A_1108 = arith.constant 0 : i32
          %dma_wait3A_1109 = tpu.memref_slice %arg34[%dma_wait3A_1108] : memref<39424xf32, #tpu.memory_space<vmem_shared>> -> memref<39424xf32, #tpu.memory_space<vmem_shared>>
          tpu.wait_indirect_dma semaphore(%arg36 : memref<!tpu.dma_semaphore, #tpu.memory_space<semaphore_mem>>) src(%dma_wait3A_1104 : memref<128xf32, #tpu.memory_space<vmem>>) dst(%dma_wait3A_1109 : memref<39424xf32, #tpu.memory_space<vmem_shared>>)
          %dma_wait3A_1110 = arith.constant 25 : i32
          %dma_wait3A_1111 = arith.constant 25 : i32
          %dma_wait3A_1112 = arith.constant 0 : i32
          %dma_wait3A_1113 = tpu.memref_slice %arg32[%dma_wait3A_1110, %dma_wait3A_1112] : memref<30x128xf32, #tpu.memory_space<vmem>> -> memref<1x128xf32, #tpu.memory_space<vmem>>
          %dma_wait3A_1114 = tpu.memref_squeeze %dma_wait3A_1113 : memref<1x128xf32, #tpu.memory_space<vmem>> -> memref<128xf32, #tpu.memory_space<vmem>>
          %dma_wait3A_1115 = arith.constant 0 : i32
          %dma_wait3A_1116 = tpu.memref_slice %arg31[%dma_wait3A_1111, %dma_wait3A_1115] : memref<30x128xi32, #tpu.memory_space<vmem>> -> memref<1x128xi32, #tpu.memory_space<vmem>>
          %dma_wait3A_1117 = tpu.memref_squeeze %dma_wait3A_1116 : memref<1x128xi32, #tpu.memory_space<vmem>> -> memref<128xi32, #tpu.memory_space<vmem>>
          %dma_wait3A_1118 = arith.constant 0 : i32
          %dma_wait3A_1119 = tpu.memref_slice %arg34[%dma_wait3A_1118] : memref<39424xf32, #tpu.memory_space<vmem_shared>> -> memref<39424xf32, #tpu.memory_space<vmem_shared>>
          tpu.wait_indirect_dma semaphore(%arg36 : memref<!tpu.dma_semaphore, #tpu.memory_space<semaphore_mem>>) src(%dma_wait3A_1114 : memref<128xf32, #tpu.memory_space<vmem>>) dst(%dma_wait3A_1119 : memref<39424xf32, #tpu.memory_space<vmem_shared>>)
          %dma_wait3A_1120 = arith.constant 26 : i32
          %dma_wait3A_1121 = arith.constant 26 : i32
          %dma_wait3A_1122 = arith.constant 0 : i32
          %dma_wait3A_1123 = tpu.memref_slice %arg32[%dma_wait3A_1120, %dma_wait3A_1122] : memref<30x128xf32, #tpu.memory_space<vmem>> -> memref<1x128xf32, #tpu.memory_space<vmem>>
          %dma_wait3A_1124 = tpu.memref_squeeze %dma_wait3A_1123 : memref<1x128xf32, #tpu.memory_space<vmem>> -> memref<128xf32, #tpu.memory_space<vmem>>
          %dma_wait3A_1125 = arith.constant 0 : i32
          %dma_wait3A_1126 = tpu.memref_slice %arg31[%dma_wait3A_1121, %dma_wait3A_1125] : memref<30x128xi32, #tpu.memory_space<vmem>> -> memref<1x128xi32, #tpu.memory_space<vmem>>
          %dma_wait3A_1127 = tpu.memref_squeeze %dma_wait3A_1126 : memref<1x128xi32, #tpu.memory_space<vmem>> -> memref<128xi32, #tpu.memory_space<vmem>>
          %dma_wait3A_1128 = arith.constant 0 : i32
          %dma_wait3A_1129 = tpu.memref_slice %arg34[%dma_wait3A_1128] : memref<39424xf32, #tpu.memory_space<vmem_shared>> -> memref<39424xf32, #tpu.memory_space<vmem_shared>>
          tpu.wait_indirect_dma semaphore(%arg36 : memref<!tpu.dma_semaphore, #tpu.memory_space<semaphore_mem>>) src(%dma_wait3A_1124 : memref<128xf32, #tpu.memory_space<vmem>>) dst(%dma_wait3A_1129 : memref<39424xf32, #tpu.memory_space<vmem_shared>>)
          %dma_wait3A_1130 = arith.constant 27 : i32
          %dma_wait3A_1131 = arith.constant 27 : i32
          %dma_wait3A_1132 = arith.constant 0 : i32
          %dma_wait3A_1133 = tpu.memref_slice %arg32[%dma_wait3A_1130, %dma_wait3A_1132] : memref<30x128xf32, #tpu.memory_space<vmem>> -> memref<1x128xf32, #tpu.memory_space<vmem>>
          %dma_wait3A_1134 = tpu.memref_squeeze %dma_wait3A_1133 : memref<1x128xf32, #tpu.memory_space<vmem>> -> memref<128xf32, #tpu.memory_space<vmem>>
          %dma_wait3A_1135 = arith.constant 0 : i32
          %dma_wait3A_1136 = tpu.memref_slice %arg31[%dma_wait3A_1131, %dma_wait3A_1135] : memref<30x128xi32, #tpu.memory_space<vmem>> -> memref<1x128xi32, #tpu.memory_space<vmem>>
          %dma_wait3A_1137 = tpu.memref_squeeze %dma_wait3A_1136 : memref<1x128xi32, #tpu.memory_space<vmem>> -> memref<128xi32, #tpu.memory_space<vmem>>
          %dma_wait3A_1138 = arith.constant 0 : i32
          %dma_wait3A_1139 = tpu.memref_slice %arg34[%dma_wait3A_1138] : memref<39424xf32, #tpu.memory_space<vmem_shared>> -> memref<39424xf32, #tpu.memory_space<vmem_shared>>
          tpu.wait_indirect_dma semaphore(%arg36 : memref<!tpu.dma_semaphore, #tpu.memory_space<semaphore_mem>>) src(%dma_wait3A_1134 : memref<128xf32, #tpu.memory_space<vmem>>) dst(%dma_wait3A_1139 : memref<39424xf32, #tpu.memory_space<vmem_shared>>)
          %dma_wait3A_1140 = arith.constant 28 : i32
          %dma_wait3A_1141 = arith.constant 28 : i32
          %dma_wait3A_1142 = arith.constant 0 : i32
          %dma_wait3A_1143 = tpu.memref_slice %arg32[%dma_wait3A_1140, %dma_wait3A_1142] : memref<30x128xf32, #tpu.memory_space<vmem>> -> memref<1x128xf32, #tpu.memory_space<vmem>>
          %dma_wait3A_1144 = tpu.memref_squeeze %dma_wait3A_1143 : memref<1x128xf32, #tpu.memory_space<vmem>> -> memref<128xf32, #tpu.memory_space<vmem>>
          %dma_wait3A_1145 = arith.constant 0 : i32
          %dma_wait3A_1146 = tpu.memref_slice %arg31[%dma_wait3A_1141, %dma_wait3A_1145] : memref<30x128xi32, #tpu.memory_space<vmem>> -> memref<1x128xi32, #tpu.memory_space<vmem>>
          %dma_wait3A_1147 = tpu.memref_squeeze %dma_wait3A_1146 : memref<1x128xi32, #tpu.memory_space<vmem>> -> memref<128xi32, #tpu.memory_space<vmem>>
          %dma_wait3A_1148 = arith.constant 0 : i32
          %dma_wait3A_1149 = tpu.memref_slice %arg34[%dma_wait3A_1148] : memref<39424xf32, #tpu.memory_space<vmem_shared>> -> memref<39424xf32, #tpu.memory_space<vmem_shared>>
          tpu.wait_indirect_dma semaphore(%arg36 : memref<!tpu.dma_semaphore, #tpu.memory_space<semaphore_mem>>) src(%dma_wait3A_1144 : memref<128xf32, #tpu.memory_space<vmem>>) dst(%dma_wait3A_1149 : memref<39424xf32, #tpu.memory_space<vmem_shared>>)
          %dma_wait3A_1150 = arith.constant 29 : i32
          %dma_wait3A_1151 = arith.constant 29 : i32
          %dma_wait3A_1152 = arith.constant 0 : i32
          %dma_wait3A_1153 = tpu.memref_slice %arg32[%dma_wait3A_1150, %dma_wait3A_1152] : memref<30x128xf32, #tpu.memory_space<vmem>> -> memref<1x128xf32, #tpu.memory_space<vmem>>
          %dma_wait3A_1154 = tpu.memref_squeeze %dma_wait3A_1153 : memref<1x128xf32, #tpu.memory_space<vmem>> -> memref<128xf32, #tpu.memory_space<vmem>>
          %dma_wait3A_1155 = arith.constant 0 : i32
          %dma_wait3A_1156 = tpu.memref_slice %arg31[%dma_wait3A_1151, %dma_wait3A_1155] : memref<30x128xi32, #tpu.memory_space<vmem>> -> memref<1x128xi32, #tpu.memory_space<vmem>>
          %dma_wait3A_1157 = tpu.memref_squeeze %dma_wait3A_1156 : memref<1x128xi32, #tpu.memory_space<vmem>> -> memref<128xi32, #tpu.memory_space<vmem>>
          %dma_wait3A_1158 = arith.constant 0 : i32
          %dma_wait3A_1159 = tpu.memref_slice %arg34[%dma_wait3A_1158] : memref<39424xf32, #tpu.memory_space<vmem_shared>> -> memref<39424xf32, #tpu.memory_space<vmem_shared>>
          tpu.wait_indirect_dma semaphore(%arg36 : memref<!tpu.dma_semaphore, #tpu.memory_space<semaphore_mem>>) src(%dma_wait3A_1154 : memref<128xf32, #tpu.memory_space<vmem>>) dst(%dma_wait3A_1159 : memref<39424xf32, #tpu.memory_space<vmem_shared>>)
        } else {
        }
        %mul3A_828 = arith.constant 2 : i32
        %mul3A_829 = arith.muli %mul3A_828, %scan3A_487 : i32
        %add3A_830 = arith.constant 1 : i32
        %add3A_831 = arith.addi %mul3A_829, %add3A_830 : i32
        %mul3A_832 = arith.constant 16 : i32
        %mul3A_833 = arith.muli %add3A_831, %mul3A_832 : i32
        %get3A_834 = arith.index_cast %mul3A_833 : i32 to index
        %get3A_835 = tpu.vector_load %arg16[%get3A_834] {strides = array<i32>} : memref<640xf32, #tpu.memory_space<vmem>>, vector<16xf32>,
        %get3A_836 = arith.index_cast %mul3A_833 : i32 to index
        %get3A_837 = tpu.vector_load %arg26[%get3A_836] {strides = array<i32>} : memref<640xi32, #tpu.memory_space<vmem>>, vector<16xi32>,
        %get3A_838 = arith.index_cast %mul3A_833 : i32 to index
        %get3A_839 = tpu.vector_load %arg18[%get3A_838] {strides = array<i32>} : memref<640xf32, #tpu.memory_space<vmem>>, vector<16xf32>,
        %get3A_840 = arith.index_cast %mul3A_833 : i32 to index
        %get3A_841 = tpu.vector_load %arg19[%get3A_840] {strides = array<i32>} : memref<640xf32, #tpu.memory_space<vmem>>, vector<16xf32>,
        %get3A_842 = arith.index_cast %mul3A_833 : i32 to index
        %get3A_843 = tpu.vector_load %arg21[%get3A_842] {strides = array<i32>} : memref<640xf32, #tpu.memory_space<vmem>>, vector<16xf32>,
        %get3A_844 = arith.index_cast %mul3A_833 : i32 to index
        %get3A_845 = tpu.vector_load %arg22[%get3A_844] {strides = array<i32>} : memref<640xf32, #tpu.memory_space<vmem>>, vector<16xf32>,
        %get3A_846 = arith.index_cast %mul3A_833 : i32 to index
        %get3A_847 = tpu.vector_load %arg23[%get3A_846] {strides = array<i32>} : memref<640xf32, #tpu.memory_space<vmem>>, vector<16xf32>,
        %get3A_848 = arith.index_cast %mul3A_833 : i32 to index
        %get3A_849 = tpu.vector_load %arg24[%get3A_848] {strides = array<i32>} : memref<640xf32, #tpu.memory_space<vmem>>, vector<16xf32>,
        %get3A_850 = arith.index_cast %mul3A_833 : i32 to index
        %get3A_851 = tpu.vector_load %arg25[%get3A_850] {strides = array<i32>} : memref<640xf32, #tpu.memory_space<vmem>>, vector<16xf32>,
        %scan3A_852 = arith.constant 0 : i32
        %scan3A_853 = arith.constant 0 : i32
        %scan3A_854 = arith.constant 0 : i32
        %scan3A_855 = arith.constant 30 : i32
        %scan3A_856 = arith.addi %scan3A_854, %scan3A_855 : i32
        %scan3A_857 = arith.constant 1 : i32
        %scan3A_858:2 = scf.for %scan3A_1010 = %scan3A_854 to %scan3A_856 step %scan3A_857 iter_args(%scan3A_1011 = %scan3A_852, %scan3A_1012 = %scan3A_853) -> (i32, i32)  : i32 {
          %get3A_1013 = arith.index_cast %scan3A_1011 : i32 to index
          %get3A_1014 = tpu.vector_load %arg29[%get3A_1013] {strides = array<i32>} : memref<480xf32, #tpu.memory_space<vmem>>, vector<16xf32>,
          %get3A_1015 = arith.index_cast %scan3A_1011 : i32 to index
          %get3A_1016 = tpu.vector_load %arg30[%get3A_1015] {strides = array<i32>} : memref<480xf32, #tpu.memory_space<vmem>>, vector<16xf32>,
          %mul3A_1017 = arith.mulf %get3A_1014, %get3A_841 : vector<16xf32>
          %mul3A_1018 = arith.mulf %get3A_1016, %get3A_843 : vector<16xf32>
          %sub3A_1019 = arith.subf %mul3A_1017, %mul3A_1018 : vector<16xf32>
          %mul3A_1020 = arith.mulf %get3A_1016, %get3A_841 : vector<16xf32>
          %mul3A_1021 = arith.mulf %get3A_1014, %get3A_843 : vector<16xf32>
          %add3A_1022 = arith.addf %mul3A_1020, %mul3A_1021 : vector<16xf32>
          %mul3A_1023 = arith.mulf %get3A_847, %get3A_1014 : vector<16xf32>
          %mul3A_1024 = arith.mulf %get3A_847, %get3A_1016 : vector<16xf32>
          %sub3A_1025 = arith.subf %get3A_835, %sub3A_1019 : vector<16xf32>
          %sub3A_1026 = arith.subf %get3A_839, %add3A_1022 : vector<16xf32>
          %add3A_1027 = arith.addf %mul3A_1023, %get3A_849 : vector<16xf32>
          %add3A_1028 = arith.addf %mul3A_1024, %get3A_851 : vector<16xf32>
          %jit3A = arith.constant 0.000000e+00 : f32
          %jit3A_1029 = arith.constant 3.300000e+01 : f32
          %max3A = vector.broadcast %jit3A : f32 to vector<16xf32>
          %max3A_1030 = arith.maximumf %max3A, %sub3A_1025 : vector<16xf32>
          %min3A = vector.broadcast %jit3A_1029 : f32 to vector<16xf32>
          %min3A_1031 = arith.minimumf %min3A, %max3A_1030 : vector<16xf32>
          %convert_element_type3A_1032 = arith.fptosi %min3A_1031 : vector<16xf32> to vector<16xi32>
          %jit3A_1033 = arith.constant 0.000000e+00 : f32
          %jit3A_1034 = arith.constant 3.300000e+01 : f32
          %max3A_1035 = vector.broadcast %jit3A_1033 : f32 to vector<16xf32>
          %max3A_1036 = arith.maximumf %max3A_1035, %sub3A_1026 : vector<16xf32>
          %min3A_1037 = vector.broadcast %jit3A_1034 : f32 to vector<16xf32>
          %min3A_1038 = arith.minimumf %min3A_1037, %max3A_1036 : vector<16xf32>
          %convert_element_type3A_1039 = arith.fptosi %min3A_1038 : vector<16xf32> to vector<16xi32>
          %mul3A_1040 = arith.constant 1156 : i32
          %mul3A_1041 = vector.broadcast %mul3A_1040 : i32 to vector<16xi32>
          %mul3A_1042 = arith.muli %convert_element_type3A_1032, %mul3A_1041 : vector<16xi32>
          %add3A_1043 = arith.addi %mul3A_1042, %get3A_837 : vector<16xi32>
          %add3A_1044 = arith.addi %add3A_1043, %convert_element_type3A_1039 : vector<16xi32>
          %shift_right_arithmetic3A = arith.constant 3 : i32
          %shift_right_arithmetic3A_1045 = arith.shrsi %scan3A_1012, %shift_right_arithmetic3A : i32
          %add3A_1046 = arith.constant 15 : i32
          %add3A_1047 = arith.addi %add3A_1046, %shift_right_arithmetic3A_1045 : i32
          %and3A = arith.constant 7 : i32
          %and3A_1048 = arith.andi %scan3A_1012, %and3A : i32
          %mul3A_1049 = arith.constant 16 : i32
          %mul3A_1050 = arith.muli %and3A_1048, %mul3A_1049 : i32
          %swap3A = arith.index_cast %add3A_1047 : i32 to index
          %swap3A_1051 = arith.index_cast %mul3A_1050 : i32 to index
          %swap3A_1052 = tpu.vector_load %arg31[%swap3A, %swap3A_1051] {strides = array<i32>} : memref<30x128xi32, #tpu.memory_space<vmem>>, vector<16xi32>,
          tpu.vector_store %arg31[%swap3A, %swap3A_1051], %add3A_1044 {strides = array<i32>} : memref<30x128xi32, #tpu.memory_space<vmem>>, vector<16xi32>,
          %swap3A_1053 = arith.index_cast %add3A_1047 : i32 to index
          %swap3A_1054 = arith.index_cast %mul3A_1050 : i32 to index
          %swap3A_1055 = tpu.vector_load %arg32[%swap3A_1053, %swap3A_1054] {strides = array<i32>} : memref<30x128xf32, #tpu.memory_space<vmem>>, vector<16xf32>,
          tpu.vector_store %arg32[%swap3A_1053, %swap3A_1054], %get3A_845 {strides = array<i32>} : memref<30x128xf32, #tpu.memory_space<vmem>>, vector<16xf32>,
          tpu.vector_store_idx %arg27[%add3A_1044], %add3A_1027 {add = true} : memref<39424xf32, #tpu.memory_space<vmem>>[vector<16xi32>], vector<16xf32>,
          tpu.vector_store_idx %arg28[%add3A_1044], %add3A_1028 {add = true} : memref<39424xf32, #tpu.memory_space<vmem>>[vector<16xi32>], vector<16xf32>,
          %add3A_1056 = arith.constant 1 : i32
          %add3A_1057 = arith.addi %scan3A_1012, %add3A_1056 : i32
          %add3A_1058 = arith.addf %get3A_835, %add3A_1022 : vector<16xf32>
          %sub3A_1059 = arith.subf %get3A_839, %sub3A_1019 : vector<16xf32>
          %sub3A_1060 = arith.subf %get3A_849, %mul3A_1024 : vector<16xf32>
          %add3A_1061 = arith.addf %mul3A_1023, %get3A_851 : vector<16xf32>
          %jit3A_1062 = arith.constant 0.000000e+00 : f32
          %jit3A_1063 = arith.constant 3.300000e+01 : f32
          %max3A_1064 = vector.broadcast %jit3A_1062 : f32 to vector<16xf32>
          %max3A_1065 = arith.maximumf %max3A_1064, %add3A_1058 : vector<16xf32>
          %min3A_1066 = vector.broadcast %jit3A_1063 : f32 to vector<16xf32>
          %min3A_1067 = arith.minimumf %min3A_1066, %max3A_1065 : vector<16xf32>
          %convert_element_type3A_1068 = arith.fptosi %min3A_1067 : vector<16xf32> to vector<16xi32>
          %jit3A_1069 = arith.constant 0.000000e+00 : f32
          %jit3A_1070 = arith.constant 3.300000e+01 : f32
          %max3A_1071 = vector.broadcast %jit3A_1069 : f32 to vector<16xf32>
          %max3A_1072 = arith.maximumf %max3A_1071, %sub3A_1059 : vector<16xf32>
          %min3A_1073 = vector.broadcast %jit3A_1070 : f32 to vector<16xf32>
          %min3A_1074 = arith.minimumf %min3A_1073, %max3A_1072 : vector<16xf32>
          %convert_element_type3A_1075 = arith.fptosi %min3A_1074 : vector<16xf32> to vector<16xi32>
          %mul3A_1076 = arith.constant 1156 : i32
          %mul3A_1077 = vector.broadcast %mul3A_1076 : i32 to vector<16xi32>
          %mul3A_1078 = arith.muli %convert_element_type3A_1068, %mul3A_1077 : vector<16xi32>
          %add3A_1079 = arith.addi %mul3A_1078, %get3A_837 : vector<16xi32>
          %add3A_1080 = arith.addi %add3A_1079, %convert_element_type3A_1075 : vector<16xi32>
          %shift_right_arithmetic3A_1081 = arith.constant 3 : i32
          %shift_right_arithmetic3A_1082 = arith.shrsi %add3A_1057, %shift_right_arithmetic3A_1081 : i32
          %add3A_1083 = arith.constant 15 : i32
          %add3A_1084 = arith.addi %add3A_1083, %shift_right_arithmetic3A_1082 : i32
          %and3A_1085 = arith.constant 7 : i32
          %and3A_1086 = arith.andi %add3A_1057, %and3A_1085 : i32
          %mul3A_1087 = arith.constant 16 : i32
          %mul3A_1088 = arith.muli %and3A_1086, %mul3A_1087 : i32
          %swap3A_1089 = arith.index_cast %add3A_1084 : i32 to index
          %swap3A_1090 = arith.index_cast %mul3A_1088 : i32 to index
          %swap3A_1091 = tpu.vector_load %arg31[%swap3A_1089, %swap3A_1090] {strides = array<i32>} : memref<30x128xi32, #tpu.memory_space<vmem>>, vector<16xi32>,
          tpu.vector_store %arg31[%swap3A_1089, %swap3A_1090], %add3A_1080 {strides = array<i32>} : memref<30x128xi32, #tpu.memory_space<vmem>>, vector<16xi32>,
          %swap3A_1092 = arith.index_cast %add3A_1084 : i32 to index
          %swap3A_1093 = arith.index_cast %mul3A_1088 : i32 to index
          %swap3A_1094 = tpu.vector_load %arg32[%swap3A_1092, %swap3A_1093] {strides = array<i32>} : memref<30x128xf32, #tpu.memory_space<vmem>>, vector<16xf32>,
          tpu.vector_store %arg32[%swap3A_1092, %swap3A_1093], %get3A_845 {strides = array<i32>} : memref<30x128xf32, #tpu.memory_space<vmem>>, vector<16xf32>,
          tpu.vector_store_idx %arg27[%add3A_1080], %sub3A_1060 {add = true} : memref<39424xf32, #tpu.memory_space<vmem>>[vector<16xi32>], vector<16xf32>,
          tpu.vector_store_idx %arg28[%add3A_1080], %add3A_1061 {add = true} : memref<39424xf32, #tpu.memory_space<vmem>>[vector<16xi32>], vector<16xf32>,
          %add3A_1095 = arith.constant 2 : i32
          %add3A_1096 = arith.addi %scan3A_1012, %add3A_1095 : i32
          %add3A_1097 = arith.addf %get3A_835, %sub3A_1019 : vector<16xf32>
          %add3A_1098 = arith.addf %get3A_839, %add3A_1022 : vector<16xf32>
          %sub3A_1099 = arith.subf %get3A_849, %mul3A_1023 : vector<16xf32>
          %sub3A_1100 = arith.subf %get3A_851, %mul3A_1024 : vector<16xf32>
          %jit3A_1101 = arith.constant 0.000000e+00 : f32
          %jit3A_1102 = arith.constant 3.300000e+01 : f32
          %max3A_1103 = vector.broadcast %jit3A_1101 : f32 to vector<16xf32>
          %max3A_1104 = arith.maximumf %max3A_1103, %add3A_1097 : vector<16xf32>
          %min3A_1105 = vector.broadcast %jit3A_1102 : f32 to vector<16xf32>
          %min3A_1106 = arith.minimumf %min3A_1105, %max3A_1104 : vector<16xf32>
          %convert_element_type3A_1107 = arith.fptosi %min3A_1106 : vector<16xf32> to vector<16xi32>
          %jit3A_1108 = arith.constant 0.000000e+00 : f32
          %jit3A_1109 = arith.constant 3.300000e+01 : f32
          %max3A_1110 = vector.broadcast %jit3A_1108 : f32 to vector<16xf32>
          %max3A_1111 = arith.maximumf %max3A_1110, %add3A_1098 : vector<16xf32>
          %min3A_1112 = vector.broadcast %jit3A_1109 : f32 to vector<16xf32>
          %min3A_1113 = arith.minimumf %min3A_1112, %max3A_1111 : vector<16xf32>
          %convert_element_type3A_1114 = arith.fptosi %min3A_1113 : vector<16xf32> to vector<16xi32>
          %mul3A_1115 = arith.constant 1156 : i32
          %mul3A_1116 = vector.broadcast %mul3A_1115 : i32 to vector<16xi32>
          %mul3A_1117 = arith.muli %convert_element_type3A_1107, %mul3A_1116 : vector<16xi32>
          %add3A_1118 = arith.addi %mul3A_1117, %get3A_837 : vector<16xi32>
          %add3A_1119 = arith.addi %add3A_1118, %convert_element_type3A_1114 : vector<16xi32>
          %shift_right_arithmetic3A_1120 = arith.constant 3 : i32
          %shift_right_arithmetic3A_1121 = arith.shrsi %add3A_1096, %shift_right_arithmetic3A_1120 : i32
          %add3A_1122 = arith.constant 15 : i32
          %add3A_1123 = arith.addi %add3A_1122, %shift_right_arithmetic3A_1121 : i32
          %and3A_1124 = arith.constant 7 : i32
          %and3A_1125 = arith.andi %add3A_1096, %and3A_1124 : i32
          %mul3A_1126 = arith.constant 16 : i32
          %mul3A_1127 = arith.muli %and3A_1125, %mul3A_1126 : i32
          %swap3A_1128 = arith.index_cast %add3A_1123 : i32 to index
          %swap3A_1129 = arith.index_cast %mul3A_1127 : i32 to index
          %swap3A_1130 = tpu.vector_load %arg31[%swap3A_1128, %swap3A_1129] {strides = array<i32>} : memref<30x128xi32, #tpu.memory_space<vmem>>, vector<16xi32>,
          tpu.vector_store %arg31[%swap3A_1128, %swap3A_1129], %add3A_1119 {strides = array<i32>} : memref<30x128xi32, #tpu.memory_space<vmem>>, vector<16xi32>,
          %swap3A_1131 = arith.index_cast %add3A_1123 : i32 to index
          %swap3A_1132 = arith.index_cast %mul3A_1127 : i32 to index
          %swap3A_1133 = tpu.vector_load %arg32[%swap3A_1131, %swap3A_1132] {strides = array<i32>} : memref<30x128xf32, #tpu.memory_space<vmem>>, vector<16xf32>,
          tpu.vector_store %arg32[%swap3A_1131, %swap3A_1132], %get3A_845 {strides = array<i32>} : memref<30x128xf32, #tpu.memory_space<vmem>>, vector<16xf32>,
          tpu.vector_store_idx %arg27[%add3A_1119], %sub3A_1099 {add = true} : memref<39424xf32, #tpu.memory_space<vmem>>[vector<16xi32>], vector<16xf32>,
          tpu.vector_store_idx %arg28[%add3A_1119], %sub3A_1100 {add = true} : memref<39424xf32, #tpu.memory_space<vmem>>[vector<16xi32>], vector<16xf32>,
          %add3A_1134 = arith.constant 3 : i32
          %add3A_1135 = arith.addi %scan3A_1012, %add3A_1134 : i32
          %sub3A_1136 = arith.subf %get3A_835, %add3A_1022 : vector<16xf32>
          %add3A_1137 = arith.addf %get3A_839, %sub3A_1019 : vector<16xf32>
          %add3A_1138 = arith.addf %get3A_849, %mul3A_1024 : vector<16xf32>
          %sub3A_1139 = arith.subf %get3A_851, %mul3A_1023 : vector<16xf32>
          %jit3A_1140 = arith.constant 0.000000e+00 : f32
          %jit3A_1141 = arith.constant 3.300000e+01 : f32
          %max3A_1142 = vector.broadcast %jit3A_1140 : f32 to vector<16xf32>
          %max3A_1143 = arith.maximumf %max3A_1142, %sub3A_1136 : vector<16xf32>
          %min3A_1144 = vector.broadcast %jit3A_1141 : f32 to vector<16xf32>
          %min3A_1145 = arith.minimumf %min3A_1144, %max3A_1143 : vector<16xf32>
          %convert_element_type3A_1146 = arith.fptosi %min3A_1145 : vector<16xf32> to vector<16xi32>
          %jit3A_1147 = arith.constant 0.000000e+00 : f32
          %jit3A_1148 = arith.constant 3.300000e+01 : f32
          %max3A_1149 = vector.broadcast %jit3A_1147 : f32 to vector<16xf32>
          %max3A_1150 = arith.maximumf %max3A_1149, %add3A_1137 : vector<16xf32>
          %min3A_1151 = vector.broadcast %jit3A_1148 : f32 to vector<16xf32>
          %min3A_1152 = arith.minimumf %min3A_1151, %max3A_1150 : vector<16xf32>
          %convert_element_type3A_1153 = arith.fptosi %min3A_1152 : vector<16xf32> to vector<16xi32>
          %mul3A_1154 = arith.constant 1156 : i32
          %mul3A_1155 = vector.broadcast %mul3A_1154 : i32 to vector<16xi32>
          %mul3A_1156 = arith.muli %convert_element_type3A_1146, %mul3A_1155 : vector<16xi32>
          %add3A_1157 = arith.addi %mul3A_1156, %get3A_837 : vector<16xi32>
          %add3A_1158 = arith.addi %add3A_1157, %convert_element_type3A_1153 : vector<16xi32>
          %shift_right_arithmetic3A_1159 = arith.constant 3 : i32
          %shift_right_arithmetic3A_1160 = arith.shrsi %add3A_1135, %shift_right_arithmetic3A_1159 : i32
          %add3A_1161 = arith.constant 15 : i32
          %add3A_1162 = arith.addi %add3A_1161, %shift_right_arithmetic3A_1160 : i32
          %and3A_1163 = arith.constant 7 : i32
          %and3A_1164 = arith.andi %add3A_1135, %and3A_1163 : i32
          %mul3A_1165 = arith.constant 16 : i32
          %mul3A_1166 = arith.muli %and3A_1164, %mul3A_1165 : i32
          %swap3A_1167 = arith.index_cast %add3A_1162 : i32 to index
          %swap3A_1168 = arith.index_cast %mul3A_1166 : i32 to index
          %swap3A_1169 = tpu.vector_load %arg31[%swap3A_1167, %swap3A_1168] {strides = array<i32>} : memref<30x128xi32, #tpu.memory_space<vmem>>, vector<16xi32>,
          tpu.vector_store %arg31[%swap3A_1167, %swap3A_1168], %add3A_1158 {strides = array<i32>} : memref<30x128xi32, #tpu.memory_space<vmem>>, vector<16xi32>,
          %swap3A_1170 = arith.index_cast %add3A_1162 : i32 to index
          %swap3A_1171 = arith.index_cast %mul3A_1166 : i32 to index
          %swap3A_1172 = tpu.vector_load %arg32[%swap3A_1170, %swap3A_1171] {strides = array<i32>} : memref<30x128xf32, #tpu.memory_space<vmem>>, vector<16xf32>,
          tpu.vector_store %arg32[%swap3A_1170, %swap3A_1171], %get3A_845 {strides = array<i32>} : memref<30x128xf32, #tpu.memory_space<vmem>>, vector<16xf32>,
          tpu.vector_store_idx %arg27[%add3A_1158], %add3A_1138 {add = true} : memref<39424xf32, #tpu.memory_space<vmem>>[vector<16xi32>], vector<16xf32>,
          tpu.vector_store_idx %arg28[%add3A_1158], %sub3A_1139 {add = true} : memref<39424xf32, #tpu.memory_space<vmem>>[vector<16xi32>], vector<16xf32>,
          %add3A_1173 = arith.constant 16 : i32
          %add3A_1174 = arith.addi %scan3A_1011, %add3A_1173 : i32
          %add3A_1175 = arith.constant 4 : i32
          %add3A_1176 = arith.addi %scan3A_1012, %add3A_1175 : i32
          scf.yield %add3A_1174, %add3A_1176 : i32, i32
        }
        %scan3A_859 = arith.constant 30 : i32
        %dma_start3A_860 = arith.constant 15 : i32
        %dma_start3A_861 = arith.constant 15 : i32
        %dma_start3A_862 = arith.constant 0 : i32
        %dma_start3A_863 = tpu.memref_slice %arg32[%dma_start3A_860, %dma_start3A_862] : memref<30x128xf32, #tpu.memory_space<vmem>> -> memref<1x128xf32, #tpu.memory_space<vmem>>
        %dma_start3A_864 = tpu.memref_squeeze %dma_start3A_863 : memref<1x128xf32, #tpu.memory_space<vmem>> -> memref<128xf32, #tpu.memory_space<vmem>>
        %dma_start3A_865 = arith.constant 0 : i32
        %dma_start3A_866 = tpu.memref_slice %arg31[%dma_start3A_861, %dma_start3A_865] : memref<30x128xi32, #tpu.memory_space<vmem>> -> memref<1x128xi32, #tpu.memory_space<vmem>>
        %dma_start3A_867 = tpu.memref_squeeze %dma_start3A_866 : memref<1x128xi32, #tpu.memory_space<vmem>> -> memref<128xi32, #tpu.memory_space<vmem>>
        %dma_start3A_868 = arith.constant 0 : i32
        %dma_start3A_869 = tpu.memref_slice %arg34[%dma_start3A_868] : memref<39424xf32, #tpu.memory_space<vmem_shared>> -> memref<39424xf32, #tpu.memory_space<vmem_shared>>
        tpu.enqueue_indirect_dma source(%dma_start3A_864 : memref<128xf32, #tpu.memory_space<vmem>>) target(%dma_start3A_869 : memref<39424xf32, #tpu.memory_space<vmem_shared>>) offsets(%dma_start3A_867 : memref<128xi32, #tpu.memory_space<vmem>>) semaphore(%arg36 : memref<!tpu.dma_semaphore, #tpu.memory_space<semaphore_mem>>) {add = true}
        %dma_start3A_870 = arith.constant 16 : i32
        %dma_start3A_871 = arith.constant 16 : i32
        %dma_start3A_872 = arith.constant 0 : i32
        %dma_start3A_873 = tpu.memref_slice %arg32[%dma_start3A_870, %dma_start3A_872] : memref<30x128xf32, #tpu.memory_space<vmem>> -> memref<1x128xf32, #tpu.memory_space<vmem>>
        %dma_start3A_874 = tpu.memref_squeeze %dma_start3A_873 : memref<1x128xf32, #tpu.memory_space<vmem>> -> memref<128xf32, #tpu.memory_space<vmem>>
        %dma_start3A_875 = arith.constant 0 : i32
        %dma_start3A_876 = tpu.memref_slice %arg31[%dma_start3A_871, %dma_start3A_875] : memref<30x128xi32, #tpu.memory_space<vmem>> -> memref<1x128xi32, #tpu.memory_space<vmem>>
        %dma_start3A_877 = tpu.memref_squeeze %dma_start3A_876 : memref<1x128xi32, #tpu.memory_space<vmem>> -> memref<128xi32, #tpu.memory_space<vmem>>
        %dma_start3A_878 = arith.constant 0 : i32
        %dma_start3A_879 = tpu.memref_slice %arg34[%dma_start3A_878] : memref<39424xf32, #tpu.memory_space<vmem_shared>> -> memref<39424xf32, #tpu.memory_space<vmem_shared>>
        tpu.enqueue_indirect_dma source(%dma_start3A_874 : memref<128xf32, #tpu.memory_space<vmem>>) target(%dma_start3A_879 : memref<39424xf32, #tpu.memory_space<vmem_shared>>) offsets(%dma_start3A_877 : memref<128xi32, #tpu.memory_space<vmem>>) semaphore(%arg36 : memref<!tpu.dma_semaphore, #tpu.memory_space<semaphore_mem>>) {add = true}
        %dma_start3A_880 = arith.constant 17 : i32
        %dma_start3A_881 = arith.constant 17 : i32
        %dma_start3A_882 = arith.constant 0 : i32
        %dma_start3A_883 = tpu.memref_slice %arg32[%dma_start3A_880, %dma_start3A_882] : memref<30x128xf32, #tpu.memory_space<vmem>> -> memref<1x128xf32, #tpu.memory_space<vmem>>
        %dma_start3A_884 = tpu.memref_squeeze %dma_start3A_883 : memref<1x128xf32, #tpu.memory_space<vmem>> -> memref<128xf32, #tpu.memory_space<vmem>>
        %dma_start3A_885 = arith.constant 0 : i32
        %dma_start3A_886 = tpu.memref_slice %arg31[%dma_start3A_881, %dma_start3A_885] : memref<30x128xi32, #tpu.memory_space<vmem>> -> memref<1x128xi32, #tpu.memory_space<vmem>>
        %dma_start3A_887 = tpu.memref_squeeze %dma_start3A_886 : memref<1x128xi32, #tpu.memory_space<vmem>> -> memref<128xi32, #tpu.memory_space<vmem>>
        %dma_start3A_888 = arith.constant 0 : i32
        %dma_start3A_889 = tpu.memref_slice %arg34[%dma_start3A_888] : memref<39424xf32, #tpu.memory_space<vmem_shared>> -> memref<39424xf32, #tpu.memory_space<vmem_shared>>
        tpu.enqueue_indirect_dma source(%dma_start3A_884 : memref<128xf32, #tpu.memory_space<vmem>>) target(%dma_start3A_889 : memref<39424xf32, #tpu.memory_space<vmem_shared>>) offsets(%dma_start3A_887 : memref<128xi32, #tpu.memory_space<vmem>>) semaphore(%arg36 : memref<!tpu.dma_semaphore, #tpu.memory_space<semaphore_mem>>) {add = true}
        %dma_start3A_890 = arith.constant 18 : i32
        %dma_start3A_891 = arith.constant 18 : i32
        %dma_start3A_892 = arith.constant 0 : i32
        %dma_start3A_893 = tpu.memref_slice %arg32[%dma_start3A_890, %dma_start3A_892] : memref<30x128xf32, #tpu.memory_space<vmem>> -> memref<1x128xf32, #tpu.memory_space<vmem>>
        %dma_start3A_894 = tpu.memref_squeeze %dma_start3A_893 : memref<1x128xf32, #tpu.memory_space<vmem>> -> memref<128xf32, #tpu.memory_space<vmem>>
        %dma_start3A_895 = arith.constant 0 : i32
        %dma_start3A_896 = tpu.memref_slice %arg31[%dma_start3A_891, %dma_start3A_895] : memref<30x128xi32, #tpu.memory_space<vmem>> -> memref<1x128xi32, #tpu.memory_space<vmem>>
        %dma_start3A_897 = tpu.memref_squeeze %dma_start3A_896 : memref<1x128xi32, #tpu.memory_space<vmem>> -> memref<128xi32, #tpu.memory_space<vmem>>
        %dma_start3A_898 = arith.constant 0 : i32
        %dma_start3A_899 = tpu.memref_slice %arg34[%dma_start3A_898] : memref<39424xf32, #tpu.memory_space<vmem_shared>> -> memref<39424xf32, #tpu.memory_space<vmem_shared>>
        tpu.enqueue_indirect_dma source(%dma_start3A_894 : memref<128xf32, #tpu.memory_space<vmem>>) target(%dma_start3A_899 : memref<39424xf32, #tpu.memory_space<vmem_shared>>) offsets(%dma_start3A_897 : memref<128xi32, #tpu.memory_space<vmem>>) semaphore(%arg36 : memref<!tpu.dma_semaphore, #tpu.memory_space<semaphore_mem>>) {add = true}
        %dma_start3A_900 = arith.constant 19 : i32
        %dma_start3A_901 = arith.constant 19 : i32
        %dma_start3A_902 = arith.constant 0 : i32
        %dma_start3A_903 = tpu.memref_slice %arg32[%dma_start3A_900, %dma_start3A_902] : memref<30x128xf32, #tpu.memory_space<vmem>> -> memref<1x128xf32, #tpu.memory_space<vmem>>
        %dma_start3A_904 = tpu.memref_squeeze %dma_start3A_903 : memref<1x128xf32, #tpu.memory_space<vmem>> -> memref<128xf32, #tpu.memory_space<vmem>>
        %dma_start3A_905 = arith.constant 0 : i32
        %dma_start3A_906 = tpu.memref_slice %arg31[%dma_start3A_901, %dma_start3A_905] : memref<30x128xi32, #tpu.memory_space<vmem>> -> memref<1x128xi32, #tpu.memory_space<vmem>>
        %dma_start3A_907 = tpu.memref_squeeze %dma_start3A_906 : memref<1x128xi32, #tpu.memory_space<vmem>> -> memref<128xi32, #tpu.memory_space<vmem>>
        %dma_start3A_908 = arith.constant 0 : i32
        %dma_start3A_909 = tpu.memref_slice %arg34[%dma_start3A_908] : memref<39424xf32, #tpu.memory_space<vmem_shared>> -> memref<39424xf32, #tpu.memory_space<vmem_shared>>
        tpu.enqueue_indirect_dma source(%dma_start3A_904 : memref<128xf32, #tpu.memory_space<vmem>>) target(%dma_start3A_909 : memref<39424xf32, #tpu.memory_space<vmem_shared>>) offsets(%dma_start3A_907 : memref<128xi32, #tpu.memory_space<vmem>>) semaphore(%arg36 : memref<!tpu.dma_semaphore, #tpu.memory_space<semaphore_mem>>) {add = true}
        %dma_start3A_910 = arith.constant 20 : i32
        %dma_start3A_911 = arith.constant 20 : i32
        %dma_start3A_912 = arith.constant 0 : i32
        %dma_start3A_913 = tpu.memref_slice %arg32[%dma_start3A_910, %dma_start3A_912] : memref<30x128xf32, #tpu.memory_space<vmem>> -> memref<1x128xf32, #tpu.memory_space<vmem>>
        %dma_start3A_914 = tpu.memref_squeeze %dma_start3A_913 : memref<1x128xf32, #tpu.memory_space<vmem>> -> memref<128xf32, #tpu.memory_space<vmem>>
        %dma_start3A_915 = arith.constant 0 : i32
        %dma_start3A_916 = tpu.memref_slice %arg31[%dma_start3A_911, %dma_start3A_915] : memref<30x128xi32, #tpu.memory_space<vmem>> -> memref<1x128xi32, #tpu.memory_space<vmem>>
        %dma_start3A_917 = tpu.memref_squeeze %dma_start3A_916 : memref<1x128xi32, #tpu.memory_space<vmem>> -> memref<128xi32, #tpu.memory_space<vmem>>
        %dma_start3A_918 = arith.constant 0 : i32
        %dma_start3A_919 = tpu.memref_slice %arg34[%dma_start3A_918] : memref<39424xf32, #tpu.memory_space<vmem_shared>> -> memref<39424xf32, #tpu.memory_space<vmem_shared>>
        tpu.enqueue_indirect_dma source(%dma_start3A_914 : memref<128xf32, #tpu.memory_space<vmem>>) target(%dma_start3A_919 : memref<39424xf32, #tpu.memory_space<vmem_shared>>) offsets(%dma_start3A_917 : memref<128xi32, #tpu.memory_space<vmem>>) semaphore(%arg36 : memref<!tpu.dma_semaphore, #tpu.memory_space<semaphore_mem>>) {add = true}
        %dma_start3A_920 = arith.constant 21 : i32
        %dma_start3A_921 = arith.constant 21 : i32
        %dma_start3A_922 = arith.constant 0 : i32
        %dma_start3A_923 = tpu.memref_slice %arg32[%dma_start3A_920, %dma_start3A_922] : memref<30x128xf32, #tpu.memory_space<vmem>> -> memref<1x128xf32, #tpu.memory_space<vmem>>
        %dma_start3A_924 = tpu.memref_squeeze %dma_start3A_923 : memref<1x128xf32, #tpu.memory_space<vmem>> -> memref<128xf32, #tpu.memory_space<vmem>>
        %dma_start3A_925 = arith.constant 0 : i32
        %dma_start3A_926 = tpu.memref_slice %arg31[%dma_start3A_921, %dma_start3A_925] : memref<30x128xi32, #tpu.memory_space<vmem>> -> memref<1x128xi32, #tpu.memory_space<vmem>>
        %dma_start3A_927 = tpu.memref_squeeze %dma_start3A_926 : memref<1x128xi32, #tpu.memory_space<vmem>> -> memref<128xi32, #tpu.memory_space<vmem>>
        %dma_start3A_928 = arith.constant 0 : i32
        %dma_start3A_929 = tpu.memref_slice %arg34[%dma_start3A_928] : memref<39424xf32, #tpu.memory_space<vmem_shared>> -> memref<39424xf32, #tpu.memory_space<vmem_shared>>
        tpu.enqueue_indirect_dma source(%dma_start3A_924 : memref<128xf32, #tpu.memory_space<vmem>>) target(%dma_start3A_929 : memref<39424xf32, #tpu.memory_space<vmem_shared>>) offsets(%dma_start3A_927 : memref<128xi32, #tpu.memory_space<vmem>>) semaphore(%arg36 : memref<!tpu.dma_semaphore, #tpu.memory_space<semaphore_mem>>) {add = true}
        %dma_start3A_930 = arith.constant 22 : i32
        %dma_start3A_931 = arith.constant 22 : i32
        %dma_start3A_932 = arith.constant 0 : i32
        %dma_start3A_933 = tpu.memref_slice %arg32[%dma_start3A_930, %dma_start3A_932] : memref<30x128xf32, #tpu.memory_space<vmem>> -> memref<1x128xf32, #tpu.memory_space<vmem>>
        %dma_start3A_934 = tpu.memref_squeeze %dma_start3A_933 : memref<1x128xf32, #tpu.memory_space<vmem>> -> memref<128xf32, #tpu.memory_space<vmem>>
        %dma_start3A_935 = arith.constant 0 : i32
        %dma_start3A_936 = tpu.memref_slice %arg31[%dma_start3A_931, %dma_start3A_935] : memref<30x128xi32, #tpu.memory_space<vmem>> -> memref<1x128xi32, #tpu.memory_space<vmem>>
        %dma_start3A_937 = tpu.memref_squeeze %dma_start3A_936 : memref<1x128xi32, #tpu.memory_space<vmem>> -> memref<128xi32, #tpu.memory_space<vmem>>
        %dma_start3A_938 = arith.constant 0 : i32
        %dma_start3A_939 = tpu.memref_slice %arg34[%dma_start3A_938] : memref<39424xf32, #tpu.memory_space<vmem_shared>> -> memref<39424xf32, #tpu.memory_space<vmem_shared>>
        tpu.enqueue_indirect_dma source(%dma_start3A_934 : memref<128xf32, #tpu.memory_space<vmem>>) target(%dma_start3A_939 : memref<39424xf32, #tpu.memory_space<vmem_shared>>) offsets(%dma_start3A_937 : memref<128xi32, #tpu.memory_space<vmem>>) semaphore(%arg36 : memref<!tpu.dma_semaphore, #tpu.memory_space<semaphore_mem>>) {add = true}
        %dma_start3A_940 = arith.constant 23 : i32
        %dma_start3A_941 = arith.constant 23 : i32
        %dma_start3A_942 = arith.constant 0 : i32
        %dma_start3A_943 = tpu.memref_slice %arg32[%dma_start3A_940, %dma_start3A_942] : memref<30x128xf32, #tpu.memory_space<vmem>> -> memref<1x128xf32, #tpu.memory_space<vmem>>
        %dma_start3A_944 = tpu.memref_squeeze %dma_start3A_943 : memref<1x128xf32, #tpu.memory_space<vmem>> -> memref<128xf32, #tpu.memory_space<vmem>>
        %dma_start3A_945 = arith.constant 0 : i32
        %dma_start3A_946 = tpu.memref_slice %arg31[%dma_start3A_941, %dma_start3A_945] : memref<30x128xi32, #tpu.memory_space<vmem>> -> memref<1x128xi32, #tpu.memory_space<vmem>>
        %dma_start3A_947 = tpu.memref_squeeze %dma_start3A_946 : memref<1x128xi32, #tpu.memory_space<vmem>> -> memref<128xi32, #tpu.memory_space<vmem>>
        %dma_start3A_948 = arith.constant 0 : i32
        %dma_start3A_949 = tpu.memref_slice %arg34[%dma_start3A_948] : memref<39424xf32, #tpu.memory_space<vmem_shared>> -> memref<39424xf32, #tpu.memory_space<vmem_shared>>
        tpu.enqueue_indirect_dma source(%dma_start3A_944 : memref<128xf32, #tpu.memory_space<vmem>>) target(%dma_start3A_949 : memref<39424xf32, #tpu.memory_space<vmem_shared>>) offsets(%dma_start3A_947 : memref<128xi32, #tpu.memory_space<vmem>>) semaphore(%arg36 : memref<!tpu.dma_semaphore, #tpu.memory_space<semaphore_mem>>) {add = true}
        %dma_start3A_950 = arith.constant 24 : i32
        %dma_start3A_951 = arith.constant 24 : i32
        %dma_start3A_952 = arith.constant 0 : i32
        %dma_start3A_953 = tpu.memref_slice %arg32[%dma_start3A_950, %dma_start3A_952] : memref<30x128xf32, #tpu.memory_space<vmem>> -> memref<1x128xf32, #tpu.memory_space<vmem>>
        %dma_start3A_954 = tpu.memref_squeeze %dma_start3A_953 : memref<1x128xf32, #tpu.memory_space<vmem>> -> memref<128xf32, #tpu.memory_space<vmem>>
        %dma_start3A_955 = arith.constant 0 : i32
        %dma_start3A_956 = tpu.memref_slice %arg31[%dma_start3A_951, %dma_start3A_955] : memref<30x128xi32, #tpu.memory_space<vmem>> -> memref<1x128xi32, #tpu.memory_space<vmem>>
        %dma_start3A_957 = tpu.memref_squeeze %dma_start3A_956 : memref<1x128xi32, #tpu.memory_space<vmem>> -> memref<128xi32, #tpu.memory_space<vmem>>
        %dma_start3A_958 = arith.constant 0 : i32
        %dma_start3A_959 = tpu.memref_slice %arg34[%dma_start3A_958] : memref<39424xf32, #tpu.memory_space<vmem_shared>> -> memref<39424xf32, #tpu.memory_space<vmem_shared>>
        tpu.enqueue_indirect_dma source(%dma_start3A_954 : memref<128xf32, #tpu.memory_space<vmem>>) target(%dma_start3A_959 : memref<39424xf32, #tpu.memory_space<vmem_shared>>) offsets(%dma_start3A_957 : memref<128xi32, #tpu.memory_space<vmem>>) semaphore(%arg36 : memref<!tpu.dma_semaphore, #tpu.memory_space<semaphore_mem>>) {add = true}
        %dma_start3A_960 = arith.constant 25 : i32
        %dma_start3A_961 = arith.constant 25 : i32
        %dma_start3A_962 = arith.constant 0 : i32
        %dma_start3A_963 = tpu.memref_slice %arg32[%dma_start3A_960, %dma_start3A_962] : memref<30x128xf32, #tpu.memory_space<vmem>> -> memref<1x128xf32, #tpu.memory_space<vmem>>
        %dma_start3A_964 = tpu.memref_squeeze %dma_start3A_963 : memref<1x128xf32, #tpu.memory_space<vmem>> -> memref<128xf32, #tpu.memory_space<vmem>>
        %dma_start3A_965 = arith.constant 0 : i32
        %dma_start3A_966 = tpu.memref_slice %arg31[%dma_start3A_961, %dma_start3A_965] : memref<30x128xi32, #tpu.memory_space<vmem>> -> memref<1x128xi32, #tpu.memory_space<vmem>>
        %dma_start3A_967 = tpu.memref_squeeze %dma_start3A_966 : memref<1x128xi32, #tpu.memory_space<vmem>> -> memref<128xi32, #tpu.memory_space<vmem>>
        %dma_start3A_968 = arith.constant 0 : i32
        %dma_start3A_969 = tpu.memref_slice %arg34[%dma_start3A_968] : memref<39424xf32, #tpu.memory_space<vmem_shared>> -> memref<39424xf32, #tpu.memory_space<vmem_shared>>
        tpu.enqueue_indirect_dma source(%dma_start3A_964 : memref<128xf32, #tpu.memory_space<vmem>>) target(%dma_start3A_969 : memref<39424xf32, #tpu.memory_space<vmem_shared>>) offsets(%dma_start3A_967 : memref<128xi32, #tpu.memory_space<vmem>>) semaphore(%arg36 : memref<!tpu.dma_semaphore, #tpu.memory_space<semaphore_mem>>) {add = true}
        %dma_start3A_970 = arith.constant 26 : i32
        %dma_start3A_971 = arith.constant 26 : i32
        %dma_start3A_972 = arith.constant 0 : i32
        %dma_start3A_973 = tpu.memref_slice %arg32[%dma_start3A_970, %dma_start3A_972] : memref<30x128xf32, #tpu.memory_space<vmem>> -> memref<1x128xf32, #tpu.memory_space<vmem>>
        %dma_start3A_974 = tpu.memref_squeeze %dma_start3A_973 : memref<1x128xf32, #tpu.memory_space<vmem>> -> memref<128xf32, #tpu.memory_space<vmem>>
        %dma_start3A_975 = arith.constant 0 : i32
        %dma_start3A_976 = tpu.memref_slice %arg31[%dma_start3A_971, %dma_start3A_975] : memref<30x128xi32, #tpu.memory_space<vmem>> -> memref<1x128xi32, #tpu.memory_space<vmem>>
        %dma_start3A_977 = tpu.memref_squeeze %dma_start3A_976 : memref<1x128xi32, #tpu.memory_space<vmem>> -> memref<128xi32, #tpu.memory_space<vmem>>
        %dma_start3A_978 = arith.constant 0 : i32
        %dma_start3A_979 = tpu.memref_slice %arg34[%dma_start3A_978] : memref<39424xf32, #tpu.memory_space<vmem_shared>> -> memref<39424xf32, #tpu.memory_space<vmem_shared>>
        tpu.enqueue_indirect_dma source(%dma_start3A_974 : memref<128xf32, #tpu.memory_space<vmem>>) target(%dma_start3A_979 : memref<39424xf32, #tpu.memory_space<vmem_shared>>) offsets(%dma_start3A_977 : memref<128xi32, #tpu.memory_space<vmem>>) semaphore(%arg36 : memref<!tpu.dma_semaphore, #tpu.memory_space<semaphore_mem>>) {add = true}
        %dma_start3A_980 = arith.constant 27 : i32
        %dma_start3A_981 = arith.constant 27 : i32
        %dma_start3A_982 = arith.constant 0 : i32
        %dma_start3A_983 = tpu.memref_slice %arg32[%dma_start3A_980, %dma_start3A_982] : memref<30x128xf32, #tpu.memory_space<vmem>> -> memref<1x128xf32, #tpu.memory_space<vmem>>
        %dma_start3A_984 = tpu.memref_squeeze %dma_start3A_983 : memref<1x128xf32, #tpu.memory_space<vmem>> -> memref<128xf32, #tpu.memory_space<vmem>>
        %dma_start3A_985 = arith.constant 0 : i32
        %dma_start3A_986 = tpu.memref_slice %arg31[%dma_start3A_981, %dma_start3A_985] : memref<30x128xi32, #tpu.memory_space<vmem>> -> memref<1x128xi32, #tpu.memory_space<vmem>>
        %dma_start3A_987 = tpu.memref_squeeze %dma_start3A_986 : memref<1x128xi32, #tpu.memory_space<vmem>> -> memref<128xi32, #tpu.memory_space<vmem>>
        %dma_start3A_988 = arith.constant 0 : i32
        %dma_start3A_989 = tpu.memref_slice %arg34[%dma_start3A_988] : memref<39424xf32, #tpu.memory_space<vmem_shared>> -> memref<39424xf32, #tpu.memory_space<vmem_shared>>
        tpu.enqueue_indirect_dma source(%dma_start3A_984 : memref<128xf32, #tpu.memory_space<vmem>>) target(%dma_start3A_989 : memref<39424xf32, #tpu.memory_space<vmem_shared>>) offsets(%dma_start3A_987 : memref<128xi32, #tpu.memory_space<vmem>>) semaphore(%arg36 : memref<!tpu.dma_semaphore, #tpu.memory_space<semaphore_mem>>) {add = true}
        %dma_start3A_990 = arith.constant 28 : i32
        %dma_start3A_991 = arith.constant 28 : i32
        %dma_start3A_992 = arith.constant 0 : i32
        %dma_start3A_993 = tpu.memref_slice %arg32[%dma_start3A_990, %dma_start3A_992] : memref<30x128xf32, #tpu.memory_space<vmem>> -> memref<1x128xf32, #tpu.memory_space<vmem>>
        %dma_start3A_994 = tpu.memref_squeeze %dma_start3A_993 : memref<1x128xf32, #tpu.memory_space<vmem>> -> memref<128xf32, #tpu.memory_space<vmem>>
        %dma_start3A_995 = arith.constant 0 : i32
        %dma_start3A_996 = tpu.memref_slice %arg31[%dma_start3A_991, %dma_start3A_995] : memref<30x128xi32, #tpu.memory_space<vmem>> -> memref<1x128xi32, #tpu.memory_space<vmem>>
        %dma_start3A_997 = tpu.memref_squeeze %dma_start3A_996 : memref<1x128xi32, #tpu.memory_space<vmem>> -> memref<128xi32, #tpu.memory_space<vmem>>
        %dma_start3A_998 = arith.constant 0 : i32
        %dma_start3A_999 = tpu.memref_slice %arg34[%dma_start3A_998] : memref<39424xf32, #tpu.memory_space<vmem_shared>> -> memref<39424xf32, #tpu.memory_space<vmem_shared>>
        tpu.enqueue_indirect_dma source(%dma_start3A_994 : memref<128xf32, #tpu.memory_space<vmem>>) target(%dma_start3A_999 : memref<39424xf32, #tpu.memory_space<vmem_shared>>) offsets(%dma_start3A_997 : memref<128xi32, #tpu.memory_space<vmem>>) semaphore(%arg36 : memref<!tpu.dma_semaphore, #tpu.memory_space<semaphore_mem>>) {add = true}
        %dma_start3A_1000 = arith.constant 29 : i32
        %dma_start3A_1001 = arith.constant 29 : i32
        %dma_start3A_1002 = arith.constant 0 : i32
        %dma_start3A_1003 = tpu.memref_slice %arg32[%dma_start3A_1000, %dma_start3A_1002] : memref<30x128xf32, #tpu.memory_space<vmem>> -> memref<1x128xf32, #tpu.memory_space<vmem>>
        %dma_start3A_1004 = tpu.memref_squeeze %dma_start3A_1003 : memref<1x128xf32, #tpu.memory_space<vmem>> -> memref<128xf32, #tpu.memory_space<vmem>>
        %dma_start3A_1005 = arith.constant 0 : i32
        %dma_start3A_1006 = tpu.memref_slice %arg31[%dma_start3A_1001, %dma_start3A_1005] : memref<30x128xi32, #tpu.memory_space<vmem>> -> memref<1x128xi32, #tpu.memory_space<vmem>>
        %dma_start3A_1007 = tpu.memref_squeeze %dma_start3A_1006 : memref<1x128xi32, #tpu.memory_space<vmem>> -> memref<128xi32, #tpu.memory_space<vmem>>
        %dma_start3A_1008 = arith.constant 0 : i32
        %dma_start3A_1009 = tpu.memref_slice %arg34[%dma_start3A_1008] : memref<39424xf32, #tpu.memory_space<vmem_shared>> -> memref<39424xf32, #tpu.memory_space<vmem_shared>>
        tpu.enqueue_indirect_dma source(%dma_start3A_1004 : memref<128xf32, #tpu.memory_space<vmem>>) target(%dma_start3A_1009 : memref<39424xf32, #tpu.memory_space<vmem_shared>>) offsets(%dma_start3A_1007 : memref<128xi32, #tpu.memory_space<vmem>>) semaphore(%arg36 : memref<!tpu.dma_semaphore, #tpu.memory_space<semaphore_mem>>) {add = true}
      }
      %scan3A_486 = arith.constant 20 : i32
    }
    %scan3A_16 = arith.constant 10 : i32
    %dma_wait3A = arith.constant 0 : i32
    %dma_wait3A_17 = arith.constant 0 : i32
    %dma_wait3A_18 = arith.constant 0 : i32
    %dma_wait3A_19 = tpu.memref_slice %arg32[%dma_wait3A, %dma_wait3A_18] : memref<30x128xf32, #tpu.memory_space<vmem>> -> memref<1x128xf32, #tpu.memory_space<vmem>>
    %dma_wait3A_20 = tpu.memref_squeeze %dma_wait3A_19 : memref<1x128xf32, #tpu.memory_space<vmem>> -> memref<128xf32, #tpu.memory_space<vmem>>
    %dma_wait3A_21 = arith.constant 0 : i32
    %dma_wait3A_22 = tpu.memref_slice %arg31[%dma_wait3A_17, %dma_wait3A_21] : memref<30x128xi32, #tpu.memory_space<vmem>> -> memref<1x128xi32, #tpu.memory_space<vmem>>
    %dma_wait3A_23 = tpu.memref_squeeze %dma_wait3A_22 : memref<1x128xi32, #tpu.memory_space<vmem>> -> memref<128xi32, #tpu.memory_space<vmem>>
    %dma_wait3A_24 = arith.constant 0 : i32
    %dma_wait3A_25 = tpu.memref_slice %arg34[%dma_wait3A_24] : memref<39424xf32, #tpu.memory_space<vmem_shared>> -> memref<39424xf32, #tpu.memory_space<vmem_shared>>
    tpu.wait_indirect_dma semaphore(%arg36 : memref<!tpu.dma_semaphore, #tpu.memory_space<semaphore_mem>>) src(%dma_wait3A_20 : memref<128xf32, #tpu.memory_space<vmem>>) dst(%dma_wait3A_25 : memref<39424xf32, #tpu.memory_space<vmem_shared>>)
    %dma_wait3A_26 = arith.constant 0 : i32
    %dma_wait3A_27 = arith.constant 0 : i32
    %dma_wait3A_28 = arith.constant 0 : i32
    %dma_wait3A_29 = tpu.memref_slice %arg33[%dma_wait3A_26, %dma_wait3A_28] : memref<30x128xf32, #tpu.memory_space<vmem>> -> memref<1x128xf32, #tpu.memory_space<vmem>>
    %dma_wait3A_30 = tpu.memref_squeeze %dma_wait3A_29 : memref<1x128xf32, #tpu.memory_space<vmem>> -> memref<128xf32, #tpu.memory_space<vmem>>
    %dma_wait3A_31 = arith.constant 0 : i32
    %dma_wait3A_32 = tpu.memref_slice %arg31[%dma_wait3A_27, %dma_wait3A_31] : memref<30x128xi32, #tpu.memory_space<vmem>> -> memref<1x128xi32, #tpu.memory_space<vmem>>
    %dma_wait3A_33 = tpu.memref_squeeze %dma_wait3A_32 : memref<1x128xi32, #tpu.memory_space<vmem>> -> memref<128xi32, #tpu.memory_space<vmem>>
    %dma_wait3A_34 = arith.constant 0 : i32
    %dma_wait3A_35 = tpu.memref_slice %arg35[%dma_wait3A_34] : memref<39424xf32, #tpu.memory_space<vmem_shared>> -> memref<39424xf32, #tpu.memory_space<vmem_shared>>
    tpu.wait_indirect_dma semaphore(%arg36 : memref<!tpu.dma_semaphore, #tpu.memory_space<semaphore_mem>>) src(%dma_wait3A_30 : memref<128xf32, #tpu.memory_space<vmem>>) dst(%dma_wait3A_35 : memref<39424xf32, #tpu.memory_space<vmem_shared>>)
    %dma_wait3A_36 = arith.constant 15 : i32
    %dma_wait3A_37 = arith.constant 15 : i32
    %dma_wait3A_38 = arith.constant 0 : i32
    %dma_wait3A_39 = tpu.memref_slice %arg32[%dma_wait3A_36, %dma_wait3A_38] : memref<30x128xf32, #tpu.memory_space<vmem>> -> memref<1x128xf32, #tpu.memory_space<vmem>>
    %dma_wait3A_40 = tpu.memref_squeeze %dma_wait3A_39 : memref<1x128xf32, #tpu.memory_space<vmem>> -> memref<128xf32, #tpu.memory_space<vmem>>
    %dma_wait3A_41 = arith.constant 0 : i32
    %dma_wait3A_42 = tpu.memref_slice %arg31[%dma_wait3A_37, %dma_wait3A_41] : memref<30x128xi32, #tpu.memory_space<vmem>> -> memref<1x128xi32, #tpu.memory_space<vmem>>
    %dma_wait3A_43 = tpu.memref_squeeze %dma_wait3A_42 : memref<1x128xi32, #tpu.memory_space<vmem>> -> memref<128xi32, #tpu.memory_space<vmem>>
    %dma_wait3A_44 = arith.constant 0 : i32
    %dma_wait3A_45 = tpu.memref_slice %arg34[%dma_wait3A_44] : memref<39424xf32, #tpu.memory_space<vmem_shared>> -> memref<39424xf32, #tpu.memory_space<vmem_shared>>
    tpu.wait_indirect_dma semaphore(%arg36 : memref<!tpu.dma_semaphore, #tpu.memory_space<semaphore_mem>>) src(%dma_wait3A_40 : memref<128xf32, #tpu.memory_space<vmem>>) dst(%dma_wait3A_45 : memref<39424xf32, #tpu.memory_space<vmem_shared>>)
    %dma_wait3A_46 = arith.constant 1 : i32
    %dma_wait3A_47 = arith.constant 1 : i32
    %dma_wait3A_48 = arith.constant 0 : i32
    %dma_wait3A_49 = tpu.memref_slice %arg32[%dma_wait3A_46, %dma_wait3A_48] : memref<30x128xf32, #tpu.memory_space<vmem>> -> memref<1x128xf32, #tpu.memory_space<vmem>>
    %dma_wait3A_50 = tpu.memref_squeeze %dma_wait3A_49 : memref<1x128xf32, #tpu.memory_space<vmem>> -> memref<128xf32, #tpu.memory_space<vmem>>
    %dma_wait3A_51 = arith.constant 0 : i32
    %dma_wait3A_52 = tpu.memref_slice %arg31[%dma_wait3A_47, %dma_wait3A_51] : memref<30x128xi32, #tpu.memory_space<vmem>> -> memref<1x128xi32, #tpu.memory_space<vmem>>
    %dma_wait3A_53 = tpu.memref_squeeze %dma_wait3A_52 : memref<1x128xi32, #tpu.memory_space<vmem>> -> memref<128xi32, #tpu.memory_space<vmem>>
    %dma_wait3A_54 = arith.constant 0 : i32
    %dma_wait3A_55 = tpu.memref_slice %arg34[%dma_wait3A_54] : memref<39424xf32, #tpu.memory_space<vmem_shared>> -> memref<39424xf32, #tpu.memory_space<vmem_shared>>
    tpu.wait_indirect_dma semaphore(%arg36 : memref<!tpu.dma_semaphore, #tpu.memory_space<semaphore_mem>>) src(%dma_wait3A_50 : memref<128xf32, #tpu.memory_space<vmem>>) dst(%dma_wait3A_55 : memref<39424xf32, #tpu.memory_space<vmem_shared>>)
    %dma_wait3A_56 = arith.constant 1 : i32
    %dma_wait3A_57 = arith.constant 1 : i32
    %dma_wait3A_58 = arith.constant 0 : i32
    %dma_wait3A_59 = tpu.memref_slice %arg33[%dma_wait3A_56, %dma_wait3A_58] : memref<30x128xf32, #tpu.memory_space<vmem>> -> memref<1x128xf32, #tpu.memory_space<vmem>>
    %dma_wait3A_60 = tpu.memref_squeeze %dma_wait3A_59 : memref<1x128xf32, #tpu.memory_space<vmem>> -> memref<128xf32, #tpu.memory_space<vmem>>
    %dma_wait3A_61 = arith.constant 0 : i32
    %dma_wait3A_62 = tpu.memref_slice %arg31[%dma_wait3A_57, %dma_wait3A_61] : memref<30x128xi32, #tpu.memory_space<vmem>> -> memref<1x128xi32, #tpu.memory_space<vmem>>
    %dma_wait3A_63 = tpu.memref_squeeze %dma_wait3A_62 : memref<1x128xi32, #tpu.memory_space<vmem>> -> memref<128xi32, #tpu.memory_space<vmem>>
    %dma_wait3A_64 = arith.constant 0 : i32
    %dma_wait3A_65 = tpu.memref_slice %arg35[%dma_wait3A_64] : memref<39424xf32, #tpu.memory_space<vmem_shared>> -> memref<39424xf32, #tpu.memory_space<vmem_shared>>
    tpu.wait_indirect_dma semaphore(%arg36 : memref<!tpu.dma_semaphore, #tpu.memory_space<semaphore_mem>>) src(%dma_wait3A_60 : memref<128xf32, #tpu.memory_space<vmem>>) dst(%dma_wait3A_65 : memref<39424xf32, #tpu.memory_space<vmem_shared>>)
    %dma_wait3A_66 = arith.constant 16 : i32
    %dma_wait3A_67 = arith.constant 16 : i32
    %dma_wait3A_68 = arith.constant 0 : i32
    %dma_wait3A_69 = tpu.memref_slice %arg32[%dma_wait3A_66, %dma_wait3A_68] : memref<30x128xf32, #tpu.memory_space<vmem>> -> memref<1x128xf32, #tpu.memory_space<vmem>>
    %dma_wait3A_70 = tpu.memref_squeeze %dma_wait3A_69 : memref<1x128xf32, #tpu.memory_space<vmem>> -> memref<128xf32, #tpu.memory_space<vmem>>
    %dma_wait3A_71 = arith.constant 0 : i32
    %dma_wait3A_72 = tpu.memref_slice %arg31[%dma_wait3A_67, %dma_wait3A_71] : memref<30x128xi32, #tpu.memory_space<vmem>> -> memref<1x128xi32, #tpu.memory_space<vmem>>
    %dma_wait3A_73 = tpu.memref_squeeze %dma_wait3A_72 : memref<1x128xi32, #tpu.memory_space<vmem>> -> memref<128xi32, #tpu.memory_space<vmem>>
    %dma_wait3A_74 = arith.constant 0 : i32
    %dma_wait3A_75 = tpu.memref_slice %arg34[%dma_wait3A_74] : memref<39424xf32, #tpu.memory_space<vmem_shared>> -> memref<39424xf32, #tpu.memory_space<vmem_shared>>
    tpu.wait_indirect_dma semaphore(%arg36 : memref<!tpu.dma_semaphore, #tpu.memory_space<semaphore_mem>>) src(%dma_wait3A_70 : memref<128xf32, #tpu.memory_space<vmem>>) dst(%dma_wait3A_75 : memref<39424xf32, #tpu.memory_space<vmem_shared>>)
    %dma_wait3A_76 = arith.constant 2 : i32
    %dma_wait3A_77 = arith.constant 2 : i32
    %dma_wait3A_78 = arith.constant 0 : i32
    %dma_wait3A_79 = tpu.memref_slice %arg32[%dma_wait3A_76, %dma_wait3A_78] : memref<30x128xf32, #tpu.memory_space<vmem>> -> memref<1x128xf32, #tpu.memory_space<vmem>>
    %dma_wait3A_80 = tpu.memref_squeeze %dma_wait3A_79 : memref<1x128xf32, #tpu.memory_space<vmem>> -> memref<128xf32, #tpu.memory_space<vmem>>
    %dma_wait3A_81 = arith.constant 0 : i32
    %dma_wait3A_82 = tpu.memref_slice %arg31[%dma_wait3A_77, %dma_wait3A_81] : memref<30x128xi32, #tpu.memory_space<vmem>> -> memref<1x128xi32, #tpu.memory_space<vmem>>
    %dma_wait3A_83 = tpu.memref_squeeze %dma_wait3A_82 : memref<1x128xi32, #tpu.memory_space<vmem>> -> memref<128xi32, #tpu.memory_space<vmem>>
    %dma_wait3A_84 = arith.constant 0 : i32
    %dma_wait3A_85 = tpu.memref_slice %arg34[%dma_wait3A_84] : memref<39424xf32, #tpu.memory_space<vmem_shared>> -> memref<39424xf32, #tpu.memory_space<vmem_shared>>
    tpu.wait_indirect_dma semaphore(%arg36 : memref<!tpu.dma_semaphore, #tpu.memory_space<semaphore_mem>>) src(%dma_wait3A_80 : memref<128xf32, #tpu.memory_space<vmem>>) dst(%dma_wait3A_85 : memref<39424xf32, #tpu.memory_space<vmem_shared>>)
    %dma_wait3A_86 = arith.constant 2 : i32
    %dma_wait3A_87 = arith.constant 2 : i32
    %dma_wait3A_88 = arith.constant 0 : i32
    %dma_wait3A_89 = tpu.memref_slice %arg33[%dma_wait3A_86, %dma_wait3A_88] : memref<30x128xf32, #tpu.memory_space<vmem>> -> memref<1x128xf32, #tpu.memory_space<vmem>>
    %dma_wait3A_90 = tpu.memref_squeeze %dma_wait3A_89 : memref<1x128xf32, #tpu.memory_space<vmem>> -> memref<128xf32, #tpu.memory_space<vmem>>
    %dma_wait3A_91 = arith.constant 0 : i32
    %dma_wait3A_92 = tpu.memref_slice %arg31[%dma_wait3A_87, %dma_wait3A_91] : memref<30x128xi32, #tpu.memory_space<vmem>> -> memref<1x128xi32, #tpu.memory_space<vmem>>
    %dma_wait3A_93 = tpu.memref_squeeze %dma_wait3A_92 : memref<1x128xi32, #tpu.memory_space<vmem>> -> memref<128xi32, #tpu.memory_space<vmem>>
    %dma_wait3A_94 = arith.constant 0 : i32
    %dma_wait3A_95 = tpu.memref_slice %arg35[%dma_wait3A_94] : memref<39424xf32, #tpu.memory_space<vmem_shared>> -> memref<39424xf32, #tpu.memory_space<vmem_shared>>
    tpu.wait_indirect_dma semaphore(%arg36 : memref<!tpu.dma_semaphore, #tpu.memory_space<semaphore_mem>>) src(%dma_wait3A_90 : memref<128xf32, #tpu.memory_space<vmem>>) dst(%dma_wait3A_95 : memref<39424xf32, #tpu.memory_space<vmem_shared>>)
    %dma_wait3A_96 = arith.constant 17 : i32
    %dma_wait3A_97 = arith.constant 17 : i32
    %dma_wait3A_98 = arith.constant 0 : i32
    %dma_wait3A_99 = tpu.memref_slice %arg32[%dma_wait3A_96, %dma_wait3A_98] : memref<30x128xf32, #tpu.memory_space<vmem>> -> memref<1x128xf32, #tpu.memory_space<vmem>>
    %dma_wait3A_100 = tpu.memref_squeeze %dma_wait3A_99 : memref<1x128xf32, #tpu.memory_space<vmem>> -> memref<128xf32, #tpu.memory_space<vmem>>
    %dma_wait3A_101 = arith.constant 0 : i32
    %dma_wait3A_102 = tpu.memref_slice %arg31[%dma_wait3A_97, %dma_wait3A_101] : memref<30x128xi32, #tpu.memory_space<vmem>> -> memref<1x128xi32, #tpu.memory_space<vmem>>
    %dma_wait3A_103 = tpu.memref_squeeze %dma_wait3A_102 : memref<1x128xi32, #tpu.memory_space<vmem>> -> memref<128xi32, #tpu.memory_space<vmem>>
    %dma_wait3A_104 = arith.constant 0 : i32
    %dma_wait3A_105 = tpu.memref_slice %arg34[%dma_wait3A_104] : memref<39424xf32, #tpu.memory_space<vmem_shared>> -> memref<39424xf32, #tpu.memory_space<vmem_shared>>
    tpu.wait_indirect_dma semaphore(%arg36 : memref<!tpu.dma_semaphore, #tpu.memory_space<semaphore_mem>>) src(%dma_wait3A_100 : memref<128xf32, #tpu.memory_space<vmem>>) dst(%dma_wait3A_105 : memref<39424xf32, #tpu.memory_space<vmem_shared>>)
    %dma_wait3A_106 = arith.constant 3 : i32
    %dma_wait3A_107 = arith.constant 3 : i32
    %dma_wait3A_108 = arith.constant 0 : i32
    %dma_wait3A_109 = tpu.memref_slice %arg32[%dma_wait3A_106, %dma_wait3A_108] : memref<30x128xf32, #tpu.memory_space<vmem>> -> memref<1x128xf32, #tpu.memory_space<vmem>>
    %dma_wait3A_110 = tpu.memref_squeeze %dma_wait3A_109 : memref<1x128xf32, #tpu.memory_space<vmem>> -> memref<128xf32, #tpu.memory_space<vmem>>
    %dma_wait3A_111 = arith.constant 0 : i32
    %dma_wait3A_112 = tpu.memref_slice %arg31[%dma_wait3A_107, %dma_wait3A_111] : memref<30x128xi32, #tpu.memory_space<vmem>> -> memref<1x128xi32, #tpu.memory_space<vmem>>
    %dma_wait3A_113 = tpu.memref_squeeze %dma_wait3A_112 : memref<1x128xi32, #tpu.memory_space<vmem>> -> memref<128xi32, #tpu.memory_space<vmem>>
    %dma_wait3A_114 = arith.constant 0 : i32
    %dma_wait3A_115 = tpu.memref_slice %arg34[%dma_wait3A_114] : memref<39424xf32, #tpu.memory_space<vmem_shared>> -> memref<39424xf32, #tpu.memory_space<vmem_shared>>
    tpu.wait_indirect_dma semaphore(%arg36 : memref<!tpu.dma_semaphore, #tpu.memory_space<semaphore_mem>>) src(%dma_wait3A_110 : memref<128xf32, #tpu.memory_space<vmem>>) dst(%dma_wait3A_115 : memref<39424xf32, #tpu.memory_space<vmem_shared>>)
    %dma_wait3A_116 = arith.constant 3 : i32
    %dma_wait3A_117 = arith.constant 3 : i32
    %dma_wait3A_118 = arith.constant 0 : i32
    %dma_wait3A_119 = tpu.memref_slice %arg33[%dma_wait3A_116, %dma_wait3A_118] : memref<30x128xf32, #tpu.memory_space<vmem>> -> memref<1x128xf32, #tpu.memory_space<vmem>>
    %dma_wait3A_120 = tpu.memref_squeeze %dma_wait3A_119 : memref<1x128xf32, #tpu.memory_space<vmem>> -> memref<128xf32, #tpu.memory_space<vmem>>
    %dma_wait3A_121 = arith.constant 0 : i32
    %dma_wait3A_122 = tpu.memref_slice %arg31[%dma_wait3A_117, %dma_wait3A_121] : memref<30x128xi32, #tpu.memory_space<vmem>> -> memref<1x128xi32, #tpu.memory_space<vmem>>
    %dma_wait3A_123 = tpu.memref_squeeze %dma_wait3A_122 : memref<1x128xi32, #tpu.memory_space<vmem>> -> memref<128xi32, #tpu.memory_space<vmem>>
    %dma_wait3A_124 = arith.constant 0 : i32
    %dma_wait3A_125 = tpu.memref_slice %arg35[%dma_wait3A_124] : memref<39424xf32, #tpu.memory_space<vmem_shared>> -> memref<39424xf32, #tpu.memory_space<vmem_shared>>
    tpu.wait_indirect_dma semaphore(%arg36 : memref<!tpu.dma_semaphore, #tpu.memory_space<semaphore_mem>>) src(%dma_wait3A_120 : memref<128xf32, #tpu.memory_space<vmem>>) dst(%dma_wait3A_125 : memref<39424xf32, #tpu.memory_space<vmem_shared>>)
    %dma_wait3A_126 = arith.constant 18 : i32
    %dma_wait3A_127 = arith.constant 18 : i32
    %dma_wait3A_128 = arith.constant 0 : i32
    %dma_wait3A_129 = tpu.memref_slice %arg32[%dma_wait3A_126, %dma_wait3A_128] : memref<30x128xf32, #tpu.memory_space<vmem>> -> memref<1x128xf32, #tpu.memory_space<vmem>>
    %dma_wait3A_130 = tpu.memref_squeeze %dma_wait3A_129 : memref<1x128xf32, #tpu.memory_space<vmem>> -> memref<128xf32, #tpu.memory_space<vmem>>
    %dma_wait3A_131 = arith.constant 0 : i32
    %dma_wait3A_132 = tpu.memref_slice %arg31[%dma_wait3A_127, %dma_wait3A_131] : memref<30x128xi32, #tpu.memory_space<vmem>> -> memref<1x128xi32, #tpu.memory_space<vmem>>
    %dma_wait3A_133 = tpu.memref_squeeze %dma_wait3A_132 : memref<1x128xi32, #tpu.memory_space<vmem>> -> memref<128xi32, #tpu.memory_space<vmem>>
    %dma_wait3A_134 = arith.constant 0 : i32
    %dma_wait3A_135 = tpu.memref_slice %arg34[%dma_wait3A_134] : memref<39424xf32, #tpu.memory_space<vmem_shared>> -> memref<39424xf32, #tpu.memory_space<vmem_shared>>
    tpu.wait_indirect_dma semaphore(%arg36 : memref<!tpu.dma_semaphore, #tpu.memory_space<semaphore_mem>>) src(%dma_wait3A_130 : memref<128xf32, #tpu.memory_space<vmem>>) dst(%dma_wait3A_135 : memref<39424xf32, #tpu.memory_space<vmem_shared>>)
    %dma_wait3A_136 = arith.constant 4 : i32
    %dma_wait3A_137 = arith.constant 4 : i32
    %dma_wait3A_138 = arith.constant 0 : i32
    %dma_wait3A_139 = tpu.memref_slice %arg32[%dma_wait3A_136, %dma_wait3A_138] : memref<30x128xf32, #tpu.memory_space<vmem>> -> memref<1x128xf32, #tpu.memory_space<vmem>>
    %dma_wait3A_140 = tpu.memref_squeeze %dma_wait3A_139 : memref<1x128xf32, #tpu.memory_space<vmem>> -> memref<128xf32, #tpu.memory_space<vmem>>
    %dma_wait3A_141 = arith.constant 0 : i32
    %dma_wait3A_142 = tpu.memref_slice %arg31[%dma_wait3A_137, %dma_wait3A_141] : memref<30x128xi32, #tpu.memory_space<vmem>> -> memref<1x128xi32, #tpu.memory_space<vmem>>
    %dma_wait3A_143 = tpu.memref_squeeze %dma_wait3A_142 : memref<1x128xi32, #tpu.memory_space<vmem>> -> memref<128xi32, #tpu.memory_space<vmem>>
    %dma_wait3A_144 = arith.constant 0 : i32
    %dma_wait3A_145 = tpu.memref_slice %arg34[%dma_wait3A_144] : memref<39424xf32, #tpu.memory_space<vmem_shared>> -> memref<39424xf32, #tpu.memory_space<vmem_shared>>
    tpu.wait_indirect_dma semaphore(%arg36 : memref<!tpu.dma_semaphore, #tpu.memory_space<semaphore_mem>>) src(%dma_wait3A_140 : memref<128xf32, #tpu.memory_space<vmem>>) dst(%dma_wait3A_145 : memref<39424xf32, #tpu.memory_space<vmem_shared>>)
    %dma_wait3A_146 = arith.constant 4 : i32
    %dma_wait3A_147 = arith.constant 4 : i32
    %dma_wait3A_148 = arith.constant 0 : i32
    %dma_wait3A_149 = tpu.memref_slice %arg33[%dma_wait3A_146, %dma_wait3A_148] : memref<30x128xf32, #tpu.memory_space<vmem>> -> memref<1x128xf32, #tpu.memory_space<vmem>>
    %dma_wait3A_150 = tpu.memref_squeeze %dma_wait3A_149 : memref<1x128xf32, #tpu.memory_space<vmem>> -> memref<128xf32, #tpu.memory_space<vmem>>
    %dma_wait3A_151 = arith.constant 0 : i32
    %dma_wait3A_152 = tpu.memref_slice %arg31[%dma_wait3A_147, %dma_wait3A_151] : memref<30x128xi32, #tpu.memory_space<vmem>> -> memref<1x128xi32, #tpu.memory_space<vmem>>
    %dma_wait3A_153 = tpu.memref_squeeze %dma_wait3A_152 : memref<1x128xi32, #tpu.memory_space<vmem>> -> memref<128xi32, #tpu.memory_space<vmem>>
    %dma_wait3A_154 = arith.constant 0 : i32
    %dma_wait3A_155 = tpu.memref_slice %arg35[%dma_wait3A_154] : memref<39424xf32, #tpu.memory_space<vmem_shared>> -> memref<39424xf32, #tpu.memory_space<vmem_shared>>
    tpu.wait_indirect_dma semaphore(%arg36 : memref<!tpu.dma_semaphore, #tpu.memory_space<semaphore_mem>>) src(%dma_wait3A_150 : memref<128xf32, #tpu.memory_space<vmem>>) dst(%dma_wait3A_155 : memref<39424xf32, #tpu.memory_space<vmem_shared>>)
    %dma_wait3A_156 = arith.constant 19 : i32
    %dma_wait3A_157 = arith.constant 19 : i32
    %dma_wait3A_158 = arith.constant 0 : i32
    %dma_wait3A_159 = tpu.memref_slice %arg32[%dma_wait3A_156, %dma_wait3A_158] : memref<30x128xf32, #tpu.memory_space<vmem>> -> memref<1x128xf32, #tpu.memory_space<vmem>>
    %dma_wait3A_160 = tpu.memref_squeeze %dma_wait3A_159 : memref<1x128xf32, #tpu.memory_space<vmem>> -> memref<128xf32, #tpu.memory_space<vmem>>
    %dma_wait3A_161 = arith.constant 0 : i32
    %dma_wait3A_162 = tpu.memref_slice %arg31[%dma_wait3A_157, %dma_wait3A_161] : memref<30x128xi32, #tpu.memory_space<vmem>> -> memref<1x128xi32, #tpu.memory_space<vmem>>
    %dma_wait3A_163 = tpu.memref_squeeze %dma_wait3A_162 : memref<1x128xi32, #tpu.memory_space<vmem>> -> memref<128xi32, #tpu.memory_space<vmem>>
    %dma_wait3A_164 = arith.constant 0 : i32
    %dma_wait3A_165 = tpu.memref_slice %arg34[%dma_wait3A_164] : memref<39424xf32, #tpu.memory_space<vmem_shared>> -> memref<39424xf32, #tpu.memory_space<vmem_shared>>
    tpu.wait_indirect_dma semaphore(%arg36 : memref<!tpu.dma_semaphore, #tpu.memory_space<semaphore_mem>>) src(%dma_wait3A_160 : memref<128xf32, #tpu.memory_space<vmem>>) dst(%dma_wait3A_165 : memref<39424xf32, #tpu.memory_space<vmem_shared>>)
    %dma_wait3A_166 = arith.constant 5 : i32
    %dma_wait3A_167 = arith.constant 5 : i32
    %dma_wait3A_168 = arith.constant 0 : i32
    %dma_wait3A_169 = tpu.memref_slice %arg32[%dma_wait3A_166, %dma_wait3A_168] : memref<30x128xf32, #tpu.memory_space<vmem>> -> memref<1x128xf32, #tpu.memory_space<vmem>>
    %dma_wait3A_170 = tpu.memref_squeeze %dma_wait3A_169 : memref<1x128xf32, #tpu.memory_space<vmem>> -> memref<128xf32, #tpu.memory_space<vmem>>
    %dma_wait3A_171 = arith.constant 0 : i32
    %dma_wait3A_172 = tpu.memref_slice %arg31[%dma_wait3A_167, %dma_wait3A_171] : memref<30x128xi32, #tpu.memory_space<vmem>> -> memref<1x128xi32, #tpu.memory_space<vmem>>
    %dma_wait3A_173 = tpu.memref_squeeze %dma_wait3A_172 : memref<1x128xi32, #tpu.memory_space<vmem>> -> memref<128xi32, #tpu.memory_space<vmem>>
    %dma_wait3A_174 = arith.constant 0 : i32
    %dma_wait3A_175 = tpu.memref_slice %arg34[%dma_wait3A_174] : memref<39424xf32, #tpu.memory_space<vmem_shared>> -> memref<39424xf32, #tpu.memory_space<vmem_shared>>
    tpu.wait_indirect_dma semaphore(%arg36 : memref<!tpu.dma_semaphore, #tpu.memory_space<semaphore_mem>>) src(%dma_wait3A_170 : memref<128xf32, #tpu.memory_space<vmem>>) dst(%dma_wait3A_175 : memref<39424xf32, #tpu.memory_space<vmem_shared>>)
    %dma_wait3A_176 = arith.constant 5 : i32
    %dma_wait3A_177 = arith.constant 5 : i32
    %dma_wait3A_178 = arith.constant 0 : i32
    %dma_wait3A_179 = tpu.memref_slice %arg33[%dma_wait3A_176, %dma_wait3A_178] : memref<30x128xf32, #tpu.memory_space<vmem>> -> memref<1x128xf32, #tpu.memory_space<vmem>>
    %dma_wait3A_180 = tpu.memref_squeeze %dma_wait3A_179 : memref<1x128xf32, #tpu.memory_space<vmem>> -> memref<128xf32, #tpu.memory_space<vmem>>
    %dma_wait3A_181 = arith.constant 0 : i32
    %dma_wait3A_182 = tpu.memref_slice %arg31[%dma_wait3A_177, %dma_wait3A_181] : memref<30x128xi32, #tpu.memory_space<vmem>> -> memref<1x128xi32, #tpu.memory_space<vmem>>
    %dma_wait3A_183 = tpu.memref_squeeze %dma_wait3A_182 : memref<1x128xi32, #tpu.memory_space<vmem>> -> memref<128xi32, #tpu.memory_space<vmem>>
    %dma_wait3A_184 = arith.constant 0 : i32
    %dma_wait3A_185 = tpu.memref_slice %arg35[%dma_wait3A_184] : memref<39424xf32, #tpu.memory_space<vmem_shared>> -> memref<39424xf32, #tpu.memory_space<vmem_shared>>
    tpu.wait_indirect_dma semaphore(%arg36 : memref<!tpu.dma_semaphore, #tpu.memory_space<semaphore_mem>>) src(%dma_wait3A_180 : memref<128xf32, #tpu.memory_space<vmem>>) dst(%dma_wait3A_185 : memref<39424xf32, #tpu.memory_space<vmem_shared>>)
    %dma_wait3A_186 = arith.constant 20 : i32
    %dma_wait3A_187 = arith.constant 20 : i32
    %dma_wait3A_188 = arith.constant 0 : i32
    %dma_wait3A_189 = tpu.memref_slice %arg32[%dma_wait3A_186, %dma_wait3A_188] : memref<30x128xf32, #tpu.memory_space<vmem>> -> memref<1x128xf32, #tpu.memory_space<vmem>>
    %dma_wait3A_190 = tpu.memref_squeeze %dma_wait3A_189 : memref<1x128xf32, #tpu.memory_space<vmem>> -> memref<128xf32, #tpu.memory_space<vmem>>
    %dma_wait3A_191 = arith.constant 0 : i32
    %dma_wait3A_192 = tpu.memref_slice %arg31[%dma_wait3A_187, %dma_wait3A_191] : memref<30x128xi32, #tpu.memory_space<vmem>> -> memref<1x128xi32, #tpu.memory_space<vmem>>
    %dma_wait3A_193 = tpu.memref_squeeze %dma_wait3A_192 : memref<1x128xi32, #tpu.memory_space<vmem>> -> memref<128xi32, #tpu.memory_space<vmem>>
    %dma_wait3A_194 = arith.constant 0 : i32
    %dma_wait3A_195 = tpu.memref_slice %arg34[%dma_wait3A_194] : memref<39424xf32, #tpu.memory_space<vmem_shared>> -> memref<39424xf32, #tpu.memory_space<vmem_shared>>
    tpu.wait_indirect_dma semaphore(%arg36 : memref<!tpu.dma_semaphore, #tpu.memory_space<semaphore_mem>>) src(%dma_wait3A_190 : memref<128xf32, #tpu.memory_space<vmem>>) dst(%dma_wait3A_195 : memref<39424xf32, #tpu.memory_space<vmem_shared>>)
    %dma_wait3A_196 = arith.constant 6 : i32
    %dma_wait3A_197 = arith.constant 6 : i32
    %dma_wait3A_198 = arith.constant 0 : i32
    %dma_wait3A_199 = tpu.memref_slice %arg32[%dma_wait3A_196, %dma_wait3A_198] : memref<30x128xf32, #tpu.memory_space<vmem>> -> memref<1x128xf32, #tpu.memory_space<vmem>>
    %dma_wait3A_200 = tpu.memref_squeeze %dma_wait3A_199 : memref<1x128xf32, #tpu.memory_space<vmem>> -> memref<128xf32, #tpu.memory_space<vmem>>
    %dma_wait3A_201 = arith.constant 0 : i32
    %dma_wait3A_202 = tpu.memref_slice %arg31[%dma_wait3A_197, %dma_wait3A_201] : memref<30x128xi32, #tpu.memory_space<vmem>> -> memref<1x128xi32, #tpu.memory_space<vmem>>
    %dma_wait3A_203 = tpu.memref_squeeze %dma_wait3A_202 : memref<1x128xi32, #tpu.memory_space<vmem>> -> memref<128xi32, #tpu.memory_space<vmem>>
    %dma_wait3A_204 = arith.constant 0 : i32
    %dma_wait3A_205 = tpu.memref_slice %arg34[%dma_wait3A_204] : memref<39424xf32, #tpu.memory_space<vmem_shared>> -> memref<39424xf32, #tpu.memory_space<vmem_shared>>
    tpu.wait_indirect_dma semaphore(%arg36 : memref<!tpu.dma_semaphore, #tpu.memory_space<semaphore_mem>>) src(%dma_wait3A_200 : memref<128xf32, #tpu.memory_space<vmem>>) dst(%dma_wait3A_205 : memref<39424xf32, #tpu.memory_space<vmem_shared>>)
    %dma_wait3A_206 = arith.constant 6 : i32
    %dma_wait3A_207 = arith.constant 6 : i32
    %dma_wait3A_208 = arith.constant 0 : i32
    %dma_wait3A_209 = tpu.memref_slice %arg33[%dma_wait3A_206, %dma_wait3A_208] : memref<30x128xf32, #tpu.memory_space<vmem>> -> memref<1x128xf32, #tpu.memory_space<vmem>>
    %dma_wait3A_210 = tpu.memref_squeeze %dma_wait3A_209 : memref<1x128xf32, #tpu.memory_space<vmem>> -> memref<128xf32, #tpu.memory_space<vmem>>
    %dma_wait3A_211 = arith.constant 0 : i32
    %dma_wait3A_212 = tpu.memref_slice %arg31[%dma_wait3A_207, %dma_wait3A_211] : memref<30x128xi32, #tpu.memory_space<vmem>> -> memref<1x128xi32, #tpu.memory_space<vmem>>
    %dma_wait3A_213 = tpu.memref_squeeze %dma_wait3A_212 : memref<1x128xi32, #tpu.memory_space<vmem>> -> memref<128xi32, #tpu.memory_space<vmem>>
    %dma_wait3A_214 = arith.constant 0 : i32
    %dma_wait3A_215 = tpu.memref_slice %arg35[%dma_wait3A_214] : memref<39424xf32, #tpu.memory_space<vmem_shared>> -> memref<39424xf32, #tpu.memory_space<vmem_shared>>
    tpu.wait_indirect_dma semaphore(%arg36 : memref<!tpu.dma_semaphore, #tpu.memory_space<semaphore_mem>>) src(%dma_wait3A_210 : memref<128xf32, #tpu.memory_space<vmem>>) dst(%dma_wait3A_215 : memref<39424xf32, #tpu.memory_space<vmem_shared>>)
    %dma_wait3A_216 = arith.constant 21 : i32
    %dma_wait3A_217 = arith.constant 21 : i32
    %dma_wait3A_218 = arith.constant 0 : i32
    %dma_wait3A_219 = tpu.memref_slice %arg32[%dma_wait3A_216, %dma_wait3A_218] : memref<30x128xf32, #tpu.memory_space<vmem>> -> memref<1x128xf32, #tpu.memory_space<vmem>>
    %dma_wait3A_220 = tpu.memref_squeeze %dma_wait3A_219 : memref<1x128xf32, #tpu.memory_space<vmem>> -> memref<128xf32, #tpu.memory_space<vmem>>
    %dma_wait3A_221 = arith.constant 0 : i32
    %dma_wait3A_222 = tpu.memref_slice %arg31[%dma_wait3A_217, %dma_wait3A_221] : memref<30x128xi32, #tpu.memory_space<vmem>> -> memref<1x128xi32, #tpu.memory_space<vmem>>
    %dma_wait3A_223 = tpu.memref_squeeze %dma_wait3A_222 : memref<1x128xi32, #tpu.memory_space<vmem>> -> memref<128xi32, #tpu.memory_space<vmem>>
    %dma_wait3A_224 = arith.constant 0 : i32
    %dma_wait3A_225 = tpu.memref_slice %arg34[%dma_wait3A_224] : memref<39424xf32, #tpu.memory_space<vmem_shared>> -> memref<39424xf32, #tpu.memory_space<vmem_shared>>
    tpu.wait_indirect_dma semaphore(%arg36 : memref<!tpu.dma_semaphore, #tpu.memory_space<semaphore_mem>>) src(%dma_wait3A_220 : memref<128xf32, #tpu.memory_space<vmem>>) dst(%dma_wait3A_225 : memref<39424xf32, #tpu.memory_space<vmem_shared>>)
    %dma_wait3A_226 = arith.constant 7 : i32
    %dma_wait3A_227 = arith.constant 7 : i32
    %dma_wait3A_228 = arith.constant 0 : i32
    %dma_wait3A_229 = tpu.memref_slice %arg32[%dma_wait3A_226, %dma_wait3A_228] : memref<30x128xf32, #tpu.memory_space<vmem>> -> memref<1x128xf32, #tpu.memory_space<vmem>>
    %dma_wait3A_230 = tpu.memref_squeeze %dma_wait3A_229 : memref<1x128xf32, #tpu.memory_space<vmem>> -> memref<128xf32, #tpu.memory_space<vmem>>
    %dma_wait3A_231 = arith.constant 0 : i32
    %dma_wait3A_232 = tpu.memref_slice %arg31[%dma_wait3A_227, %dma_wait3A_231] : memref<30x128xi32, #tpu.memory_space<vmem>> -> memref<1x128xi32, #tpu.memory_space<vmem>>
    %dma_wait3A_233 = tpu.memref_squeeze %dma_wait3A_232 : memref<1x128xi32, #tpu.memory_space<vmem>> -> memref<128xi32, #tpu.memory_space<vmem>>
    %dma_wait3A_234 = arith.constant 0 : i32
    %dma_wait3A_235 = tpu.memref_slice %arg34[%dma_wait3A_234] : memref<39424xf32, #tpu.memory_space<vmem_shared>> -> memref<39424xf32, #tpu.memory_space<vmem_shared>>
    tpu.wait_indirect_dma semaphore(%arg36 : memref<!tpu.dma_semaphore, #tpu.memory_space<semaphore_mem>>) src(%dma_wait3A_230 : memref<128xf32, #tpu.memory_space<vmem>>) dst(%dma_wait3A_235 : memref<39424xf32, #tpu.memory_space<vmem_shared>>)
    %dma_wait3A_236 = arith.constant 7 : i32
    %dma_wait3A_237 = arith.constant 7 : i32
    %dma_wait3A_238 = arith.constant 0 : i32
    %dma_wait3A_239 = tpu.memref_slice %arg33[%dma_wait3A_236, %dma_wait3A_238] : memref<30x128xf32, #tpu.memory_space<vmem>> -> memref<1x128xf32, #tpu.memory_space<vmem>>
    %dma_wait3A_240 = tpu.memref_squeeze %dma_wait3A_239 : memref<1x128xf32, #tpu.memory_space<vmem>> -> memref<128xf32, #tpu.memory_space<vmem>>
    %dma_wait3A_241 = arith.constant 0 : i32
    %dma_wait3A_242 = tpu.memref_slice %arg31[%dma_wait3A_237, %dma_wait3A_241] : memref<30x128xi32, #tpu.memory_space<vmem>> -> memref<1x128xi32, #tpu.memory_space<vmem>>
    %dma_wait3A_243 = tpu.memref_squeeze %dma_wait3A_242 : memref<1x128xi32, #tpu.memory_space<vmem>> -> memref<128xi32, #tpu.memory_space<vmem>>
    %dma_wait3A_244 = arith.constant 0 : i32
    %dma_wait3A_245 = tpu.memref_slice %arg35[%dma_wait3A_244] : memref<39424xf32, #tpu.memory_space<vmem_shared>> -> memref<39424xf32, #tpu.memory_space<vmem_shared>>
    tpu.wait_indirect_dma semaphore(%arg36 : memref<!tpu.dma_semaphore, #tpu.memory_space<semaphore_mem>>) src(%dma_wait3A_240 : memref<128xf32, #tpu.memory_space<vmem>>) dst(%dma_wait3A_245 : memref<39424xf32, #tpu.memory_space<vmem_shared>>)
    %dma_wait3A_246 = arith.constant 22 : i32
    %dma_wait3A_247 = arith.constant 22 : i32
    %dma_wait3A_248 = arith.constant 0 : i32
    %dma_wait3A_249 = tpu.memref_slice %arg32[%dma_wait3A_246, %dma_wait3A_248] : memref<30x128xf32, #tpu.memory_space<vmem>> -> memref<1x128xf32, #tpu.memory_space<vmem>>
    %dma_wait3A_250 = tpu.memref_squeeze %dma_wait3A_249 : memref<1x128xf32, #tpu.memory_space<vmem>> -> memref<128xf32, #tpu.memory_space<vmem>>
    %dma_wait3A_251 = arith.constant 0 : i32
    %dma_wait3A_252 = tpu.memref_slice %arg31[%dma_wait3A_247, %dma_wait3A_251] : memref<30x128xi32, #tpu.memory_space<vmem>> -> memref<1x128xi32, #tpu.memory_space<vmem>>
    %dma_wait3A_253 = tpu.memref_squeeze %dma_wait3A_252 : memref<1x128xi32, #tpu.memory_space<vmem>> -> memref<128xi32, #tpu.memory_space<vmem>>
    %dma_wait3A_254 = arith.constant 0 : i32
    %dma_wait3A_255 = tpu.memref_slice %arg34[%dma_wait3A_254] : memref<39424xf32, #tpu.memory_space<vmem_shared>> -> memref<39424xf32, #tpu.memory_space<vmem_shared>>
    tpu.wait_indirect_dma semaphore(%arg36 : memref<!tpu.dma_semaphore, #tpu.memory_space<semaphore_mem>>) src(%dma_wait3A_250 : memref<128xf32, #tpu.memory_space<vmem>>) dst(%dma_wait3A_255 : memref<39424xf32, #tpu.memory_space<vmem_shared>>)
    %dma_wait3A_256 = arith.constant 8 : i32
    %dma_wait3A_257 = arith.constant 8 : i32
    %dma_wait3A_258 = arith.constant 0 : i32
    %dma_wait3A_259 = tpu.memref_slice %arg32[%dma_wait3A_256, %dma_wait3A_258] : memref<30x128xf32, #tpu.memory_space<vmem>> -> memref<1x128xf32, #tpu.memory_space<vmem>>
    %dma_wait3A_260 = tpu.memref_squeeze %dma_wait3A_259 : memref<1x128xf32, #tpu.memory_space<vmem>> -> memref<128xf32, #tpu.memory_space<vmem>>
    %dma_wait3A_261 = arith.constant 0 : i32
    %dma_wait3A_262 = tpu.memref_slice %arg31[%dma_wait3A_257, %dma_wait3A_261] : memref<30x128xi32, #tpu.memory_space<vmem>> -> memref<1x128xi32, #tpu.memory_space<vmem>>
    %dma_wait3A_263 = tpu.memref_squeeze %dma_wait3A_262 : memref<1x128xi32, #tpu.memory_space<vmem>> -> memref<128xi32, #tpu.memory_space<vmem>>
    %dma_wait3A_264 = arith.constant 0 : i32
    %dma_wait3A_265 = tpu.memref_slice %arg34[%dma_wait3A_264] : memref<39424xf32, #tpu.memory_space<vmem_shared>> -> memref<39424xf32, #tpu.memory_space<vmem_shared>>
    tpu.wait_indirect_dma semaphore(%arg36 : memref<!tpu.dma_semaphore, #tpu.memory_space<semaphore_mem>>) src(%dma_wait3A_260 : memref<128xf32, #tpu.memory_space<vmem>>) dst(%dma_wait3A_265 : memref<39424xf32, #tpu.memory_space<vmem_shared>>)
    %dma_wait3A_266 = arith.constant 8 : i32
    %dma_wait3A_267 = arith.constant 8 : i32
    %dma_wait3A_268 = arith.constant 0 : i32
    %dma_wait3A_269 = tpu.memref_slice %arg33[%dma_wait3A_266, %dma_wait3A_268] : memref<30x128xf32, #tpu.memory_space<vmem>> -> memref<1x128xf32, #tpu.memory_space<vmem>>
    %dma_wait3A_270 = tpu.memref_squeeze %dma_wait3A_269 : memref<1x128xf32, #tpu.memory_space<vmem>> -> memref<128xf32, #tpu.memory_space<vmem>>
    %dma_wait3A_271 = arith.constant 0 : i32
    %dma_wait3A_272 = tpu.memref_slice %arg31[%dma_wait3A_267, %dma_wait3A_271] : memref<30x128xi32, #tpu.memory_space<vmem>> -> memref<1x128xi32, #tpu.memory_space<vmem>>
    %dma_wait3A_273 = tpu.memref_squeeze %dma_wait3A_272 : memref<1x128xi32, #tpu.memory_space<vmem>> -> memref<128xi32, #tpu.memory_space<vmem>>
    %dma_wait3A_274 = arith.constant 0 : i32
    %dma_wait3A_275 = tpu.memref_slice %arg35[%dma_wait3A_274] : memref<39424xf32, #tpu.memory_space<vmem_shared>> -> memref<39424xf32, #tpu.memory_space<vmem_shared>>
    tpu.wait_indirect_dma semaphore(%arg36 : memref<!tpu.dma_semaphore, #tpu.memory_space<semaphore_mem>>) src(%dma_wait3A_270 : memref<128xf32, #tpu.memory_space<vmem>>) dst(%dma_wait3A_275 : memref<39424xf32, #tpu.memory_space<vmem_shared>>)
    %dma_wait3A_276 = arith.constant 23 : i32
    %dma_wait3A_277 = arith.constant 23 : i32
    %dma_wait3A_278 = arith.constant 0 : i32
    %dma_wait3A_279 = tpu.memref_slice %arg32[%dma_wait3A_276, %dma_wait3A_278] : memref<30x128xf32, #tpu.memory_space<vmem>> -> memref<1x128xf32, #tpu.memory_space<vmem>>
    %dma_wait3A_280 = tpu.memref_squeeze %dma_wait3A_279 : memref<1x128xf32, #tpu.memory_space<vmem>> -> memref<128xf32, #tpu.memory_space<vmem>>
    %dma_wait3A_281 = arith.constant 0 : i32
    %dma_wait3A_282 = tpu.memref_slice %arg31[%dma_wait3A_277, %dma_wait3A_281] : memref<30x128xi32, #tpu.memory_space<vmem>> -> memref<1x128xi32, #tpu.memory_space<vmem>>
    %dma_wait3A_283 = tpu.memref_squeeze %dma_wait3A_282 : memref<1x128xi32, #tpu.memory_space<vmem>> -> memref<128xi32, #tpu.memory_space<vmem>>
    %dma_wait3A_284 = arith.constant 0 : i32
    %dma_wait3A_285 = tpu.memref_slice %arg34[%dma_wait3A_284] : memref<39424xf32, #tpu.memory_space<vmem_shared>> -> memref<39424xf32, #tpu.memory_space<vmem_shared>>
    tpu.wait_indirect_dma semaphore(%arg36 : memref<!tpu.dma_semaphore, #tpu.memory_space<semaphore_mem>>) src(%dma_wait3A_280 : memref<128xf32, #tpu.memory_space<vmem>>) dst(%dma_wait3A_285 : memref<39424xf32, #tpu.memory_space<vmem_shared>>)
    %dma_wait3A_286 = arith.constant 9 : i32
    %dma_wait3A_287 = arith.constant 9 : i32
    %dma_wait3A_288 = arith.constant 0 : i32
    %dma_wait3A_289 = tpu.memref_slice %arg32[%dma_wait3A_286, %dma_wait3A_288] : memref<30x128xf32, #tpu.memory_space<vmem>> -> memref<1x128xf32, #tpu.memory_space<vmem>>
    %dma_wait3A_290 = tpu.memref_squeeze %dma_wait3A_289 : memref<1x128xf32, #tpu.memory_space<vmem>> -> memref<128xf32, #tpu.memory_space<vmem>>
    %dma_wait3A_291 = arith.constant 0 : i32
    %dma_wait3A_292 = tpu.memref_slice %arg31[%dma_wait3A_287, %dma_wait3A_291] : memref<30x128xi32, #tpu.memory_space<vmem>> -> memref<1x128xi32, #tpu.memory_space<vmem>>
    %dma_wait3A_293 = tpu.memref_squeeze %dma_wait3A_292 : memref<1x128xi32, #tpu.memory_space<vmem>> -> memref<128xi32, #tpu.memory_space<vmem>>
    %dma_wait3A_294 = arith.constant 0 : i32
    %dma_wait3A_295 = tpu.memref_slice %arg34[%dma_wait3A_294] : memref<39424xf32, #tpu.memory_space<vmem_shared>> -> memref<39424xf32, #tpu.memory_space<vmem_shared>>
    tpu.wait_indirect_dma semaphore(%arg36 : memref<!tpu.dma_semaphore, #tpu.memory_space<semaphore_mem>>) src(%dma_wait3A_290 : memref<128xf32, #tpu.memory_space<vmem>>) dst(%dma_wait3A_295 : memref<39424xf32, #tpu.memory_space<vmem_shared>>)
    %dma_wait3A_296 = arith.constant 9 : i32
    %dma_wait3A_297 = arith.constant 9 : i32
    %dma_wait3A_298 = arith.constant 0 : i32
    %dma_wait3A_299 = tpu.memref_slice %arg33[%dma_wait3A_296, %dma_wait3A_298] : memref<30x128xf32, #tpu.memory_space<vmem>> -> memref<1x128xf32, #tpu.memory_space<vmem>>
    %dma_wait3A_300 = tpu.memref_squeeze %dma_wait3A_299 : memref<1x128xf32, #tpu.memory_space<vmem>> -> memref<128xf32, #tpu.memory_space<vmem>>
    %dma_wait3A_301 = arith.constant 0 : i32
    %dma_wait3A_302 = tpu.memref_slice %arg31[%dma_wait3A_297, %dma_wait3A_301] : memref<30x128xi32, #tpu.memory_space<vmem>> -> memref<1x128xi32, #tpu.memory_space<vmem>>
    %dma_wait3A_303 = tpu.memref_squeeze %dma_wait3A_302 : memref<1x128xi32, #tpu.memory_space<vmem>> -> memref<128xi32, #tpu.memory_space<vmem>>
    %dma_wait3A_304 = arith.constant 0 : i32
    %dma_wait3A_305 = tpu.memref_slice %arg35[%dma_wait3A_304] : memref<39424xf32, #tpu.memory_space<vmem_shared>> -> memref<39424xf32, #tpu.memory_space<vmem_shared>>
    tpu.wait_indirect_dma semaphore(%arg36 : memref<!tpu.dma_semaphore, #tpu.memory_space<semaphore_mem>>) src(%dma_wait3A_300 : memref<128xf32, #tpu.memory_space<vmem>>) dst(%dma_wait3A_305 : memref<39424xf32, #tpu.memory_space<vmem_shared>>)
    %dma_wait3A_306 = arith.constant 24 : i32
    %dma_wait3A_307 = arith.constant 24 : i32
    %dma_wait3A_308 = arith.constant 0 : i32
    %dma_wait3A_309 = tpu.memref_slice %arg32[%dma_wait3A_306, %dma_wait3A_308] : memref<30x128xf32, #tpu.memory_space<vmem>> -> memref<1x128xf32, #tpu.memory_space<vmem>>
    %dma_wait3A_310 = tpu.memref_squeeze %dma_wait3A_309 : memref<1x128xf32, #tpu.memory_space<vmem>> -> memref<128xf32, #tpu.memory_space<vmem>>
    %dma_wait3A_311 = arith.constant 0 : i32
    %dma_wait3A_312 = tpu.memref_slice %arg31[%dma_wait3A_307, %dma_wait3A_311] : memref<30x128xi32, #tpu.memory_space<vmem>> -> memref<1x128xi32, #tpu.memory_space<vmem>>
    %dma_wait3A_313 = tpu.memref_squeeze %dma_wait3A_312 : memref<1x128xi32, #tpu.memory_space<vmem>> -> memref<128xi32, #tpu.memory_space<vmem>>
    %dma_wait3A_314 = arith.constant 0 : i32
    %dma_wait3A_315 = tpu.memref_slice %arg34[%dma_wait3A_314] : memref<39424xf32, #tpu.memory_space<vmem_shared>> -> memref<39424xf32, #tpu.memory_space<vmem_shared>>
    tpu.wait_indirect_dma semaphore(%arg36 : memref<!tpu.dma_semaphore, #tpu.memory_space<semaphore_mem>>) src(%dma_wait3A_310 : memref<128xf32, #tpu.memory_space<vmem>>) dst(%dma_wait3A_315 : memref<39424xf32, #tpu.memory_space<vmem_shared>>)
    %dma_wait3A_316 = arith.constant 10 : i32
    %dma_wait3A_317 = arith.constant 10 : i32
    %dma_wait3A_318 = arith.constant 0 : i32
    %dma_wait3A_319 = tpu.memref_slice %arg32[%dma_wait3A_316, %dma_wait3A_318] : memref<30x128xf32, #tpu.memory_space<vmem>> -> memref<1x128xf32, #tpu.memory_space<vmem>>
    %dma_wait3A_320 = tpu.memref_squeeze %dma_wait3A_319 : memref<1x128xf32, #tpu.memory_space<vmem>> -> memref<128xf32, #tpu.memory_space<vmem>>
    %dma_wait3A_321 = arith.constant 0 : i32
    %dma_wait3A_322 = tpu.memref_slice %arg31[%dma_wait3A_317, %dma_wait3A_321] : memref<30x128xi32, #tpu.memory_space<vmem>> -> memref<1x128xi32, #tpu.memory_space<vmem>>
    %dma_wait3A_323 = tpu.memref_squeeze %dma_wait3A_322 : memref<1x128xi32, #tpu.memory_space<vmem>> -> memref<128xi32, #tpu.memory_space<vmem>>
    %dma_wait3A_324 = arith.constant 0 : i32
    %dma_wait3A_325 = tpu.memref_slice %arg34[%dma_wait3A_324] : memref<39424xf32, #tpu.memory_space<vmem_shared>> -> memref<39424xf32, #tpu.memory_space<vmem_shared>>
    tpu.wait_indirect_dma semaphore(%arg36 : memref<!tpu.dma_semaphore, #tpu.memory_space<semaphore_mem>>) src(%dma_wait3A_320 : memref<128xf32, #tpu.memory_space<vmem>>) dst(%dma_wait3A_325 : memref<39424xf32, #tpu.memory_space<vmem_shared>>)
    %dma_wait3A_326 = arith.constant 10 : i32
    %dma_wait3A_327 = arith.constant 10 : i32
    %dma_wait3A_328 = arith.constant 0 : i32
    %dma_wait3A_329 = tpu.memref_slice %arg33[%dma_wait3A_326, %dma_wait3A_328] : memref<30x128xf32, #tpu.memory_space<vmem>> -> memref<1x128xf32, #tpu.memory_space<vmem>>
    %dma_wait3A_330 = tpu.memref_squeeze %dma_wait3A_329 : memref<1x128xf32, #tpu.memory_space<vmem>> -> memref<128xf32, #tpu.memory_space<vmem>>
    %dma_wait3A_331 = arith.constant 0 : i32
    %dma_wait3A_332 = tpu.memref_slice %arg31[%dma_wait3A_327, %dma_wait3A_331] : memref<30x128xi32, #tpu.memory_space<vmem>> -> memref<1x128xi32, #tpu.memory_space<vmem>>
    %dma_wait3A_333 = tpu.memref_squeeze %dma_wait3A_332 : memref<1x128xi32, #tpu.memory_space<vmem>> -> memref<128xi32, #tpu.memory_space<vmem>>
    %dma_wait3A_334 = arith.constant 0 : i32
    %dma_wait3A_335 = tpu.memref_slice %arg35[%dma_wait3A_334] : memref<39424xf32, #tpu.memory_space<vmem_shared>> -> memref<39424xf32, #tpu.memory_space<vmem_shared>>
    tpu.wait_indirect_dma semaphore(%arg36 : memref<!tpu.dma_semaphore, #tpu.memory_space<semaphore_mem>>) src(%dma_wait3A_330 : memref<128xf32, #tpu.memory_space<vmem>>) dst(%dma_wait3A_335 : memref<39424xf32, #tpu.memory_space<vmem_shared>>)
    %dma_wait3A_336 = arith.constant 25 : i32
    %dma_wait3A_337 = arith.constant 25 : i32
    %dma_wait3A_338 = arith.constant 0 : i32
    %dma_wait3A_339 = tpu.memref_slice %arg32[%dma_wait3A_336, %dma_wait3A_338] : memref<30x128xf32, #tpu.memory_space<vmem>> -> memref<1x128xf32, #tpu.memory_space<vmem>>
    %dma_wait3A_340 = tpu.memref_squeeze %dma_wait3A_339 : memref<1x128xf32, #tpu.memory_space<vmem>> -> memref<128xf32, #tpu.memory_space<vmem>>
    %dma_wait3A_341 = arith.constant 0 : i32
    %dma_wait3A_342 = tpu.memref_slice %arg31[%dma_wait3A_337, %dma_wait3A_341] : memref<30x128xi32, #tpu.memory_space<vmem>> -> memref<1x128xi32, #tpu.memory_space<vmem>>
    %dma_wait3A_343 = tpu.memref_squeeze %dma_wait3A_342 : memref<1x128xi32, #tpu.memory_space<vmem>> -> memref<128xi32, #tpu.memory_space<vmem>>
    %dma_wait3A_344 = arith.constant 0 : i32
    %dma_wait3A_345 = tpu.memref_slice %arg34[%dma_wait3A_344] : memref<39424xf32, #tpu.memory_space<vmem_shared>> -> memref<39424xf32, #tpu.memory_space<vmem_shared>>
    tpu.wait_indirect_dma semaphore(%arg36 : memref<!tpu.dma_semaphore, #tpu.memory_space<semaphore_mem>>) src(%dma_wait3A_340 : memref<128xf32, #tpu.memory_space<vmem>>) dst(%dma_wait3A_345 : memref<39424xf32, #tpu.memory_space<vmem_shared>>)
    %dma_wait3A_346 = arith.constant 11 : i32
    %dma_wait3A_347 = arith.constant 11 : i32
    %dma_wait3A_348 = arith.constant 0 : i32
    %dma_wait3A_349 = tpu.memref_slice %arg32[%dma_wait3A_346, %dma_wait3A_348] : memref<30x128xf32, #tpu.memory_space<vmem>> -> memref<1x128xf32, #tpu.memory_space<vmem>>
    %dma_wait3A_350 = tpu.memref_squeeze %dma_wait3A_349 : memref<1x128xf32, #tpu.memory_space<vmem>> -> memref<128xf32, #tpu.memory_space<vmem>>
    %dma_wait3A_351 = arith.constant 0 : i32
    %dma_wait3A_352 = tpu.memref_slice %arg31[%dma_wait3A_347, %dma_wait3A_351] : memref<30x128xi32, #tpu.memory_space<vmem>> -> memref<1x128xi32, #tpu.memory_space<vmem>>
    %dma_wait3A_353 = tpu.memref_squeeze %dma_wait3A_352 : memref<1x128xi32, #tpu.memory_space<vmem>> -> memref<128xi32, #tpu.memory_space<vmem>>
    %dma_wait3A_354 = arith.constant 0 : i32
    %dma_wait3A_355 = tpu.memref_slice %arg34[%dma_wait3A_354] : memref<39424xf32, #tpu.memory_space<vmem_shared>> -> memref<39424xf32, #tpu.memory_space<vmem_shared>>
    tpu.wait_indirect_dma semaphore(%arg36 : memref<!tpu.dma_semaphore, #tpu.memory_space<semaphore_mem>>) src(%dma_wait3A_350 : memref<128xf32, #tpu.memory_space<vmem>>) dst(%dma_wait3A_355 : memref<39424xf32, #tpu.memory_space<vmem_shared>>)
    %dma_wait3A_356 = arith.constant 11 : i32
    %dma_wait3A_357 = arith.constant 11 : i32
    %dma_wait3A_358 = arith.constant 0 : i32
    %dma_wait3A_359 = tpu.memref_slice %arg33[%dma_wait3A_356, %dma_wait3A_358] : memref<30x128xf32, #tpu.memory_space<vmem>> -> memref<1x128xf32, #tpu.memory_space<vmem>>
    %dma_wait3A_360 = tpu.memref_squeeze %dma_wait3A_359 : memref<1x128xf32, #tpu.memory_space<vmem>> -> memref<128xf32, #tpu.memory_space<vmem>>
    %dma_wait3A_361 = arith.constant 0 : i32
    %dma_wait3A_362 = tpu.memref_slice %arg31[%dma_wait3A_357, %dma_wait3A_361] : memref<30x128xi32, #tpu.memory_space<vmem>> -> memref<1x128xi32, #tpu.memory_space<vmem>>
    %dma_wait3A_363 = tpu.memref_squeeze %dma_wait3A_362 : memref<1x128xi32, #tpu.memory_space<vmem>> -> memref<128xi32, #tpu.memory_space<vmem>>
    %dma_wait3A_364 = arith.constant 0 : i32
    %dma_wait3A_365 = tpu.memref_slice %arg35[%dma_wait3A_364] : memref<39424xf32, #tpu.memory_space<vmem_shared>> -> memref<39424xf32, #tpu.memory_space<vmem_shared>>
    tpu.wait_indirect_dma semaphore(%arg36 : memref<!tpu.dma_semaphore, #tpu.memory_space<semaphore_mem>>) src(%dma_wait3A_360 : memref<128xf32, #tpu.memory_space<vmem>>) dst(%dma_wait3A_365 : memref<39424xf32, #tpu.memory_space<vmem_shared>>)
    %dma_wait3A_366 = arith.constant 26 : i32
    %dma_wait3A_367 = arith.constant 26 : i32
    %dma_wait3A_368 = arith.constant 0 : i32
    %dma_wait3A_369 = tpu.memref_slice %arg32[%dma_wait3A_366, %dma_wait3A_368] : memref<30x128xf32, #tpu.memory_space<vmem>> -> memref<1x128xf32, #tpu.memory_space<vmem>>
    %dma_wait3A_370 = tpu.memref_squeeze %dma_wait3A_369 : memref<1x128xf32, #tpu.memory_space<vmem>> -> memref<128xf32, #tpu.memory_space<vmem>>
    %dma_wait3A_371 = arith.constant 0 : i32
    %dma_wait3A_372 = tpu.memref_slice %arg31[%dma_wait3A_367, %dma_wait3A_371] : memref<30x128xi32, #tpu.memory_space<vmem>> -> memref<1x128xi32, #tpu.memory_space<vmem>>
    %dma_wait3A_373 = tpu.memref_squeeze %dma_wait3A_372 : memref<1x128xi32, #tpu.memory_space<vmem>> -> memref<128xi32, #tpu.memory_space<vmem>>
    %dma_wait3A_374 = arith.constant 0 : i32
    %dma_wait3A_375 = tpu.memref_slice %arg34[%dma_wait3A_374] : memref<39424xf32, #tpu.memory_space<vmem_shared>> -> memref<39424xf32, #tpu.memory_space<vmem_shared>>
    tpu.wait_indirect_dma semaphore(%arg36 : memref<!tpu.dma_semaphore, #tpu.memory_space<semaphore_mem>>) src(%dma_wait3A_370 : memref<128xf32, #tpu.memory_space<vmem>>) dst(%dma_wait3A_375 : memref<39424xf32, #tpu.memory_space<vmem_shared>>)
    %dma_wait3A_376 = arith.constant 12 : i32
    %dma_wait3A_377 = arith.constant 12 : i32
    %dma_wait3A_378 = arith.constant 0 : i32
    %dma_wait3A_379 = tpu.memref_slice %arg32[%dma_wait3A_376, %dma_wait3A_378] : memref<30x128xf32, #tpu.memory_space<vmem>> -> memref<1x128xf32, #tpu.memory_space<vmem>>
    %dma_wait3A_380 = tpu.memref_squeeze %dma_wait3A_379 : memref<1x128xf32, #tpu.memory_space<vmem>> -> memref<128xf32, #tpu.memory_space<vmem>>
    %dma_wait3A_381 = arith.constant 0 : i32
    %dma_wait3A_382 = tpu.memref_slice %arg31[%dma_wait3A_377, %dma_wait3A_381] : memref<30x128xi32, #tpu.memory_space<vmem>> -> memref<1x128xi32, #tpu.memory_space<vmem>>
    %dma_wait3A_383 = tpu.memref_squeeze %dma_wait3A_382 : memref<1x128xi32, #tpu.memory_space<vmem>> -> memref<128xi32, #tpu.memory_space<vmem>>
    %dma_wait3A_384 = arith.constant 0 : i32
    %dma_wait3A_385 = tpu.memref_slice %arg34[%dma_wait3A_384] : memref<39424xf32, #tpu.memory_space<vmem_shared>> -> memref<39424xf32, #tpu.memory_space<vmem_shared>>
    tpu.wait_indirect_dma semaphore(%arg36 : memref<!tpu.dma_semaphore, #tpu.memory_space<semaphore_mem>>) src(%dma_wait3A_380 : memref<128xf32, #tpu.memory_space<vmem>>) dst(%dma_wait3A_385 : memref<39424xf32, #tpu.memory_space<vmem_shared>>)
    %dma_wait3A_386 = arith.constant 12 : i32
    %dma_wait3A_387 = arith.constant 12 : i32
    %dma_wait3A_388 = arith.constant 0 : i32
    %dma_wait3A_389 = tpu.memref_slice %arg33[%dma_wait3A_386, %dma_wait3A_388] : memref<30x128xf32, #tpu.memory_space<vmem>> -> memref<1x128xf32, #tpu.memory_space<vmem>>
    %dma_wait3A_390 = tpu.memref_squeeze %dma_wait3A_389 : memref<1x128xf32, #tpu.memory_space<vmem>> -> memref<128xf32, #tpu.memory_space<vmem>>
    %dma_wait3A_391 = arith.constant 0 : i32
    %dma_wait3A_392 = tpu.memref_slice %arg31[%dma_wait3A_387, %dma_wait3A_391] : memref<30x128xi32, #tpu.memory_space<vmem>> -> memref<1x128xi32, #tpu.memory_space<vmem>>
    %dma_wait3A_393 = tpu.memref_squeeze %dma_wait3A_392 : memref<1x128xi32, #tpu.memory_space<vmem>> -> memref<128xi32, #tpu.memory_space<vmem>>
    %dma_wait3A_394 = arith.constant 0 : i32
    %dma_wait3A_395 = tpu.memref_slice %arg35[%dma_wait3A_394] : memref<39424xf32, #tpu.memory_space<vmem_shared>> -> memref<39424xf32, #tpu.memory_space<vmem_shared>>
    tpu.wait_indirect_dma semaphore(%arg36 : memref<!tpu.dma_semaphore, #tpu.memory_space<semaphore_mem>>) src(%dma_wait3A_390 : memref<128xf32, #tpu.memory_space<vmem>>) dst(%dma_wait3A_395 : memref<39424xf32, #tpu.memory_space<vmem_shared>>)
    %dma_wait3A_396 = arith.constant 27 : i32
    %dma_wait3A_397 = arith.constant 27 : i32
    %dma_wait3A_398 = arith.constant 0 : i32
    %dma_wait3A_399 = tpu.memref_slice %arg32[%dma_wait3A_396, %dma_wait3A_398] : memref<30x128xf32, #tpu.memory_space<vmem>> -> memref<1x128xf32, #tpu.memory_space<vmem>>
    %dma_wait3A_400 = tpu.memref_squeeze %dma_wait3A_399 : memref<1x128xf32, #tpu.memory_space<vmem>> -> memref<128xf32, #tpu.memory_space<vmem>>
    %dma_wait3A_401 = arith.constant 0 : i32
    %dma_wait3A_402 = tpu.memref_slice %arg31[%dma_wait3A_397, %dma_wait3A_401] : memref<30x128xi32, #tpu.memory_space<vmem>> -> memref<1x128xi32, #tpu.memory_space<vmem>>
    %dma_wait3A_403 = tpu.memref_squeeze %dma_wait3A_402 : memref<1x128xi32, #tpu.memory_space<vmem>> -> memref<128xi32, #tpu.memory_space<vmem>>
    %dma_wait3A_404 = arith.constant 0 : i32
    %dma_wait3A_405 = tpu.memref_slice %arg34[%dma_wait3A_404] : memref<39424xf32, #tpu.memory_space<vmem_shared>> -> memref<39424xf32, #tpu.memory_space<vmem_shared>>
    tpu.wait_indirect_dma semaphore(%arg36 : memref<!tpu.dma_semaphore, #tpu.memory_space<semaphore_mem>>) src(%dma_wait3A_400 : memref<128xf32, #tpu.memory_space<vmem>>) dst(%dma_wait3A_405 : memref<39424xf32, #tpu.memory_space<vmem_shared>>)
    %dma_wait3A_406 = arith.constant 13 : i32
    %dma_wait3A_407 = arith.constant 13 : i32
    %dma_wait3A_408 = arith.constant 0 : i32
    %dma_wait3A_409 = tpu.memref_slice %arg32[%dma_wait3A_406, %dma_wait3A_408] : memref<30x128xf32, #tpu.memory_space<vmem>> -> memref<1x128xf32, #tpu.memory_space<vmem>>
    %dma_wait3A_410 = tpu.memref_squeeze %dma_wait3A_409 : memref<1x128xf32, #tpu.memory_space<vmem>> -> memref<128xf32, #tpu.memory_space<vmem>>
    %dma_wait3A_411 = arith.constant 0 : i32
    %dma_wait3A_412 = tpu.memref_slice %arg31[%dma_wait3A_407, %dma_wait3A_411] : memref<30x128xi32, #tpu.memory_space<vmem>> -> memref<1x128xi32, #tpu.memory_space<vmem>>
    %dma_wait3A_413 = tpu.memref_squeeze %dma_wait3A_412 : memref<1x128xi32, #tpu.memory_space<vmem>> -> memref<128xi32, #tpu.memory_space<vmem>>
    %dma_wait3A_414 = arith.constant 0 : i32
    %dma_wait3A_415 = tpu.memref_slice %arg34[%dma_wait3A_414] : memref<39424xf32, #tpu.memory_space<vmem_shared>> -> memref<39424xf32, #tpu.memory_space<vmem_shared>>
    tpu.wait_indirect_dma semaphore(%arg36 : memref<!tpu.dma_semaphore, #tpu.memory_space<semaphore_mem>>) src(%dma_wait3A_410 : memref<128xf32, #tpu.memory_space<vmem>>) dst(%dma_wait3A_415 : memref<39424xf32, #tpu.memory_space<vmem_shared>>)
    %dma_wait3A_416 = arith.constant 13 : i32
    %dma_wait3A_417 = arith.constant 13 : i32
    %dma_wait3A_418 = arith.constant 0 : i32
    %dma_wait3A_419 = tpu.memref_slice %arg33[%dma_wait3A_416, %dma_wait3A_418] : memref<30x128xf32, #tpu.memory_space<vmem>> -> memref<1x128xf32, #tpu.memory_space<vmem>>
    %dma_wait3A_420 = tpu.memref_squeeze %dma_wait3A_419 : memref<1x128xf32, #tpu.memory_space<vmem>> -> memref<128xf32, #tpu.memory_space<vmem>>
    %dma_wait3A_421 = arith.constant 0 : i32
    %dma_wait3A_422 = tpu.memref_slice %arg31[%dma_wait3A_417, %dma_wait3A_421] : memref<30x128xi32, #tpu.memory_space<vmem>> -> memref<1x128xi32, #tpu.memory_space<vmem>>
    %dma_wait3A_423 = tpu.memref_squeeze %dma_wait3A_422 : memref<1x128xi32, #tpu.memory_space<vmem>> -> memref<128xi32, #tpu.memory_space<vmem>>
    %dma_wait3A_424 = arith.constant 0 : i32
    %dma_wait3A_425 = tpu.memref_slice %arg35[%dma_wait3A_424] : memref<39424xf32, #tpu.memory_space<vmem_shared>> -> memref<39424xf32, #tpu.memory_space<vmem_shared>>
    tpu.wait_indirect_dma semaphore(%arg36 : memref<!tpu.dma_semaphore, #tpu.memory_space<semaphore_mem>>) src(%dma_wait3A_420 : memref<128xf32, #tpu.memory_space<vmem>>) dst(%dma_wait3A_425 : memref<39424xf32, #tpu.memory_space<vmem_shared>>)
    %dma_wait3A_426 = arith.constant 28 : i32
    %dma_wait3A_427 = arith.constant 28 : i32
    %dma_wait3A_428 = arith.constant 0 : i32
    %dma_wait3A_429 = tpu.memref_slice %arg32[%dma_wait3A_426, %dma_wait3A_428] : memref<30x128xf32, #tpu.memory_space<vmem>> -> memref<1x128xf32, #tpu.memory_space<vmem>>
    %dma_wait3A_430 = tpu.memref_squeeze %dma_wait3A_429 : memref<1x128xf32, #tpu.memory_space<vmem>> -> memref<128xf32, #tpu.memory_space<vmem>>
    %dma_wait3A_431 = arith.constant 0 : i32
    %dma_wait3A_432 = tpu.memref_slice %arg31[%dma_wait3A_427, %dma_wait3A_431] : memref<30x128xi32, #tpu.memory_space<vmem>> -> memref<1x128xi32, #tpu.memory_space<vmem>>
    %dma_wait3A_433 = tpu.memref_squeeze %dma_wait3A_432 : memref<1x128xi32, #tpu.memory_space<vmem>> -> memref<128xi32, #tpu.memory_space<vmem>>
    %dma_wait3A_434 = arith.constant 0 : i32
    %dma_wait3A_435 = tpu.memref_slice %arg34[%dma_wait3A_434] : memref<39424xf32, #tpu.memory_space<vmem_shared>> -> memref<39424xf32, #tpu.memory_space<vmem_shared>>
    tpu.wait_indirect_dma semaphore(%arg36 : memref<!tpu.dma_semaphore, #tpu.memory_space<semaphore_mem>>) src(%dma_wait3A_430 : memref<128xf32, #tpu.memory_space<vmem>>) dst(%dma_wait3A_435 : memref<39424xf32, #tpu.memory_space<vmem_shared>>)
    %dma_wait3A_436 = arith.constant 14 : i32
    %dma_wait3A_437 = arith.constant 14 : i32
    %dma_wait3A_438 = arith.constant 0 : i32
    %dma_wait3A_439 = tpu.memref_slice %arg32[%dma_wait3A_436, %dma_wait3A_438] : memref<30x128xf32, #tpu.memory_space<vmem>> -> memref<1x128xf32, #tpu.memory_space<vmem>>
    %dma_wait3A_440 = tpu.memref_squeeze %dma_wait3A_439 : memref<1x128xf32, #tpu.memory_space<vmem>> -> memref<128xf32, #tpu.memory_space<vmem>>
    %dma_wait3A_441 = arith.constant 0 : i32
    %dma_wait3A_442 = tpu.memref_slice %arg31[%dma_wait3A_437, %dma_wait3A_441] : memref<30x128xi32, #tpu.memory_space<vmem>> -> memref<1x128xi32, #tpu.memory_space<vmem>>
    %dma_wait3A_443 = tpu.memref_squeeze %dma_wait3A_442 : memref<1x128xi32, #tpu.memory_space<vmem>> -> memref<128xi32, #tpu.memory_space<vmem>>
    %dma_wait3A_444 = arith.constant 0 : i32
    %dma_wait3A_445 = tpu.memref_slice %arg34[%dma_wait3A_444] : memref<39424xf32, #tpu.memory_space<vmem_shared>> -> memref<39424xf32, #tpu.memory_space<vmem_shared>>
    tpu.wait_indirect_dma semaphore(%arg36 : memref<!tpu.dma_semaphore, #tpu.memory_space<semaphore_mem>>) src(%dma_wait3A_440 : memref<128xf32, #tpu.memory_space<vmem>>) dst(%dma_wait3A_445 : memref<39424xf32, #tpu.memory_space<vmem_shared>>)
    %dma_wait3A_446 = arith.constant 14 : i32
    %dma_wait3A_447 = arith.constant 14 : i32
    %dma_wait3A_448 = arith.constant 0 : i32
    %dma_wait3A_449 = tpu.memref_slice %arg33[%dma_wait3A_446, %dma_wait3A_448] : memref<30x128xf32, #tpu.memory_space<vmem>> -> memref<1x128xf32, #tpu.memory_space<vmem>>
    %dma_wait3A_450 = tpu.memref_squeeze %dma_wait3A_449 : memref<1x128xf32, #tpu.memory_space<vmem>> -> memref<128xf32, #tpu.memory_space<vmem>>
    %dma_wait3A_451 = arith.constant 0 : i32
    %dma_wait3A_452 = tpu.memref_slice %arg31[%dma_wait3A_447, %dma_wait3A_451] : memref<30x128xi32, #tpu.memory_space<vmem>> -> memref<1x128xi32, #tpu.memory_space<vmem>>
    %dma_wait3A_453 = tpu.memref_squeeze %dma_wait3A_452 : memref<1x128xi32, #tpu.memory_space<vmem>> -> memref<128xi32, #tpu.memory_space<vmem>>
    %dma_wait3A_454 = arith.constant 0 : i32
    %dma_wait3A_455 = tpu.memref_slice %arg35[%dma_wait3A_454] : memref<39424xf32, #tpu.memory_space<vmem_shared>> -> memref<39424xf32, #tpu.memory_space<vmem_shared>>
    tpu.wait_indirect_dma semaphore(%arg36 : memref<!tpu.dma_semaphore, #tpu.memory_space<semaphore_mem>>) src(%dma_wait3A_450 : memref<128xf32, #tpu.memory_space<vmem>>) dst(%dma_wait3A_455 : memref<39424xf32, #tpu.memory_space<vmem_shared>>)
    %dma_wait3A_456 = arith.constant 29 : i32
    %dma_wait3A_457 = arith.constant 29 : i32
    %dma_wait3A_458 = arith.constant 0 : i32
    %dma_wait3A_459 = tpu.memref_slice %arg32[%dma_wait3A_456, %dma_wait3A_458] : memref<30x128xf32, #tpu.memory_space<vmem>> -> memref<1x128xf32, #tpu.memory_space<vmem>>
    %dma_wait3A_460 = tpu.memref_squeeze %dma_wait3A_459 : memref<1x128xf32, #tpu.memory_space<vmem>> -> memref<128xf32, #tpu.memory_space<vmem>>
    %dma_wait3A_461 = arith.constant 0 : i32
    %dma_wait3A_462 = tpu.memref_slice %arg31[%dma_wait3A_457, %dma_wait3A_461] : memref<30x128xi32, #tpu.memory_space<vmem>> -> memref<1x128xi32, #tpu.memory_space<vmem>>
    %dma_wait3A_463 = tpu.memref_squeeze %dma_wait3A_462 : memref<1x128xi32, #tpu.memory_space<vmem>> -> memref<128xi32, #tpu.memory_space<vmem>>
    %dma_wait3A_464 = arith.constant 0 : i32
    %dma_wait3A_465 = tpu.memref_slice %arg34[%dma_wait3A_464] : memref<39424xf32, #tpu.memory_space<vmem_shared>> -> memref<39424xf32, #tpu.memory_space<vmem_shared>>
    tpu.wait_indirect_dma semaphore(%arg36 : memref<!tpu.dma_semaphore, #tpu.memory_space<semaphore_mem>>) src(%dma_wait3A_460 : memref<128xf32, #tpu.memory_space<vmem>>) dst(%dma_wait3A_465 : memref<39424xf32, #tpu.memory_space<vmem_shared>>)
    %barrier3A_466 = arith.constant 0 : index
    tpu.barrier barrier_id(%barrier3A_466)
    "tpu.region"() ({
      %run_scoped3A = tpu.sem_alloc : memref<!tpu.dma_semaphore, #tpu.memory_space<semaphore_mem>>
      %dma_start3A = arith.constant 0 : i32
      %dma_start3A_472 = tpu.memref_slice %arg14[%arg0, %arg1, %dma_start3A] : memref<2x16x78848xf32, #tpu.memory_space<hbm>> -> memref<1x1x39424xf32, #tpu.memory_space<hbm>>
      %dma_start3A_473 = tpu.memref_squeeze %dma_start3A_472 : memref<1x1x39424xf32, #tpu.memory_space<hbm>> -> memref<39424xf32, #tpu.memory_space<hbm>>
      %dma_start3A_474 = arith.constant 0 : i32
      %dma_start3A_475 = tpu.memref_slice %arg14[%arg0, %arg1, %dma_start3A_474] : memref<2x16x78848xf32, #tpu.memory_space<hbm>> -> memref<1x1x39424xf32, #tpu.memory_space<hbm>>
      %dma_start3A_476 = tpu.memref_squeeze %dma_start3A_475 : memref<1x1x39424xf32, #tpu.memory_space<hbm>> -> memref<39424xf32, #tpu.memory_space<hbm>>
      tpu.enqueue_dma source(%arg27 : memref<39424xf32, #tpu.memory_space<vmem>>) target(%dma_start3A_476 : memref<39424xf32, #tpu.memory_space<hbm>>) target_semaphore(%run_scoped3A : memref<!tpu.dma_semaphore, #tpu.memory_space<semaphore_mem>>)
      %dma_wait3A_477 = arith.constant 0 : i32
      %dma_wait3A_478 = tpu.memref_slice %arg14[%arg0, %arg1, %dma_wait3A_477] : memref<2x16x78848xf32, #tpu.memory_space<hbm>> -> memref<1x1x39424xf32, #tpu.memory_space<hbm>>
      %dma_wait3A_479 = tpu.memref_squeeze %dma_wait3A_478 : memref<1x1x39424xf32, #tpu.memory_space<hbm>> -> memref<39424xf32, #tpu.memory_space<hbm>>
      %dma_wait3A_480 = arith.constant 0 : i32
      %dma_wait3A_481 = tpu.memref_slice %arg14[%arg0, %arg1, %dma_wait3A_480] : memref<2x16x78848xf32, #tpu.memory_space<hbm>> -> memref<1x1x39424xf32, #tpu.memory_space<hbm>>
      %dma_wait3A_482 = tpu.memref_squeeze %dma_wait3A_481 : memref<1x1x39424xf32, #tpu.memory_space<hbm>> -> memref<39424xf32, #tpu.memory_space<hbm>>
      tpu.wait_dma2 semaphore(%run_scoped3A : memref<!tpu.dma_semaphore, #tpu.memory_space<semaphore_mem>>) src(%arg27 : memref<39424xf32, #tpu.memory_space<vmem>>) dst(%dma_wait3A_482 : memref<39424xf32, #tpu.memory_space<hbm>>)
      tpu.yield
    }) : () -> ()
    "tpu.region"() ({
      %run_scoped3A = tpu.sem_alloc : memref<!tpu.dma_semaphore, #tpu.memory_space<semaphore_mem>>
      %dma_start3A = arith.constant 39424 : i32
      %dma_start3A_472 = tpu.memref_slice %arg14[%arg0, %arg1, %dma_start3A] : memref<2x16x78848xf32, #tpu.memory_space<hbm>> -> memref<1x1x39424xf32, #tpu.memory_space<hbm>>
      %dma_start3A_473 = tpu.memref_squeeze %dma_start3A_472 : memref<1x1x39424xf32, #tpu.memory_space<hbm>> -> memref<39424xf32, #tpu.memory_space<hbm>>
      %dma_start3A_474 = arith.constant 39424 : i32
      %dma_start3A_475 = tpu.memref_slice %arg14[%arg0, %arg1, %dma_start3A_474] : memref<2x16x78848xf32, #tpu.memory_space<hbm>> -> memref<1x1x39424xf32, #tpu.memory_space<hbm>>
      %dma_start3A_476 = tpu.memref_squeeze %dma_start3A_475 : memref<1x1x39424xf32, #tpu.memory_space<hbm>> -> memref<39424xf32, #tpu.memory_space<hbm>>
      tpu.enqueue_dma source(%arg28 : memref<39424xf32, #tpu.memory_space<vmem>>) target(%dma_start3A_476 : memref<39424xf32, #tpu.memory_space<hbm>>) target_semaphore(%run_scoped3A : memref<!tpu.dma_semaphore, #tpu.memory_space<semaphore_mem>>)
      %dma_wait3A_477 = arith.constant 39424 : i32
      %dma_wait3A_478 = tpu.memref_slice %arg14[%arg0, %arg1, %dma_wait3A_477] : memref<2x16x78848xf32, #tpu.memory_space<hbm>> -> memref<1x1x39424xf32, #tpu.memory_space<hbm>>
      %dma_wait3A_479 = tpu.memref_squeeze %dma_wait3A_478 : memref<1x1x39424xf32, #tpu.memory_space<hbm>> -> memref<39424xf32, #tpu.memory_space<hbm>>
      %dma_wait3A_480 = arith.constant 39424 : i32
      %dma_wait3A_481 = tpu.memref_slice %arg14[%arg0, %arg1, %dma_wait3A_480] : memref<2x16x78848xf32, #tpu.memory_space<hbm>> -> memref<1x1x39424xf32, #tpu.memory_space<hbm>>
      %dma_wait3A_482 = tpu.memref_squeeze %dma_wait3A_481 : memref<1x1x39424xf32, #tpu.memory_space<hbm>> -> memref<39424xf32, #tpu.memory_space<hbm>>
      tpu.wait_dma2 semaphore(%run_scoped3A : memref<!tpu.dma_semaphore, #tpu.memory_space<semaphore_mem>>) src(%arg28 : memref<39424xf32, #tpu.memory_space<vmem>>) dst(%dma_wait3A_482 : memref<39424xf32, #tpu.memory_space<hbm>>)
      tpu.yield
    }) : () -> ()
    %eq3A_467 = arith.constant 0 : i32
    %eq3A_468 = arith.cmpi eq, %arg1, %eq3A_467 : i32
    %convert_element_type3A_469 = arith.extui %eq3A_468 : i1 to i32
    %cond3A_470 = arith.constant 0 : i32
    %cond3A_471 = arith.cmpi ne, %convert_element_type3A_469, %cond3A_470 : i32
    scf.if %cond3A_471 {
      %run_scoped3A = arith.constant 0 : i32
      "tpu.region"() ({
        %run_scoped3A_473 = tpu.sem_alloc : memref<!tpu.dma_semaphore, #tpu.memory_space<semaphore_mem>>
        %dma_start3A = arith.constant 0 : i32
        %dma_start3A_474 = tpu.memref_slice %arg15[%arg0, %run_scoped3A, %dma_start3A] : memref<2x2x39424xf32, #tpu.memory_space<hbm>> -> memref<1x1x39424xf32, #tpu.memory_space<hbm>>
        %dma_start3A_475 = tpu.memref_squeeze %dma_start3A_474 : memref<1x1x39424xf32, #tpu.memory_space<hbm>> -> memref<39424xf32, #tpu.memory_space<hbm>>
        tpu.enqueue_dma source(%arg34 : memref<39424xf32, #tpu.memory_space<vmem_shared>>) target(%dma_start3A_475 : memref<39424xf32, #tpu.memory_space<hbm>>) target_semaphore(%run_scoped3A_473 : memref<!tpu.dma_semaphore, #tpu.memory_space<semaphore_mem>>)
        %dma_wait3A_476 = arith.constant 0 : i32
        %dma_wait3A_477 = tpu.memref_slice %arg15[%arg0, %run_scoped3A, %dma_wait3A_476] : memref<2x2x39424xf32, #tpu.memory_space<hbm>> -> memref<1x1x39424xf32, #tpu.memory_space<hbm>>
        %dma_wait3A_478 = tpu.memref_squeeze %dma_wait3A_477 : memref<1x1x39424xf32, #tpu.memory_space<hbm>> -> memref<39424xf32, #tpu.memory_space<hbm>>
        tpu.wait_dma2 semaphore(%run_scoped3A_473 : memref<!tpu.dma_semaphore, #tpu.memory_space<semaphore_mem>>) src(%arg34 : memref<39424xf32, #tpu.memory_space<vmem_shared>>) dst(%dma_wait3A_478 : memref<39424xf32, #tpu.memory_space<hbm>>)
        tpu.yield
      }) : () -> ()
      %run_scoped3A_472 = arith.constant 1 : i32
      "tpu.region"() ({
        %run_scoped3A_473 = tpu.sem_alloc : memref<!tpu.dma_semaphore, #tpu.memory_space<semaphore_mem>>
        %dma_start3A = arith.constant 0 : i32
        %dma_start3A_474 = tpu.memref_slice %arg15[%arg0, %run_scoped3A_472, %dma_start3A] : memref<2x2x39424xf32, #tpu.memory_space<hbm>> -> memref<1x1x39424xf32, #tpu.memory_space<hbm>>
        %dma_start3A_475 = tpu.memref_squeeze %dma_start3A_474 : memref<1x1x39424xf32, #tpu.memory_space<hbm>> -> memref<39424xf32, #tpu.memory_space<hbm>>
        tpu.enqueue_dma source(%arg35 : memref<39424xf32, #tpu.memory_space<vmem_shared>>) target(%dma_start3A_475 : memref<39424xf32, #tpu.memory_space<hbm>>) target_semaphore(%run_scoped3A_473 : memref<!tpu.dma_semaphore, #tpu.memory_space<semaphore_mem>>)
        %dma_wait3A_476 = arith.constant 0 : i32
        %dma_wait3A_477 = tpu.memref_slice %arg15[%arg0, %run_scoped3A_472, %dma_wait3A_476] : memref<2x2x39424xf32, #tpu.memory_space<hbm>> -> memref<1x1x39424xf32, #tpu.memory_space<hbm>>
        %dma_wait3A_478 = tpu.memref_squeeze %dma_wait3A_477 : memref<1x1x39424xf32, #tpu.memory_space<hbm>> -> memref<39424xf32, #tpu.memory_space<hbm>>
        tpu.wait_dma2 semaphore(%run_scoped3A_473 : memref<!tpu.dma_semaphore, #tpu.memory_space<semaphore_mem>>) src(%arg35 : memref<39424xf32, #tpu.memory_space<vmem_shared>>) dst(%dma_wait3A_478 : memref<39424xf32, #tpu.memory_space<hbm>>)
        tpu.yield
      }) : () -> ()
    } else {
    }
    return
  }
}

module attributes {stable_mosaic.version = 14 : i64} {
  func.func @_reduce_body(%arg0: i32, %arg1: memref<2x16x11264xf32, #tpu.memory_space<vmem>>, %arg2: memref<2x11264xf32, #tpu.memory_space<vmem>>, %arg3: memref<2x11264xf32, #tpu.memory_space<vmem>>) attributes {dimension_semantics = [#tpu.dimension_semantics<arbitrary>], iteration_bounds = array<i64: 7>, scalar_prefetch = 0 : i64, scratch_operands = 0 : i64, tpu.core_type = #tpu.core_type<tc>, window_params = [{transform_indices = @transform_0, window_bounds = array<i64: 2, 16, 11264>}, {transform_indices = @transform_1, window_bounds = array<i64: 2, 11264>}, {transform_indices = @transform_2, window_bounds = array<i64: 2, 11264>}]} {
    %get3A = arith.constant 0 : index
    %get3A_0 = arith.constant 0 : index
    %get3A_1 = arith.constant 0 : index
    %get3A_2 = vector.load %arg1[%get3A, %get3A_0, %get3A_1] : memref<2x16x11264xf32, #tpu.memory_space<vmem>>, vector<2x16x11264xf32>
    %reduce_sum3A = arith.constant dense<0.000000e+00> : vector<2x11264xf32>
    %reduce_sum3A_3 = vector.multi_reduction <add>, %get3A_2, %reduce_sum3A [1] : vector<2x16x11264xf32> to vector<2x11264xf32>
    %get3A_4 = arith.constant 0 : index
    %get3A_5 = arith.constant 0 : index
    %get3A_6 = vector.load %arg2[%get3A_4, %get3A_5] : memref<2x11264xf32, #tpu.memory_space<vmem>>, vector<2x11264xf32>
    %add3A = arith.addf %reduce_sum3A_3, %get3A_6 : vector<2x11264xf32>
    %swap3A = arith.constant 0 : index
    %swap3A_7 = arith.constant 0 : index
    %swap3A_8 = vector.load %arg3[%swap3A, %swap3A_7] : memref<2x11264xf32, #tpu.memory_space<vmem>>, vector<2x11264xf32>
    tpu.vector_store %arg3[%swap3A, %swap3A_7], %add3A {strides = array<i32>} : memref<2x11264xf32, #tpu.memory_space<vmem>>, vector<2x11264xf32>,
    return
  }
  func.func @transform_0(%arg0: i32) -> (i32, i32, i32) {
    %c0_i32 = arith.constant 0 : i32
    %c0_i32_0 = arith.constant 0 : i32
    %c0_i32_1 = arith.constant 0 : i32
    return %c0_i32, %c0_i32_0, %arg0 : i32, i32, i32
  }
  func.func @transform_1(%arg0: i32) -> (i32, i32) {
    %c0_i32 = arith.constant 0 : i32
    %c0_i32_0 = arith.constant 0 : i32
    return %c0_i32, %arg0 : i32, i32
  }
  func.func @transform_2(%arg0: i32) -> (i32, i32) {
    %c0_i32 = arith.constant 0 : i32
    %c0_i32_0 = arith.constant 0 : i32
    return %c0_i32, %arg0 : i32, i32
  }
}

</mosaic_0001>

<sc_bundles>
// kernel: kernel.4.cloned.1.call-start
scs
__scs_entry_jumppad:
0x0: {  	(pc) =	sbr.rel $0x88, $3  }
0x1: {  	(tag) =	ssettag $0x0;
	lr =	simm.s32 $0x1  }
0x2: {  	[smem:$0x3F9D] =	sst lr;
	_ =	strace $0xD0000000  }
0x3: {  	_ = 	snop  }
0x4: {  	_ = 	snop  }
0x5: {  	_ = 	snop  }
0x6: {  	_ = 	snop  }
0x7: {  	_ = 	snop  }
__scs_overlays_trampoline_lowered:
0x8: {  	[smem:$0x3FAC] =	sst s0  }
0x9: {  	[smem:$0x3FAD] =	sst s1  }
0xa: {  	[smem:$0x3FAE] =	sst s2  }
0xb: {  	[smem:$0x3FAF] =	sst s3  }
0xc: {  	[smem:$0x3FB0] =	sst s4  }
0xd: {  	[smem:$0x3FB1] =	sst s5  }
0xe: {  	[smem:$0x3FB2] =	sst s6  }
0xf: {  	[smem:$0x3FB3] =	sst s7  }
0x10: {  	[smem:$0x3FB4] =	sst s8  }
0x11: {  	[smem:$0x3FB5] =	sst s9;
	s0 =	simm.s32 @!p0 $0x0  }
0x12: {  	s1 =	sld [smem:$0x3F9B];
	s0 =	simm.s32 @p0 $0x1  }
0x13: {  	[smem:$0x3FB6] =	sst s0;
	s0 =	simm.s32 @!p1 $0x0  }
0x14: {  	s2 =	sld [smem:$0x3F9A];
	s0 =	simm.s32 @p1 $0x1  }
0x15: {  	[smem:$0x3FB7] =	sst s0;
	s0 =	simm.s32 @!p2 $0x0  }
0x16: {  	s3 =	sld [smem:$0x3FDB];
	s0 =	simm.s32 @p2 $0x1  }
0x17: {  	s4 =	simm.s32 $0x1BF5;
	[smem:$0x3FB9] =	sst s0  }
0x18: {  	s0 =	sld [smem:$0x3F9C];
	_ =	swait.ge [sflag:s4], $0x0  }
0x19: {  	s7 =	sld [smem:$0x3F9D]  }
0x1a: {  	s8 =	sadd.s32 $0xFFFFE003, lr  }
0x1b: {  	s9 =	sadd.s32 $0xFFFFFEF7, lr;
	s5 =	simm.s32 $0xFFFFFFFF;
	p2 =	slt.u32 s8, $0xFFFFF086  }
0x1c: {  	p1 =	slt.u32 s9, $0xF7A;
	s5 =	simm.s32 @!p2 $0x0  }
0x1d: {  	s5 =	simm.s32 @p1 $0x1;
	p0 =	seq.s32 s7, s2  }
0x1e: {  	s7 =	smul.u32 @!p0 $0xF7A, s2;
	p2 =	seq.s32 @!p0 s5, $0x0  }
0x1f: {  	s9 =	smul.u32 $0xF7A, s1;
	s8 =	simm.s32 @!p0 $0x1BF5;
	p2 =	por !p2, p0  }
0x20: {  	[sflag:s8] =	ssyncset.s32 @!p0 $0xFFFFF086;
	s6 =	sadd.s32 @!p0 s3, s7;
	s7 =	simm.s32 @!p0 $0x108  }
0x21: {  	s3 =	sadd.s32 s3, s9;
	s6 =	sadd.s32 @!p0 $0x88, s6;
	s7 =	simm.s32 @p2 $0x1082  }
0x22: {  	[simem:s7], [sflag:s8] =	dma.local @!p0 [hbm:s6], $0xF7A  }
0x23: {  	s9 =	sor.u32 $0xD0000000, s2;
	s6 =	simm.s32 $0x108;
	_ =	swait.ge @!p0 [sflag:s8], $0x0  }
0x24: {  	s3 =	sadd.s32 $0x88, s3;
	s6 =	simm.s32 @!p1 $0x1082;
	[sflag:s4] =	ssyncset.s32 $0xFFFFF086  }
0x25: {  	[simem:s6], [sflag:s4] =	dma.local [hbm:s3], $0xF7A  }
0x26: {  	[smem:$0x3F9D] =	sst s1;
	(tag) =	ssettag s2;
	_ =	strace s9  }
0x27: {  	s1 =	sld [smem:$0x3FAD]  }
0x28: {  	s2 =	sld [smem:$0x3FAE]  }
0x29: {  	s4 =	sld [smem:$0x3FB0]  }
0x2a: {  	p0 =	seq.s32 s5, $0x0;
	s5 =	sld [smem:$0x3FB1]  }
0x2b: {  	s6 =	sld [smem:$0x3FB2]  }
0x2c: {  	s7 =	sld [smem:$0x3FB3]  }
0x2d: {  	s3 =	simm.s32 $0x108;
	s8 =	sld [smem:$0x3FB4]  }
0x2e: {  	s3 =	simm.s32 @!p0 $0x1082;
	s9 =	sld [smem:$0x3FB5]  }
0x2f: {  	lr =	sadd.s32 s0, s3;
	s0 =	sld [smem:$0x3FAC]  }
0x30: {  	s3 =	sld [smem:$0x3FAF]  }
0x31: {  	[smem:$0x3FB8] =	sst s10  }
0x32: {  	s10 =	sld [smem:$0x3FB6];
	_ =	sdelay $0x3  }
0x33: {  	p0 =	seq.s32 s10, $0x1;
	s10 =	sld [smem:$0x3FB8];
	_ =	sdelay $0x3  }
0x34: {  	[smem:$0x3FB8] =	sst s10  }
0x35: {  	s10 =	sld [smem:$0x3FB7];
	_ =	sdelay $0x3  }
0x36: {  	p1 =	seq.s32 s10, $0x1;
	s10 =	sld [smem:$0x3FB8];
	_ =	sdelay $0x3  }
0x37: {  	[smem:$0x3FB8] =	sst s10  }
0x38: {  	s10 =	sld [smem:$0x3FB9]  }
0x39: {  	_ = 	snop;
	(pc) =	sbr.ind lr, $3  }
0x3a: {  	_ = 	snop  }
0x3b: {  	_ = 	snop  }
0x3c: {  	p2 =	seq.s32 s10, $0x1;
	s10 =	sld [smem:$0x3FB8]  }
0x3d: {  	_ =	shalt  }
0x3e: {  	_ =	shalt  }
0x3f: {  	_ =	shalt  }
0x40: {  	_ =	shalt  }
0x41: {  	_ =	shalt  }
0x42: {  	_ =	shalt  }
0x43: {  	_ =	shalt  }
0x44: {  	_ =	shalt  }
0x45: {  	_ =	shalt  }
0x46: {  	_ =	shalt  }
0x47: {  	_ =	shalt  }
0x48: {  	_ =	shalt  }
0x49: {  	_ =	shalt  }
0x4a: {  	_ =	shalt  }
0x4b: {  	_ =	shalt  }
0x4c: {  	_ =	shalt  }
0x4d: {  	_ =	shalt  }
0x4e: {  	_ =	shalt  }
0x4f: {  	_ =	shalt  }
0x50: {  	_ =	shalt  }
0x51: {  	_ =	shalt  }
0x52: {  	_ =	shalt  }
0x53: {  	_ =	shalt  }
0x54: {  	_ =	shalt  }
0x55: {  	_ =	shalt  }
0x56: {  	_ =	shalt  }
0x57: {  	_ =	shalt  }
0x58: {  	_ =	shalt  }
0x59: {  	_ =	shalt  }
0x5a: {  	_ =	shalt  }
0x5b: {  	_ =	shalt  }
0x5c: {  	_ =	shalt  }
0x5d: {  	_ =	shalt  }
0x5e: {  	_ =	shalt  }
0x5f: {  	_ =	shalt  }
0x60: {  	_ =	shalt  }
0x61: {  	_ =	shalt  }
0x62: {  	_ =	shalt  }
0x63: {  	_ =	shalt  }
0x64: {  	_ =	shalt  }
0x65: {  	_ =	shalt  }
0x66: {  	_ =	shalt  }
0x67: {  	_ =	shalt  }
0x68: {  	_ =	shalt  }
0x69: {  	_ =	shalt  }
0x6a: {  	_ =	shalt  }
0x6b: {  	_ =	shalt  }
0x6c: {  	_ =	shalt  }
0x6d: {  	_ =	shalt  }
0x6e: {  	_ =	shalt  }
0x6f: {  	_ =	shalt  }
0x70: {  	_ =	shalt  }
0x71: {  	_ =	shalt  }
0x72: {  	_ =	shalt  }
0x73: {  	_ =	shalt  }
0x74: {  	_ =	shalt  }
0x75: {  	_ =	shalt  }
0x76: {  	_ =	shalt  }
0x77: {  	_ =	shalt  }
0x78: {  	_ =	shalt  }
0x79: {  	_ =	shalt  }
0x7a: {  	_ =	shalt  }
0x7b: {  	_ =	shalt  }
0x7c: {  	_ =	shalt  }
0x7d: {  	_ =	shalt  }
0x7e: {  	_ =	shalt  }
0x7f: {  	_ =	shalt  }
0x80: {  	_ =	shalt  }
0x81: {  	_ =	shalt  }
0x82: {  	_ =	shalt  }
0x83: {  	_ =	shalt  }
0x84: {  	_ =	shalt  }
0x85: {  	_ =	shalt  }
0x86: {  	_ =	shalt  }
0x87: {  	_ =	shalt  }
.Lfunc_end0:
.L_simem_size_0:
called_computation_lowered:
.L_overlay_start_0:
0x88: {  	s2 =	sld [smem:$0x3FD9]  }
0x89: {  	s3 =	sld [smem:$0x3FFE];
	_ =	sdelay $0x1  }
0x8a: {  	s1 =	srdreg.scid  }
0x8b: {  	s0 =	sand.u32 $0x1, s1  }
0x8c: {  	s14 =	sshll.u32 s0, $0xA;
	s2 =	sadd.s32 s3, s2  }
0x8d: {  	s2 =	sadd.s32 s2, s14  }
0x8e: {  	[smem:$0x3FC4] =	sst s2  }
0x8f: {  	_ = 	snop  }
0x90: {  	s2 =	sld [smem:$0x3FD0];
	_ =	sdelay $0x2  }
0x91: {  	s15 =	simm.s32 $0xA;
	s4 =	simm.s32 $0x10  }
0x92: {  	[smem:s4], [sflag:s15] =	dma.local [hbm:s2], $0x1  }
0x93: {  	_ =	swait.eq [sflag:s15], $0x1  }
0x94: {  	s16 =	sld [smem:$0x10];
	[sflag:s15] =	ssyncset.done $0x0  }
0x95: {  	s17 =	sld [smem:$0x11];
	[sflag:s15] =	ssyncadd.s32 $0xFFFFFFFF  }
0x96: {  	s18 =	sld [smem:$0x12];
	(tm) =	ssettm $0x1  }
0x97: {  	s5 =	sld [smem:$0x3FFB];
	_ =	sdelay $0x3  }
0x98: {  	_ =	strace s5  }
0x99: {  	s5 =	sld [smem:$0x3FFC];
	_ =	sdelay $0x3  }
0x9a: {  	_ =	strace s5  }
0x9b: {  	s5 =	sld [smem:$0x3FFD];
	_ =	sdelay $0x3  }
0x9c: {  	_ =	strace s5  }
0x9d: {  	_ =	strace $0x8FFFFFFF  }
0x9e: {  	s19 =	sld [smem:$0x3FDB];
	_ =	sdelay $0x1  }
0x9f: {  	s6 =	simm.s32 $_scs_section_size  }
0xa0: {  	s7 =	simm.s32 $_size__tile_overlayer_lowered;
	s8 =	simm.s32 $_tile_overlayer_lowered  }
0xa1: {  	s22 =	simm.s32 $0x1BFF;
	s21 =	sshll.u32 s8, $0x1;
	s5 =	sadd.s32 s6, s19  }
0xa2: {  	s9 =	simm.s32 $0x0;
	s20 =	sshll.u32 s7, $0x1;
	s7 =	sadd.s32 s21, s5  }
0xa3: {  	[timem:s9], [sflag:s22] =	dma.local [hbm:s7], s20  }
0xa4: {  	_ =	swait.ge [sflag:s22], s20  }
0xa5: {  	s6 =	ssub.s32 $0x0, s20;
	[sflag:s22] =	ssyncset.done $0x0  }
0xa6: {  	[sflag:s22] =	ssyncadd.s32 s6;
	_ =	sdelay $0x1  }
0xa7: {  	s23 =	simm.s32 $0x1B8B  }
0xa8: {  	_ =	swait.ge [sflag:s23], $0x1  }
0xa9: {  	[sflag:s23] =	ssyncset.done $0x0  }
0xaa: {  	s25 =	simm.s32 $0x1B8E;
	s24 =	sld [smem:$0x3FFE];
	[sflag:s23] =	ssyncadd.s32 $0xFFFFFFFF  }
0xab: {  	s26 =	simm.s32 $execute0_lowered;
	[smem:$0x3FD2] =	sst s25  }
0xac: {  	s7 =	sshll.u32 s26, $0x1;
	_ =	strace $0x80000046;
	[dreg:$0x1] =	wrdreg $0xFFFFFFFF  }
0xad: {  	s28 =	simm.s32 $_size_execute0_lowered;
	s5 =	sadd.s32 s5, s7;
	[dreg:$0x0] =	wrdreg $0x0  }
0xae: {  	s7 =	sshll.u32 s28, $0x1;
	[dreg:$0x2] =	wrdreg s5  }
0xaf: {  	[dreg:$0x3] =	wrdreg s7  }
0xb0: {  	[dreg:$0x4] =	wrdreg $0xC0  }
0xb1: {  	_ =	task [dreg:s9], $0x5FFFF  }
0xb2: {  	[dreg:$0x1] =	wrdreg $0xFFFFFFFF  }
0xb3: {  	[dreg:$0x0] =	wrdreg $0x60  }
0xb4: {  	[dreg:$0x2] =	wrdreg s24  }
0xb5: {  	[dreg:$0x3] =	wrdreg s18  }
0xb6: {  	[dreg:$0x4] =	wrdreg s17  }
0xb7: {  	[dreg:$0x5] =	wrdreg s16  }
0xb8: {  	[dreg:$0x6] =	wrdreg $0x183800  }
0xb9: {  	[dreg:$0x7] =	wrdreg $0x18D200  }
0xba: {  	[dreg:$0x8] =	wrdreg $0x9  }
0xbb: {  	_ =	task.clear_ibuf [dreg:s9], $0x9FFFF;
	_ =	strace $0x90000046  }
0xbc: {  	s29 =	simm.s32 $0x9;
	_ =	strace $0x80000048  }
0xbd: {  	_ =	swait.ge [sflag:s29], $0x1  }
0xbe: {  	[sflag:s29] =	ssyncadd.s32 $0xFFFFFFFF  }
0xbf: {  	_ =	strace $0x90000048  }
0xc0: {  	_ =	sfence  }
0xc1: {  	s30 =	sld [smem:$0x0];
	_ =	sdelay $0x2  }
0xc2: {  	s31 =	sshll.u32 s1, $0xD;
	s1 =	sshrl.u32 s1, $0x2  }
0xc3: {  	s3 =	sand.u32 $0x4000, s31;
	s1 =	sadd.s32 s1, s30  }
0xc4: {  	s0 =	sor.u32 s3, s0;
	s1 =	sshll.u32 s1, $0x11  }
0xc5: {  	s0 =	sor.u32 s1, s0  }
0xc6: {  	s0 =	sadd.s32 $0x8F2B, s0  }
0xc7: {  	[sflag:s0] =	ssyncadd.remote.s32 $0x1  }
0xc8: {  	_ =	sfence.sel $0xFFFF  }
0xc9: {  	[dreg:$0x0] =	wrdreg $0xFFFFFFFF;
	(pc) =	sbr.abs _section_cstart, $3  }
0xca: {  	[dreg:$0x1] =	wrdreg $0xFFFFFFFF  }
0xcb: {  	_ =	task.clear_ibuf [dreg:s9], $0x2FFFF;
	_ =	strace $0x9FFFFFFF  }
0xcc: {  	(tm) =	ssettm $0x7FFFFFFF  }
0xcd: {  	_ =	shalt  }
tec
execute0_lowered:
.L_overlay_start_1:
0x0: {  	(tag) =	ssettag $0x1  }
0x1: {  	s0 =	rddreg [dreg:$0x0]  }
0x2: {  	s1 =	rddreg [dreg:$0x3]  }
0x3: {  	s3 =	rddreg [dreg:$0x4]  }
0x4: {  	s4 =	rddreg [dreg:$0x5];
	s2 =	simm.s32 $0x0  }
0x5: {  	s15 =	srdreg.scid;
	s16 =	stileid.u32;
	s23 =	simm.s32 $0x2  }
0x6: {  	s30 =	simm.s32 $0x15580;
	s22 =	simm.s32 $0x15600;
	s28 =	simm.s32 $0x15900  }
0x7: {  	[smem:$0x7FF] =	sst s2;
	s9 =	sadd.s32 $0xA00, s0;
	s10 =	sadd.s32 $0xA000, s0  }
0x8: {  	s11 =	sadd.s32 $0x6E00, s0;
	_ =	strace $0x80000047;
	[dreg:$0x7] =	wrdreg s9  }
0x9: {  	s12 =	sadd.s32 $0x3C00, s0;
	s13 =	sadd.s32 $0x13600, s0;
	[dreg:$0x8] =	wrdreg s10  }
0xa: {  	s14 =	sadd.s32 $0x10400, s0;
	s5 =	sadd.s32 $0xD200, s0;
	[dreg:$0x9] =	wrdreg s11  }
0xb: {  	s6 =	sand.u32 $0x1, s15;
	s17 =	sadd.s32 $0x16800, s0;
	[dreg:$0xa] =	wrdreg s12  }
0xc: {  	s18 =	sshrl.u32 s16, $0x3;
	s8 =	sadd.s32 $0x19C00, s0;
	[dreg:$0xb] =	wrdreg s13  }
0xd: {  	s20 =	sadd.s32 $0x19A00, s0;
	s0 =	sadd.s32 $0x19E00, s0;
	[dreg:$0xc] =	wrdreg s14  }
0xe: {  	s26 =	smul.u32 $0x1900, s16;
	p0 =	sne.s32 s16, $0x0;
	[dreg:$0xd] =	wrdreg s5  }
0xf: {  	s15 =	simm.s32 $0x15380;
	[dreg:$0xe] =	wrdreg s17;
	s7 =	smul.u32 $0x134000, s6  }
0x10: {  	[dreg:$0xf] =	wrdreg s8;
	s19 =	ssub.s32 $0x2, s6;
	s9 =	smul.u32 $0x9A000, s18  }
0x11: {  	[dreg:$0x10] =	wrdreg s20;
	s11 =	sshll.u32 s16, $0x7;
	s21 =	scvt.s32.f32 s6  }
0x12: {  	s6 =	smul.u32 $0x2680, s6;
	s5 =	simm.s32 $0xB580;
	s14 =	simm.s32 $0x80  }
0x13: {  	s20 =	simm.s32 $0x15400;
	s13 =	simm.s32 $0x15780;
	s17 =	simm.s32 $0x15800  }
0x14: {  	s12 =	simm.s32 $0x15A80;
	s18 =	simm.s32 $0x1B80;
	s10 =	sshrl.u32 s19, $0x1  }
0x15: {  	s24 =	sand.u32 $0x380, s11;
	[dreg:$0x11] =	wrdreg s26;
	s26 =	simm.s32 $0x15500  }
0x16: {  	s11 =	simm.s32 $0x1;
	s7 =	sadd.s32 s7, s9;
	s8 =	ssub.s32 s19, s10  }
0x17: {  	s25 =	ssub.f32 $1.000000000e+00, s21;
	s29 =	sadd.s32 s1, s6;
	s1 =	simm.s32 $0x15480  }
0x18: {  	s10 =	simm.s32 $0x15700;
	s19 =	simm.s32 $0x15880;
	s6 =	simm.s32 $0x16200  }
0x19: {  	v1 =	vmov s21;
	s21 =	simm.s32 $0x0;
	s7 =	sor.u32 s24, s7;
	[dreg:$0x14] =	wrdreg s29  }
0x1a: {  	s31 =	smax.u32 s8, $0x1;
	s9 =	sadd.s32 $0x4D000, s7;
	s7 =	sshrl.u32 s7, $0x3  }
0x1b: {  	[dreg:$0x16] =	wrdreg s31;
	s9 =	sshrl.u32 s9, $0x3;
	s7 =	sadd.s32 s0, s7  }
0x1c: {  	s8 =	simm.s32 $0x15A00;
	[dreg:$0x12] =	wrdreg s7;
	s0 =	sadd.s32 s0, s9  }
0x1d: {  	s7 =	simm.s32 $0x15680;
	[dreg:$0x13] =	wrdreg s0;
	s0 =	sadd.s32 $0x10, s29  }
0x1e: {  	v2 =	vimm.f32 $0.0e+00;
	v0 =	vmov s25;
	s9 =	simm.s32 $0x17200;
	[dreg:$0x15] =	wrdreg s0;
	s0 =	simm.s32 $0x15980  }
.LBB2_1:
0x1f: {  	[dreg:$0x17] =	wrdreg s21  }
0x20: {  	s2 =	simm.s32 $0x0;
	s16 =	rddreg [dreg:$0xf];
	s25 =	simm.s32 $0x14F80  }
0x21: {  	[tilespmem:s25], [sflag:$0x2] =	stream.linear.gather [hbm4b:s16+s2], $0x200, $0x38;
	[tilespmem:$0x196C0] =	vst v63  }
0x22: {  	_ =	swait.ge [sflag:s23], $0x200  }
0x23: {  	[sflag:s23] =	ssyncset.done $0x0  }
0x24: {  	s31 =	simm.s32 $0x15180;
	s29 =	rddreg [dreg:$0x10];
	[sflag:s23] =	ssyncadd.s32 $0xFFFFFE00  }
0x25: {  	[tilespmem:s31], [sflag:$0x2] =	stream.linear.gather [hbm4b:s29+s2], $0x200, $0x38;
	[tilespmem:$0x196C0] =	vst v63  }
0x26: {  	_ =	swait.ge [sflag:s23], $0x200  }
0x27: {  	[sflag:s23] =	ssyncset.done $0x0  }
0x28: {  	s16 =	simm.s32 $0x0;
	s2 =	simm.s32 $0x40;
	[sflag:s23] =	ssyncadd.s32 $0xFFFFFE00  }
.LBB2_2:
0x29: {  	p1 =	sne.s32 s2, $0x267C0;
	[tilespmem:s16+$0x1B80] =	vst v2;
	s21 =	smov.u32 s2;
	s2 =	sadd.s32 $0x40, s2  }
.Ltmp0:
0x2a: {  	[tilespmem:s16+$0xB580] =	vst v2;
	(pc) =	sbr.rel @p1 .LBB2_2-.Ltmp0, $2  }
0x2b: {  	_ =	sdelay $0x2  }
0x2c: {  	s16 =	sshra.s32 s21, $0x2  }
0x2d: {  	[tilespmem:s16+$0x1B80] =	vst v2  }
0x2e: {  	[tilespmem:s16+$0xB580] =	vst v2;
	s2 =	simm.s32 @!p0 $0x1B80;
	s16 =	simm.s32 @!p0 $0x2  }
0x2f: {  	[spmem:s3] =	stream.linear.scatter @!p0 [tilespmem:s2], [sflag:$0x2], $0x9A00, $0x38;
	[tilespmem:$0x196C0] =	vst v63  }
0x30: {  	_ =	swait.ge @!p0 [sflag:s16], $0x9A00  }
0x31: {  	[sflag:s16] =	ssyncset.done @!p0 $0x0  }
0x32: {  	[sflag:s16] =	ssyncadd.s32 @!p0 $0xFFFF6600  }
0x33: {  	[spmem:s4] =	stream.linear.scatter @!p0 [tilespmem:s2], [sflag:$0x2], $0x9A00, $0x38;
	[tilespmem:$0x196C0] =	vst v63  }
0x34: {  	_ =	swait.ge @!p0 [sflag:s16], $0x9A00  }
0x35: {  	[sflag:s16] =	ssyncset.done @!p0 $0x0  }
0x36: {  	[sflag:s16] =	ssyncadd.s32 @!p0 $0xFFFF6600  }
0x37: {  	s25 =	simm.s32 $0x0;
	[bflag:$0x0] =	sbarrier.arrive $0xFFFF  }
.LBB2_4:
0x38: {  	s2 =	smul.u32 $0x280, s25  }
0x39: {  	s16 =	rddreg [dreg:$0x11]  }
0x3a: {  	s2 =	sadd.s32 s16, s2  }
0x3b: {  	s31 =	rddreg [dreg:$0x7];
	s2 =	sshrl.u32 s2, $0x3  }
0x3c: {  	s24 =	simm.s32 $0x0;
	s16 =	sadd.s32 s31, s2  }
0x3d: {  	[tilespmem:s24], [sflag:$0x2] =	stream.linear.gather [hbm4b:s16+s24], $0x280, $0x38;
	[tilespmem:$0x196C0] =	vst v63  }
0x3e: {  	_ =	swait.ge [sflag:s23], $0x280  }
0x3f: {  	[sflag:s23] =	ssyncset.done $0x0  }
0x40: {  	[sflag:s23] =	ssyncadd.s32 $0xFFFFFD80  }
0x41: {  	s21 =	rddreg [dreg:$0x1]  }
0x42: {  	s16 =	sadd.s32 s21, s2;
	s21 =	simm.s32 $0x280  }
0x43: {  	[tilespmem:s21], [sflag:$0x2] =	stream.linear.gather [hbm4b:s16+s24], $0x280, $0x38;
	[tilespmem:$0x196C0] =	vst v63  }
0x44: {  	_ =	swait.ge [sflag:s23], $0x280  }
0x45: {  	[sflag:s23] =	ssyncset.done $0x0  }
0x46: {  	[sflag:s23] =	ssyncadd.s32 $0xFFFFFD80  }
0x47: {  	s29 =	rddreg [dreg:$0x2]  }
0x48: {  	s31 =	simm.s32 $0x500;
	s16 =	sadd.s32 s29, s2  }
0x49: {  	[tilespmem:s31], [sflag:$0x2] =	stream.linear.gather [hbm4b:s16+s24], $0x280, $0x38;
	[tilespmem:$0x196C0] =	vst v63  }
0x4a: {  	_ =	swait.ge [sflag:s23], $0x280  }
0x4b: {  	[sflag:s23] =	ssyncset.done $0x0;
	s29 =	rddreg [dreg:$0x8]  }
0x4c: {  	s31 =	simm.s32 $0x780;
	[sflag:s23] =	ssyncadd.s32 $0xFFFFFD80;
	s16 =	sadd.s32 s29, s2  }
0x4d: {  	[tilespmem:s31], [sflag:$0x2] =	stream.linear.gather [hbm4b:s16+s24], $0x280, $0x38;
	[tilespmem:$0x196C0] =	vst v63  }
0x4e: {  	_ =	swait.ge [sflag:s23], $0x280  }
0x4f: {  	[sflag:s23] =	ssyncset.done $0x0;
	s29 =	rddreg [dreg:$0x9]  }
0x50: {  	s31 =	simm.s32 $0xA00;
	[sflag:s23] =	ssyncadd.s32 $0xFFFFFD80;
	s16 =	sadd.s32 s29, s2  }
0x51: {  	[tilespmem:s31], [sflag:$0x2] =	stream.linear.gather [hbm4b:s16+s24], $0x280, $0x38;
	[tilespmem:$0x196C0] =	vst v63  }
0x52: {  	_ =	swait.ge [sflag:s23], $0x280  }
0x53: {  	[sflag:s23] =	ssyncset.done $0x0;
	s29 =	rddreg [dreg:$0xa]  }
0x54: {  	s31 =	simm.s32 $0xC80;
	[sflag:s23] =	ssyncadd.s32 $0xFFFFFD80;
	s16 =	sadd.s32 s29, s2  }
0x55: {  	[tilespmem:s31], [sflag:$0x2] =	stream.linear.gather [hbm4b:s16+s24], $0x280, $0x38;
	[tilespmem:$0x196C0] =	vst v63  }
0x56: {  	_ =	swait.ge [sflag:s23], $0x280  }
0x57: {  	[sflag:s23] =	ssyncset.done $0x0;
	s29 =	rddreg [dreg:$0xb]  }
0x58: {  	s31 =	simm.s32 $0xF00;
	[sflag:s23] =	ssyncadd.s32 $0xFFFFFD80;
	s16 =	sadd.s32 s29, s2  }
0x59: {  	[tilespmem:s31], [sflag:$0x2] =	stream.linear.gather [hbm4b:s16+s24], $0x280, $0x38;
	[tilespmem:$0x196C0] =	vst v63  }
0x5a: {  	_ =	swait.ge [sflag:s23], $0x280  }
0x5b: {  	[sflag:s23] =	ssyncset.done $0x0;
	s29 =	rddreg [dreg:$0xc]  }
0x5c: {  	s31 =	simm.s32 $0x1180;
	[sflag:s23] =	ssyncadd.s32 $0xFFFFFD80;
	s16 =	sadd.s32 s29, s2  }
0x5d: {  	[tilespmem:s31], [sflag:$0x2] =	stream.linear.gather [hbm4b:s16+s24], $0x280, $0x38;
	[tilespmem:$0x196C0] =	vst v63  }
0x5e: {  	_ =	swait.ge [sflag:s23], $0x280  }
0x5f: {  	[sflag:s23] =	ssyncset.done $0x0;
	s29 =	rddreg [dreg:$0xd]  }
0x60: {  	s31 =	simm.s32 $0x1400;
	[sflag:s23] =	ssyncadd.s32 $0xFFFFFD80;
	s16 =	sadd.s32 s29, s2  }
0x61: {  	[tilespmem:s31], [sflag:$0x2] =	stream.linear.gather [hbm4b:s16+s24], $0x280, $0x38;
	[tilespmem:$0x196C0] =	vst v63  }
0x62: {  	_ =	swait.ge [sflag:s23], $0x280  }
0x63: {  	[sflag:s23] =	ssyncset.done $0x0;
	s29 =	rddreg [dreg:$0xe]  }
0x64: {  	s31 =	simm.s32 $0x1680;
	[sflag:s23] =	ssyncadd.s32 $0xFFFFFD80;
	s2 =	sadd.s32 s29, s2  }
0x65: {  	[tilespmem:s31], [sflag:$0x2] =	stream.linear.gather [hbm4b:s2+s24], $0x280, $0x38;
	[tilespmem:$0x196C0] =	vst v63  }
0x66: {  	_ =	swait.ge [sflag:s23], $0x280  }
0x67: {  	[sflag:s23] =	ssyncset.done $0x0  }
0x68: {  	s16 =	simm.s32 $0x0;
	[sflag:s23] =	ssyncadd.s32 $0xFFFFFD80  }
0x69: {  	v3 =	vld [tilespmem:s16+$0x1180]  }
0x6a: {  	v5 =	vld [tilespmem:s16+$0x280]  }
0x6b: {  	v6 =	vld [tilespmem:s16+$0x1680]  }
0x6c: {  	v7 =	vld [tilespmem:s16+$0xA00]  }
0x6d: {  	v8 =	vld [tilespmem:s16+$0x1400]  }
0x6e: {  	v9 =	vld [tilespmem:s16+$0xF00]  }
0x6f: {  	v10 =	vld [tilespmem:s16+$0xC80];
	_ =	sdelay $0x1  }
0x70: {  	v4 =	vmul.f32 v6, v3;
	v13 =	vmul.f32 v6, v0  }
0x71: {  	v11 =	vld [tilespmem:s16+$0x780];
	v15 =	vmul.f32 v6, v8;
	v7 =	vmul.f32 v3, v7  }
0x72: {  	v12 =	vld [tilespmem:s16+$0x0];
	v6 =	vmul.f32 v6, v9;
	v16 =	vmul.f32 v4, v1  }
0x73: {  	s2 =	simm.s32 $0x10;
	v14 =	vld [tilespmem:s16+$0x500];
	v8 =	vmul.f32 v8, v10;
	[tilespmem:s16+$0x1180] =	vst v13;
	v15 =	vmul.f32 v15, v1;
	v7 =	vsub.f32 v5, v7  }
0x74: {  	v6 =	vmul.f32 v6, v1;
	v4 =	vld [tilespmem:s2+$0x1180];
	[tilespmem:s16+$0x1400] =	vst v16  }
0x75: {  	v10 =	vmul.f32 $3.333333210e+01, v8;
	v7 =	vmul.f32 $3.333333210e+01, v7;
	v3 =	vld [tilespmem:s2+$0x280];
	[tilespmem:s16+$0x1680] =	vst v15  }
0x76: {  	v9 =	vmul.f32 v9, v11;
	v5 =	vld [tilespmem:s2+$0x1680]  }
0x77: {  	v6 =	vadd.f32 v6, v13;
	v8 =	vld [tilespmem:s2+$0xA00];
	[tilespmem:s16+$0xC80] =	vst v10;
	v10 =	vmax.f32 v7, $0.0e+00  }
0x78: {  	v63 =	vmul.f32 $3.333333210e+01, v9;
	v9 =	vmin.f32 v10, $3.300000000e+01  }
0x79: {  	v7 =	vld [tilespmem:s2+$0x1400];
	[tilespmem:s16+$0xF00] =	vst v6;
	v10 =	vmul.f32 $3.333333210e+01, v12;
	v11 =	vtrunc.f32 v9  }
0x7a: {  	s21 =	simm.s32 $0x80;
	v6 =	vld [tilespmem:s2+$0xF00];
	v9 =	vmul.f32 $3.333333210e+01, v14;
	[tilespmem:s16+$0x780] =	vst v63;
	v11 =	vcvt.f32.s32 v11  }
.LBB2_5:
0x7b: {  	p1 =	seq.s32 s21, $0x9C0;
	v12 =	vld [tilespmem:s2+$0xC80];
	[tilespmem:s16+$0x0] =	vst v10;
	s23 =	smov.u32 s21;
	s21 =	sadd.s32 $0x40, s21  }
0x7c: {  	v10 =	vld [tilespmem:s2+$0x780];
	v13 =	vmul.f32 v5, v4;
	v11 =	vmul.u32 $0x22, v11;
	[tilespmem:s16+$0x500] =	vst v9  }
0x7d: {  	v9 =	vld [tilespmem:s2+$0x0];
	v4 =	vmul.f32 v4, v8  }
0x7e: {  	v8 =	vmul.f32 v5, v0;
	v14 =	vld [tilespmem:s2+$0x500];
	v15 =	vmul.f32 v5, v7;
	[tilespmem:s16+$0x1900] =	vst v11;
	s16 =	smov.u32 s2  }
0x7f: {  	v11 =	vmul.f32 v13, v1;
	v3 =	vsub.f32 v3, v4;
	v5 =	vmul.f32 v5, v6  }
0x80: {  	s2 =	sshra.s32 s23, $0x2;
	v7 =	vmul.f32 v7, v12;
	v12 =	vmul.f32 v15, v1;
	[tilespmem:s16+$0x1180] =	vst v8  }
0x81: {  	v4 =	vld [tilespmem:s2+$0x1180];
	v13 =	vmul.f32 $3.333333210e+01, v3;
	v15 =	vmul.f32 v5, v1;
	[tilespmem:s16+$0x1400] =	vst v11  }
.Ltmp1:
0x82: {  	v6 =	vmul.f32 v6, v10;
	v3 =	vld [tilespmem:s2+$0x280];
	v7 =	vmul.f32 $3.333333210e+01, v7;
	[tilespmem:s16+$0x1680] =	vst v12;
	(pc) =	sbr.rel @!p1 .LBB2_5-.Ltmp1, $4  }
0x83: {  	v10 =	vmul.f32 $3.333333210e+01, v9;
	v5 =	vld [tilespmem:s2+$0x1680];
	v11 =	vmax.f32 v13, $0.0e+00;
	v12 =	vadd.f32 v15, v8  }
0x84: {  	v9 =	vmul.f32 $3.333333210e+01, v14;
	v13 =	vmul.f32 $3.333333210e+01, v6;
	v8 =	vld [tilespmem:s2+$0xA00];
	v6 =	vmin.f32 v11, $3.300000000e+01;
	[tilespmem:s16+$0xC80] =	vst v7  }
0x85: {  	v7 =	vld [tilespmem:s2+$0x1400];
	v11 =	vtrunc.f32 v6;
	[tilespmem:s16+$0xF00] =	vst v12  }
0x86: {  	v6 =	vld [tilespmem:s2+$0xF00];
	v11 =	vcvt.f32.s32 v11;
	[tilespmem:s16+$0x780] =	vst v13  }
0x87: {  	_ = 	snop  }
0x88: {  	v12 =	vld [tilespmem:s2+$0xC80]  }
0x89: {  	[tilespmem:s16+$0x0] =	vst v10;
	v8 =	vmul.f32 v4, v8  }
0x8a: {  	v10 =	vld [tilespmem:s2+$0x780];
	v55 =	vmul.f32 v5, v4;
	v11 =	vmul.u32 $0x22, v11;
	[tilespmem:s16+$0x500] =	vst v9  }
0x8b: {  	v13 =	vmul.f32 v5, v0;
	v9 =	vld [tilespmem:s2+$0x0];
	v14 =	vmul.f32 v5, v7;
	v3 =	vsub.f32 v3, v8  }
0x8c: {  	v56 =	vld [tilespmem:s2+$0x500];
	v4 =	vmul.f32 v55, v1;
	v57 =	vmul.f32 v5, v6  }
0x8d: {  	[tilespmem:s16+$0x1900] =	vst v11;
	v58 =	vmul.f32 v7, v12;
	v3 =	vmul.f32 $3.333333210e+01, v3  }
0x8e: {  	[tilespmem:s2+$0x1180] =	vst v13;
	v59 =	vmul.f32 v14, v1  }
0x8f: {  	[tilespmem:s2+$0x1400] =	vst v4;
	v5 =	vmul.f32 v57, v1;
	v61 =	vmul.f32 $3.333333210e+01, v58;
	v3 =	vmax.f32 v3, $0.0e+00  }
0x90: {  	v60 =	vmul.f32 v6, v10;
	[tilespmem:s2+$0x1680] =	vst v59;
	v62 =	vmul.f32 $3.333333210e+01, v9;
	v3 =	vmin.f32 v3, $3.300000000e+01  }
0x91: {  	v63 =	vmul.f32 $3.333333210e+01, v56;
	[tilespmem:s2+$0xC80] =	vst v61;
	v3 =	vtrunc.f32 v3  }
0x92: {  	v5 =	vadd.f32 v5, v13;
	[tilespmem:s2+$0x0] =	vst v62;
	v3 =	vcvt.f32.s32 v3  }
0x93: {  	v4 =	vmul.f32 $3.333333210e+01, v60;
	[tilespmem:s2+$0x500] =	vst v63  }
0x94: {  	[tilespmem:s2+$0xF00] =	vst v5;
	v3 =	vmul.u32 $0x22, v3  }
0x95: {  	[tilespmem:s2+$0x780] =	vst v4  }
0x96: {  	[dreg:$0x18] =	wrdreg s25;
	s23 =	simm.s32 $0x0;
	s16 =	smul.u32 $0x14, s25;
	[tilespmem:s2+$0x1900] =	vst v3  }
.LBB2_7:
0x97: {  	_ = 	snop  }
0x98: {  	s2 =	sor.u32 s16, s23  }
0x99: {  	p1 =	seq.s32 s2, $0x0  }
.Ltmp2:
0x9a: {  	_ = 	snop;
	(pc) =	sbr.rel @p1 .LBB2_9-.Ltmp2, $1  }
0x9b: {  	_ =	sdelay $0x3  }
0x9c: {  	_ =	swait.ge [sflag:s11], $0x80  }
0x9d: {  	[sflag:s11] =	ssyncset.done $0x0  }
0x9e: {  	[sflag:s11] =	ssyncadd.s32 $0xFFFFFF80  }
0x9f: {  	_ =	swait.ge [sflag:s11], $0x80  }
0xa0: {  	[sflag:s11] =	ssyncset.done $0x0  }
0xa1: {  	[sflag:s11] =	ssyncadd.s32 $0xFFFFFF80  }
0xa2: {  	_ =	swait.ge [sflag:s11], $0x80  }
0xa3: {  	[sflag:s11] =	ssyncset.done $0x0  }
0xa4: {  	[sflag:s11] =	ssyncadd.s32 $0xFFFFFF80  }
0xa5: {  	_ =	swait.ge [sflag:s11], $0x80  }
0xa6: {  	[sflag:s11] =	ssyncset.done $0x0  }
0xa7: {  	[sflag:s11] =	ssyncadd.s32 $0xFFFFFF80  }
0xa8: {  	_ =	swait.ge [sflag:s11], $0x80  }
0xa9: {  	[sflag:s11] =	ssyncset.done $0x0  }
0xaa: {  	[sflag:s11] =	ssyncadd.s32 $0xFFFFFF80  }
0xab: {  	_ =	swait.ge [sflag:s11], $0x80  }
0xac: {  	[sflag:s11] =	ssyncset.done $0x0  }
0xad: {  	[sflag:s11] =	ssyncadd.s32 $0xFFFFFF80  }
0xae: {  	_ =	swait.ge [sflag:s11], $0x80  }
0xaf: {  	[sflag:s11] =	ssyncset.done $0x0  }
0xb0: {  	[sflag:s11] =	ssyncadd.s32 $0xFFFFFF80  }
0xb1: {  	_ =	swait.ge [sflag:s11], $0x80  }
0xb2: {  	[sflag:s11] =	ssyncset.done $0x0  }
0xb3: {  	[sflag:s11] =	ssyncadd.s32 $0xFFFFFF80  }
0xb4: {  	_ =	swait.ge [sflag:s11], $0x80  }
0xb5: {  	[sflag:s11] =	ssyncset.done $0x0  }
0xb6: {  	[sflag:s11] =	ssyncadd.s32 $0xFFFFFF80  }
0xb7: {  	_ =	swait.ge [sflag:s11], $0x80  }
0xb8: {  	[sflag:s11] =	ssyncset.done $0x0  }
0xb9: {  	[sflag:s11] =	ssyncadd.s32 $0xFFFFFF80  }
0xba: {  	_ =	swait.ge [sflag:s11], $0x80  }
0xbb: {  	[sflag:s11] =	ssyncset.done $0x0  }
0xbc: {  	[sflag:s11] =	ssyncadd.s32 $0xFFFFFF80  }
0xbd: {  	_ =	swait.ge [sflag:s11], $0x80  }
0xbe: {  	[sflag:s11] =	ssyncset.done $0x0  }
0xbf: {  	[sflag:s11] =	ssyncadd.s32 $0xFFFFFF80  }
0xc0: {  	_ =	swait.ge [sflag:s11], $0x80  }
0xc1: {  	[sflag:s11] =	ssyncset.done $0x0  }
0xc2: {  	[sflag:s11] =	ssyncadd.s32 $0xFFFFFF80  }
0xc3: {  	_ =	swait.ge [sflag:s11], $0x80  }
0xc4: {  	[sflag:s11] =	ssyncset.done $0x0  }
0xc5: {  	[sflag:s11] =	ssyncadd.s32 $0xFFFFFF80  }
0xc6: {  	_ =	swait.ge [sflag:s11], $0x80  }
0xc7: {  	[sflag:s11] =	ssyncset.done $0x0  }
0xc8: {  	[sflag:s11] =	ssyncadd.s32 $0xFFFFFF80  }
0xc9: {  	_ =	swait.ge [sflag:s11], $0x80  }
0xca: {  	[sflag:s11] =	ssyncset.done $0x0  }
0xcb: {  	[sflag:s11] =	ssyncadd.s32 $0xFFFFFF80  }
0xcc: {  	_ =	swait.ge [sflag:s11], $0x80  }
0xcd: {  	[sflag:s11] =	ssyncset.done $0x0  }
0xce: {  	[sflag:s11] =	ssyncadd.s32 $0xFFFFFF80  }
0xcf: {  	_ =	swait.ge [sflag:s11], $0x80  }
0xd0: {  	[sflag:s11] =	ssyncset.done $0x0  }
0xd1: {  	[sflag:s11] =	ssyncadd.s32 $0xFFFFFF80  }
0xd2: {  	_ =	swait.ge [sflag:s11], $0x80  }
0xd3: {  	[sflag:s11] =	ssyncset.done $0x0  }
0xd4: {  	[sflag:s11] =	ssyncadd.s32 $0xFFFFFF80  }
0xd5: {  	_ =	swait.ge [sflag:s11], $0x80  }
0xd6: {  	[sflag:s11] =	ssyncset.done $0x0  }
0xd7: {  	[sflag:s11] =	ssyncadd.s32 $0xFFFFFF80  }
0xd8: {  	_ =	swait.ge [sflag:s11], $0x80  }
0xd9: {  	[sflag:s11] =	ssyncset.done $0x0  }
0xda: {  	[sflag:s11] =	ssyncadd.s32 $0xFFFFFF80  }
0xdb: {  	_ =	swait.ge [sflag:s11], $0x80  }
0xdc: {  	[sflag:s11] =	ssyncset.done $0x0  }
0xdd: {  	[sflag:s11] =	ssyncadd.s32 $0xFFFFFF80  }
0xde: {  	_ =	swait.ge [sflag:s11], $0x80  }
0xdf: {  	[sflag:s11] =	ssyncset.done $0x0  }
0xe0: {  	[sflag:s11] =	ssyncadd.s32 $0xFFFFFF80  }
0xe1: {  	_ =	swait.ge [sflag:s11], $0x80  }
0xe2: {  	[sflag:s11] =	ssyncset.done $0x0  }
0xe3: {  	[sflag:s11] =	ssyncadd.s32 $0xFFFFFF80  }
0xe4: {  	_ =	swait.ge [sflag:s11], $0x80  }
0xe5: {  	[sflag:s11] =	ssyncset.done $0x0  }
0xe6: {  	[sflag:s11] =	ssyncadd.s32 $0xFFFFFF80  }
0xe7: {  	_ =	swait.ge [sflag:s11], $0x80  }
0xe8: {  	[sflag:s11] =	ssyncset.done $0x0  }
0xe9: {  	[sflag:s11] =	ssyncadd.s32 $0xFFFFFF80  }
0xea: {  	_ =	swait.ge [sflag:s11], $0x80  }
0xeb: {  	[sflag:s11] =	ssyncset.done $0x0  }
0xec: {  	[sflag:s11] =	ssyncadd.s32 $0xFFFFFF80  }
0xed: {  	_ =	swait.ge [sflag:s11], $0x80  }
0xee: {  	[sflag:s11] =	ssyncset.done $0x0  }
0xef: {  	[sflag:s11] =	ssyncadd.s32 $0xFFFFFF80  }
0xf0: {  	_ =	swait.ge [sflag:s11], $0x80  }
0xf1: {  	[sflag:s11] =	ssyncset.done $0x0  }
0xf2: {  	[sflag:s11] =	ssyncadd.s32 $0xFFFFFF80  }
0xf3: {  	_ =	swait.ge [sflag:s11], $0x80  }
0xf4: {  	[sflag:s11] =	ssyncset.done $0x0  }
0xf5: {  	[sflag:s11] =	ssyncadd.s32 $0xFFFFFF80  }
.LBB2_9:
0xf6: {  	s21 =	sshll.u32 s23, $0x5  }
0xf7: {  	v5 =	vld [tilespmem:s21+$0x780]  }
0xf8: {  	v6 =	vld [tilespmem:s21+$0xC80]  }
0xf9: {  	s2 =	simm.s32 $0x15180;
	v7 =	vld [tilespmem:s21+$0x1180]  }
0xfa: {  	s25 =	simm.s32 $0x14F80;
	v11 =	vld [tilespmem:s2+$0x0]  }
0xfb: {  	v12 =	vld [tilespmem:s25+$0x0];
	_ =	sdelay $0x1  }
0xfc: {  	v8 =	vld [tilespmem:s21+$0x0]  }
0xfd: {  	v3 =	vld [tilespmem:s21+$0x1400]  }
0xfe: {  	v4 =	vld [tilespmem:s21+$0x1680];
	v10 =	vmul.f32 v11, v7  }
0xff: {  	v9 =	vld [tilespmem:s21+$0x500];
	v13 =	vmul.f32 v12, v5;
	v14 =	vmul.f32 v11, v6  }
0x100: {  	v11 =	vmul.f32 v11, v5;
	v15 =	vmul.f32 v12, v6  }
0x101: {  	v14 =	vsub.f32 v13, v14  }
0x102: {  	v16 =	vsub.f32 v3, v10;
	v15 =	vadd.f32 v11, v15  }
0x103: {  	v18 =	vadd.f32 v10, v4;
	v11 =	vsub.f32 v8, v14  }
0x104: {  	v13 =	vmul.f32 v12, v7;
	v17 =	vsub.f32 v9, v14;
	v12 =	vsub.f32 v9, v15  }
0x105: {  	v19 =	vadd.f32 v15, v8;
	v21 =	vadd.f32 v14, v8;
	v20 =	vmax.f32 v11, $0.0e+00  }
0x106: {  	v23 =	vadd.f32 v15, v9;
	v11 =	vld [tilespmem:s21+$0x1900];
	v12 =	vmax.f32 v12, $0.0e+00;
	v20 =	vmin.f32 v20, $3.300000000e+01  }
0x107: {  	v15 =	vsub.f32 v8, v15;
	v12 =	vmin.f32 v12, $3.300000000e+01;
	v20 =	vtrunc.f32 v20  }
0x108: {  	v63 =	vadd.f32 v13, v3;
	v12 =	vtrunc.f32 v12;
	v20 =	vcvt.f32.s32 v20  }
0x109: {  	v24 =	vadd.f32 v14, v9;
	v17 =	vmax.f32 v17, $0.0e+00;
	v22 =	vcvt.f32.s32 v12  }
0x10a: {  	v19 =	vmax.f32 v19, $0.0e+00;
	v23 =	vmax.f32 v23, $0.0e+00;
	v20 =	vmul.u32 $0x484, v20  }
0x10b: {  	v21 =	vmax.f32 v21, $0.0e+00;
	v19 =	vmin.f32 v19, $3.300000000e+01;
	v12 =	vld [tilespmem:s21+$0xF00];
	v22 =	vadd.s32 v22, v11  }
0x10c: {  	v17 =	vmin.f32 v17, $3.300000000e+01;
	v19 =	vtrunc.f32 v19;
	v20 =	vadd.s32 v20, v22  }
0x10d: {  	s31 =	simm.s32 $0x0;
	v15 =	vmax.f32 v15, $0.0e+00;
	v17 =	vtrunc.f32 v17;
	v19 =	vcvt.f32.s32 v19  }
0x10e: {  	v62 =	vmin.f32 v23, $3.300000000e+01;
	v21 =	vmin.f32 v21, $3.300000000e+01;
	v17 =	vcvt.f32.s32 v17;
	[tilespmem:s31+$0x17380] =	vst v63  }
0x10f: {  	v15 =	vmin.f32 v15, $3.300000000e+01;
	v21 =	vtrunc.f32 v21;
	v19 =	vmul.u32 $0x484, v19;
	[tilespmem:s31+$0x15380] =	vst v20  }
0x110: {  	v14 =	vadd.s32 v17, v11;
	v17 =	vcvt.f32.s32 v21;
	v22 =	vtrunc.f32 v62;
	[tilespmem:s31+$0x16380] =	vst v12  }
0x111: {  	v14 =	vadd.s32 v19, v14;
	v22 =	vcvt.f32.s32 v22;
	[tilespmem:v20+s5+$0x0] =	vst.idx.add.f32.msk $0xffff, v18;
	v18 =	vmax.f32 v24, $0.0e+00  }
0x112: {  	v15 =	vtrunc.f32 v15;
	v17 =	vmul.u32 $0x484, v17;
	[tilespmem:s31+$0x15390] =	vst v14;
	v18 =	vmin.f32 v18, $3.300000000e+01  }
0x113: {  	v19 =	vadd.s32 v22, v11;
	[tilespmem:s31+$0x17390] =	vst v16;
	v16 =	vcvt.f32.s32 v15;
	v20 =	vtrunc.f32 v18  }
0x114: {  	s29 =	simm.s32 $0x100;
	[tilespmem:s31+$0x16390] =	vst v12;
	v15 =	vadd.s32 v17, v19;
	v18 =	vadd.f32 v13, v4;
	v17 =	vcvt.f32.s32 v20  }
.LBB2_10:
0x115: {  	p2 =	sne.s32 s29, $0x1D00;
	s25 =	sadd.s32 $0x10, s25;
	s2 =	sadd.s32 $0x10, s2  }
0x116: {  	s24 =	smov.u32 s29;
	s29 =	sadd.s32 $0x100, s29;
	[tilespmem:v14+s5+$0x0] =	vst.idx.add.f32.msk $0xffff, v18  }
0x117: {  	v16 =	vmul.u32 $0x484, v16;
	v14 =	vsub.f32 v3, v13;
	[tilespmem:s31+$0x153A0] =	vst v15  }
0x118: {  	v18 =	vsub.f32 v4, v10;
	v17 =	vadd.s32 v17, v11;
	[tilespmem:s31+$0x163A0] =	vst v12  }
0x119: {  	[tilespmem:s31+$0x173A0] =	vst v14;
	v14 =	vadd.s32 v16, v17  }
0x11a: {  	v13 =	vsub.f32 v4, v13;
	[tilespmem:v15+s5+$0x0] =	vst.idx.add.f32.msk $0xffff, v18  }
0x11b: {  	v10 =	vadd.f32 v10, v3;
	[tilespmem:s31+$0x153B0] =	vst v14  }
0x11c: {  	[tilespmem:s31+$0x163B0] =	vst v12  }
0x11d: {  	[tilespmem:s31+$0x173B0] =	vst v10  }
0x11e: {  	[tilespmem:v14+s5+$0x0] =	vst.idx.add.f32.msk $0xffff, v13  }
0x11f: {  	v13 =	vld [tilespmem:s2+$0x0]  }
0x120: {  	v14 =	vld [tilespmem:s25+$0x0];
	_ =	sdelay $0x3  }
0x121: {  	v10 =	vmul.f32 v13, v7  }
0x122: {  	v16 =	vmul.f32 v13, v6;
	v15 =	vmul.f32 v14, v5  }
0x123: {  	v17 =	vmul.f32 v13, v5;
	v18 =	vmul.f32 v14, v6  }
0x124: {  	v13 =	vmul.f32 v14, v7;
	v15 =	vsub.f32 v15, v16;
	v16 =	vsub.f32 v3, v10  }
0x125: {  	v14 =	vadd.f32 v17, v18;
	v17 =	vadd.f32 v10, v4  }
0x126: {  	v18 =	vsub.f32 v8, v15;
	v19 =	vsub.f32 v9, v15  }
0x127: {  	v20 =	vsub.f32 v9, v14;
	v21 =	vadd.f32 v14, v8  }
0x128: {  	v22 =	vadd.f32 v15, v8;
	v18 =	vmax.f32 v18, $0.0e+00;
	v19 =	vmax.f32 v19, $0.0e+00  }
0x129: {  	v20 =	vmax.f32 v20, $0.0e+00;
	v21 =	vmax.f32 v21, $0.0e+00;
	v18 =	vmin.f32 v18, $3.300000000e+01  }
0x12a: {  	v20 =	vmin.f32 v20, $3.300000000e+01;
	v21 =	vmin.f32 v21, $3.300000000e+01;
	v18 =	vtrunc.f32 v18  }
0x12b: {  	v19 =	vmin.f32 v19, $3.300000000e+01;
	v20 =	vtrunc.f32 v20;
	v18 =	vcvt.f32.s32 v18  }
0x12c: {  	v23 =	vadd.f32 v14, v9;
	v21 =	vtrunc.f32 v21;
	v20 =	vcvt.f32.s32 v20  }
0x12d: {  	v19 =	vtrunc.f32 v19;
	v21 =	vcvt.f32.s32 v21;
	v18 =	vmul.u32 $0x484, v18  }
0x12e: {  	v23 =	vmax.f32 v23, $0.0e+00;
	v19 =	vcvt.f32.s32 v19;
	v20 =	vadd.s32 v20, v11  }
0x12f: {  	s31 =	sshra.s32 s24, $0x2;
	v18 =	vadd.s32 v18, v20;
	v20 =	vmul.u32 $0x484, v21;
	v21 =	vmin.f32 v23, $3.300000000e+01  }
0x130: {  	v14 =	vsub.f32 v8, v14;
	v22 =	vmax.f32 v22, $0.0e+00;
	[tilespmem:s31+$0x15380] =	vst v18;
	v21 =	vtrunc.f32 v21  }
0x131: {  	v22 =	vmin.f32 v22, $3.300000000e+01;
	v23 =	vadd.f32 v13, v3;
	v21 =	vcvt.f32.s32 v21  }
0x132: {  	v15 =	vadd.f32 v15, v9;
	v24 =	vmax.f32 v14, $0.0e+00;
	v22 =	vtrunc.f32 v22;
	[tilespmem:s31+$0x16380] =	vst v12  }
.Ltmp3:
0x133: {  	v14 =	vadd.s32 v19, v11;
	v19 =	vcvt.f32.s32 v22;
	[tilespmem:s31+$0x17380] =	vst v23;
	v21 =	vadd.s32 v21, v11;
	(pc) =	sbr.rel @p2 .LBB2_10-.Ltmp3, $4  }
0x134: {  	v15 =	vmax.f32 v15, $0.0e+00;
	v14 =	vadd.s32 v20, v14;
	[tilespmem:v18+s5+$0x0] =	vst.idx.add.f32.msk $0xffff, v17;
	v17 =	vmin.f32 v24, $3.300000000e+01  }
0x135: {  	v15 =	vmin.f32 v15, $3.300000000e+01;
	v19 =	vmul.u32 $0x484, v19;
	[tilespmem:s31+$0x15390] =	vst v14;
	v17 =	vtrunc.f32 v17  }
0x136: {  	[tilespmem:s31+$0x17390] =	vst v16;
	v16 =	vcvt.f32.s32 v17;
	v17 =	vtrunc.f32 v15  }
0x137: {  	v18 =	vadd.f32 v13, v4;
	v15 =	vadd.s32 v19, v21;
	[tilespmem:s31+$0x16390] =	vst v12;
	v17 =	vcvt.f32.s32 v17  }
0x138: {  	_ =	sdelay $0x3  }
0x139: {  	[tilespmem:v14+s5+$0x0] =	vst.idx.add.f32.msk $0xffff, v18  }
0x13a: {  	v5 =	vsub.f32 v3, v13;
	v6 =	vmul.u32 $0x484, v16;
	[tilespmem:s31+$0x153A0] =	vst v15  }
0x13b: {  	v7 =	vsub.f32 v4, v10;
	v8 =	vadd.s32 v17, v11;
	[tilespmem:s31+$0x163A0] =	vst v12  }
0x13c: {  	[tilespmem:s31+$0x173A0] =	vst v5;
	v5 =	vadd.s32 v6, v8  }
0x13d: {  	[tilespmem:v15+s5+$0x0] =	vst.idx.add.f32.msk $0xffff, v7  }
0x13e: {  	v3 =	vadd.f32 v10, v3;
	[tilespmem:s31+$0x153B0] =	vst v5  }
0x13f: {  	v4 =	vsub.f32 v4, v13;
	[tilespmem:s31+$0x163B0] =	vst v12  }
0x140: {  	[tilespmem:s31+$0x173B0] =	vst v3  }
0x141: {  	s2 =	simm.s32 $0x16380;
	[tilespmem:v5+s5+$0x0] =	vst.idx.add.f32.msk $0xffff, v4  }
0x142: {  	[spmem:s3] =	stream.indirect.scatter.add.f32 [tilespmem:s2], [sflag:$0x1], $0x1, s15, s14, $0xb8;
	[tilespmem:$0x196C0] =	vst v63  }
0x143: {  	s25 =	simm.s32 $0x17380  }
0x144: {  	[spmem:s4] =	stream.indirect.scatter.add.f32 [tilespmem:s25], [sflag:$0x1], $0x1, s15, s14, $0xb8;
	[tilespmem:$0x196C0] =	vst v63  }
0x145: {  	s29 =	simm.s32 $0x16400  }
0x146: {  	[spmem:s3] =	stream.indirect.scatter.add.f32 [tilespmem:s29], [sflag:$0x1], $0x1, s20, s14, $0xb8;
	[tilespmem:$0x196C0] =	vst v63  }
0x147: {  	s31 =	simm.s32 $0x17400  }
0x148: {  	[spmem:s4] =	stream.indirect.scatter.add.f32 [tilespmem:s31], [sflag:$0x1], $0x1, s20, s14, $0xb8;
	[tilespmem:$0x196C0] =	vst v63  }
0x149: {  	s24 =	simm.s32 $0x16480  }
0x14a: {  	[spmem:s3] =	stream.indirect.scatter.add.f32 [tilespmem:s24], [sflag:$0x1], $0x1, s1, s14, $0xb8;
	[tilespmem:$0x196C0] =	vst v63  }
0x14b: {  	s25 =	simm.s32 $0x17480  }
0x14c: {  	[spmem:s4] =	stream.indirect.scatter.add.f32 [tilespmem:s25], [sflag:$0x1], $0x1, s1, s14, $0xb8;
	[tilespmem:$0x196C0] =	vst v63  }
0x14d: {  	s29 =	simm.s32 $0x16500  }
0x14e: {  	[spmem:s3] =	stream.indirect.scatter.add.f32 [tilespmem:s29], [sflag:$0x1], $0x1, s26, s14, $0xb8;
	[tilespmem:$0x196C0] =	vst v63  }
0x14f: {  	s31 =	simm.s32 $0x17500  }
0x150: {  	[spmem:s4] =	stream.indirect.scatter.add.f32 [tilespmem:s31], [sflag:$0x1], $0x1, s26, s14, $0xb8;
	[tilespmem:$0x196C0] =	vst v63  }
0x151: {  	s24 =	simm.s32 $0x16580  }
0x152: {  	[spmem:s3] =	stream.indirect.scatter.add.f32 [tilespmem:s24], [sflag:$0x1], $0x1, s30, s14, $0xb8;
	[tilespmem:$0x196C0] =	vst v63  }
0x153: {  	s25 =	simm.s32 $0x17580  }
0x154: {  	[spmem:s4] =	stream.indirect.scatter.add.f32 [tilespmem:s25], [sflag:$0x1], $0x1, s30, s14, $0xb8;
	[tilespmem:$0x196C0] =	vst v63  }
0x155: {  	s29 =	simm.s32 $0x16600  }
0x156: {  	[spmem:s3] =	stream.indirect.scatter.add.f32 [tilespmem:s29], [sflag:$0x1], $0x1, s22, s14, $0xb8;
	[tilespmem:$0x196C0] =	vst v63  }
0x157: {  	s31 =	simm.s32 $0x17600  }
0x158: {  	[spmem:s4] =	stream.indirect.scatter.add.f32 [tilespmem:s31], [sflag:$0x1], $0x1, s22, s14, $0xb8;
	[tilespmem:$0x196C0] =	vst v63  }
0x159: {  	s24 =	simm.s32 $0x16680  }
0x15a: {  	[spmem:s3] =	stream.indirect.scatter.add.f32 [tilespmem:s24], [sflag:$0x1], $0x1, s7, s14, $0xb8;
	[tilespmem:$0x196C0] =	vst v63  }
0x15b: {  	s25 =	simm.s32 $0x17680  }
0x15c: {  	[spmem:s4] =	stream.indirect.scatter.add.f32 [tilespmem:s25], [sflag:$0x1], $0x1, s7, s14, $0xb8;
	[tilespmem:$0x196C0] =	vst v63  }
0x15d: {  	s29 =	simm.s32 $0x16700  }
0x15e: {  	[spmem:s3] =	stream.indirect.scatter.add.f32 [tilespmem:s29], [sflag:$0x1], $0x1, s10, s14, $0xb8;
	[tilespmem:$0x196C0] =	vst v63  }
0x15f: {  	s31 =	simm.s32 $0x17700  }
0x160: {  	[spmem:s4] =	stream.indirect.scatter.add.f32 [tilespmem:s31], [sflag:$0x1], $0x1, s10, s14, $0xb8;
	[tilespmem:$0x196C0] =	vst v63  }
0x161: {  	s24 =	simm.s32 $0x16780  }
0x162: {  	[spmem:s3] =	stream.indirect.scatter.add.f32 [tilespmem:s24], [sflag:$0x1], $0x1, s13, s14, $0xb8;
	[tilespmem:$0x196C0] =	vst v63  }
0x163: {  	s25 =	simm.s32 $0x17780  }
0x164: {  	[spmem:s4] =	stream.indirect.scatter.add.f32 [tilespmem:s25], [sflag:$0x1], $0x1, s13, s14, $0xb8;
	[tilespmem:$0x196C0] =	vst v63  }
0x165: {  	s29 =	simm.s32 $0x16800  }
0x166: {  	[spmem:s3] =	stream.indirect.scatter.add.f32 [tilespmem:s29], [sflag:$0x1], $0x1, s17, s14, $0xb8;
	[tilespmem:$0x196C0] =	vst v63  }
0x167: {  	s31 =	simm.s32 $0x17800  }
0x168: {  	[spmem:s4] =	stream.indirect.scatter.add.f32 [tilespmem:s31], [sflag:$0x1], $0x1, s17, s14, $0xb8;
	[tilespmem:$0x196C0] =	vst v63  }
0x169: {  	s24 =	simm.s32 $0x16880  }
0x16a: {  	[spmem:s3] =	stream.indirect.scatter.add.f32 [tilespmem:s24], [sflag:$0x1], $0x1, s19, s14, $0xb8;
	[tilespmem:$0x196C0] =	vst v63  }
0x16b: {  	s25 =	simm.s32 $0x17880  }
0x16c: {  	[spmem:s4] =	stream.indirect.scatter.add.f32 [tilespmem:s25], [sflag:$0x1], $0x1, s19, s14, $0xb8;
	[tilespmem:$0x196C0] =	vst v63  }
0x16d: {  	s29 =	simm.s32 $0x16900  }
0x16e: {  	[spmem:s3] =	stream.indirect.scatter.add.f32 [tilespmem:s29], [sflag:$0x1], $0x1, s28, s14, $0xb8;
	[tilespmem:$0x196C0] =	vst v63  }
0x16f: {  	s31 =	simm.s32 $0x17900  }
0x170: {  	[spmem:s4] =	stream.indirect.scatter.add.f32 [tilespmem:s31], [sflag:$0x1], $0x1, s28, s14, $0xb8;
	[tilespmem:$0x196C0] =	vst v63  }
0x171: {  	s24 =	simm.s32 $0x16980  }
0x172: {  	[spmem:s3] =	stream.indirect.scatter.add.f32 [tilespmem:s24], [sflag:$0x1], $0x1, s0, s14, $0xb8;
	[tilespmem:$0x196C0] =	vst v63  }
0x173: {  	s25 =	simm.s32 $0x17980  }
0x174: {  	[spmem:s4] =	stream.indirect.scatter.add.f32 [tilespmem:s25], [sflag:$0x1], $0x1, s0, s14, $0xb8;
	[tilespmem:$0x196C0] =	vst v63  }
0x175: {  	s29 =	simm.s32 $0x16A00  }
0x176: {  	[spmem:s3] =	stream.indirect.scatter.add.f32 [tilespmem:s29], [sflag:$0x1], $0x1, s8, s14, $0xb8;
	[tilespmem:$0x196C0] =	vst v63  }
0x177: {  	s31 =	simm.s32 $0x17A00  }
0x178: {  	[spmem:s4] =	stream.indirect.scatter.add.f32 [tilespmem:s31], [sflag:$0x1], $0x1, s8, s14, $0xb8;
	[tilespmem:$0x196C0] =	vst v63  }
0x179: {  	s24 =	simm.s32 $0x16A80  }
0x17a: {  	[spmem:s3] =	stream.indirect.scatter.add.f32 [tilespmem:s24], [sflag:$0x1], $0x1, s12, s14, $0xb8;
	[tilespmem:$0x196C0] =	vst v63  }
0x17b: {  	s2 =	simm.s32 @!p1 $0x1;
	s25 =	simm.s32 $0x17A80  }
0x17c: {  	[spmem:s4] =	stream.indirect.scatter.add.f32 [tilespmem:s25], [sflag:$0x1], $0x1, s12, s14, $0xb8;
	[tilespmem:$0x196C0] =	vst v63  }
0x17d: {  	_ =	swait.ge @!p1 [sflag:s2], $0x80  }
0x17e: {  	[sflag:s2] =	ssyncset.done @!p1 $0x0  }
0x17f: {  	[sflag:s2] =	ssyncadd.s32 @!p1 $0xFFFFFF80  }
0x180: {  	_ =	swait.ge @!p1 [sflag:s2], $0x80  }
0x181: {  	[sflag:s2] =	ssyncset.done @!p1 $0x0  }
0x182: {  	[sflag:s2] =	ssyncadd.s32 @!p1 $0xFFFFFF80  }
0x183: {  	_ =	swait.ge @!p1 [sflag:s2], $0x80  }
0x184: {  	[sflag:s2] =	ssyncset.done @!p1 $0x0  }
0x185: {  	[sflag:s2] =	ssyncadd.s32 @!p1 $0xFFFFFF80  }
0x186: {  	_ =	swait.ge @!p1 [sflag:s2], $0x80  }
0x187: {  	[sflag:s2] =	ssyncset.done @!p1 $0x0  }
0x188: {  	[sflag:s2] =	ssyncadd.s32 @!p1 $0xFFFFFF80  }
0x189: {  	_ =	swait.ge @!p1 [sflag:s2], $0x80  }
0x18a: {  	[sflag:s2] =	ssyncset.done @!p1 $0x0  }
0x18b: {  	[sflag:s2] =	ssyncadd.s32 @!p1 $0xFFFFFF80  }
0x18c: {  	_ =	swait.ge @!p1 [sflag:s2], $0x80  }
0x18d: {  	[sflag:s2] =	ssyncset.done @!p1 $0x0  }
0x18e: {  	[sflag:s2] =	ssyncadd.s32 @!p1 $0xFFFFFF80  }
0x18f: {  	_ =	swait.ge @!p1 [sflag:s2], $0x80  }
0x190: {  	[sflag:s2] =	ssyncset.done @!p1 $0x0  }
0x191: {  	[sflag:s2] =	ssyncadd.s32 @!p1 $0xFFFFFF80  }
0x192: {  	_ =	swait.ge @!p1 [sflag:s2], $0x80  }
0x193: {  	[sflag:s2] =	ssyncset.done @!p1 $0x0  }
0x194: {  	[sflag:s2] =	ssyncadd.s32 @!p1 $0xFFFFFF80  }
0x195: {  	_ =	swait.ge @!p1 [sflag:s2], $0x80  }
0x196: {  	[sflag:s2] =	ssyncset.done @!p1 $0x0  }
0x197: {  	[sflag:s2] =	ssyncadd.s32 @!p1 $0xFFFFFF80  }
0x198: {  	_ =	swait.ge @!p1 [sflag:s2], $0x80  }
0x199: {  	[sflag:s2] =	ssyncset.done @!p1 $0x0  }
0x19a: {  	[sflag:s2] =	ssyncadd.s32 @!p1 $0xFFFFFF80  }
0x19b: {  	_ =	swait.ge @!p1 [sflag:s2], $0x80  }
0x19c: {  	[sflag:s2] =	ssyncset.done @!p1 $0x0  }
0x19d: {  	[sflag:s2] =	ssyncadd.s32 @!p1 $0xFFFFFF80  }
0x19e: {  	_ =	swait.ge @!p1 [sflag:s2], $0x80  }
0x19f: {  	[sflag:s2] =	ssyncset.done @!p1 $0x0  }
0x1a0: {  	[sflag:s2] =	ssyncadd.s32 @!p1 $0xFFFFFF80  }
0x1a1: {  	_ =	swait.ge @!p1 [sflag:s2], $0x80  }
0x1a2: {  	[sflag:s2] =	ssyncset.done @!p1 $0x0  }
0x1a3: {  	[sflag:s2] =	ssyncadd.s32 @!p1 $0xFFFFFF80  }
0x1a4: {  	_ =	swait.ge @!p1 [sflag:s2], $0x80  }
0x1a5: {  	[sflag:s2] =	ssyncset.done @!p1 $0x0  }
0x1a6: {  	[sflag:s2] =	ssyncadd.s32 @!p1 $0xFFFFFF80  }
0x1a7: {  	_ =	swait.ge @!p1 [sflag:s2], $0x80  }
0x1a8: {  	[sflag:s2] =	ssyncset.done @!p1 $0x0  }
0x1a9: {  	[sflag:s2] =	ssyncadd.s32 @!p1 $0xFFFFFF80  }
0x1aa: {  	v11 =	vld [tilespmem:s21+$0x790]  }
0x1ab: {  	s31 =	simm.s32 $0x0;
	v12 =	vld [tilespmem:s21+$0xC90]  }
0x1ac: {  	v5 =	vld [tilespmem:s31+$0x14F80]  }
0x1ad: {  	v8 =	vld [tilespmem:s31+$0x15180];
	_ =	sdelay $0x1  }
0x1ae: {  	s29 =	sor.u32 $0x10, s21  }
0x1af: {  	v7 =	vld [tilespmem:s29+$0x0]  }
0x1b0: {  	v13 =	vld [tilespmem:s21+$0x1190]  }
0x1b1: {  	v10 =	vld [tilespmem:s21+$0x510];
	v14 =	vmul.f32 v5, v11;
	v16 =	vmul.f32 v8, v12  }
0x1b2: {  	v4 =	vld [tilespmem:s21+$0x1410];
	v15 =	vmul.f32 v5, v12;
	v17 =	vmul.f32 v8, v11  }
0x1b3: {  	v16 =	vsub.f32 v14, v16  }
0x1b4: {  	v17 =	vadd.f32 v17, v15  }
0x1b5: {  	v6 =	vmul.f32 v5, v13;
	v9 =	vmul.f32 v8, v13;
	v8 =	vsub.f32 v7, v16  }
0x1b6: {  	v3 =	vld [tilespmem:s21+$0x1690];
	v18 =	vsub.f32 v10, v17;
	v19 =	vadd.f32 v17, v7  }
0x1b7: {  	v15 =	vadd.f32 v6, v4;
	v20 =	vsub.f32 v10, v16;
	v8 =	vmax.f32 v8, $0.0e+00  }
0x1b8: {  	v5 =	vld [tilespmem:s21+$0x1910];
	v18 =	vmax.f32 v18, $0.0e+00;
	v19 =	vmax.f32 v19, $0.0e+00;
	v8 =	vmin.f32 v8, $3.300000000e+01  }
0x1b9: {  	v18 =	vmin.f32 v18, $3.300000000e+01;
	v19 =	vmin.f32 v19, $3.300000000e+01;
	v8 =	vtrunc.f32 v8  }
0x1ba: {  	v22 =	vadd.f32 v16, v7;
	v18 =	vtrunc.f32 v18;
	v19 =	vtrunc.f32 v19  }
0x1bb: {  	v14 =	vadd.f32 v9, v3;
	v23 =	vcvt.f32.s32 v8;
	v24 =	vcvt.f32.s32 v18  }
0x1bc: {  	v8 =	vmax.f32 v20, $0.0e+00;
	v18 =	vmax.f32 v22, $0.0e+00;
	v19 =	vcvt.f32.s32 v19  }
0x1bd: {  	s2 =	simm.s32 $0x0;
	v21 =	vmin.f32 v8, $3.300000000e+01;
	v8 =	vld [tilespmem:s21+$0xF10];
	s21 =	simm.s32 $0x40;
	v20 =	vmul.u32 $0x484, v23;
	v22 =	vadd.s32 v24, v5  }
.LBB2_12:
0x1be: {  	p1 =	sne.s32 s21, $0x740;
	v21 =	vtrunc.f32 v21;
	v23 =	vadd.f32 v17, v10;
	v18 =	vmin.f32 v18, $3.300000000e+01;
	s25 =	smov.u32 s21;
	s21 =	sadd.s32 $0x40, s21  }
0x1bf: {  	s24 =	sand.u32 $0xFFFFFFC0, s2;
	v20 =	vadd.s32 v20, v22;
	v21 =	vcvt.f32.s32 v21;
	v19 =	vmul.u32 $0x484, v19;
	s2 =	smov.u32 s25  }
0x1c0: {  	v17 =	vsub.f32 v7, v17;
	v18 =	vtrunc.f32 v18;
	[tilespmem:s24+$0x15B00] =	vst v20;
	v22 =	vmax.f32 v23, $0.0e+00  }
0x1c1: {  	v16 =	vadd.f32 v16, v10;
	v18 =	vcvt.f32.s32 v18;
	v22 =	vmin.f32 v22, $3.300000000e+01  }
0x1c2: {  	s25 =	sshra.s32 s2, $0x2;
	v17 =	vmax.f32 v17, $0.0e+00;
	v21 =	vadd.s32 v21, v5;
	v22 =	vtrunc.f32 v22  }
0x1c3: {  	v19 =	vadd.s32 v19, v21;
	v18 =	vmul.u32 $0x484, v18;
	[tilespmem:s24+$0x16B00] =	vst v8;
	v21 =	vcvt.f32.s32 v22  }
0x1c4: {  	v16 =	vmax.f32 v16, $0.0e+00;
	[tilespmem:v20+s18+$0x0] =	vst.idx.add.f32.msk $0xffff, v15;
	v15 =	vmin.f32 v17, $3.300000000e+01  }
0x1c5: {  	v16 =	vmin.f32 v16, $3.300000000e+01;
	[tilespmem:v20+s5+$0x0] =	vst.idx.add.f32.msk $0xffff, v14;
	v14 =	vsub.f32 v4, v9;
	v15 =	vtrunc.f32 v15  }
0x1c6: {  	v16 =	vtrunc.f32 v16;
	v17 =	vadd.s32 v21, v5;
	[tilespmem:s24+$0x15B10] =	vst v19;
	v15 =	vcvt.f32.s32 v15  }
0x1c7: {  	v16 =	vcvt.f32.s32 v16;
	v20 =	vadd.f32 v6, v3;
	v17 =	vadd.s32 v18, v17;
	[tilespmem:s24+$0x16B10] =	vst v8  }
0x1c8: {  	[tilespmem:v19+s18+$0x0] =	vst.idx.add.f32.msk $0xffff, v14;
	v14 =	vmul.u32 $0x484, v15  }
0x1c9: {  	v15 =	vadd.s32 v16, v5;
	[tilespmem:v19+s5+$0x0] =	vst.idx.add.f32.msk $0xffff, v20  }
0x1ca: {  	v16 =	vsub.f32 v4, v6;
	[tilespmem:s24+$0x15B20] =	vst v17;
	v14 =	vadd.s32 v14, v15  }
0x1cb: {  	v15 =	vsub.f32 v3, v9;
	[tilespmem:s24+$0x16B20] =	vst v8  }
0x1cc: {  	v9 =	vadd.f32 v9, v4;
	[tilespmem:v17+s18+$0x0] =	vst.idx.add.f32.msk $0xffff, v16  }
0x1cd: {  	v6 =	vsub.f32 v3, v6;
	[tilespmem:v17+s5+$0x0] =	vst.idx.add.f32.msk $0xffff, v15  }
0x1ce: {  	[tilespmem:s24+$0x15B30] =	vst v14  }
0x1cf: {  	[tilespmem:s24+$0x16B30] =	vst v8  }
0x1d0: {  	[tilespmem:v14+s18+$0x0] =	vst.idx.add.f32.msk $0xffff, v9  }
0x1d1: {  	[tilespmem:v14+s5+$0x0] =	vst.idx.add.f32.msk $0xffff, v6  }
0x1d2: {  	v6 =	vld [tilespmem:s25+$0x14F80]  }
0x1d3: {  	v9 =	vld [tilespmem:s25+$0x15180];
	_ =	sdelay $0x3  }
0x1d4: {  	v14 =	vmul.f32 v6, v11;
	v15 =	vmul.f32 v6, v12  }
0x1d5: {  	v16 =	vmul.f32 v9, v12;
	v17 =	vmul.f32 v9, v11  }
0x1d6: {  	v6 =	vmul.f32 v6, v13;
	v9 =	vmul.f32 v9, v13  }
0x1d7: {  	v16 =	vsub.f32 v14, v16;
	v17 =	vadd.f32 v17, v15  }
0x1d8: {  	v15 =	vadd.f32 v6, v4;
	v14 =	vadd.f32 v9, v3  }
0x1d9: {  	v18 =	vsub.f32 v7, v16;
	v19 =	vsub.f32 v10, v17  }
0x1da: {  	v20 =	vadd.f32 v17, v7;
	v21 =	vsub.f32 v10, v16  }
0x1db: {  	v22 =	vadd.f32 v16, v7;
	v18 =	vmax.f32 v18, $0.0e+00;
	v19 =	vmax.f32 v19, $0.0e+00  }
.Ltmp4:
0x1dc: {  	v20 =	vmax.f32 v20, $0.0e+00;
	v18 =	vmin.f32 v18, $3.300000000e+01;
	v19 =	vmin.f32 v19, $3.300000000e+01;
	(pc) =	sbr.rel @p1 .LBB2_12-.Ltmp4, $4  }
0x1dd: {  	v20 =	vmin.f32 v20, $3.300000000e+01;
	v18 =	vtrunc.f32 v18;
	v19 =	vtrunc.f32 v19  }
0x1de: {  	v23 =	vcvt.f32.s32 v18;
	v19 =	vcvt.f32.s32 v19;
	v18 =	vmax.f32 v21, $0.0e+00  }
0x1df: {  	v24 =	vtrunc.f32 v20;
	v21 =	vmin.f32 v18, $3.300000000e+01;
	v18 =	vmax.f32 v22, $0.0e+00  }
0x1e0: {  	v20 =	vmul.u32 $0x484, v23;
	v22 =	vadd.s32 v19, v5;
	v19 =	vcvt.f32.s32 v24  }
0x1e1: {  	v11 =	vtrunc.f32 v21  }
0x1e2: {  	v12 =	vadd.f32 v17, v10;
	v13 =	vmin.f32 v18, $3.300000000e+01;
	v56 =	vadd.s32 v20, v22  }
0x1e3: {  	v7 =	vsub.f32 v7, v17;
	v57 =	vadd.f32 v16, v10;
	v11 =	vcvt.f32.s32 v11  }
0x1e4: {  	s2 =	sand.u32 $0xFFFFFFC0, s2;
	v58 =	vsub.f32 v4, v9;
	v19 =	vmul.u32 $0x484, v19;
	v12 =	vmax.f32 v12, $0.0e+00  }
0x1e5: {  	v13 =	vtrunc.f32 v13;
	[tilespmem:s2+$0x16B00] =	vst v8;
	v12 =	vmin.f32 v12, $3.300000000e+01;
	v11 =	vadd.s32 v11, v5  }
0x1e6: {  	v13 =	vcvt.f32.s32 v13;
	[tilespmem:s2+$0x15B00] =	vst v56;
	v12 =	vtrunc.f32 v12;
	v11 =	vadd.s32 v19, v11  }
0x1e7: {  	v59 =	vadd.f32 v6, v3;
	v7 =	vmax.f32 v7, $0.0e+00;
	v12 =	vcvt.f32.s32 v12;
	[tilespmem:v56+s18+$0x0] =	vst.idx.add.f32.msk $0xffff, v15  }
0x1e8: {  	v10 =	vmax.f32 v57, $0.0e+00;
	v7 =	vmin.f32 v7, $3.300000000e+01;
	v13 =	vmul.u32 $0x484, v13;
	[tilespmem:v56+s5+$0x0] =	vst.idx.add.f32.msk $0xffff, v14  }
0x1e9: {  	v10 =	vmin.f32 v10, $3.300000000e+01;
	v7 =	vtrunc.f32 v7;
	v12 =	vadd.s32 v12, v5;
	[tilespmem:s2+$0x15B10] =	vst v11  }
0x1ea: {  	v10 =	vtrunc.f32 v10;
	v7 =	vcvt.f32.s32 v7;
	[tilespmem:s2+$0x16B10] =	vst v8;
	v12 =	vadd.s32 v13, v12  }
0x1eb: {  	v10 =	vcvt.f32.s32 v10;
	[tilespmem:v11+s18+$0x0] =	vst.idx.add.f32.msk $0xffff, v58  }
0x1ec: {  	v7 =	vmul.u32 $0x484, v7;
	[tilespmem:v11+s5+$0x0] =	vst.idx.add.f32.msk $0xffff, v59  }
0x1ed: {  	v61 =	vsub.f32 v4, v6;
	v60 =	vadd.s32 v10, v5;
	[tilespmem:s2+$0x15B20] =	vst v12  }
0x1ee: {  	v62 =	vsub.f32 v3, v9;
	v5 =	vadd.s32 v7, v60;
	[tilespmem:s2+$0x16B20] =	vst v8  }
0x1ef: {  	[tilespmem:v12+s18+$0x0] =	vst.idx.add.f32.msk $0xffff, v61  }
0x1f0: {  	[tilespmem:v12+s5+$0x0] =	vst.idx.add.f32.msk $0xffff, v62  }
0x1f1: {  	v63 =	vadd.f32 v9, v4;
	[tilespmem:s2+$0x15B30] =	vst v5  }
0x1f2: {  	v3 =	vsub.f32 v3, v6;
	[tilespmem:s2+$0x16B30] =	vst v8  }
0x1f3: {  	[tilespmem:v5+s18+$0x0] =	vst.idx.add.f32.msk $0xffff, v63  }
0x1f4: {  	s25 =	simm.s32 $0x15B00;
	s21 =	simm.s32 $0x16B00;
	[tilespmem:v5+s5+$0x0] =	vst.idx.add.f32.msk $0xffff, v3  }
0x1f5: {  	[spmem:s3] =	stream.indirect.scatter.add.f32 [tilespmem:s21], [sflag:$0x1], $0x1, s25, s14, $0xb8;
	[tilespmem:$0x196C0] =	vst v63  }
0x1f6: {  	s29 =	simm.s32 $0x15B80;
	s31 =	simm.s32 $0x16B80  }
0x1f7: {  	[spmem:s3] =	stream.indirect.scatter.add.f32 [tilespmem:s31], [sflag:$0x1], $0x1, s29, s14, $0xb8;
	[tilespmem:$0x196C0] =	vst v63  }
0x1f8: {  	s24 =	simm.s32 $0x15C00;
	s25 =	simm.s32 $0x16C00  }
0x1f9: {  	[spmem:s3] =	stream.indirect.scatter.add.f32 [tilespmem:s25], [sflag:$0x1], $0x1, s24, s14, $0xb8;
	[tilespmem:$0x196C0] =	vst v63  }
0x1fa: {  	s29 =	simm.s32 $0x15C80;
	s31 =	simm.s32 $0x16C80  }
0x1fb: {  	[spmem:s3] =	stream.indirect.scatter.add.f32 [tilespmem:s31], [sflag:$0x1], $0x1, s29, s14, $0xb8;
	[tilespmem:$0x196C0] =	vst v63  }
0x1fc: {  	s24 =	simm.s32 $0x15D00;
	s25 =	simm.s32 $0x16D00  }
0x1fd: {  	[spmem:s3] =	stream.indirect.scatter.add.f32 [tilespmem:s25], [sflag:$0x1], $0x1, s24, s14, $0xb8;
	[tilespmem:$0x196C0] =	vst v63  }
0x1fe: {  	s29 =	simm.s32 $0x15D80;
	s31 =	simm.s32 $0x16D80  }
0x1ff: {  	[spmem:s3] =	stream.indirect.scatter.add.f32 [tilespmem:s31], [sflag:$0x1], $0x1, s29, s14, $0xb8;
	[tilespmem:$0x196C0] =	vst v63  }
0x200: {  	s24 =	simm.s32 $0x15E00;
	s25 =	simm.s32 $0x16E00  }
0x201: {  	[spmem:s3] =	stream.indirect.scatter.add.f32 [tilespmem:s25], [sflag:$0x1], $0x1, s24, s14, $0xb8;
	[tilespmem:$0x196C0] =	vst v63  }
0x202: {  	s29 =	simm.s32 $0x15E80;
	s31 =	simm.s32 $0x16E80  }
0x203: {  	[spmem:s3] =	stream.indirect.scatter.add.f32 [tilespmem:s31], [sflag:$0x1], $0x1, s29, s14, $0xb8;
	[tilespmem:$0x196C0] =	vst v63  }
0x204: {  	s24 =	simm.s32 $0x15F00;
	s25 =	simm.s32 $0x16F00  }
0x205: {  	[spmem:s3] =	stream.indirect.scatter.add.f32 [tilespmem:s25], [sflag:$0x1], $0x1, s24, s14, $0xb8;
	[tilespmem:$0x196C0] =	vst v63  }
0x206: {  	s29 =	simm.s32 $0x15F80;
	s31 =	simm.s32 $0x16F80  }
0x207: {  	[spmem:s3] =	stream.indirect.scatter.add.f32 [tilespmem:s31], [sflag:$0x1], $0x1, s29, s14, $0xb8;
	[tilespmem:$0x196C0] =	vst v63  }
0x208: {  	s24 =	simm.s32 $0x16000;
	s25 =	simm.s32 $0x17000  }
0x209: {  	[spmem:s3] =	stream.indirect.scatter.add.f32 [tilespmem:s25], [sflag:$0x1], $0x1, s24, s14, $0xb8;
	[tilespmem:$0x196C0] =	vst v63  }
0x20a: {  	s23 =	sadd.s32 $0x1, s23;
	s29 =	simm.s32 $0x16080;
	s31 =	simm.s32 $0x17080  }
0x20b: {  	[spmem:s3] =	stream.indirect.scatter.add.f32 [tilespmem:s31], [sflag:$0x1], $0x1, s29, s14, $0xb8;
	[tilespmem:$0x196C0] =	vst v63  }
0x20c: {  	p1 =	sne.s32 s23, $0x14;
	s24 =	simm.s32 $0x16100;
	s25 =	simm.s32 $0x17100  }
0x20d: {  	[spmem:s3] =	stream.indirect.scatter.add.f32 [tilespmem:s25], [sflag:$0x1], $0x1, s24, s14, $0xb8;
	[tilespmem:$0x196C0] =	vst v63  }
.Ltmp5:
0x20e: {  	_ = 	snop;
	(pc) =	sbr.rel @p1 .LBB2_7-.Ltmp5, $4  }
0x20f: {  	s29 =	simm.s32 $0x16180;
	s31 =	simm.s32 $0x17180  }
0x210: {  	[spmem:s3] =	stream.indirect.scatter.add.f32 [tilespmem:s31], [sflag:$0x1], $0x1, s29, s14, $0xb8;
	[tilespmem:$0x196C0] =	vst v63  }
0x211: {  	_ = 	snop  }
0x212: {  	[spmem:s3] =	stream.indirect.scatter.add.f32 [tilespmem:s9], [sflag:$0x1], $0x1, s6, s14, $0xb8;
	[tilespmem:$0x196C0] =	vst v63  }
0x213: {  	s25 =	rddreg [dreg:$0x18]  }
0x214: {  	s25 =	sadd.s32 $0x1, s25  }
0x215: {  	p1 =	sne.s32 s25, $0xA  }
.Ltmp6:
0x216: {  	_ = 	snop;
	(pc) =	sbr.rel @p1 .LBB2_4-.Ltmp6, $2  }
0x217: {  	_ =	sdelay $0x2  }
0x218: {  	s23 =	simm.s32 $0x2  }
0x219: {  	_ =	swait.ge [sflag:s11], $0x80  }
0x21a: {  	[sflag:s11] =	ssyncset.done $0x0  }
0x21b: {  	[sflag:s11] =	ssyncadd.s32 $0xFFFFFF80  }
0x21c: {  	_ =	swait.ge [sflag:s11], $0x80  }
0x21d: {  	[sflag:s11] =	ssyncset.done $0x0  }
0x21e: {  	[sflag:s11] =	ssyncadd.s32 $0xFFFFFF80  }
0x21f: {  	_ =	swait.ge [sflag:s11], $0x80  }
0x220: {  	[sflag:s11] =	ssyncset.done $0x0  }
0x221: {  	[sflag:s11] =	ssyncadd.s32 $0xFFFFFF80  }
0x222: {  	_ =	swait.ge [sflag:s11], $0x80  }
0x223: {  	[sflag:s11] =	ssyncset.done $0x0  }
0x224: {  	[sflag:s11] =	ssyncadd.s32 $0xFFFFFF80  }
0x225: {  	_ =	swait.ge [sflag:s11], $0x80  }
0x226: {  	[sflag:s11] =	ssyncset.done $0x0  }
0x227: {  	[sflag:s11] =	ssyncadd.s32 $0xFFFFFF80  }
0x228: {  	_ =	swait.ge [sflag:s11], $0x80  }
0x229: {  	[sflag:s11] =	ssyncset.done $0x0  }
0x22a: {  	[sflag:s11] =	ssyncadd.s32 $0xFFFFFF80  }
0x22b: {  	_ =	swait.ge [sflag:s11], $0x80  }
0x22c: {  	[sflag:s11] =	ssyncset.done $0x0  }
0x22d: {  	[sflag:s11] =	ssyncadd.s32 $0xFFFFFF80  }
0x22e: {  	_ =	swait.ge [sflag:s11], $0x80  }
0x22f: {  	[sflag:s11] =	ssyncset.done $0x0  }
0x230: {  	[sflag:s11] =	ssyncadd.s32 $0xFFFFFF80  }
0x231: {  	_ =	swait.ge [sflag:s11], $0x80  }
0x232: {  	[sflag:s11] =	ssyncset.done $0x0  }
0x233: {  	[sflag:s11] =	ssyncadd.s32 $0xFFFFFF80  }
0x234: {  	_ =	swait.ge [sflag:s11], $0x80  }
0x235: {  	[sflag:s11] =	ssyncset.done $0x0  }
0x236: {  	[sflag:s11] =	ssyncadd.s32 $0xFFFFFF80  }
0x237: {  	_ =	swait.ge [sflag:s11], $0x80  }
0x238: {  	[sflag:s11] =	ssyncset.done $0x0  }
0x239: {  	[sflag:s11] =	ssyncadd.s32 $0xFFFFFF80  }
0x23a: {  	_ =	swait.ge [sflag:s11], $0x80  }
0x23b: {  	[sflag:s11] =	ssyncset.done $0x0  }
0x23c: {  	[sflag:s11] =	ssyncadd.s32 $0xFFFFFF80  }
0x23d: {  	_ =	swait.ge [sflag:s11], $0x80  }
0x23e: {  	[sflag:s11] =	ssyncset.done $0x0  }
0x23f: {  	[sflag:s11] =	ssyncadd.s32 $0xFFFFFF80  }
0x240: {  	_ =	swait.ge [sflag:s11], $0x80  }
0x241: {  	[sflag:s11] =	ssyncset.done $0x0  }
0x242: {  	[sflag:s11] =	ssyncadd.s32 $0xFFFFFF80  }
0x243: {  	_ =	swait.ge [sflag:s11], $0x80  }
0x244: {  	[sflag:s11] =	ssyncset.done $0x0  }
0x245: {  	[sflag:s11] =	ssyncadd.s32 $0xFFFFFF80  }
0x246: {  	_ =	swait.ge [sflag:s11], $0x80  }
0x247: {  	[sflag:s11] =	ssyncset.done $0x0  }
0x248: {  	[sflag:s11] =	ssyncadd.s32 $0xFFFFFF80  }
0x249: {  	_ =	swait.ge [sflag:s11], $0x80  }
0x24a: {  	[sflag:s11] =	ssyncset.done $0x0  }
0x24b: {  	[sflag:s11] =	ssyncadd.s32 $0xFFFFFF80  }
0x24c: {  	_ =	swait.ge [sflag:s11], $0x80  }
0x24d: {  	[sflag:s11] =	ssyncset.done $0x0  }
0x24e: {  	[sflag:s11] =	ssyncadd.s32 $0xFFFFFF80  }
0x24f: {  	_ =	swait.ge [sflag:s11], $0x80  }
0x250: {  	[sflag:s11] =	ssyncset.done $0x0  }
0x251: {  	[sflag:s11] =	ssyncadd.s32 $0xFFFFFF80  }
0x252: {  	_ =	swait.ge [sflag:s11], $0x80  }
0x253: {  	[sflag:s11] =	ssyncset.done $0x0  }
0x254: {  	[sflag:s11] =	ssyncadd.s32 $0xFFFFFF80  }
0x255: {  	_ =	swait.ge [sflag:s11], $0x80  }
0x256: {  	[sflag:s11] =	ssyncset.done $0x0  }
0x257: {  	[sflag:s11] =	ssyncadd.s32 $0xFFFFFF80  }
0x258: {  	_ =	swait.ge [sflag:s11], $0x80  }
0x259: {  	[sflag:s11] =	ssyncset.done $0x0  }
0x25a: {  	[sflag:s11] =	ssyncadd.s32 $0xFFFFFF80  }
0x25b: {  	_ =	swait.ge [sflag:s11], $0x80  }
0x25c: {  	[sflag:s11] =	ssyncset.done $0x0  }
0x25d: {  	[sflag:s11] =	ssyncadd.s32 $0xFFFFFF80  }
0x25e: {  	_ =	swait.ge [sflag:s11], $0x80  }
0x25f: {  	[sflag:s11] =	ssyncset.done $0x0  }
0x260: {  	[sflag:s11] =	ssyncadd.s32 $0xFFFFFF80  }
0x261: {  	_ =	swait.ge [sflag:s11], $0x80  }
0x262: {  	[sflag:s11] =	ssyncset.done $0x0  }
0x263: {  	[sflag:s11] =	ssyncadd.s32 $0xFFFFFF80  }
0x264: {  	_ =	swait.ge [sflag:s11], $0x80  }
0x265: {  	[sflag:s11] =	ssyncset.done $0x0  }
0x266: {  	[sflag:s11] =	ssyncadd.s32 $0xFFFFFF80  }
0x267: {  	_ =	swait.ge [sflag:s11], $0x80  }
0x268: {  	[sflag:s11] =	ssyncset.done $0x0  }
0x269: {  	[sflag:s11] =	ssyncadd.s32 $0xFFFFFF80  }
0x26a: {  	_ =	swait.ge [sflag:s11], $0x80  }
0x26b: {  	[sflag:s11] =	ssyncset.done $0x0  }
0x26c: {  	[sflag:s11] =	ssyncadd.s32 $0xFFFFFF80  }
0x26d: {  	_ =	swait.ge [sflag:s11], $0x80  }
0x26e: {  	[sflag:s11] =	ssyncset.done $0x0  }
0x26f: {  	[sflag:s11] =	ssyncadd.s32 $0xFFFFFF80  }
0x270: {  	_ =	swait.ge [sflag:s11], $0x80  }
0x271: {  	[sflag:s11] =	ssyncset.done $0x0  }
0x272: {  	[sflag:s11] =	ssyncadd.s32 $0xFFFFFF80  }
0x273: {  	_ =	swait.ge [sflag:s11], $0x80  }
0x274: {  	[sflag:s11] =	ssyncset.done $0x0  }
0x275: {  	[sflag:s11] =	ssyncadd.s32 $0xFFFFFF80  }
0x276: {  	_ =	swait.ge [sflag:s11], $0x80  }
0x277: {  	[sflag:s11] =	ssyncset.done $0x0  }
0x278: {  	[sflag:s11] =	ssyncadd.s32 $0xFFFFFF80  }
0x279: {  	_ =	swait.ge [sflag:s11], $0x80  }
0x27a: {  	[sflag:s11] =	ssyncset.done $0x0  }
0x27b: {  	[sflag:s11] =	ssyncadd.s32 $0xFFFFFF80  }
0x27c: {  	_ =	swait.ge [sflag:s11], $0x80  }
0x27d: {  	[sflag:s11] =	ssyncset.done $0x0  }
0x27e: {  	[sflag:s11] =	ssyncadd.s32 $0xFFFFFF80  }
0x27f: {  	_ =	swait.ge [sflag:s11], $0x80  }
0x280: {  	[sflag:s11] =	ssyncset.done $0x0  }
0x281: {  	[sflag:s11] =	ssyncadd.s32 $0xFFFFFF80  }
0x282: {  	_ =	swait.ge [sflag:s11], $0x80  }
0x283: {  	[sflag:s11] =	ssyncset.done $0x0  }
0x284: {  	[sflag:s11] =	ssyncadd.s32 $0xFFFFFF80  }
0x285: {  	_ =	swait.ge [sflag:s11], $0x80  }
0x286: {  	[sflag:s11] =	ssyncset.done $0x0  }
0x287: {  	[sflag:s11] =	ssyncadd.s32 $0xFFFFFF80  }
0x288: {  	_ =	swait.ge [sflag:s11], $0x80  }
0x289: {  	[sflag:s11] =	ssyncset.done $0x0  }
0x28a: {  	[sflag:s11] =	ssyncadd.s32 $0xFFFFFF80  }
0x28b: {  	_ =	swait.ge [sflag:s11], $0x80  }
0x28c: {  	[sflag:s11] =	ssyncset.done $0x0  }
0x28d: {  	[sflag:s11] =	ssyncadd.s32 $0xFFFFFF80  }
0x28e: {  	_ =	swait.ge [sflag:s11], $0x80  }
0x28f: {  	[sflag:s11] =	ssyncset.done $0x0  }
0x290: {  	[sflag:s11] =	ssyncadd.s32 $0xFFFFFF80  }
0x291: {  	_ =	swait.ge [sflag:s11], $0x80  }
0x292: {  	[sflag:s11] =	ssyncset.done $0x0  }
0x293: {  	[sflag:s11] =	ssyncadd.s32 $0xFFFFFF80  }
0x294: {  	_ =	swait.ge [sflag:s11], $0x80  }
0x295: {  	[sflag:s11] =	ssyncset.done $0x0  }
0x296: {  	[sflag:s11] =	ssyncadd.s32 $0xFFFFFF80  }
0x297: {  	_ =	swait.ge [sflag:s11], $0x80  }
0x298: {  	[sflag:s11] =	ssyncset.done $0x0  }
0x299: {  	[sflag:s11] =	ssyncadd.s32 $0xFFFFFF80  }
0x29a: {  	_ =	swait.ge [sflag:s11], $0x80  }
0x29b: {  	[sflag:s11] =	ssyncset.done $0x0  }
0x29c: {  	[sflag:s11] =	ssyncadd.s32 $0xFFFFFF80  }
0x29d: {  	_ =	swait.ge [sflag:s11], $0x80  }
0x29e: {  	[sflag:s11] =	ssyncset.done $0x0  }
0x29f: {  	[sflag:s11] =	ssyncadd.s32 $0xFFFFFF80  }
0x2a0: {  	[bflag:$0x0] =	sbarrier.arrive $0xFFFF  }
0x2a1: {  	s16 =	simm.s32 $0x400;
	s2 =	rddreg [dreg:$0x12]  }
0x2a2: {  	[hbm4b:s2+s14] =	stream.strided.scatter [tilespmem:s18], [sflag:$0x2], $0x9A00, s16, s14, $0x38;
	[tilespmem:$0x196C0] =	vst v63  }
0x2a3: {  	_ =	swait.ge [sflag:s23], $0x9A00  }
0x2a4: {  	[sflag:s23] =	ssyncset.done $0x0  }
0x2a5: {  	s25 =	rddreg [dreg:$0x13];
	[sflag:s23] =	ssyncadd.s32 $0xFFFF6600  }
0x2a6: {  	[hbm4b:s25+s14] =	stream.strided.scatter [tilespmem:s5], [sflag:$0x2], $0x9A00, s16, s14, $0x38;
	[tilespmem:$0x196C0] =	vst v63  }
0x2a7: {  	s21 =	simm.s32 @!p0 $0x20;
	s24 =	simm.s32 @!p0 $0x1C02;
	_ =	swait.ge [sflag:s23], $0x9A00  }
0x2a8: {  	s2 =	sshrl.u32 @!p0 s3, $0x3;
	s16 =	simm.s32 @!p0 $0x1;
	[sflag:s23] =	ssyncset.done $0x0  }
0x2a9: {  	s25 =	rddreg [dreg:$0x14];
	[sflag:s23] =	ssyncadd.s32 $0xFFFF6600;
	s23 =	simm.s32 @!p0 $0x10  }
0x2aa: {  	[hbm:s25@s21], [sflag:s24] =	dma.strided @!p0 [spmem:s2@s23], $0x1340, s16, $0x10   }
0x2ab: {  	s2 =	simm.s32 @!p0 $0x2  }
0x2ac: {  	_ =	swait.ge @!p0 [sflag:s2], $0x1340  }
0x2ad: {  	[sflag:s2] =	ssyncset.done @!p0 $0x0  }
0x2ae: {  	s25 =	sshrl.u32 @!p0 s4, $0x3;
	s29 =	rddreg [dreg:$0x15];
	[sflag:s2] =	ssyncadd.s32 @!p0 $0xFFFFECC0  }
0x2af: {  	[hbm:s29@s21], [sflag:s24] =	dma.strided @!p0 [spmem:s25@s23], $0x1340, s16, $0x10   }
0x2b0: {  	_ =	swait.ge @!p0 [sflag:s2], $0x1340  }
0x2b1: {  	s29 =	rddreg [dreg:$0x17]  }
0x2b2: {  	s31 =	rddreg [dreg:$0x16];
	s21 =	sadd.s32 $0x1, s29  }
0x2b3: {  	p1 =	sne.s32 s21, s31  }
.Ltmp7:
0x2b4: {  	_ = 	snop;
	(pc) =	sbr.rel @p1 .LBB2_1-.Ltmp7, $3  }
0x2b5: {  	_ =	sdelay $0x1  }
0x2b6: {  	[sflag:s2] =	ssyncset.done @!p0 $0x0  }
0x2b7: {  	s23 =	simm.s32 $0x2;
	[sflag:s2] =	ssyncadd.s32 @!p0 $0xFFFFECC0  }
0x2b8: {  	_ =	sfence.sel $0x180000  }
0x2b9: {  	[bflag:$0x0] =	sbarrier.arrive $0xFFFF  }
0x2ba: {  	_ =	strace $0x90000047  }
0x2bb: {  	[bflag:$0x2] =	sbarrier.arrive $0xFFFF  }
0x2bc: {  	s0 =	rddreg [dreg:$0x6]  }
0x2bd: {  	s0 =	sadd.s32 @!p0 $0x100000, s0  }
0x2be: {  	[sflag:s0] =	ssyncadd.tile.s32 @!p0 $0x1;
	_ =	shalt  }
.Lfunc_end2:
_tile_overlayer_lowered:
.L_overlay_start_2:
0x2bf: {  	(tag) =	ssettag $0x2  }
0x2c0: {  	s0 =	rddreg [dreg:$0x0];
	s2 =	stileid.u32  }
0x2c1: {  	s1 =	rddreg [dreg:$0x1];
	p0 =	sne.s32 s2, $0x0  }
0x2c2: {  	s3 =	rddreg [dreg:$0x2];
	[bflag:$0x3] =	sbarrier.arrive $0xFFFF;
	s2 =	simm.s32 @!p0 $0x1C02  }
0x2c3: {  	[timem:s3], [sflag:s2] =	dma.local @!p0 [hbm:s0], s1  }
0x2c4: {  	s0 =	simm.s32 @!p0 $0x2  }
0x2c5: {  	_ =	swait.ge @!p0 [sflag:s0], s1  }
0x2c6: {  	s1 =	ssub.s32 @!p0 $0x0, s1;
	[sflag:s0] =	ssyncset.done @!p0 $0x0  }
0x2c7: {  	[sflag:s0] =	ssyncadd.s32 @!p0 s1  }
0x2c8: {  	[bflag:$0x3] =	sbarrier.arrive $0xFFFF  }
0x2c9: {  	_ =	shalt  }

</sc_bundles>
